<compile_context>
chip_gen: v7x
topology: tpu7x:2x2x1
jax: 0.10.2.dev20260603
libtpu: 0.0.44.dev20260713+nightly
codegen_flags: <defaults>
</compile_context>

<pallas_src>
import functools

import jax
import jax.numpy as jnp
from jax import lax
from jax.experimental import pallas as pl
from jax.experimental.pallas import tpu as pltpu
from jax.experimental.pallas import tpu_sc as plsc

N = 10000
E = 320000
D_HID = 128
D_HID2 = 64
DH = D_HID // 2

CHUNK = 128
NCHUNKS = E // CHUNK
NCORES = 2
NSUB = 16
NTILES = NCORES * NSUB
NBUF = 8

C1_BASE = NCHUNKS // NSUB
C1_EXTRA = NCHUNKS % NSUB
C1_MAX = C1_BASE + 1
J1PAD = 160
C2_BASE = NCHUNKS // NTILES
C2_EXTRA = NCHUNKS % NTILES
C2_MAX = C2_BASE + 1
J2PAD = 80

ROWS_Q = 624
TAIL = N - NSUB * ROWS_Q



def _tc_pre_body(x_ref, wla_ref, wlb_ref, bl_ref, wr_ref,
                 pa_ref, pb_ref, r_ref):
    x = x_ref[...]
    dn = (((1,), (1,)), ((), ()))
    pa_ref[...] = lax.dot_general(x, wla_ref[...], dn,
                                  preferred_element_type=jnp.float32
                                  ).astype(jnp.bfloat16)
    pb_ref[...] = lax.dot_general(x, wlb_ref[...], dn,
                                  preferred_element_type=jnp.float32
                                  ).astype(jnp.bfloat16)
    r_ref[...] = lax.dot_general(x, wr_ref[...], dn,
                                 preferred_element_type=jnp.float32) + bl_ref[...]


BLK = 2000
_GRID = N // BLK


def _row_spec(d, dtype_rows=True):
    return pl.BlockSpec((BLK, d), lambda g: (g, 0))


def _full_spec(r, c):
    return pl.BlockSpec((r, c), lambda g: (0, 0))


def _tc_pre(x, wla, wlb, bl, wr):
    return pl.pallas_call(
        _tc_pre_body,
        grid=(_GRID,),
        in_specs=[_row_spec(D_HID), _full_spec(DH, D_HID), _full_spec(DH, D_HID),
                  _full_spec(1, D_HID), _full_spec(D_HID, D_HID)],
        out_specs=(_row_spec(DH), _row_spec(DH), _row_spec(D_HID)),
        out_shape=(jax.ShapeDtypeStruct((N, DH), jnp.bfloat16),
                   jax.ShapeDtypeStruct((N, DH), jnp.bfloat16),
                   jax.ShapeDtypeStruct((N, D_HID), jnp.float32)),
    )(x, wla, wlb, bl, wr)


def _tc_mid_body(acca_ref, accb_ref, deg_ref, r1_ref,
                 w2la_ref, w2lb_ref, b2l_ref, w2ra_ref, w2rb_ref,
                 p2_ref, r2_ref):
    recip = 1.0 / jnp.maximum(deg_ref[...], 1.0)
    ha = jnp.maximum(acca_ref[...].astype(jnp.float32) * recip
                     + r1_ref[:, :DH], 0.0)
    hb = jnp.maximum(accb_ref[...].astype(jnp.float32) * recip
                     + r1_ref[:, DH:], 0.0)
    dn = (((1,), (1,)), ((), ()))
    p2_ref[...] = (
        lax.dot_general(ha, w2la_ref[...], dn, preferred_element_type=jnp.float32)
        + lax.dot_general(hb, w2lb_ref[...], dn, preferred_element_type=jnp.float32)
    ).astype(jnp.bfloat16)
    r2_ref[...] = (
        lax.dot_general(ha, w2ra_ref[...], dn, preferred_element_type=jnp.float32)
        + lax.dot_general(hb, w2rb_ref[...], dn, preferred_element_type=jnp.float32)
        + b2l_ref[...])


def _tc_mid(acca, accb, deg, r1, w2la, w2lb, b2l, w2ra, w2rb):
    return pl.pallas_call(
        _tc_mid_body,
        grid=(_GRID,),
        in_specs=[_row_spec(DH), _row_spec(DH), _row_spec(1), _row_spec(D_HID),
                  _full_spec(D_HID2, DH), _full_spec(D_HID2, DH),
                  _full_spec(1, D_HID2),
                  _full_spec(D_HID2, DH), _full_spec(D_HID2, DH)],
        out_specs=(_row_spec(D_HID2), _row_spec(D_HID2)),
        out_shape=(jax.ShapeDtypeStruct((N, D_HID2), jnp.bfloat16),
                   jax.ShapeDtypeStruct((N, D_HID2), jnp.float32)),
    )(acca, accb, deg, r1, w2la, w2lb, b2l, w2ra, w2rb)


def _tc_post_body(acc_ref, deg_ref, r2_ref, wfc_ref, bfc_ref, out_ref):
    recip = 1.0 / jnp.maximum(deg_ref[...], 1.0)
    mean = ((acc_ref[0] + acc_ref[1]).astype(jnp.float32)
            * recip)
    h = jnp.maximum(mean + r2_ref[...], 0.0)
    logits = jnp.sum(h * wfc_ref[...], axis=1, keepdims=True) + bfc_ref[0, 0]
    out_ref[...] = jax.nn.sigmoid(logits)


def _tc_post(acc, deg, r2, wfc, bfc):
    return pl.pallas_call(
        _tc_post_body,
        grid=(_GRID,),
        in_specs=[pl.BlockSpec((NCORES, BLK, D_HID2), lambda g: (0, g, 0)),
                  _row_spec(1), _row_spec(D_HID2),
                  _full_spec(1, D_HID2), _full_spec(1, 1)],
        out_specs=_row_spec(1),
        out_shape=jax.ShapeDtypeStruct((N, 1), jnp.float32),
    )(acc, deg, r2, wfc, bfc)



_SC_PARAMS = pltpu.CompilerParams(use_tc_tiling_on_sc=False)
_MESH = dict(core_axis_name="c", subcore_axis_name="s")


def _stage_idx(src_hbm, dst_hbm, src_iv, dst_iv, t0, is_extra, base, cmax):
    @pl.when(is_extra)
    def _():
        pltpu.sync_copy(src_hbm.at[pl.ds(t0, cmax)], src_iv)
        pltpu.sync_copy(dst_hbm.at[pl.ds(t0, cmax)], dst_iv)

    @pl.when(jnp.logical_not(is_extra))
    def _():
        pltpu.sync_copy(src_hbm.at[pl.ds(t0, base)],
                        src_iv.at[pl.ds(0, base)])
        pltpu.sync_copy(dst_hbm.at[pl.ds(t0, base)],
                        dst_iv.at[pl.ds(0, base)])


def _zero_acc_slice(acc_sh, s, zbuf):
    base = s * ROWS_Q
    for kk in range(ROWS_Q // CHUNK):
        pltpu.sync_copy(zbuf, acc_sh.at[pl.ds(base + kk * CHUNK, CHUNK)])
    rem = ROWS_Q % CHUNK
    if rem:
        pltpu.sync_copy(zbuf.at[pl.ds(0, rem)],
                        acc_sh.at[pl.ds(base + (ROWS_Q // CHUNK) * CHUNK, rem)])

    @pl.when(s == NSUB - 1)
    def _():
        pltpu.sync_copy(zbuf.at[pl.ds(0, TAIL)],
                        acc_sh.at[pl.ds(NSUB * ROWS_Q, TAIL)])


def _copy_acc_out(acc_sh, s, dst):
    base = s * ROWS_Q
    pltpu.sync_copy(acc_sh.at[pl.ds(base, ROWS_Q)], dst.at[pl.ds(base, ROWS_Q)])

    @pl.when(s == NSUB - 1)
    def _():
        pltpu.sync_copy(acc_sh.at[pl.ds(NSUB * ROWS_Q, TAIL)],
                        dst.at[pl.ds(NSUB * ROWS_Q, TAIL)])



@functools.partial(
    pl.kernel,
    mesh=plsc.VectorSubcoreMesh(**_MESH),
    out_type=[jax.ShapeDtypeStruct((N, DH), jnp.bfloat16),
              jax.ShapeDtypeStruct((N, DH), jnp.bfloat16),
              jax.ShapeDtypeStruct((N,), jnp.float32)],
    scratch_types=(
        [pltpu.VMEM((C1_MAX, CHUNK), jnp.int32),
         pltpu.VMEM((C1_MAX, CHUNK), jnp.int32)]
        + [pltpu.VMEM((CHUNK, DH), jnp.bfloat16) for _ in range(NBUF)]
        + [pltpu.VMEM_SHARED((N, DH), jnp.bfloat16),
           pltpu.SemaphoreType.DMA((NBUF,)),
           pltpu.SemaphoreType.DMA((NBUF,)),
           pltpu.SemaphoreType.DMA((NBUF,)),
           pltpu.VMEM((CHUNK,), jnp.float32),
           pltpu.VMEM_SHARED((N,), jnp.float32)]
    ),
    compiler_params=_SC_PARAMS,
)
def _sc_agg1(pa_hbm, pb_hbm, src_hbm, dst_hbm, z64_hbm, o1_hbm, zn1_hbm,
             acca_out, accb_out, deg_out,
             src_iv, dst_iv, r0, r1, r2, r3, r4, r5, r6, r7,
             acc_sh, gsem, ssem, dsem, ones_v, deg_sh):
    rows = [r0, r1, r2, r3, r4, r5, r6, r7]
    c = lax.axis_index("c")
    s = lax.axis_index("s")
    nt = jnp.where(s < C1_EXTRA, C1_BASE + 1, C1_BASE)
    t0 = s * C1_BASE + jnp.minimum(s, C1_EXTRA)

    _stage_idx(src_hbm, dst_hbm, src_iv, dst_iv, t0, s < C1_EXTRA,
               C1_BASE, C1_MAX)

    pltpu.sync_copy(z64_hbm, rows[0])
    _zero_acc_slice(acc_sh, s, rows[0])
    pltpu.sync_copy(o1_hbm, ones_v)

    @pl.when(jnp.logical_and(c == 0, s == 0))
    def _():
        pltpu.sync_copy(zn1_hbm, deg_sh)

    plsc.subcore_barrier()

    def gather(j, b):
        @pl.when(c == 0)
        def _():
            pltpu.async_copy(pa_hbm.at[src_iv.at[j]], rows[b], gsem.at[b])

        @pl.when(c == 1)
        def _():
            pltpu.async_copy(pb_hbm.at[src_iv.at[j]], rows[b], gsem.at[b])

    for b in range(NBUF):
        gather(b, b)

    def body(jo, _):
        for b in range(NBUF):
            j = jo * NBUF + b

            @pl.when(j < nt)
            def _():
                pltpu.make_async_copy(pa_hbm.at[src_iv.at[j]], rows[b],
                                      gsem.at[b]).wait()
                sd = pltpu.async_copy(rows[b], acc_sh.at[dst_iv.at[j]],
                                      ssem.at[b], add=True)

                @pl.when(c == 0)
                def _():
                    pltpu.async_copy(ones_v, deg_sh.at[dst_iv.at[j]],
                                     dsem.at[b], add=True).wait()
                sd.wait()

                @pl.when(j + NBUF < nt)
                def _():
                    gather(j + NBUF, b)
        return 0
    lax.fori_loop(0, J1PAD // NBUF, body, 0)

    plsc.subcore_barrier()

    @pl.when(c == 0)
    def _():
        _copy_acc_out(acc_sh, s, acca_out)

        @pl.when(s == 0)
        def _():
            pltpu.sync_copy(deg_sh, deg_out)

    @pl.when(c == 1)
    def _():
        _copy_acc_out(acc_sh, s, accb_out)



@functools.partial(
    pl.kernel,
    mesh=plsc.VectorSubcoreMesh(**_MESH),
    out_type=[jax.ShapeDtypeStruct((NCORES, N, D_HID2), jnp.bfloat16)],
    scratch_types=(
        [pltpu.VMEM((C2_MAX, CHUNK), jnp.int32),
         pltpu.VMEM((C2_MAX, CHUNK), jnp.int32)]
        + [pltpu.VMEM((CHUNK, D_HID2), jnp.bfloat16) for _ in range(NBUF)]
        + [pltpu.VMEM_SHARED((N, D_HID2), jnp.bfloat16),
           pltpu.SemaphoreType.DMA((NBUF,)),
           pltpu.SemaphoreType.DMA((NBUF,))]
    ),
    compiler_params=_SC_PARAMS,
)
def _sc_agg2(p_hbm, src_hbm, dst_hbm, z64_hbm, acc_out,
             src_iv, dst_iv, r0, r1, r2, r3, r4, r5, r6, r7,
             acc_sh, gsem, ssem):
    rows = [r0, r1, r2, r3, r4, r5, r6, r7]
    c = lax.axis_index("c")
    s = lax.axis_index("s")
    w = c * NSUB + s
    nt = jnp.where(w < C2_EXTRA, C2_BASE + 1, C2_BASE)
    t0 = w * C2_BASE + jnp.minimum(w, C2_EXTRA)

    _stage_idx(src_hbm, dst_hbm, src_iv, dst_iv, t0, w < C2_EXTRA,
               C2_BASE, C2_MAX)

    pltpu.sync_copy(z64_hbm, rows[0])
    _zero_acc_slice(acc_sh, s, rows[0])

    plsc.subcore_barrier()

    def gather(j, b):
        pltpu.async_copy(p_hbm.at[src_iv.at[j]], rows[b], gsem.at[b])

    for b in range(NBUF):
        gather(b, b)

    def body(jo, _):
        for b in range(NBUF):
            j = jo * NBUF + b

            @pl.when(j < nt)
            def _():
                pltpu.make_async_copy(p_hbm.at[src_iv.at[j]], rows[b],
                                      gsem.at[b]).wait()
                pltpu.async_copy(rows[b], acc_sh.at[dst_iv.at[j]],
                                 ssem.at[b], add=True).wait()

                @pl.when(j + NBUF < nt)
                def _():
                    gather(j + NBUF, b)
        return 0
    lax.fori_loop(0, J2PAD // NBUF, body, 0)

    plsc.subcore_barrier()

    _copy_acc_out(acc_sh, s, acc_out.at[c])



def kernel(x, edge_index, W1_l, b1_l, W1_r, W2_l, b2_l, W2_r, Wfc, bfc):
    src2d = edge_index[0].reshape(NCHUNKS, CHUNK)
    dst2d = edge_index[1].reshape(NCHUNKS, CHUNK)
    z64 = jnp.zeros((CHUNK, DH), jnp.bfloat16)
    o1 = jnp.ones((CHUNK,), jnp.float32)
    zn1 = jnp.zeros((N,), jnp.float32)

    p1a, p1b, r1 = _tc_pre(x, W1_l[:DH], W1_l[DH:], b1_l.reshape(1, D_HID),
                           W1_r)
    acca, accb, deg0 = _sc_agg1(p1a, p1b, src2d, dst2d, z64, o1, zn1)
    deg = deg0.reshape(N, 1)
    p2, r2 = _tc_mid(acca, accb, deg, r1,
                     W2_l[:, :DH], W2_l[:, DH:], b2_l.reshape(1, D_HID2),
                     W2_r[:, :DH], W2_r[:, DH:])
    acc2 = _sc_agg2(p2, src2d, dst2d, z64)
    if isinstance(acc2, (list, tuple)):
        acc2 = acc2[0]
    out = _tc_post(acc2, deg, r2, Wfc, bfc.reshape(1, 1))
    return out

# --- scband reference (transcript-rebuilt; emitter-appended) ---
"""Pipeline reference for scband-fraud-gnn-48481590837453 (READ-ONLY COPY).

The authoritative reference and input builder live on the scoring server;
editing this copy changes nothing except your own understanding.
"""

import jax, jax.numpy as jnp
import numpy as np

N_NODES = 10000
N_EDGES = 320000
D_IN = 128
D_HID = 128
D_HID2 = 64
D_OUT = 1


def sage_conv(x, edge_index, W_l, b_l, W_r):
    # PyG SAGEConv (aggr='mean', root_weight=True):
    #   out = lin_l(mean_{j in N(i)} x_j) + lin_r(x_i)
    src = edge_index[0]
    dst = edge_index[1]
    msgs = jnp.take(x, src, axis=0)  # gather source node features
    agg = jax.ops.segment_sum(msgs, dst, num_segments=N_NODES)
    deg = jax.ops.segment_sum(jnp.ones((msgs.shape[0],), dtype=x.dtype), dst, num_segments=N_NODES)
    mean = agg / jnp.clip(deg, 1.0)[:, None]
    return mean @ W_l.T + b_l + x @ W_r.T


def setup_inputs(seed: int = 0) -> dict:
    key = jax.random.key(seed)
    ks = jax.random.split(key, 12)
    x = jax.random.normal(ks[0], (N_NODES, D_IN), dtype=jnp.float32)
    edge_index = jax.random.randint(ks[1], (2, N_EDGES), 0, N_NODES, dtype=jnp.int32)
    s1 = 1.0 / np.sqrt(D_IN)
    s2 = 1.0 / np.sqrt(D_HID)
    s3 = 1.0 / np.sqrt(D_HID2)
    W1_l = jax.random.normal(ks[2], (D_HID, D_IN), dtype=jnp.float32) * s1
    b1_l = jax.random.normal(ks[3], (D_HID,), dtype=jnp.float32) * s1
    W1_r = jax.random.normal(ks[4], (D_HID, D_IN), dtype=jnp.float32) * s1
    W2_l = jax.random.normal(ks[5], (D_HID2, D_HID), dtype=jnp.float32) * s2
    b2_l = jax.random.normal(ks[6], (D_HID2,), dtype=jnp.float32) * s2
    W2_r = jax.random.normal(ks[7], (D_HID2, D_HID), dtype=jnp.float32) * s2
    Wfc = jax.random.normal(ks[8], (D_OUT, D_HID2), dtype=jnp.float32) * s3
    bfc = jax.random.normal(ks[9], (D_OUT,), dtype=jnp.float32) * s3
    return {"x": x, "edge_index": edge_index, "W1_l": W1_l, "b1_l": b1_l, "W1_r": W1_r,
            "W2_l": W2_l, "b2_l": b2_l, "W2_r": W2_r, "Wfc": Wfc, "bfc": bfc}


def reference(x, edge_index, W1_l, b1_l, W1_r, W2_l, b2_l, W2_r, Wfc, bfc):
    h = jax.nn.relu(sage_conv(x, edge_index, W1_l, b1_l, W1_r))
    # dropout(p=0.3) is identity in eval mode
    h = jax.nn.relu(sage_conv(h, edge_index, W2_l, b2_l, W2_r))
    out = jax.nn.sigmoid(h @ Wfc.T + bfc)
    return out

if __name__ == "__main__":
    import jax
    _d = setup_inputs()
    print(jax.jit(kernel)(*tuple(_d.values())))

</pallas_src>

<mosaic_0001>
#map = affine_map<(d0, d1) -> (0, 0)>
#map1 = affine_map<(d0, d1) -> (0, 0, 0)>
module attributes {stable_mosaic.version = 14 : i64} {
  func.func @_sc_agg2(%arg0: i32, %arg1: i32, %arg2: memref<10000x64xbf16, #tpu.memory_space<hbm>>, %arg3: memref<2500x128xi32, #tpu.memory_space<hbm>>, %arg4: memref<2500x128xi32, #tpu.memory_space<hbm>>, %arg5: memref<128x64xbf16, #tpu.memory_space<hbm>>, %arg6: memref<2x10000x64xbf16, #tpu.memory_space<hbm>>, %arg7: memref<79x128xi32, #tpu.memory_space<vmem>>, %arg8: memref<79x128xi32, #tpu.memory_space<vmem>>, %arg9: memref<128x64xbf16, #tpu.memory_space<vmem>>, %arg10: memref<128x64xbf16, #tpu.memory_space<vmem>>, %arg11: memref<128x64xbf16, #tpu.memory_space<vmem>>, %arg12: memref<128x64xbf16, #tpu.memory_space<vmem>>, %arg13: memref<128x64xbf16, #tpu.memory_space<vmem>>, %arg14: memref<128x64xbf16, #tpu.memory_space<vmem>>, %arg15: memref<128x64xbf16, #tpu.memory_space<vmem>>, %arg16: memref<128x64xbf16, #tpu.memory_space<vmem>>, %arg17: memref<10000x64xbf16, #tpu.memory_space<vmem_shared>>, %arg18: memref<8x!tpu.dma_semaphore, #tpu.memory_space<semaphore_mem>>, %arg19: memref<8x!tpu.dma_semaphore, #tpu.memory_space<semaphore_mem>>) attributes {dimension_semantics = [#tpu.dimension_semantics<core_parallel>, #tpu.dimension_semantics<subcore_parallel>], iteration_bounds = array<i64: 2, 16>, scalar_prefetch = 0 : i64, scratch_operands = 13 : i64, tpu.core_type = #tpu.core_type<sc_vector_subcore>, window_params = [{transform_indices = #map}, {transform_indices = #map}, {transform_indices = #map}, {transform_indices = #map}, {transform_indices = #map1}]} {
    %mul3A = arith.constant 16 : i32
    %mul3A_0 = arith.muli %arg0, %mul3A : i32
    %add3A = arith.addi %mul3A_0, %arg1 : i32
    %lt3A = arith.constant 4 : i32
    %lt3A_1 = arith.cmpi slt, %add3A, %lt3A : i32
    %jit3A = arith.constant 79 : i32
    %jit3A_2 = arith.constant 78 : i32
    %select_n3A = arith.select %lt3A_1, %jit3A, %jit3A_2 : i32
    %mul3A_3 = arith.constant 78 : i32
    %mul3A_4 = arith.muli %add3A, %mul3A_3 : i32
    %min3A = arith.constant 4 : i32
    %min3A_5 = arith.minsi %add3A, %min3A : i32
    %add3A_6 = arith.addi %mul3A_4, %min3A_5 : i32
    %lt3A_7 = arith.constant 4 : i32
    %lt3A_8 = arith.cmpi slt, %add3A, %lt3A_7 : i32
    %convert_element_type3A = arith.extui %lt3A_8 : i1 to i32
    %cond3A = arith.constant 0 : i32
    %cond3A_9 = arith.cmpi ne, %convert_element_type3A, %cond3A : i32
    scf.if %cond3A_9 {
      "tpu.region"() ({
        %run_scoped3A = tpu.sem_alloc : memref<!tpu.dma_semaphore, #tpu.memory_space<semaphore_mem>>
        %dma_start3A_123 = arith.constant 0 : i32
        %dma_start3A_124 = tpu.memref_slice %arg3[%add3A_6, %dma_start3A_123] : memref<2500x128xi32, #tpu.memory_space<hbm>> -> memref<79x128xi32, #tpu.memory_space<hbm>>
        %dma_start3A_125 = arith.constant 0 : i32
        %dma_start3A_126 = tpu.memref_slice %arg3[%add3A_6, %dma_start3A_125] : memref<2500x128xi32, #tpu.memory_space<hbm>> -> memref<79x128xi32, #tpu.memory_space<hbm>>
        tpu.enqueue_dma source(%dma_start3A_126 : memref<79x128xi32, #tpu.memory_space<hbm>>) target(%arg7 : memref<79x128xi32, #tpu.memory_space<vmem>>) target_semaphore(%run_scoped3A : memref<!tpu.dma_semaphore, #tpu.memory_space<semaphore_mem>>)
        %dma_wait3A = arith.constant 0 : i32
        %dma_wait3A_127 = tpu.memref_slice %arg3[%add3A_6, %dma_wait3A] : memref<2500x128xi32, #tpu.memory_space<hbm>> -> memref<79x128xi32, #tpu.memory_space<hbm>>
        %dma_wait3A_128 = arith.constant 0 : i32
        %dma_wait3A_129 = tpu.memref_slice %arg3[%add3A_6, %dma_wait3A_128] : memref<2500x128xi32, #tpu.memory_space<hbm>> -> memref<79x128xi32, #tpu.memory_space<hbm>>
        tpu.wait_dma2 semaphore(%run_scoped3A : memref<!tpu.dma_semaphore, #tpu.memory_space<semaphore_mem>>) src(%dma_wait3A_129 : memref<79x128xi32, #tpu.memory_space<hbm>>) dst(%arg7 : memref<79x128xi32, #tpu.memory_space<vmem>>)
        tpu.yield
      }) : () -> ()
      "tpu.region"() ({
        %run_scoped3A = tpu.sem_alloc : memref<!tpu.dma_semaphore, #tpu.memory_space<semaphore_mem>>
        %dma_start3A_123 = arith.constant 0 : i32
        %dma_start3A_124 = tpu.memref_slice %arg4[%add3A_6, %dma_start3A_123] : memref<2500x128xi32, #tpu.memory_space<hbm>> -> memref<79x128xi32, #tpu.memory_space<hbm>>
        %dma_start3A_125 = arith.constant 0 : i32
        %dma_start3A_126 = tpu.memref_slice %arg4[%add3A_6, %dma_start3A_125] : memref<2500x128xi32, #tpu.memory_space<hbm>> -> memref<79x128xi32, #tpu.memory_space<hbm>>
        tpu.enqueue_dma source(%dma_start3A_126 : memref<79x128xi32, #tpu.memory_space<hbm>>) target(%arg8 : memref<79x128xi32, #tpu.memory_space<vmem>>) target_semaphore(%run_scoped3A : memref<!tpu.dma_semaphore, #tpu.memory_space<semaphore_mem>>)
        %dma_wait3A = arith.constant 0 : i32
        %dma_wait3A_127 = tpu.memref_slice %arg4[%add3A_6, %dma_wait3A] : memref<2500x128xi32, #tpu.memory_space<hbm>> -> memref<79x128xi32, #tpu.memory_space<hbm>>
        %dma_wait3A_128 = arith.constant 0 : i32
        %dma_wait3A_129 = tpu.memref_slice %arg4[%add3A_6, %dma_wait3A_128] : memref<2500x128xi32, #tpu.memory_space<hbm>> -> memref<79x128xi32, #tpu.memory_space<hbm>>
        tpu.wait_dma2 semaphore(%run_scoped3A : memref<!tpu.dma_semaphore, #tpu.memory_space<semaphore_mem>>) src(%dma_wait3A_129 : memref<79x128xi32, #tpu.memory_space<hbm>>) dst(%arg8 : memref<79x128xi32, #tpu.memory_space<vmem>>)
        tpu.yield
      }) : () -> ()
    } else {
    }
    %not3A = arith.constant true
    %not3A_10 = arith.xori %lt3A_8, %not3A : i1
    %convert_element_type3A_11 = arith.extui %not3A_10 : i1 to i32
    %cond3A_12 = arith.constant 0 : i32
    %cond3A_13 = arith.cmpi ne, %convert_element_type3A_11, %cond3A_12 : i32
    scf.if %cond3A_13 {
      "tpu.region"() ({
        %run_scoped3A = tpu.sem_alloc : memref<!tpu.dma_semaphore, #tpu.memory_space<semaphore_mem>>
        %dma_start3A_123 = arith.constant 0 : i32
        %dma_start3A_124 = arith.constant 0 : i32
        %dma_start3A_125 = tpu.memref_slice %arg7[%dma_start3A_123, %dma_start3A_124] : memref<79x128xi32, #tpu.memory_space<vmem>> -> memref<78x128xi32, #tpu.memory_space<vmem>>
        %dma_start3A_126 = arith.constant 0 : i32
        %dma_start3A_127 = tpu.memref_slice %arg3[%add3A_6, %dma_start3A_126] : memref<2500x128xi32, #tpu.memory_space<hbm>> -> memref<78x128xi32, #tpu.memory_space<hbm>>
        %dma_start3A_128 = arith.constant 0 : i32
        %dma_start3A_129 = arith.constant 0 : i32
        %dma_start3A_130 = tpu.memref_slice %arg7[%dma_start3A_128, %dma_start3A_129] : memref<79x128xi32, #tpu.memory_space<vmem>> -> memref<78x128xi32, #tpu.memory_space<vmem>>
        %dma_start3A_131 = arith.constant 0 : i32
        %dma_start3A_132 = tpu.memref_slice %arg3[%add3A_6, %dma_start3A_131] : memref<2500x128xi32, #tpu.memory_space<hbm>> -> memref<78x128xi32, #tpu.memory_space<hbm>>
        tpu.enqueue_dma source(%dma_start3A_132 : memref<78x128xi32, #tpu.memory_space<hbm>>) target(%dma_start3A_130 : memref<78x128xi32, #tpu.memory_space<vmem>>) target_semaphore(%run_scoped3A : memref<!tpu.dma_semaphore, #tpu.memory_space<semaphore_mem>>)
        %dma_wait3A = arith.constant 0 : i32
        %dma_wait3A_133 = arith.constant 0 : i32
        %dma_wait3A_134 = tpu.memref_slice %arg7[%dma_wait3A, %dma_wait3A_133] : memref<79x128xi32, #tpu.memory_space<vmem>> -> memref<78x128xi32, #tpu.memory_space<vmem>>
        %dma_wait3A_135 = arith.constant 0 : i32
        %dma_wait3A_136 = tpu.memref_slice %arg3[%add3A_6, %dma_wait3A_135] : memref<2500x128xi32, #tpu.memory_space<hbm>> -> memref<78x128xi32, #tpu.memory_space<hbm>>
        %dma_wait3A_137 = arith.constant 0 : i32
        %dma_wait3A_138 = arith.constant 0 : i32
        %dma_wait3A_139 = tpu.memref_slice %arg7[%dma_wait3A_137, %dma_wait3A_138] : memref<79x128xi32, #tpu.memory_space<vmem>> -> memref<78x128xi32, #tpu.memory_space<vmem>>
        %dma_wait3A_140 = arith.constant 0 : i32
        %dma_wait3A_141 = tpu.memref_slice %arg3[%add3A_6, %dma_wait3A_140] : memref<2500x128xi32, #tpu.memory_space<hbm>> -> memref<78x128xi32, #tpu.memory_space<hbm>>
        tpu.wait_dma2 semaphore(%run_scoped3A : memref<!tpu.dma_semaphore, #tpu.memory_space<semaphore_mem>>) src(%dma_wait3A_141 : memref<78x128xi32, #tpu.memory_space<hbm>>) dst(%dma_wait3A_139 : memref<78x128xi32, #tpu.memory_space<vmem>>)
        tpu.yield
      }) : () -> ()
      "tpu.region"() ({
        %run_scoped3A = tpu.sem_alloc : memref<!tpu.dma_semaphore, #tpu.memory_space<semaphore_mem>>
        %dma_start3A_123 = arith.constant 0 : i32
        %dma_start3A_124 = arith.constant 0 : i32
        %dma_start3A_125 = tpu.memref_slice %arg8[%dma_start3A_123, %dma_start3A_124] : memref<79x128xi32, #tpu.memory_space<vmem>> -> memref<78x128xi32, #tpu.memory_space<vmem>>
        %dma_start3A_126 = arith.constant 0 : i32
        %dma_start3A_127 = tpu.memref_slice %arg4[%add3A_6, %dma_start3A_126] : memref<2500x128xi32, #tpu.memory_space<hbm>> -> memref<78x128xi32, #tpu.memory_space<hbm>>
        %dma_start3A_128 = arith.constant 0 : i32
        %dma_start3A_129 = arith.constant 0 : i32
        %dma_start3A_130 = tpu.memref_slice %arg8[%dma_start3A_128, %dma_start3A_129] : memref<79x128xi32, #tpu.memory_space<vmem>> -> memref<78x128xi32, #tpu.memory_space<vmem>>
        %dma_start3A_131 = arith.constant 0 : i32
        %dma_start3A_132 = tpu.memref_slice %arg4[%add3A_6, %dma_start3A_131] : memref<2500x128xi32, #tpu.memory_space<hbm>> -> memref<78x128xi32, #tpu.memory_space<hbm>>
        tpu.enqueue_dma source(%dma_start3A_132 : memref<78x128xi32, #tpu.memory_space<hbm>>) target(%dma_start3A_130 : memref<78x128xi32, #tpu.memory_space<vmem>>) target_semaphore(%run_scoped3A : memref<!tpu.dma_semaphore, #tpu.memory_space<semaphore_mem>>)
        %dma_wait3A = arith.constant 0 : i32
        %dma_wait3A_133 = arith.constant 0 : i32
        %dma_wait3A_134 = tpu.memref_slice %arg8[%dma_wait3A, %dma_wait3A_133] : memref<79x128xi32, #tpu.memory_space<vmem>> -> memref<78x128xi32, #tpu.memory_space<vmem>>
        %dma_wait3A_135 = arith.constant 0 : i32
        %dma_wait3A_136 = tpu.memref_slice %arg4[%add3A_6, %dma_wait3A_135] : memref<2500x128xi32, #tpu.memory_space<hbm>> -> memref<78x128xi32, #tpu.memory_space<hbm>>
        %dma_wait3A_137 = arith.constant 0 : i32
        %dma_wait3A_138 = arith.constant 0 : i32
        %dma_wait3A_139 = tpu.memref_slice %arg8[%dma_wait3A_137, %dma_wait3A_138] : memref<79x128xi32, #tpu.memory_space<vmem>> -> memref<78x128xi32, #tpu.memory_space<vmem>>
        %dma_wait3A_140 = arith.constant 0 : i32
        %dma_wait3A_141 = tpu.memref_slice %arg4[%add3A_6, %dma_wait3A_140] : memref<2500x128xi32, #tpu.memory_space<hbm>> -> memref<78x128xi32, #tpu.memory_space<hbm>>
        tpu.wait_dma2 semaphore(%run_scoped3A : memref<!tpu.dma_semaphore, #tpu.memory_space<semaphore_mem>>) src(%dma_wait3A_141 : memref<78x128xi32, #tpu.memory_space<hbm>>) dst(%dma_wait3A_139 : memref<78x128xi32, #tpu.memory_space<vmem>>)
        tpu.yield
      }) : () -> ()
    } else {
    }
    "tpu.region"() ({
      %run_scoped3A = tpu.sem_alloc : memref<!tpu.dma_semaphore, #tpu.memory_space<semaphore_mem>>
      tpu.enqueue_dma source(%arg5 : memref<128x64xbf16, #tpu.memory_space<hbm>>) target(%arg9 : memref<128x64xbf16, #tpu.memory_space<vmem>>) target_semaphore(%run_scoped3A : memref<!tpu.dma_semaphore, #tpu.memory_space<semaphore_mem>>)
      tpu.wait_dma2 semaphore(%run_scoped3A : memref<!tpu.dma_semaphore, #tpu.memory_space<semaphore_mem>>) src(%arg5 : memref<128x64xbf16, #tpu.memory_space<hbm>>) dst(%arg9 : memref<128x64xbf16, #tpu.memory_space<vmem>>)
      tpu.yield
    }) : () -> ()
    %mul3A_14 = arith.constant 624 : i32
    %mul3A_15 = arith.muli %arg1, %mul3A_14 : i32
    %add3A_16 = arith.constant 0 : i32
    %add3A_17 = arith.addi %mul3A_15, %add3A_16 : i32
    "tpu.region"() ({
      %run_scoped3A = tpu.sem_alloc : memref<!tpu.dma_semaphore, #tpu.memory_space<semaphore_mem>>
      %dma_start3A_123 = arith.constant 0 : i32
      %dma_start3A_124 = tpu.memref_slice %arg17[%add3A_17, %dma_start3A_123] : memref<10000x64xbf16, #tpu.memory_space<vmem_shared>> -> memref<128x64xbf16, #tpu.memory_space<vmem_shared>>
      %dma_start3A_125 = arith.constant 0 : i32
      %dma_start3A_126 = tpu.memref_slice %arg17[%add3A_17, %dma_start3A_125] : memref<10000x64xbf16, #tpu.memory_space<vmem_shared>> -> memref<128x64xbf16, #tpu.memory_space<vmem_shared>>
      tpu.enqueue_dma source(%arg9 : memref<128x64xbf16, #tpu.memory_space<vmem>>) target(%dma_start3A_126 : memref<128x64xbf16, #tpu.memory_space<vmem_shared>>) target_semaphore(%run_scoped3A : memref<!tpu.dma_semaphore, #tpu.memory_space<semaphore_mem>>)
      %dma_wait3A = arith.constant 0 : i32
      %dma_wait3A_127 = tpu.memref_slice %arg17[%add3A_17, %dma_wait3A] : memref<10000x64xbf16, #tpu.memory_space<vmem_shared>> -> memref<128x64xbf16, #tpu.memory_space<vmem_shared>>
      %dma_wait3A_128 = arith.constant 0 : i32
      %dma_wait3A_129 = tpu.memref_slice %arg17[%add3A_17, %dma_wait3A_128] : memref<10000x64xbf16, #tpu.memory_space<vmem_shared>> -> memref<128x64xbf16, #tpu.memory_space<vmem_shared>>
      tpu.wait_dma2 semaphore(%run_scoped3A : memref<!tpu.dma_semaphore, #tpu.memory_space<semaphore_mem>>) src(%arg9 : memref<128x64xbf16, #tpu.memory_space<vmem>>) dst(%dma_wait3A_129 : memref<128x64xbf16, #tpu.memory_space<vmem_shared>>)
      tpu.yield
    }) : () -> ()
    %add3A_18 = arith.constant 128 : i32
    %add3A_19 = arith.addi %mul3A_15, %add3A_18 : i32
    "tpu.region"() ({
      %run_scoped3A = tpu.sem_alloc : memref<!tpu.dma_semaphore, #tpu.memory_space<semaphore_mem>>
      %dma_start3A_123 = arith.constant 0 : i32
      %dma_start3A_124 = tpu.memref_slice %arg17[%add3A_19, %dma_start3A_123] : memref<10000x64xbf16, #tpu.memory_space<vmem_shared>> -> memref<128x64xbf16, #tpu.memory_space<vmem_shared>>
      %dma_start3A_125 = arith.constant 0 : i32
      %dma_start3A_126 = tpu.memref_slice %arg17[%add3A_19, %dma_start3A_125] : memref<10000x64xbf16, #tpu.memory_space<vmem_shared>> -> memref<128x64xbf16, #tpu.memory_space<vmem_shared>>
      tpu.enqueue_dma source(%arg9 : memref<128x64xbf16, #tpu.memory_space<vmem>>) target(%dma_start3A_126 : memref<128x64xbf16, #tpu.memory_space<vmem_shared>>) target_semaphore(%run_scoped3A : memref<!tpu.dma_semaphore, #tpu.memory_space<semaphore_mem>>)
      %dma_wait3A = arith.constant 0 : i32
      %dma_wait3A_127 = tpu.memref_slice %arg17[%add3A_19, %dma_wait3A] : memref<10000x64xbf16, #tpu.memory_space<vmem_shared>> -> memref<128x64xbf16, #tpu.memory_space<vmem_shared>>
      %dma_wait3A_128 = arith.constant 0 : i32
      %dma_wait3A_129 = tpu.memref_slice %arg17[%add3A_19, %dma_wait3A_128] : memref<10000x64xbf16, #tpu.memory_space<vmem_shared>> -> memref<128x64xbf16, #tpu.memory_space<vmem_shared>>
      tpu.wait_dma2 semaphore(%run_scoped3A : memref<!tpu.dma_semaphore, #tpu.memory_space<semaphore_mem>>) src(%arg9 : memref<128x64xbf16, #tpu.memory_space<vmem>>) dst(%dma_wait3A_129 : memref<128x64xbf16, #tpu.memory_space<vmem_shared>>)
      tpu.yield
    }) : () -> ()
    %add3A_20 = arith.constant 256 : i32
    %add3A_21 = arith.addi %mul3A_15, %add3A_20 : i32
    "tpu.region"() ({
      %run_scoped3A = tpu.sem_alloc : memref<!tpu.dma_semaphore, #tpu.memory_space<semaphore_mem>>
      %dma_start3A_123 = arith.constant 0 : i32
      %dma_start3A_124 = tpu.memref_slice %arg17[%add3A_21, %dma_start3A_123] : memref<10000x64xbf16, #tpu.memory_space<vmem_shared>> -> memref<128x64xbf16, #tpu.memory_space<vmem_shared>>
      %dma_start3A_125 = arith.constant 0 : i32
      %dma_start3A_126 = tpu.memref_slice %arg17[%add3A_21, %dma_start3A_125] : memref<10000x64xbf16, #tpu.memory_space<vmem_shared>> -> memref<128x64xbf16, #tpu.memory_space<vmem_shared>>
      tpu.enqueue_dma source(%arg9 : memref<128x64xbf16, #tpu.memory_space<vmem>>) target(%dma_start3A_126 : memref<128x64xbf16, #tpu.memory_space<vmem_shared>>) target_semaphore(%run_scoped3A : memref<!tpu.dma_semaphore, #tpu.memory_space<semaphore_mem>>)
      %dma_wait3A = arith.constant 0 : i32
      %dma_wait3A_127 = tpu.memref_slice %arg17[%add3A_21, %dma_wait3A] : memref<10000x64xbf16, #tpu.memory_space<vmem_shared>> -> memref<128x64xbf16, #tpu.memory_space<vmem_shared>>
      %dma_wait3A_128 = arith.constant 0 : i32
      %dma_wait3A_129 = tpu.memref_slice %arg17[%add3A_21, %dma_wait3A_128] : memref<10000x64xbf16, #tpu.memory_space<vmem_shared>> -> memref<128x64xbf16, #tpu.memory_space<vmem_shared>>
      tpu.wait_dma2 semaphore(%run_scoped3A : memref<!tpu.dma_semaphore, #tpu.memory_space<semaphore_mem>>) src(%arg9 : memref<128x64xbf16, #tpu.memory_space<vmem>>) dst(%dma_wait3A_129 : memref<128x64xbf16, #tpu.memory_space<vmem_shared>>)
      tpu.yield
    }) : () -> ()
    %add3A_22 = arith.constant 384 : i32
    %add3A_23 = arith.addi %mul3A_15, %add3A_22 : i32
    "tpu.region"() ({
      %run_scoped3A = tpu.sem_alloc : memref<!tpu.dma_semaphore, #tpu.memory_space<semaphore_mem>>
      %dma_start3A_123 = arith.constant 0 : i32
      %dma_start3A_124 = tpu.memref_slice %arg17[%add3A_23, %dma_start3A_123] : memref<10000x64xbf16, #tpu.memory_space<vmem_shared>> -> memref<128x64xbf16, #tpu.memory_space<vmem_shared>>
      %dma_start3A_125 = arith.constant 0 : i32
      %dma_start3A_126 = tpu.memref_slice %arg17[%add3A_23, %dma_start3A_125] : memref<10000x64xbf16, #tpu.memory_space<vmem_shared>> -> memref<128x64xbf16, #tpu.memory_space<vmem_shared>>
      tpu.enqueue_dma source(%arg9 : memref<128x64xbf16, #tpu.memory_space<vmem>>) target(%dma_start3A_126 : memref<128x64xbf16, #tpu.memory_space<vmem_shared>>) target_semaphore(%run_scoped3A : memref<!tpu.dma_semaphore, #tpu.memory_space<semaphore_mem>>)
      %dma_wait3A = arith.constant 0 : i32
      %dma_wait3A_127 = tpu.memref_slice %arg17[%add3A_23, %dma_wait3A] : memref<10000x64xbf16, #tpu.memory_space<vmem_shared>> -> memref<128x64xbf16, #tpu.memory_space<vmem_shared>>
      %dma_wait3A_128 = arith.constant 0 : i32
      %dma_wait3A_129 = tpu.memref_slice %arg17[%add3A_23, %dma_wait3A_128] : memref<10000x64xbf16, #tpu.memory_space<vmem_shared>> -> memref<128x64xbf16, #tpu.memory_space<vmem_shared>>
      tpu.wait_dma2 semaphore(%run_scoped3A : memref<!tpu.dma_semaphore, #tpu.memory_space<semaphore_mem>>) src(%arg9 : memref<128x64xbf16, #tpu.memory_space<vmem>>) dst(%dma_wait3A_129 : memref<128x64xbf16, #tpu.memory_space<vmem_shared>>)
      tpu.yield
    }) : () -> ()
    %add3A_24 = arith.constant 512 : i32
    %add3A_25 = arith.addi %mul3A_15, %add3A_24 : i32
    "tpu.region"() ({
      %run_scoped3A = tpu.sem_alloc : memref<!tpu.dma_semaphore, #tpu.memory_space<semaphore_mem>>
      %dma_start3A_123 = arith.constant 0 : i32
      %dma_start3A_124 = arith.constant 0 : i32
      %dma_start3A_125 = tpu.memref_slice %arg9[%dma_start3A_123, %dma_start3A_124] : memref<128x64xbf16, #tpu.memory_space<vmem>> -> memref<112x64xbf16, #tpu.memory_space<vmem>>
      %dma_start3A_126 = arith.constant 0 : i32
      %dma_start3A_127 = tpu.memref_slice %arg17[%add3A_25, %dma_start3A_126] : memref<10000x64xbf16, #tpu.memory_space<vmem_shared>> -> memref<112x64xbf16, #tpu.memory_space<vmem_shared>>
      %dma_start3A_128 = arith.constant 0 : i32
      %dma_start3A_129 = tpu.memref_slice %arg17[%add3A_25, %dma_start3A_128] : memref<10000x64xbf16, #tpu.memory_space<vmem_shared>> -> memref<112x64xbf16, #tpu.memory_space<vmem_shared>>
      %dma_start3A_130 = arith.constant 0 : i32
      %dma_start3A_131 = arith.constant 0 : i32
      %dma_start3A_132 = tpu.memref_slice %arg9[%dma_start3A_130, %dma_start3A_131] : memref<128x64xbf16, #tpu.memory_space<vmem>> -> memref<112x64xbf16, #tpu.memory_space<vmem>>
      tpu.enqueue_dma source(%dma_start3A_132 : memref<112x64xbf16, #tpu.memory_space<vmem>>) target(%dma_start3A_129 : memref<112x64xbf16, #tpu.memory_space<vmem_shared>>) target_semaphore(%run_scoped3A : memref<!tpu.dma_semaphore, #tpu.memory_space<semaphore_mem>>)
      %dma_wait3A = arith.constant 0 : i32
      %dma_wait3A_133 = arith.constant 0 : i32
      %dma_wait3A_134 = tpu.memref_slice %arg9[%dma_wait3A, %dma_wait3A_133] : memref<128x64xbf16, #tpu.memory_space<vmem>> -> memref<112x64xbf16, #tpu.memory_space<vmem>>
      %dma_wait3A_135 = arith.constant 0 : i32
      %dma_wait3A_136 = tpu.memref_slice %arg17[%add3A_25, %dma_wait3A_135] : memref<10000x64xbf16, #tpu.memory_space<vmem_shared>> -> memref<112x64xbf16, #tpu.memory_space<vmem_shared>>
      %dma_wait3A_137 = arith.constant 0 : i32
      %dma_wait3A_138 = tpu.memref_slice %arg17[%add3A_25, %dma_wait3A_137] : memref<10000x64xbf16, #tpu.memory_space<vmem_shared>> -> memref<112x64xbf16, #tpu.memory_space<vmem_shared>>
      %dma_wait3A_139 = arith.constant 0 : i32
      %dma_wait3A_140 = arith.constant 0 : i32
      %dma_wait3A_141 = tpu.memref_slice %arg9[%dma_wait3A_139, %dma_wait3A_140] : memref<128x64xbf16, #tpu.memory_space<vmem>> -> memref<112x64xbf16, #tpu.memory_space<vmem>>
      tpu.wait_dma2 semaphore(%run_scoped3A : memref<!tpu.dma_semaphore, #tpu.memory_space<semaphore_mem>>) src(%dma_wait3A_141 : memref<112x64xbf16, #tpu.memory_space<vmem>>) dst(%dma_wait3A_138 : memref<112x64xbf16, #tpu.memory_space<vmem_shared>>)
      tpu.yield
    }) : () -> ()
    %eq3A = arith.constant 15 : i32
    %eq3A_26 = arith.cmpi eq, %arg1, %eq3A : i32
    %convert_element_type3A_27 = arith.extui %eq3A_26 : i1 to i32
    %cond3A_28 = arith.constant 0 : i32
    %cond3A_29 = arith.cmpi ne, %convert_element_type3A_27, %cond3A_28 : i32
    scf.if %cond3A_29 {
      "tpu.region"() ({
        %run_scoped3A = tpu.sem_alloc : memref<!tpu.dma_semaphore, #tpu.memory_space<semaphore_mem>>
        %dma_start3A_123 = arith.constant 0 : i32
        %dma_start3A_124 = arith.constant 0 : i32
        %dma_start3A_125 = tpu.memref_slice %arg9[%dma_start3A_123, %dma_start3A_124] : memref<128x64xbf16, #tpu.memory_space<vmem>> -> memref<16x64xbf16, #tpu.memory_space<vmem>>
        %dma_start3A_126 = arith.constant 9984 : i32
        %dma_start3A_127 = arith.constant 0 : i32
        %dma_start3A_128 = tpu.memref_slice %arg17[%dma_start3A_126, %dma_start3A_127] : memref<10000x64xbf16, #tpu.memory_space<vmem_shared>> -> memref<16x64xbf16, #tpu.memory_space<vmem_shared>>
        %dma_start3A_129 = arith.constant 9984 : i32
        %dma_start3A_130 = arith.constant 0 : i32
        %dma_start3A_131 = tpu.memref_slice %arg17[%dma_start3A_129, %dma_start3A_130] : memref<10000x64xbf16, #tpu.memory_space<vmem_shared>> -> memref<16x64xbf16, #tpu.memory_space<vmem_shared>>
        %dma_start3A_132 = arith.constant 0 : i32
        %dma_start3A_133 = arith.constant 0 : i32
        %dma_start3A_134 = tpu.memref_slice %arg9[%dma_start3A_132, %dma_start3A_133] : memref<128x64xbf16, #tpu.memory_space<vmem>> -> memref<16x64xbf16, #tpu.memory_space<vmem>>
        tpu.enqueue_dma source(%dma_start3A_134 : memref<16x64xbf16, #tpu.memory_space<vmem>>) target(%dma_start3A_131 : memref<16x64xbf16, #tpu.memory_space<vmem_shared>>) target_semaphore(%run_scoped3A : memref<!tpu.dma_semaphore, #tpu.memory_space<semaphore_mem>>)
        %dma_wait3A = arith.constant 0 : i32
        %dma_wait3A_135 = arith.constant 0 : i32
        %dma_wait3A_136 = tpu.memref_slice %arg9[%dma_wait3A, %dma_wait3A_135] : memref<128x64xbf16, #tpu.memory_space<vmem>> -> memref<16x64xbf16, #tpu.memory_space<vmem>>
        %dma_wait3A_137 = arith.constant 9984 : i32
        %dma_wait3A_138 = arith.constant 0 : i32
        %dma_wait3A_139 = tpu.memref_slice %arg17[%dma_wait3A_137, %dma_wait3A_138] : memref<10000x64xbf16, #tpu.memory_space<vmem_shared>> -> memref<16x64xbf16, #tpu.memory_space<vmem_shared>>
        %dma_wait3A_140 = arith.constant 9984 : i32
        %dma_wait3A_141 = arith.constant 0 : i32
        %dma_wait3A_142 = tpu.memref_slice %arg17[%dma_wait3A_140, %dma_wait3A_141] : memref<10000x64xbf16, #tpu.memory_space<vmem_shared>> -> memref<16x64xbf16, #tpu.memory_space<vmem_shared>>
        %dma_wait3A_143 = arith.constant 0 : i32
        %dma_wait3A_144 = arith.constant 0 : i32
        %dma_wait3A_145 = tpu.memref_slice %arg9[%dma_wait3A_143, %dma_wait3A_144] : memref<128x64xbf16, #tpu.memory_space<vmem>> -> memref<16x64xbf16, #tpu.memory_space<vmem>>
        tpu.wait_dma2 semaphore(%run_scoped3A : memref<!tpu.dma_semaphore, #tpu.memory_space<semaphore_mem>>) src(%dma_wait3A_145 : memref<16x64xbf16, #tpu.memory_space<vmem>>) dst(%dma_wait3A_142 : memref<16x64xbf16, #tpu.memory_space<vmem_shared>>)
        tpu.yield
      }) : () -> ()
    } else {
    }
    %barrier3A = arith.constant 0 : index
    tpu.barrier barrier_id(%barrier3A)
    %dma_start3A = arith.constant 0 : i32
    %dma_start3A_30 = arith.constant 0 : i32
    %dma_start3A_31 = arith.constant 0 : i32
    %dma_start3A_32 = tpu.memref_slice %arg7[%dma_start3A, %dma_start3A_31] : memref<79x128xi32, #tpu.memory_space<vmem>> -> memref<1x128xi32, #tpu.memory_space<vmem>>
    %dma_start3A_33 = tpu.memref_squeeze %dma_start3A_32 : memref<1x128xi32, #tpu.memory_space<vmem>> -> memref<128xi32, #tpu.memory_space<vmem>>
    %dma_start3A_34 = arith.constant 0 : i32
    %dma_start3A_35 = arith.constant 0 : i32
    %dma_start3A_36 = tpu.memref_slice %arg2[%dma_start3A_34, %dma_start3A_35] : memref<10000x64xbf16, #tpu.memory_space<hbm>> -> memref<10000x64xbf16, #tpu.memory_space<hbm>>
    %dma_start3A_37 = tpu.memref_slice %arg18[%dma_start3A_30] : memref<8x!tpu.dma_semaphore, #tpu.memory_space<semaphore_mem>> -> memref<1x!tpu.dma_semaphore, #tpu.memory_space<semaphore_mem>>
    %dma_start3A_38 = tpu.memref_squeeze %dma_start3A_37 : memref<1x!tpu.dma_semaphore, #tpu.memory_space<semaphore_mem>> -> memref<!tpu.dma_semaphore, #tpu.memory_space<semaphore_mem>>
    tpu.enqueue_indirect_dma source(%dma_start3A_36 : memref<10000x64xbf16, #tpu.memory_space<hbm>>) target(%arg9 : memref<128x64xbf16, #tpu.memory_space<vmem>>) offsets(%dma_start3A_33 : memref<128xi32, #tpu.memory_space<vmem>>) semaphore(%dma_start3A_38 : memref<!tpu.dma_semaphore, #tpu.memory_space<semaphore_mem>>)
    %dma_start3A_39 = arith.constant 1 : i32
    %dma_start3A_40 = arith.constant 1 : i32
    %dma_start3A_41 = arith.constant 0 : i32
    %dma_start3A_42 = tpu.memref_slice %arg7[%dma_start3A_39, %dma_start3A_41] : memref<79x128xi32, #tpu.memory_space<vmem>> -> memref<1x128xi32, #tpu.memory_space<vmem>>
    %dma_start3A_43 = tpu.memref_squeeze %dma_start3A_42 : memref<1x128xi32, #tpu.memory_space<vmem>> -> memref<128xi32, #tpu.memory_space<vmem>>
    %dma_start3A_44 = arith.constant 0 : i32
    %dma_start3A_45 = arith.constant 0 : i32
    %dma_start3A_46 = tpu.memref_slice %arg2[%dma_start3A_44, %dma_start3A_45] : memref<10000x64xbf16, #tpu.memory_space<hbm>> -> memref<10000x64xbf16, #tpu.memory_space<hbm>>
    %dma_start3A_47 = tpu.memref_slice %arg18[%dma_start3A_40] : memref<8x!tpu.dma_semaphore, #tpu.memory_space<semaphore_mem>> -> memref<1x!tpu.dma_semaphore, #tpu.memory_space<semaphore_mem>>
    %dma_start3A_48 = tpu.memref_squeeze %dma_start3A_47 : memref<1x!tpu.dma_semaphore, #tpu.memory_space<semaphore_mem>> -> memref<!tpu.dma_semaphore, #tpu.memory_space<semaphore_mem>>
    tpu.enqueue_indirect_dma source(%dma_start3A_46 : memref<10000x64xbf16, #tpu.memory_space<hbm>>) target(%arg10 : memref<128x64xbf16, #tpu.memory_space<vmem>>) offsets(%dma_start3A_43 : memref<128xi32, #tpu.memory_space<vmem>>) semaphore(%dma_start3A_48 : memref<!tpu.dma_semaphore, #tpu.memory_space<semaphore_mem>>)
    %dma_start3A_49 = arith.constant 2 : i32
    %dma_start3A_50 = arith.constant 2 : i32
    %dma_start3A_51 = arith.constant 0 : i32
    %dma_start3A_52 = tpu.memref_slice %arg7[%dma_start3A_49, %dma_start3A_51] : memref<79x128xi32, #tpu.memory_space<vmem>> -> memref<1x128xi32, #tpu.memory_space<vmem>>
    %dma_start3A_53 = tpu.memref_squeeze %dma_start3A_52 : memref<1x128xi32, #tpu.memory_space<vmem>> -> memref<128xi32, #tpu.memory_space<vmem>>
    %dma_start3A_54 = arith.constant 0 : i32
    %dma_start3A_55 = arith.constant 0 : i32
    %dma_start3A_56 = tpu.memref_slice %arg2[%dma_start3A_54, %dma_start3A_55] : memref<10000x64xbf16, #tpu.memory_space<hbm>> -> memref<10000x64xbf16, #tpu.memory_space<hbm>>
    %dma_start3A_57 = tpu.memref_slice %arg18[%dma_start3A_50] : memref<8x!tpu.dma_semaphore, #tpu.memory_space<semaphore_mem>> -> memref<1x!tpu.dma_semaphore, #tpu.memory_space<semaphore_mem>>
    %dma_start3A_58 = tpu.memref_squeeze %dma_start3A_57 : memref<1x!tpu.dma_semaphore, #tpu.memory_space<semaphore_mem>> -> memref<!tpu.dma_semaphore, #tpu.memory_space<semaphore_mem>>
    tpu.enqueue_indirect_dma source(%dma_start3A_56 : memref<10000x64xbf16, #tpu.memory_space<hbm>>) target(%arg11 : memref<128x64xbf16, #tpu.memory_space<vmem>>) offsets(%dma_start3A_53 : memref<128xi32, #tpu.memory_space<vmem>>) semaphore(%dma_start3A_58 : memref<!tpu.dma_semaphore, #tpu.memory_space<semaphore_mem>>)
    %dma_start3A_59 = arith.constant 3 : i32
    %dma_start3A_60 = arith.constant 3 : i32
    %dma_start3A_61 = arith.constant 0 : i32
    %dma_start3A_62 = tpu.memref_slice %arg7[%dma_start3A_59, %dma_start3A_61] : memref<79x128xi32, #tpu.memory_space<vmem>> -> memref<1x128xi32, #tpu.memory_space<vmem>>
    %dma_start3A_63 = tpu.memref_squeeze %dma_start3A_62 : memref<1x128xi32, #tpu.memory_space<vmem>> -> memref<128xi32, #tpu.memory_space<vmem>>
    %dma_start3A_64 = arith.constant 0 : i32
    %dma_start3A_65 = arith.constant 0 : i32
    %dma_start3A_66 = tpu.memref_slice %arg2[%dma_start3A_64, %dma_start3A_65] : memref<10000x64xbf16, #tpu.memory_space<hbm>> -> memref<10000x64xbf16, #tpu.memory_space<hbm>>
    %dma_start3A_67 = tpu.memref_slice %arg18[%dma_start3A_60] : memref<8x!tpu.dma_semaphore, #tpu.memory_space<semaphore_mem>> -> memref<1x!tpu.dma_semaphore, #tpu.memory_space<semaphore_mem>>
    %dma_start3A_68 = tpu.memref_squeeze %dma_start3A_67 : memref<1x!tpu.dma_semaphore, #tpu.memory_space<semaphore_mem>> -> memref<!tpu.dma_semaphore, #tpu.memory_space<semaphore_mem>>
    tpu.enqueue_indirect_dma source(%dma_start3A_66 : memref<10000x64xbf16, #tpu.memory_space<hbm>>) target(%arg12 : memref<128x64xbf16, #tpu.memory_space<vmem>>) offsets(%dma_start3A_63 : memref<128xi32, #tpu.memory_space<vmem>>) semaphore(%dma_start3A_68 : memref<!tpu.dma_semaphore, #tpu.memory_space<semaphore_mem>>)
    %dma_start3A_69 = arith.constant 4 : i32
    %dma_start3A_70 = arith.constant 4 : i32
    %dma_start3A_71 = arith.constant 0 : i32
    %dma_start3A_72 = tpu.memref_slice %arg7[%dma_start3A_69, %dma_start3A_71] : memref<79x128xi32, #tpu.memory_space<vmem>> -> memref<1x128xi32, #tpu.memory_space<vmem>>
    %dma_start3A_73 = tpu.memref_squeeze %dma_start3A_72 : memref<1x128xi32, #tpu.memory_space<vmem>> -> memref<128xi32, #tpu.memory_space<vmem>>
    %dma_start3A_74 = arith.constant 0 : i32
    %dma_start3A_75 = arith.constant 0 : i32
    %dma_start3A_76 = tpu.memref_slice %arg2[%dma_start3A_74, %dma_start3A_75] : memref<10000x64xbf16, #tpu.memory_space<hbm>> -> memref<10000x64xbf16, #tpu.memory_space<hbm>>
    %dma_start3A_77 = tpu.memref_slice %arg18[%dma_start3A_70] : memref<8x!tpu.dma_semaphore, #tpu.memory_space<semaphore_mem>> -> memref<1x!tpu.dma_semaphore, #tpu.memory_space<semaphore_mem>>
    %dma_start3A_78 = tpu.memref_squeeze %dma_start3A_77 : memref<1x!tpu.dma_semaphore, #tpu.memory_space<semaphore_mem>> -> memref<!tpu.dma_semaphore, #tpu.memory_space<semaphore_mem>>
    tpu.enqueue_indirect_dma source(%dma_start3A_76 : memref<10000x64xbf16, #tpu.memory_space<hbm>>) target(%arg13 : memref<128x64xbf16, #tpu.memory_space<vmem>>) offsets(%dma_start3A_73 : memref<128xi32, #tpu.memory_space<vmem>>) semaphore(%dma_start3A_78 : memref<!tpu.dma_semaphore, #tpu.memory_space<semaphore_mem>>)
    %dma_start3A_79 = arith.constant 5 : i32
    %dma_start3A_80 = arith.constant 5 : i32
    %dma_start3A_81 = arith.constant 0 : i32
    %dma_start3A_82 = tpu.memref_slice %arg7[%dma_start3A_79, %dma_start3A_81] : memref<79x128xi32, #tpu.memory_space<vmem>> -> memref<1x128xi32, #tpu.memory_space<vmem>>
    %dma_start3A_83 = tpu.memref_squeeze %dma_start3A_82 : memref<1x128xi32, #tpu.memory_space<vmem>> -> memref<128xi32, #tpu.memory_space<vmem>>
    %dma_start3A_84 = arith.constant 0 : i32
    %dma_start3A_85 = arith.constant 0 : i32
    %dma_start3A_86 = tpu.memref_slice %arg2[%dma_start3A_84, %dma_start3A_85] : memref<10000x64xbf16, #tpu.memory_space<hbm>> -> memref<10000x64xbf16, #tpu.memory_space<hbm>>
    %dma_start3A_87 = tpu.memref_slice %arg18[%dma_start3A_80] : memref<8x!tpu.dma_semaphore, #tpu.memory_space<semaphore_mem>> -> memref<1x!tpu.dma_semaphore, #tpu.memory_space<semaphore_mem>>
    %dma_start3A_88 = tpu.memref_squeeze %dma_start3A_87 : memref<1x!tpu.dma_semaphore, #tpu.memory_space<semaphore_mem>> -> memref<!tpu.dma_semaphore, #tpu.memory_space<semaphore_mem>>
    tpu.enqueue_indirect_dma source(%dma_start3A_86 : memref<10000x64xbf16, #tpu.memory_space<hbm>>) target(%arg14 : memref<128x64xbf16, #tpu.memory_space<vmem>>) offsets(%dma_start3A_83 : memref<128xi32, #tpu.memory_space<vmem>>) semaphore(%dma_start3A_88 : memref<!tpu.dma_semaphore, #tpu.memory_space<semaphore_mem>>)
    %dma_start3A_89 = arith.constant 6 : i32
    %dma_start3A_90 = arith.constant 6 : i32
    %dma_start3A_91 = arith.constant 0 : i32
    %dma_start3A_92 = tpu.memref_slice %arg7[%dma_start3A_89, %dma_start3A_91] : memref<79x128xi32, #tpu.memory_space<vmem>> -> memref<1x128xi32, #tpu.memory_space<vmem>>
    %dma_start3A_93 = tpu.memref_squeeze %dma_start3A_92 : memref<1x128xi32, #tpu.memory_space<vmem>> -> memref<128xi32, #tpu.memory_space<vmem>>
    %dma_start3A_94 = arith.constant 0 : i32
    %dma_start3A_95 = arith.constant 0 : i32
    %dma_start3A_96 = tpu.memref_slice %arg2[%dma_start3A_94, %dma_start3A_95] : memref<10000x64xbf16, #tpu.memory_space<hbm>> -> memref<10000x64xbf16, #tpu.memory_space<hbm>>
    %dma_start3A_97 = tpu.memref_slice %arg18[%dma_start3A_90] : memref<8x!tpu.dma_semaphore, #tpu.memory_space<semaphore_mem>> -> memref<1x!tpu.dma_semaphore, #tpu.memory_space<semaphore_mem>>
    %dma_start3A_98 = tpu.memref_squeeze %dma_start3A_97 : memref<1x!tpu.dma_semaphore, #tpu.memory_space<semaphore_mem>> -> memref<!tpu.dma_semaphore, #tpu.memory_space<semaphore_mem>>
    tpu.enqueue_indirect_dma source(%dma_start3A_96 : memref<10000x64xbf16, #tpu.memory_space<hbm>>) target(%arg15 : memref<128x64xbf16, #tpu.memory_space<vmem>>) offsets(%dma_start3A_93 : memref<128xi32, #tpu.memory_space<vmem>>) semaphore(%dma_start3A_98 : memref<!tpu.dma_semaphore, #tpu.memory_space<semaphore_mem>>)
    %dma_start3A_99 = arith.constant 7 : i32
    %dma_start3A_100 = arith.constant 7 : i32
    %dma_start3A_101 = arith.constant 0 : i32
    %dma_start3A_102 = tpu.memref_slice %arg7[%dma_start3A_99, %dma_start3A_101] : memref<79x128xi32, #tpu.memory_space<vmem>> -> memref<1x128xi32, #tpu.memory_space<vmem>>
    %dma_start3A_103 = tpu.memref_squeeze %dma_start3A_102 : memref<1x128xi32, #tpu.memory_space<vmem>> -> memref<128xi32, #tpu.memory_space<vmem>>
    %dma_start3A_104 = arith.constant 0 : i32
    %dma_start3A_105 = arith.constant 0 : i32
    %dma_start3A_106 = tpu.memref_slice %arg2[%dma_start3A_104, %dma_start3A_105] : memref<10000x64xbf16, #tpu.memory_space<hbm>> -> memref<10000x64xbf16, #tpu.memory_space<hbm>>
    %dma_start3A_107 = tpu.memref_slice %arg18[%dma_start3A_100] : memref<8x!tpu.dma_semaphore, #tpu.memory_space<semaphore_mem>> -> memref<1x!tpu.dma_semaphore, #tpu.memory_space<semaphore_mem>>
    %dma_start3A_108 = tpu.memref_squeeze %dma_start3A_107 : memref<1x!tpu.dma_semaphore, #tpu.memory_space<semaphore_mem>> -> memref<!tpu.dma_semaphore, #tpu.memory_space<semaphore_mem>>
    tpu.enqueue_indirect_dma source(%dma_start3A_106 : memref<10000x64xbf16, #tpu.memory_space<hbm>>) target(%arg16 : memref<128x64xbf16, #tpu.memory_space<vmem>>) offsets(%dma_start3A_103 : memref<128xi32, #tpu.memory_space<vmem>>) semaphore(%dma_start3A_108 : memref<!tpu.dma_semaphore, #tpu.memory_space<semaphore_mem>>)
    %scan3A = arith.constant 0 : i32
    %scan3A_109 = arith.constant 0 : i32
    %scan3A_110 = arith.constant 10 : i32
    %scan3A_111 = arith.addi %scan3A_109, %scan3A_110 : i32
    %scan3A_112 = arith.constant 1 : i32
    %scan3A_113 = scf.for %scan3A_123 = %scan3A_109 to %scan3A_111 step %scan3A_112 iter_args(%scan3A_124 = %scan3A) -> (i32)  : i32 {
      %mul3A_125 = arith.constant 8 : i32
      %mul3A_126 = arith.muli %scan3A_123, %mul3A_125 : i32
      %add3A_127 = arith.constant 0 : i32
      %add3A_128 = arith.addi %mul3A_126, %add3A_127 : i32
      %lt3A_129 = arith.cmpi slt, %add3A_128, %select_n3A : i32
      %convert_element_type3A_130 = arith.extui %lt3A_129 : i1 to i32
      %cond3A_131 = arith.constant 0 : i32
      %cond3A_132 = arith.cmpi ne, %convert_element_type3A_130, %cond3A_131 : i32
      scf.if %cond3A_132 {
        %dma_wait3A = arith.constant 0 : i32
        %dma_wait3A_190 = arith.constant 0 : i32
        %dma_wait3A_191 = tpu.memref_slice %arg7[%add3A_128, %dma_wait3A_190] : memref<79x128xi32, #tpu.memory_space<vmem>> -> memref<1x128xi32, #tpu.memory_space<vmem>>
        %dma_wait3A_192 = tpu.memref_squeeze %dma_wait3A_191 : memref<1x128xi32, #tpu.memory_space<vmem>> -> memref<128xi32, #tpu.memory_space<vmem>>
        %dma_wait3A_193 = arith.constant 0 : i32
        %dma_wait3A_194 = arith.constant 0 : i32
        %dma_wait3A_195 = tpu.memref_slice %arg2[%dma_wait3A_193, %dma_wait3A_194] : memref<10000x64xbf16, #tpu.memory_space<hbm>> -> memref<10000x64xbf16, #tpu.memory_space<hbm>>
        %dma_wait3A_196 = tpu.memref_slice %arg18[%dma_wait3A] : memref<8x!tpu.dma_semaphore, #tpu.memory_space<semaphore_mem>> -> memref<1x!tpu.dma_semaphore, #tpu.memory_space<semaphore_mem>>
        %dma_wait3A_197 = tpu.memref_squeeze %dma_wait3A_196 : memref<1x!tpu.dma_semaphore, #tpu.memory_space<semaphore_mem>> -> memref<!tpu.dma_semaphore, #tpu.memory_space<semaphore_mem>>
        tpu.wait_indirect_dma semaphore(%dma_wait3A_197 : memref<!tpu.dma_semaphore, #tpu.memory_space<semaphore_mem>>) src(%dma_wait3A_195 : memref<10000x64xbf16, #tpu.memory_space<hbm>>) dst(%arg9 : memref<128x64xbf16, #tpu.memory_space<vmem>>)
        %dma_start3A_198 = arith.constant 0 : i32
        %dma_start3A_199 = arith.constant 0 : i32
        %dma_start3A_200 = tpu.memref_slice %arg8[%add3A_128, %dma_start3A_199] : memref<79x128xi32, #tpu.memory_space<vmem>> -> memref<1x128xi32, #tpu.memory_space<vmem>>
        %dma_start3A_201 = tpu.memref_squeeze %dma_start3A_200 : memref<1x128xi32, #tpu.memory_space<vmem>> -> memref<128xi32, #tpu.memory_space<vmem>>
        %dma_start3A_202 = arith.constant 0 : i32
        %dma_start3A_203 = arith.constant 0 : i32
        %dma_start3A_204 = tpu.memref_slice %arg17[%dma_start3A_202, %dma_start3A_203] : memref<10000x64xbf16, #tpu.memory_space<vmem_shared>> -> memref<10000x64xbf16, #tpu.memory_space<vmem_shared>>
        %dma_start3A_205 = tpu.memref_slice %arg19[%dma_start3A_198] : memref<8x!tpu.dma_semaphore, #tpu.memory_space<semaphore_mem>> -> memref<1x!tpu.dma_semaphore, #tpu.memory_space<semaphore_mem>>
        %dma_start3A_206 = tpu.memref_squeeze %dma_start3A_205 : memref<1x!tpu.dma_semaphore, #tpu.memory_space<semaphore_mem>> -> memref<!tpu.dma_semaphore, #tpu.memory_space<semaphore_mem>>
        tpu.enqueue_indirect_dma source(%arg9 : memref<128x64xbf16, #tpu.memory_space<vmem>>) target(%dma_start3A_204 : memref<10000x64xbf16, #tpu.memory_space<vmem_shared>>) offsets(%dma_start3A_201 : memref<128xi32, #tpu.memory_space<vmem>>) semaphore(%dma_start3A_206 : memref<!tpu.dma_semaphore, #tpu.memory_space<semaphore_mem>>) {add = true}
        %dma_wait3A_207 = arith.constant 0 : i32
        %dma_wait3A_208 = arith.constant 0 : i32
        %dma_wait3A_209 = tpu.memref_slice %arg8[%add3A_128, %dma_wait3A_208] : memref<79x128xi32, #tpu.memory_space<vmem>> -> memref<1x128xi32, #tpu.memory_space<vmem>>
        %dma_wait3A_210 = tpu.memref_squeeze %dma_wait3A_209 : memref<1x128xi32, #tpu.memory_space<vmem>> -> memref<128xi32, #tpu.memory_space<vmem>>
        %dma_wait3A_211 = arith.constant 0 : i32
        %dma_wait3A_212 = arith.constant 0 : i32
        %dma_wait3A_213 = tpu.memref_slice %arg17[%dma_wait3A_211, %dma_wait3A_212] : memref<10000x64xbf16, #tpu.memory_space<vmem_shared>> -> memref<10000x64xbf16, #tpu.memory_space<vmem_shared>>
        %dma_wait3A_214 = tpu.memref_slice %arg19[%dma_wait3A_207] : memref<8x!tpu.dma_semaphore, #tpu.memory_space<semaphore_mem>> -> memref<1x!tpu.dma_semaphore, #tpu.memory_space<semaphore_mem>>
        %dma_wait3A_215 = tpu.memref_squeeze %dma_wait3A_214 : memref<1x!tpu.dma_semaphore, #tpu.memory_space<semaphore_mem>> -> memref<!tpu.dma_semaphore, #tpu.memory_space<semaphore_mem>>
        tpu.wait_indirect_dma semaphore(%dma_wait3A_215 : memref<!tpu.dma_semaphore, #tpu.memory_space<semaphore_mem>>) src(%arg9 : memref<128x64xbf16, #tpu.memory_space<vmem>>) dst(%dma_wait3A_213 : memref<10000x64xbf16, #tpu.memory_space<vmem_shared>>)
        %add3A_216 = arith.constant 8 : i32
        %add3A_217 = arith.addi %add3A_128, %add3A_216 : i32
        %lt3A_218 = arith.cmpi slt, %add3A_217, %select_n3A : i32
        %convert_element_type3A_219 = arith.extui %lt3A_218 : i1 to i32
        %cond3A_220 = arith.constant 0 : i32
        %cond3A_221 = arith.cmpi ne, %convert_element_type3A_219, %cond3A_220 : i32
        scf.if %cond3A_221 {
          %add3A_222 = arith.constant 8 : i32
          %add3A_223 = arith.addi %add3A_128, %add3A_222 : i32
          %dma_start3A_224 = arith.constant 0 : i32
          %dma_start3A_225 = arith.constant 0 : i32
          %dma_start3A_226 = tpu.memref_slice %arg7[%add3A_223, %dma_start3A_225] : memref<79x128xi32, #tpu.memory_space<vmem>> -> memref<1x128xi32, #tpu.memory_space<vmem>>
          %dma_start3A_227 = tpu.memref_squeeze %dma_start3A_226 : memref<1x128xi32, #tpu.memory_space<vmem>> -> memref<128xi32, #tpu.memory_space<vmem>>
          %dma_start3A_228 = arith.constant 0 : i32
          %dma_start3A_229 = arith.constant 0 : i32
          %dma_start3A_230 = tpu.memref_slice %arg2[%dma_start3A_228, %dma_start3A_229] : memref<10000x64xbf16, #tpu.memory_space<hbm>> -> memref<10000x64xbf16, #tpu.memory_space<hbm>>
          %dma_start3A_231 = tpu.memref_slice %arg18[%dma_start3A_224] : memref<8x!tpu.dma_semaphore, #tpu.memory_space<semaphore_mem>> -> memref<1x!tpu.dma_semaphore, #tpu.memory_space<semaphore_mem>>
          %dma_start3A_232 = tpu.memref_squeeze %dma_start3A_231 : memref<1x!tpu.dma_semaphore, #tpu.memory_space<semaphore_mem>> -> memref<!tpu.dma_semaphore, #tpu.memory_space<semaphore_mem>>
          tpu.enqueue_indirect_dma source(%dma_start3A_230 : memref<10000x64xbf16, #tpu.memory_space<hbm>>) target(%arg9 : memref<128x64xbf16, #tpu.memory_space<vmem>>) offsets(%dma_start3A_227 : memref<128xi32, #tpu.memory_space<vmem>>) semaphore(%dma_start3A_232 : memref<!tpu.dma_semaphore, #tpu.memory_space<semaphore_mem>>)
        } else {
        }
      } else {
      }
      %mul3A_133 = arith.constant 8 : i32
      %mul3A_134 = arith.muli %scan3A_123, %mul3A_133 : i32
      %add3A_135 = arith.constant 1 : i32
      %add3A_136 = arith.addi %mul3A_134, %add3A_135 : i32
      %lt3A_137 = arith.cmpi slt, %add3A_136, %select_n3A : i32
      %convert_element_type3A_138 = arith.extui %lt3A_137 : i1 to i32
      %cond3A_139 = arith.constant 0 : i32
      %cond3A_140 = arith.cmpi ne, %convert_element_type3A_138, %cond3A_139 : i32
      scf.if %cond3A_140 {
        %dma_wait3A = arith.constant 1 : i32
        %dma_wait3A_190 = arith.constant 0 : i32
        %dma_wait3A_191 = tpu.memref_slice %arg7[%add3A_136, %dma_wait3A_190] : memref<79x128xi32, #tpu.memory_space<vmem>> -> memref<1x128xi32, #tpu.memory_space<vmem>>
        %dma_wait3A_192 = tpu.memref_squeeze %dma_wait3A_191 : memref<1x128xi32, #tpu.memory_space<vmem>> -> memref<128xi32, #tpu.memory_space<vmem>>
        %dma_wait3A_193 = arith.constant 0 : i32
        %dma_wait3A_194 = arith.constant 0 : i32
        %dma_wait3A_195 = tpu.memref_slice %arg2[%dma_wait3A_193, %dma_wait3A_194] : memref<10000x64xbf16, #tpu.memory_space<hbm>> -> memref<10000x64xbf16, #tpu.memory_space<hbm>>
        %dma_wait3A_196 = tpu.memref_slice %arg18[%dma_wait3A] : memref<8x!tpu.dma_semaphore, #tpu.memory_space<semaphore_mem>> -> memref<1x!tpu.dma_semaphore, #tpu.memory_space<semaphore_mem>>
        %dma_wait3A_197 = tpu.memref_squeeze %dma_wait3A_196 : memref<1x!tpu.dma_semaphore, #tpu.memory_space<semaphore_mem>> -> memref<!tpu.dma_semaphore, #tpu.memory_space<semaphore_mem>>
        tpu.wait_indirect_dma semaphore(%dma_wait3A_197 : memref<!tpu.dma_semaphore, #tpu.memory_space<semaphore_mem>>) src(%dma_wait3A_195 : memref<10000x64xbf16, #tpu.memory_space<hbm>>) dst(%arg10 : memref<128x64xbf16, #tpu.memory_space<vmem>>)
        %dma_start3A_198 = arith.constant 1 : i32
        %dma_start3A_199 = arith.constant 0 : i32
        %dma_start3A_200 = tpu.memref_slice %arg8[%add3A_136, %dma_start3A_199] : memref<79x128xi32, #tpu.memory_space<vmem>> -> memref<1x128xi32, #tpu.memory_space<vmem>>
        %dma_start3A_201 = tpu.memref_squeeze %dma_start3A_200 : memref<1x128xi32, #tpu.memory_space<vmem>> -> memref<128xi32, #tpu.memory_space<vmem>>
        %dma_start3A_202 = arith.constant 0 : i32
        %dma_start3A_203 = arith.constant 0 : i32
        %dma_start3A_204 = tpu.memref_slice %arg17[%dma_start3A_202, %dma_start3A_203] : memref<10000x64xbf16, #tpu.memory_space<vmem_shared>> -> memref<10000x64xbf16, #tpu.memory_space<vmem_shared>>
        %dma_start3A_205 = tpu.memref_slice %arg19[%dma_start3A_198] : memref<8x!tpu.dma_semaphore, #tpu.memory_space<semaphore_mem>> -> memref<1x!tpu.dma_semaphore, #tpu.memory_space<semaphore_mem>>
        %dma_start3A_206 = tpu.memref_squeeze %dma_start3A_205 : memref<1x!tpu.dma_semaphore, #tpu.memory_space<semaphore_mem>> -> memref<!tpu.dma_semaphore, #tpu.memory_space<semaphore_mem>>
        tpu.enqueue_indirect_dma source(%arg10 : memref<128x64xbf16, #tpu.memory_space<vmem>>) target(%dma_start3A_204 : memref<10000x64xbf16, #tpu.memory_space<vmem_shared>>) offsets(%dma_start3A_201 : memref<128xi32, #tpu.memory_space<vmem>>) semaphore(%dma_start3A_206 : memref<!tpu.dma_semaphore, #tpu.memory_space<semaphore_mem>>) {add = true}
        %dma_wait3A_207 = arith.constant 1 : i32
        %dma_wait3A_208 = arith.constant 0 : i32
        %dma_wait3A_209 = tpu.memref_slice %arg8[%add3A_136, %dma_wait3A_208] : memref<79x128xi32, #tpu.memory_space<vmem>> -> memref<1x128xi32, #tpu.memory_space<vmem>>
        %dma_wait3A_210 = tpu.memref_squeeze %dma_wait3A_209 : memref<1x128xi32, #tpu.memory_space<vmem>> -> memref<128xi32, #tpu.memory_space<vmem>>
        %dma_wait3A_211 = arith.constant 0 : i32
        %dma_wait3A_212 = arith.constant 0 : i32
        %dma_wait3A_213 = tpu.memref_slice %arg17[%dma_wait3A_211, %dma_wait3A_212] : memref<10000x64xbf16, #tpu.memory_space<vmem_shared>> -> memref<10000x64xbf16, #tpu.memory_space<vmem_shared>>
        %dma_wait3A_214 = tpu.memref_slice %arg19[%dma_wait3A_207] : memref<8x!tpu.dma_semaphore, #tpu.memory_space<semaphore_mem>> -> memref<1x!tpu.dma_semaphore, #tpu.memory_space<semaphore_mem>>
        %dma_wait3A_215 = tpu.memref_squeeze %dma_wait3A_214 : memref<1x!tpu.dma_semaphore, #tpu.memory_space<semaphore_mem>> -> memref<!tpu.dma_semaphore, #tpu.memory_space<semaphore_mem>>
        tpu.wait_indirect_dma semaphore(%dma_wait3A_215 : memref<!tpu.dma_semaphore, #tpu.memory_space<semaphore_mem>>) src(%arg10 : memref<128x64xbf16, #tpu.memory_space<vmem>>) dst(%dma_wait3A_213 : memref<10000x64xbf16, #tpu.memory_space<vmem_shared>>)
        %add3A_216 = arith.constant 8 : i32
        %add3A_217 = arith.addi %add3A_136, %add3A_216 : i32
        %lt3A_218 = arith.cmpi slt, %add3A_217, %select_n3A : i32
        %convert_element_type3A_219 = arith.extui %lt3A_218 : i1 to i32
        %cond3A_220 = arith.constant 0 : i32
        %cond3A_221 = arith.cmpi ne, %convert_element_type3A_219, %cond3A_220 : i32
        scf.if %cond3A_221 {
          %add3A_222 = arith.constant 8 : i32
          %add3A_223 = arith.addi %add3A_136, %add3A_222 : i32
          %dma_start3A_224 = arith.constant 1 : i32
          %dma_start3A_225 = arith.constant 0 : i32
          %dma_start3A_226 = tpu.memref_slice %arg7[%add3A_223, %dma_start3A_225] : memref<79x128xi32, #tpu.memory_space<vmem>> -> memref<1x128xi32, #tpu.memory_space<vmem>>
          %dma_start3A_227 = tpu.memref_squeeze %dma_start3A_226 : memref<1x128xi32, #tpu.memory_space<vmem>> -> memref<128xi32, #tpu.memory_space<vmem>>
          %dma_start3A_228 = arith.constant 0 : i32
          %dma_start3A_229 = arith.constant 0 : i32
          %dma_start3A_230 = tpu.memref_slice %arg2[%dma_start3A_228, %dma_start3A_229] : memref<10000x64xbf16, #tpu.memory_space<hbm>> -> memref<10000x64xbf16, #tpu.memory_space<hbm>>
          %dma_start3A_231 = tpu.memref_slice %arg18[%dma_start3A_224] : memref<8x!tpu.dma_semaphore, #tpu.memory_space<semaphore_mem>> -> memref<1x!tpu.dma_semaphore, #tpu.memory_space<semaphore_mem>>
          %dma_start3A_232 = tpu.memref_squeeze %dma_start3A_231 : memref<1x!tpu.dma_semaphore, #tpu.memory_space<semaphore_mem>> -> memref<!tpu.dma_semaphore, #tpu.memory_space<semaphore_mem>>
          tpu.enqueue_indirect_dma source(%dma_start3A_230 : memref<10000x64xbf16, #tpu.memory_space<hbm>>) target(%arg10 : memref<128x64xbf16, #tpu.memory_space<vmem>>) offsets(%dma_start3A_227 : memref<128xi32, #tpu.memory_space<vmem>>) semaphore(%dma_start3A_232 : memref<!tpu.dma_semaphore, #tpu.memory_space<semaphore_mem>>)
        } else {
        }
      } else {
      }
      %mul3A_141 = arith.constant 8 : i32
      %mul3A_142 = arith.muli %scan3A_123, %mul3A_141 : i32
      %add3A_143 = arith.constant 2 : i32
      %add3A_144 = arith.addi %mul3A_142, %add3A_143 : i32
      %lt3A_145 = arith.cmpi slt, %add3A_144, %select_n3A : i32
      %convert_element_type3A_146 = arith.extui %lt3A_145 : i1 to i32
      %cond3A_147 = arith.constant 0 : i32
      %cond3A_148 = arith.cmpi ne, %convert_element_type3A_146, %cond3A_147 : i32
      scf.if %cond3A_148 {
        %dma_wait3A = arith.constant 2 : i32
        %dma_wait3A_190 = arith.constant 0 : i32
        %dma_wait3A_191 = tpu.memref_slice %arg7[%add3A_144, %dma_wait3A_190] : memref<79x128xi32, #tpu.memory_space<vmem>> -> memref<1x128xi32, #tpu.memory_space<vmem>>
        %dma_wait3A_192 = tpu.memref_squeeze %dma_wait3A_191 : memref<1x128xi32, #tpu.memory_space<vmem>> -> memref<128xi32, #tpu.memory_space<vmem>>
        %dma_wait3A_193 = arith.constant 0 : i32
        %dma_wait3A_194 = arith.constant 0 : i32
        %dma_wait3A_195 = tpu.memref_slice %arg2[%dma_wait3A_193, %dma_wait3A_194] : memref<10000x64xbf16, #tpu.memory_space<hbm>> -> memref<10000x64xbf16, #tpu.memory_space<hbm>>
        %dma_wait3A_196 = tpu.memref_slice %arg18[%dma_wait3A] : memref<8x!tpu.dma_semaphore, #tpu.memory_space<semaphore_mem>> -> memref<1x!tpu.dma_semaphore, #tpu.memory_space<semaphore_mem>>
        %dma_wait3A_197 = tpu.memref_squeeze %dma_wait3A_196 : memref<1x!tpu.dma_semaphore, #tpu.memory_space<semaphore_mem>> -> memref<!tpu.dma_semaphore, #tpu.memory_space<semaphore_mem>>
        tpu.wait_indirect_dma semaphore(%dma_wait3A_197 : memref<!tpu.dma_semaphore, #tpu.memory_space<semaphore_mem>>) src(%dma_wait3A_195 : memref<10000x64xbf16, #tpu.memory_space<hbm>>) dst(%arg11 : memref<128x64xbf16, #tpu.memory_space<vmem>>)
        %dma_start3A_198 = arith.constant 2 : i32
        %dma_start3A_199 = arith.constant 0 : i32
        %dma_start3A_200 = tpu.memref_slice %arg8[%add3A_144, %dma_start3A_199] : memref<79x128xi32, #tpu.memory_space<vmem>> -> memref<1x128xi32, #tpu.memory_space<vmem>>
        %dma_start3A_201 = tpu.memref_squeeze %dma_start3A_200 : memref<1x128xi32, #tpu.memory_space<vmem>> -> memref<128xi32, #tpu.memory_space<vmem>>
        %dma_start3A_202 = arith.constant 0 : i32
        %dma_start3A_203 = arith.constant 0 : i32
        %dma_start3A_204 = tpu.memref_slice %arg17[%dma_start3A_202, %dma_start3A_203] : memref<10000x64xbf16, #tpu.memory_space<vmem_shared>> -> memref<10000x64xbf16, #tpu.memory_space<vmem_shared>>
        %dma_start3A_205 = tpu.memref_slice %arg19[%dma_start3A_198] : memref<8x!tpu.dma_semaphore, #tpu.memory_space<semaphore_mem>> -> memref<1x!tpu.dma_semaphore, #tpu.memory_space<semaphore_mem>>
        %dma_start3A_206 = tpu.memref_squeeze %dma_start3A_205 : memref<1x!tpu.dma_semaphore, #tpu.memory_space<semaphore_mem>> -> memref<!tpu.dma_semaphore, #tpu.memory_space<semaphore_mem>>
        tpu.enqueue_indirect_dma source(%arg11 : memref<128x64xbf16, #tpu.memory_space<vmem>>) target(%dma_start3A_204 : memref<10000x64xbf16, #tpu.memory_space<vmem_shared>>) offsets(%dma_start3A_201 : memref<128xi32, #tpu.memory_space<vmem>>) semaphore(%dma_start3A_206 : memref<!tpu.dma_semaphore, #tpu.memory_space<semaphore_mem>>) {add = true}
        %dma_wait3A_207 = arith.constant 2 : i32
        %dma_wait3A_208 = arith.constant 0 : i32
        %dma_wait3A_209 = tpu.memref_slice %arg8[%add3A_144, %dma_wait3A_208] : memref<79x128xi32, #tpu.memory_space<vmem>> -> memref<1x128xi32, #tpu.memory_space<vmem>>
        %dma_wait3A_210 = tpu.memref_squeeze %dma_wait3A_209 : memref<1x128xi32, #tpu.memory_space<vmem>> -> memref<128xi32, #tpu.memory_space<vmem>>
        %dma_wait3A_211 = arith.constant 0 : i32
        %dma_wait3A_212 = arith.constant 0 : i32
        %dma_wait3A_213 = tpu.memref_slice %arg17[%dma_wait3A_211, %dma_wait3A_212] : memref<10000x64xbf16, #tpu.memory_space<vmem_shared>> -> memref<10000x64xbf16, #tpu.memory_space<vmem_shared>>
        %dma_wait3A_214 = tpu.memref_slice %arg19[%dma_wait3A_207] : memref<8x!tpu.dma_semaphore, #tpu.memory_space<semaphore_mem>> -> memref<1x!tpu.dma_semaphore, #tpu.memory_space<semaphore_mem>>
        %dma_wait3A_215 = tpu.memref_squeeze %dma_wait3A_214 : memref<1x!tpu.dma_semaphore, #tpu.memory_space<semaphore_mem>> -> memref<!tpu.dma_semaphore, #tpu.memory_space<semaphore_mem>>
        tpu.wait_indirect_dma semaphore(%dma_wait3A_215 : memref<!tpu.dma_semaphore, #tpu.memory_space<semaphore_mem>>) src(%arg11 : memref<128x64xbf16, #tpu.memory_space<vmem>>) dst(%dma_wait3A_213 : memref<10000x64xbf16, #tpu.memory_space<vmem_shared>>)
        %add3A_216 = arith.constant 8 : i32
        %add3A_217 = arith.addi %add3A_144, %add3A_216 : i32
        %lt3A_218 = arith.cmpi slt, %add3A_217, %select_n3A : i32
        %convert_element_type3A_219 = arith.extui %lt3A_218 : i1 to i32
        %cond3A_220 = arith.constant 0 : i32
        %cond3A_221 = arith.cmpi ne, %convert_element_type3A_219, %cond3A_220 : i32
        scf.if %cond3A_221 {
          %add3A_222 = arith.constant 8 : i32
          %add3A_223 = arith.addi %add3A_144, %add3A_222 : i32
          %dma_start3A_224 = arith.constant 2 : i32
          %dma_start3A_225 = arith.constant 0 : i32
          %dma_start3A_226 = tpu.memref_slice %arg7[%add3A_223, %dma_start3A_225] : memref<79x128xi32, #tpu.memory_space<vmem>> -> memref<1x128xi32, #tpu.memory_space<vmem>>
          %dma_start3A_227 = tpu.memref_squeeze %dma_start3A_226 : memref<1x128xi32, #tpu.memory_space<vmem>> -> memref<128xi32, #tpu.memory_space<vmem>>
          %dma_start3A_228 = arith.constant 0 : i32
          %dma_start3A_229 = arith.constant 0 : i32
          %dma_start3A_230 = tpu.memref_slice %arg2[%dma_start3A_228, %dma_start3A_229] : memref<10000x64xbf16, #tpu.memory_space<hbm>> -> memref<10000x64xbf16, #tpu.memory_space<hbm>>
          %dma_start3A_231 = tpu.memref_slice %arg18[%dma_start3A_224] : memref<8x!tpu.dma_semaphore, #tpu.memory_space<semaphore_mem>> -> memref<1x!tpu.dma_semaphore, #tpu.memory_space<semaphore_mem>>
          %dma_start3A_232 = tpu.memref_squeeze %dma_start3A_231 : memref<1x!tpu.dma_semaphore, #tpu.memory_space<semaphore_mem>> -> memref<!tpu.dma_semaphore, #tpu.memory_space<semaphore_mem>>
          tpu.enqueue_indirect_dma source(%dma_start3A_230 : memref<10000x64xbf16, #tpu.memory_space<hbm>>) target(%arg11 : memref<128x64xbf16, #tpu.memory_space<vmem>>) offsets(%dma_start3A_227 : memref<128xi32, #tpu.memory_space<vmem>>) semaphore(%dma_start3A_232 : memref<!tpu.dma_semaphore, #tpu.memory_space<semaphore_mem>>)
        } else {
        }
      } else {
      }
      %mul3A_149 = arith.constant 8 : i32
      %mul3A_150 = arith.muli %scan3A_123, %mul3A_149 : i32
      %add3A_151 = arith.constant 3 : i32
      %add3A_152 = arith.addi %mul3A_150, %add3A_151 : i32
      %lt3A_153 = arith.cmpi slt, %add3A_152, %select_n3A : i32
      %convert_element_type3A_154 = arith.extui %lt3A_153 : i1 to i32
      %cond3A_155 = arith.constant 0 : i32
      %cond3A_156 = arith.cmpi ne, %convert_element_type3A_154, %cond3A_155 : i32
      scf.if %cond3A_156 {
        %dma_wait3A = arith.constant 3 : i32
        %dma_wait3A_190 = arith.constant 0 : i32
        %dma_wait3A_191 = tpu.memref_slice %arg7[%add3A_152, %dma_wait3A_190] : memref<79x128xi32, #tpu.memory_space<vmem>> -> memref<1x128xi32, #tpu.memory_space<vmem>>
        %dma_wait3A_192 = tpu.memref_squeeze %dma_wait3A_191 : memref<1x128xi32, #tpu.memory_space<vmem>> -> memref<128xi32, #tpu.memory_space<vmem>>
        %dma_wait3A_193 = arith.constant 0 : i32
        %dma_wait3A_194 = arith.constant 0 : i32
        %dma_wait3A_195 = tpu.memref_slice %arg2[%dma_wait3A_193, %dma_wait3A_194] : memref<10000x64xbf16, #tpu.memory_space<hbm>> -> memref<10000x64xbf16, #tpu.memory_space<hbm>>
        %dma_wait3A_196 = tpu.memref_slice %arg18[%dma_wait3A] : memref<8x!tpu.dma_semaphore, #tpu.memory_space<semaphore_mem>> -> memref<1x!tpu.dma_semaphore, #tpu.memory_space<semaphore_mem>>
        %dma_wait3A_197 = tpu.memref_squeeze %dma_wait3A_196 : memref<1x!tpu.dma_semaphore, #tpu.memory_space<semaphore_mem>> -> memref<!tpu.dma_semaphore, #tpu.memory_space<semaphore_mem>>
        tpu.wait_indirect_dma semaphore(%dma_wait3A_197 : memref<!tpu.dma_semaphore, #tpu.memory_space<semaphore_mem>>) src(%dma_wait3A_195 : memref<10000x64xbf16, #tpu.memory_space<hbm>>) dst(%arg12 : memref<128x64xbf16, #tpu.memory_space<vmem>>)
        %dma_start3A_198 = arith.constant 3 : i32
        %dma_start3A_199 = arith.constant 0 : i32
        %dma_start3A_200 = tpu.memref_slice %arg8[%add3A_152, %dma_start3A_199] : memref<79x128xi32, #tpu.memory_space<vmem>> -> memref<1x128xi32, #tpu.memory_space<vmem>>
        %dma_start3A_201 = tpu.memref_squeeze %dma_start3A_200 : memref<1x128xi32, #tpu.memory_space<vmem>> -> memref<128xi32, #tpu.memory_space<vmem>>
        %dma_start3A_202 = arith.constant 0 : i32
        %dma_start3A_203 = arith.constant 0 : i32
        %dma_start3A_204 = tpu.memref_slice %arg17[%dma_start3A_202, %dma_start3A_203] : memref<10000x64xbf16, #tpu.memory_space<vmem_shared>> -> memref<10000x64xbf16, #tpu.memory_space<vmem_shared>>
        %dma_start3A_205 = tpu.memref_slice %arg19[%dma_start3A_198] : memref<8x!tpu.dma_semaphore, #tpu.memory_space<semaphore_mem>> -> memref<1x!tpu.dma_semaphore, #tpu.memory_space<semaphore_mem>>
        %dma_start3A_206 = tpu.memref_squeeze %dma_start3A_205 : memref<1x!tpu.dma_semaphore, #tpu.memory_space<semaphore_mem>> -> memref<!tpu.dma_semaphore, #tpu.memory_space<semaphore_mem>>
        tpu.enqueue_indirect_dma source(%arg12 : memref<128x64xbf16, #tpu.memory_space<vmem>>) target(%dma_start3A_204 : memref<10000x64xbf16, #tpu.memory_space<vmem_shared>>) offsets(%dma_start3A_201 : memref<128xi32, #tpu.memory_space<vmem>>) semaphore(%dma_start3A_206 : memref<!tpu.dma_semaphore, #tpu.memory_space<semaphore_mem>>) {add = true}
        %dma_wait3A_207 = arith.constant 3 : i32
        %dma_wait3A_208 = arith.constant 0 : i32
        %dma_wait3A_209 = tpu.memref_slice %arg8[%add3A_152, %dma_wait3A_208] : memref<79x128xi32, #tpu.memory_space<vmem>> -> memref<1x128xi32, #tpu.memory_space<vmem>>
        %dma_wait3A_210 = tpu.memref_squeeze %dma_wait3A_209 : memref<1x128xi32, #tpu.memory_space<vmem>> -> memref<128xi32, #tpu.memory_space<vmem>>
        %dma_wait3A_211 = arith.constant 0 : i32
        %dma_wait3A_212 = arith.constant 0 : i32
        %dma_wait3A_213 = tpu.memref_slice %arg17[%dma_wait3A_211, %dma_wait3A_212] : memref<10000x64xbf16, #tpu.memory_space<vmem_shared>> -> memref<10000x64xbf16, #tpu.memory_space<vmem_shared>>
        %dma_wait3A_214 = tpu.memref_slice %arg19[%dma_wait3A_207] : memref<8x!tpu.dma_semaphore, #tpu.memory_space<semaphore_mem>> -> memref<1x!tpu.dma_semaphore, #tpu.memory_space<semaphore_mem>>
        %dma_wait3A_215 = tpu.memref_squeeze %dma_wait3A_214 : memref<1x!tpu.dma_semaphore, #tpu.memory_space<semaphore_mem>> -> memref<!tpu.dma_semaphore, #tpu.memory_space<semaphore_mem>>
        tpu.wait_indirect_dma semaphore(%dma_wait3A_215 : memref<!tpu.dma_semaphore, #tpu.memory_space<semaphore_mem>>) src(%arg12 : memref<128x64xbf16, #tpu.memory_space<vmem>>) dst(%dma_wait3A_213 : memref<10000x64xbf16, #tpu.memory_space<vmem_shared>>)
        %add3A_216 = arith.constant 8 : i32
        %add3A_217 = arith.addi %add3A_152, %add3A_216 : i32
        %lt3A_218 = arith.cmpi slt, %add3A_217, %select_n3A : i32
        %convert_element_type3A_219 = arith.extui %lt3A_218 : i1 to i32
        %cond3A_220 = arith.constant 0 : i32
        %cond3A_221 = arith.cmpi ne, %convert_element_type3A_219, %cond3A_220 : i32
        scf.if %cond3A_221 {
          %add3A_222 = arith.constant 8 : i32
          %add3A_223 = arith.addi %add3A_152, %add3A_222 : i32
          %dma_start3A_224 = arith.constant 3 : i32
          %dma_start3A_225 = arith.constant 0 : i32
          %dma_start3A_226 = tpu.memref_slice %arg7[%add3A_223, %dma_start3A_225] : memref<79x128xi32, #tpu.memory_space<vmem>> -> memref<1x128xi32, #tpu.memory_space<vmem>>
          %dma_start3A_227 = tpu.memref_squeeze %dma_start3A_226 : memref<1x128xi32, #tpu.memory_space<vmem>> -> memref<128xi32, #tpu.memory_space<vmem>>
          %dma_start3A_228 = arith.constant 0 : i32
          %dma_start3A_229 = arith.constant 0 : i32
          %dma_start3A_230 = tpu.memref_slice %arg2[%dma_start3A_228, %dma_start3A_229] : memref<10000x64xbf16, #tpu.memory_space<hbm>> -> memref<10000x64xbf16, #tpu.memory_space<hbm>>
          %dma_start3A_231 = tpu.memref_slice %arg18[%dma_start3A_224] : memref<8x!tpu.dma_semaphore, #tpu.memory_space<semaphore_mem>> -> memref<1x!tpu.dma_semaphore, #tpu.memory_space<semaphore_mem>>
          %dma_start3A_232 = tpu.memref_squeeze %dma_start3A_231 : memref<1x!tpu.dma_semaphore, #tpu.memory_space<semaphore_mem>> -> memref<!tpu.dma_semaphore, #tpu.memory_space<semaphore_mem>>
          tpu.enqueue_indirect_dma source(%dma_start3A_230 : memref<10000x64xbf16, #tpu.memory_space<hbm>>) target(%arg12 : memref<128x64xbf16, #tpu.memory_space<vmem>>) offsets(%dma_start3A_227 : memref<128xi32, #tpu.memory_space<vmem>>) semaphore(%dma_start3A_232 : memref<!tpu.dma_semaphore, #tpu.memory_space<semaphore_mem>>)
        } else {
        }
      } else {
      }
      %mul3A_157 = arith.constant 8 : i32
      %mul3A_158 = arith.muli %scan3A_123, %mul3A_157 : i32
      %add3A_159 = arith.constant 4 : i32
      %add3A_160 = arith.addi %mul3A_158, %add3A_159 : i32
      %lt3A_161 = arith.cmpi slt, %add3A_160, %select_n3A : i32
      %convert_element_type3A_162 = arith.extui %lt3A_161 : i1 to i32
      %cond3A_163 = arith.constant 0 : i32
      %cond3A_164 = arith.cmpi ne, %convert_element_type3A_162, %cond3A_163 : i32
      scf.if %cond3A_164 {
        %dma_wait3A = arith.constant 4 : i32
        %dma_wait3A_190 = arith.constant 0 : i32
        %dma_wait3A_191 = tpu.memref_slice %arg7[%add3A_160, %dma_wait3A_190] : memref<79x128xi32, #tpu.memory_space<vmem>> -> memref<1x128xi32, #tpu.memory_space<vmem>>
        %dma_wait3A_192 = tpu.memref_squeeze %dma_wait3A_191 : memref<1x128xi32, #tpu.memory_space<vmem>> -> memref<128xi32, #tpu.memory_space<vmem>>
        %dma_wait3A_193 = arith.constant 0 : i32
        %dma_wait3A_194 = arith.constant 0 : i32
        %dma_wait3A_195 = tpu.memref_slice %arg2[%dma_wait3A_193, %dma_wait3A_194] : memref<10000x64xbf16, #tpu.memory_space<hbm>> -> memref<10000x64xbf16, #tpu.memory_space<hbm>>
        %dma_wait3A_196 = tpu.memref_slice %arg18[%dma_wait3A] : memref<8x!tpu.dma_semaphore, #tpu.memory_space<semaphore_mem>> -> memref<1x!tpu.dma_semaphore, #tpu.memory_space<semaphore_mem>>
        %dma_wait3A_197 = tpu.memref_squeeze %dma_wait3A_196 : memref<1x!tpu.dma_semaphore, #tpu.memory_space<semaphore_mem>> -> memref<!tpu.dma_semaphore, #tpu.memory_space<semaphore_mem>>
        tpu.wait_indirect_dma semaphore(%dma_wait3A_197 : memref<!tpu.dma_semaphore, #tpu.memory_space<semaphore_mem>>) src(%dma_wait3A_195 : memref<10000x64xbf16, #tpu.memory_space<hbm>>) dst(%arg13 : memref<128x64xbf16, #tpu.memory_space<vmem>>)
        %dma_start3A_198 = arith.constant 4 : i32
        %dma_start3A_199 = arith.constant 0 : i32
        %dma_start3A_200 = tpu.memref_slice %arg8[%add3A_160, %dma_start3A_199] : memref<79x128xi32, #tpu.memory_space<vmem>> -> memref<1x128xi32, #tpu.memory_space<vmem>>
        %dma_start3A_201 = tpu.memref_squeeze %dma_start3A_200 : memref<1x128xi32, #tpu.memory_space<vmem>> -> memref<128xi32, #tpu.memory_space<vmem>>
        %dma_start3A_202 = arith.constant 0 : i32
        %dma_start3A_203 = arith.constant 0 : i32
        %dma_start3A_204 = tpu.memref_slice %arg17[%dma_start3A_202, %dma_start3A_203] : memref<10000x64xbf16, #tpu.memory_space<vmem_shared>> -> memref<10000x64xbf16, #tpu.memory_space<vmem_shared>>
        %dma_start3A_205 = tpu.memref_slice %arg19[%dma_start3A_198] : memref<8x!tpu.dma_semaphore, #tpu.memory_space<semaphore_mem>> -> memref<1x!tpu.dma_semaphore, #tpu.memory_space<semaphore_mem>>
        %dma_start3A_206 = tpu.memref_squeeze %dma_start3A_205 : memref<1x!tpu.dma_semaphore, #tpu.memory_space<semaphore_mem>> -> memref<!tpu.dma_semaphore, #tpu.memory_space<semaphore_mem>>
        tpu.enqueue_indirect_dma source(%arg13 : memref<128x64xbf16, #tpu.memory_space<vmem>>) target(%dma_start3A_204 : memref<10000x64xbf16, #tpu.memory_space<vmem_shared>>) offsets(%dma_start3A_201 : memref<128xi32, #tpu.memory_space<vmem>>) semaphore(%dma_start3A_206 : memref<!tpu.dma_semaphore, #tpu.memory_space<semaphore_mem>>) {add = true}
        %dma_wait3A_207 = arith.constant 4 : i32
        %dma_wait3A_208 = arith.constant 0 : i32
        %dma_wait3A_209 = tpu.memref_slice %arg8[%add3A_160, %dma_wait3A_208] : memref<79x128xi32, #tpu.memory_space<vmem>> -> memref<1x128xi32, #tpu.memory_space<vmem>>
        %dma_wait3A_210 = tpu.memref_squeeze %dma_wait3A_209 : memref<1x128xi32, #tpu.memory_space<vmem>> -> memref<128xi32, #tpu.memory_space<vmem>>
        %dma_wait3A_211 = arith.constant 0 : i32
        %dma_wait3A_212 = arith.constant 0 : i32
        %dma_wait3A_213 = tpu.memref_slice %arg17[%dma_wait3A_211, %dma_wait3A_212] : memref<10000x64xbf16, #tpu.memory_space<vmem_shared>> -> memref<10000x64xbf16, #tpu.memory_space<vmem_shared>>
        %dma_wait3A_214 = tpu.memref_slice %arg19[%dma_wait3A_207] : memref<8x!tpu.dma_semaphore, #tpu.memory_space<semaphore_mem>> -> memref<1x!tpu.dma_semaphore, #tpu.memory_space<semaphore_mem>>
        %dma_wait3A_215 = tpu.memref_squeeze %dma_wait3A_214 : memref<1x!tpu.dma_semaphore, #tpu.memory_space<semaphore_mem>> -> memref<!tpu.dma_semaphore, #tpu.memory_space<semaphore_mem>>
        tpu.wait_indirect_dma semaphore(%dma_wait3A_215 : memref<!tpu.dma_semaphore, #tpu.memory_space<semaphore_mem>>) src(%arg13 : memref<128x64xbf16, #tpu.memory_space<vmem>>) dst(%dma_wait3A_213 : memref<10000x64xbf16, #tpu.memory_space<vmem_shared>>)
        %add3A_216 = arith.constant 8 : i32
        %add3A_217 = arith.addi %add3A_160, %add3A_216 : i32
        %lt3A_218 = arith.cmpi slt, %add3A_217, %select_n3A : i32
        %convert_element_type3A_219 = arith.extui %lt3A_218 : i1 to i32
        %cond3A_220 = arith.constant 0 : i32
        %cond3A_221 = arith.cmpi ne, %convert_element_type3A_219, %cond3A_220 : i32
        scf.if %cond3A_221 {
          %add3A_222 = arith.constant 8 : i32
          %add3A_223 = arith.addi %add3A_160, %add3A_222 : i32
          %dma_start3A_224 = arith.constant 4 : i32
          %dma_start3A_225 = arith.constant 0 : i32
          %dma_start3A_226 = tpu.memref_slice %arg7[%add3A_223, %dma_start3A_225] : memref<79x128xi32, #tpu.memory_space<vmem>> -> memref<1x128xi32, #tpu.memory_space<vmem>>
          %dma_start3A_227 = tpu.memref_squeeze %dma_start3A_226 : memref<1x128xi32, #tpu.memory_space<vmem>> -> memref<128xi32, #tpu.memory_space<vmem>>
          %dma_start3A_228 = arith.constant 0 : i32
          %dma_start3A_229 = arith.constant 0 : i32
          %dma_start3A_230 = tpu.memref_slice %arg2[%dma_start3A_228, %dma_start3A_229] : memref<10000x64xbf16, #tpu.memory_space<hbm>> -> memref<10000x64xbf16, #tpu.memory_space<hbm>>
          %dma_start3A_231 = tpu.memref_slice %arg18[%dma_start3A_224] : memref<8x!tpu.dma_semaphore, #tpu.memory_space<semaphore_mem>> -> memref<1x!tpu.dma_semaphore, #tpu.memory_space<semaphore_mem>>
          %dma_start3A_232 = tpu.memref_squeeze %dma_start3A_231 : memref<1x!tpu.dma_semaphore, #tpu.memory_space<semaphore_mem>> -> memref<!tpu.dma_semaphore, #tpu.memory_space<semaphore_mem>>
          tpu.enqueue_indirect_dma source(%dma_start3A_230 : memref<10000x64xbf16, #tpu.memory_space<hbm>>) target(%arg13 : memref<128x64xbf16, #tpu.memory_space<vmem>>) offsets(%dma_start3A_227 : memref<128xi32, #tpu.memory_space<vmem>>) semaphore(%dma_start3A_232 : memref<!tpu.dma_semaphore, #tpu.memory_space<semaphore_mem>>)
        } else {
        }
      } else {
      }
      %mul3A_165 = arith.constant 8 : i32
      %mul3A_166 = arith.muli %scan3A_123, %mul3A_165 : i32
      %add3A_167 = arith.constant 5 : i32
      %add3A_168 = arith.addi %mul3A_166, %add3A_167 : i32
      %lt3A_169 = arith.cmpi slt, %add3A_168, %select_n3A : i32
      %convert_element_type3A_170 = arith.extui %lt3A_169 : i1 to i32
      %cond3A_171 = arith.constant 0 : i32
      %cond3A_172 = arith.cmpi ne, %convert_element_type3A_170, %cond3A_171 : i32
      scf.if %cond3A_172 {
        %dma_wait3A = arith.constant 5 : i32
        %dma_wait3A_190 = arith.constant 0 : i32
        %dma_wait3A_191 = tpu.memref_slice %arg7[%add3A_168, %dma_wait3A_190] : memref<79x128xi32, #tpu.memory_space<vmem>> -> memref<1x128xi32, #tpu.memory_space<vmem>>
        %dma_wait3A_192 = tpu.memref_squeeze %dma_wait3A_191 : memref<1x128xi32, #tpu.memory_space<vmem>> -> memref<128xi32, #tpu.memory_space<vmem>>
        %dma_wait3A_193 = arith.constant 0 : i32
        %dma_wait3A_194 = arith.constant 0 : i32
        %dma_wait3A_195 = tpu.memref_slice %arg2[%dma_wait3A_193, %dma_wait3A_194] : memref<10000x64xbf16, #tpu.memory_space<hbm>> -> memref<10000x64xbf16, #tpu.memory_space<hbm>>
        %dma_wait3A_196 = tpu.memref_slice %arg18[%dma_wait3A] : memref<8x!tpu.dma_semaphore, #tpu.memory_space<semaphore_mem>> -> memref<1x!tpu.dma_semaphore, #tpu.memory_space<semaphore_mem>>
        %dma_wait3A_197 = tpu.memref_squeeze %dma_wait3A_196 : memref<1x!tpu.dma_semaphore, #tpu.memory_space<semaphore_mem>> -> memref<!tpu.dma_semaphore, #tpu.memory_space<semaphore_mem>>
        tpu.wait_indirect_dma semaphore(%dma_wait3A_197 : memref<!tpu.dma_semaphore, #tpu.memory_space<semaphore_mem>>) src(%dma_wait3A_195 : memref<10000x64xbf16, #tpu.memory_space<hbm>>) dst(%arg14 : memref<128x64xbf16, #tpu.memory_space<vmem>>)
        %dma_start3A_198 = arith.constant 5 : i32
        %dma_start3A_199 = arith.constant 0 : i32
        %dma_start3A_200 = tpu.memref_slice %arg8[%add3A_168, %dma_start3A_199] : memref<79x128xi32, #tpu.memory_space<vmem>> -> memref<1x128xi32, #tpu.memory_space<vmem>>
        %dma_start3A_201 = tpu.memref_squeeze %dma_start3A_200 : memref<1x128xi32, #tpu.memory_space<vmem>> -> memref<128xi32, #tpu.memory_space<vmem>>
        %dma_start3A_202 = arith.constant 0 : i32
        %dma_start3A_203 = arith.constant 0 : i32
        %dma_start3A_204 = tpu.memref_slice %arg17[%dma_start3A_202, %dma_start3A_203] : memref<10000x64xbf16, #tpu.memory_space<vmem_shared>> -> memref<10000x64xbf16, #tpu.memory_space<vmem_shared>>
        %dma_start3A_205 = tpu.memref_slice %arg19[%dma_start3A_198] : memref<8x!tpu.dma_semaphore, #tpu.memory_space<semaphore_mem>> -> memref<1x!tpu.dma_semaphore, #tpu.memory_space<semaphore_mem>>
        %dma_start3A_206 = tpu.memref_squeeze %dma_start3A_205 : memref<1x!tpu.dma_semaphore, #tpu.memory_space<semaphore_mem>> -> memref<!tpu.dma_semaphore, #tpu.memory_space<semaphore_mem>>
        tpu.enqueue_indirect_dma source(%arg14 : memref<128x64xbf16, #tpu.memory_space<vmem>>) target(%dma_start3A_204 : memref<10000x64xbf16, #tpu.memory_space<vmem_shared>>) offsets(%dma_start3A_201 : memref<128xi32, #tpu.memory_space<vmem>>) semaphore(%dma_start3A_206 : memref<!tpu.dma_semaphore, #tpu.memory_space<semaphore_mem>>) {add = true}
        %dma_wait3A_207 = arith.constant 5 : i32
        %dma_wait3A_208 = arith.constant 0 : i32
        %dma_wait3A_209 = tpu.memref_slice %arg8[%add3A_168, %dma_wait3A_208] : memref<79x128xi32, #tpu.memory_space<vmem>> -> memref<1x128xi32, #tpu.memory_space<vmem>>
        %dma_wait3A_210 = tpu.memref_squeeze %dma_wait3A_209 : memref<1x128xi32, #tpu.memory_space<vmem>> -> memref<128xi32, #tpu.memory_space<vmem>>
        %dma_wait3A_211 = arith.constant 0 : i32
        %dma_wait3A_212 = arith.constant 0 : i32
        %dma_wait3A_213 = tpu.memref_slice %arg17[%dma_wait3A_211, %dma_wait3A_212] : memref<10000x64xbf16, #tpu.memory_space<vmem_shared>> -> memref<10000x64xbf16, #tpu.memory_space<vmem_shared>>
        %dma_wait3A_214 = tpu.memref_slice %arg19[%dma_wait3A_207] : memref<8x!tpu.dma_semaphore, #tpu.memory_space<semaphore_mem>> -> memref<1x!tpu.dma_semaphore, #tpu.memory_space<semaphore_mem>>
        %dma_wait3A_215 = tpu.memref_squeeze %dma_wait3A_214 : memref<1x!tpu.dma_semaphore, #tpu.memory_space<semaphore_mem>> -> memref<!tpu.dma_semaphore, #tpu.memory_space<semaphore_mem>>
        tpu.wait_indirect_dma semaphore(%dma_wait3A_215 : memref<!tpu.dma_semaphore, #tpu.memory_space<semaphore_mem>>) src(%arg14 : memref<128x64xbf16, #tpu.memory_space<vmem>>) dst(%dma_wait3A_213 : memref<10000x64xbf16, #tpu.memory_space<vmem_shared>>)
        %add3A_216 = arith.constant 8 : i32
        %add3A_217 = arith.addi %add3A_168, %add3A_216 : i32
        %lt3A_218 = arith.cmpi slt, %add3A_217, %select_n3A : i32
        %convert_element_type3A_219 = arith.extui %lt3A_218 : i1 to i32
        %cond3A_220 = arith.constant 0 : i32
        %cond3A_221 = arith.cmpi ne, %convert_element_type3A_219, %cond3A_220 : i32
        scf.if %cond3A_221 {
          %add3A_222 = arith.constant 8 : i32
          %add3A_223 = arith.addi %add3A_168, %add3A_222 : i32
          %dma_start3A_224 = arith.constant 5 : i32
          %dma_start3A_225 = arith.constant 0 : i32
          %dma_start3A_226 = tpu.memref_slice %arg7[%add3A_223, %dma_start3A_225] : memref<79x128xi32, #tpu.memory_space<vmem>> -> memref<1x128xi32, #tpu.memory_space<vmem>>
          %dma_start3A_227 = tpu.memref_squeeze %dma_start3A_226 : memref<1x128xi32, #tpu.memory_space<vmem>> -> memref<128xi32, #tpu.memory_space<vmem>>
          %dma_start3A_228 = arith.constant 0 : i32
          %dma_start3A_229 = arith.constant 0 : i32
          %dma_start3A_230 = tpu.memref_slice %arg2[%dma_start3A_228, %dma_start3A_229] : memref<10000x64xbf16, #tpu.memory_space<hbm>> -> memref<10000x64xbf16, #tpu.memory_space<hbm>>
          %dma_start3A_231 = tpu.memref_slice %arg18[%dma_start3A_224] : memref<8x!tpu.dma_semaphore, #tpu.memory_space<semaphore_mem>> -> memref<1x!tpu.dma_semaphore, #tpu.memory_space<semaphore_mem>>
          %dma_start3A_232 = tpu.memref_squeeze %dma_start3A_231 : memref<1x!tpu.dma_semaphore, #tpu.memory_space<semaphore_mem>> -> memref<!tpu.dma_semaphore, #tpu.memory_space<semaphore_mem>>
          tpu.enqueue_indirect_dma source(%dma_start3A_230 : memref<10000x64xbf16, #tpu.memory_space<hbm>>) target(%arg14 : memref<128x64xbf16, #tpu.memory_space<vmem>>) offsets(%dma_start3A_227 : memref<128xi32, #tpu.memory_space<vmem>>) semaphore(%dma_start3A_232 : memref<!tpu.dma_semaphore, #tpu.memory_space<semaphore_mem>>)
        } else {
        }
      } else {
      }
      %mul3A_173 = arith.constant 8 : i32
      %mul3A_174 = arith.muli %scan3A_123, %mul3A_173 : i32
      %add3A_175 = arith.constant 6 : i32
      %add3A_176 = arith.addi %mul3A_174, %add3A_175 : i32
      %lt3A_177 = arith.cmpi slt, %add3A_176, %select_n3A : i32
      %convert_element_type3A_178 = arith.extui %lt3A_177 : i1 to i32
      %cond3A_179 = arith.constant 0 : i32
      %cond3A_180 = arith.cmpi ne, %convert_element_type3A_178, %cond3A_179 : i32
      scf.if %cond3A_180 {
        %dma_wait3A = arith.constant 6 : i32
        %dma_wait3A_190 = arith.constant 0 : i32
        %dma_wait3A_191 = tpu.memref_slice %arg7[%add3A_176, %dma_wait3A_190] : memref<79x128xi32, #tpu.memory_space<vmem>> -> memref<1x128xi32, #tpu.memory_space<vmem>>
        %dma_wait3A_192 = tpu.memref_squeeze %dma_wait3A_191 : memref<1x128xi32, #tpu.memory_space<vmem>> -> memref<128xi32, #tpu.memory_space<vmem>>
        %dma_wait3A_193 = arith.constant 0 : i32
        %dma_wait3A_194 = arith.constant 0 : i32
        %dma_wait3A_195 = tpu.memref_slice %arg2[%dma_wait3A_193, %dma_wait3A_194] : memref<10000x64xbf16, #tpu.memory_space<hbm>> -> memref<10000x64xbf16, #tpu.memory_space<hbm>>
        %dma_wait3A_196 = tpu.memref_slice %arg18[%dma_wait3A] : memref<8x!tpu.dma_semaphore, #tpu.memory_space<semaphore_mem>> -> memref<1x!tpu.dma_semaphore, #tpu.memory_space<semaphore_mem>>
        %dma_wait3A_197 = tpu.memref_squeeze %dma_wait3A_196 : memref<1x!tpu.dma_semaphore, #tpu.memory_space<semaphore_mem>> -> memref<!tpu.dma_semaphore, #tpu.memory_space<semaphore_mem>>
        tpu.wait_indirect_dma semaphore(%dma_wait3A_197 : memref<!tpu.dma_semaphore, #tpu.memory_space<semaphore_mem>>) src(%dma_wait3A_195 : memref<10000x64xbf16, #tpu.memory_space<hbm>>) dst(%arg15 : memref<128x64xbf16, #tpu.memory_space<vmem>>)
        %dma_start3A_198 = arith.constant 6 : i32
        %dma_start3A_199 = arith.constant 0 : i32
        %dma_start3A_200 = tpu.memref_slice %arg8[%add3A_176, %dma_start3A_199] : memref<79x128xi32, #tpu.memory_space<vmem>> -> memref<1x128xi32, #tpu.memory_space<vmem>>
        %dma_start3A_201 = tpu.memref_squeeze %dma_start3A_200 : memref<1x128xi32, #tpu.memory_space<vmem>> -> memref<128xi32, #tpu.memory_space<vmem>>
        %dma_start3A_202 = arith.constant 0 : i32
        %dma_start3A_203 = arith.constant 0 : i32
        %dma_start3A_204 = tpu.memref_slice %arg17[%dma_start3A_202, %dma_start3A_203] : memref<10000x64xbf16, #tpu.memory_space<vmem_shared>> -> memref<10000x64xbf16, #tpu.memory_space<vmem_shared>>
        %dma_start3A_205 = tpu.memref_slice %arg19[%dma_start3A_198] : memref<8x!tpu.dma_semaphore, #tpu.memory_space<semaphore_mem>> -> memref<1x!tpu.dma_semaphore, #tpu.memory_space<semaphore_mem>>
        %dma_start3A_206 = tpu.memref_squeeze %dma_start3A_205 : memref<1x!tpu.dma_semaphore, #tpu.memory_space<semaphore_mem>> -> memref<!tpu.dma_semaphore, #tpu.memory_space<semaphore_mem>>
        tpu.enqueue_indirect_dma source(%arg15 : memref<128x64xbf16, #tpu.memory_space<vmem>>) target(%dma_start3A_204 : memref<10000x64xbf16, #tpu.memory_space<vmem_shared>>) offsets(%dma_start3A_201 : memref<128xi32, #tpu.memory_space<vmem>>) semaphore(%dma_start3A_206 : memref<!tpu.dma_semaphore, #tpu.memory_space<semaphore_mem>>) {add = true}
        %dma_wait3A_207 = arith.constant 6 : i32
        %dma_wait3A_208 = arith.constant 0 : i32
        %dma_wait3A_209 = tpu.memref_slice %arg8[%add3A_176, %dma_wait3A_208] : memref<79x128xi32, #tpu.memory_space<vmem>> -> memref<1x128xi32, #tpu.memory_space<vmem>>
        %dma_wait3A_210 = tpu.memref_squeeze %dma_wait3A_209 : memref<1x128xi32, #tpu.memory_space<vmem>> -> memref<128xi32, #tpu.memory_space<vmem>>
        %dma_wait3A_211 = arith.constant 0 : i32
        %dma_wait3A_212 = arith.constant 0 : i32
        %dma_wait3A_213 = tpu.memref_slice %arg17[%dma_wait3A_211, %dma_wait3A_212] : memref<10000x64xbf16, #tpu.memory_space<vmem_shared>> -> memref<10000x64xbf16, #tpu.memory_space<vmem_shared>>
        %dma_wait3A_214 = tpu.memref_slice %arg19[%dma_wait3A_207] : memref<8x!tpu.dma_semaphore, #tpu.memory_space<semaphore_mem>> -> memref<1x!tpu.dma_semaphore, #tpu.memory_space<semaphore_mem>>
        %dma_wait3A_215 = tpu.memref_squeeze %dma_wait3A_214 : memref<1x!tpu.dma_semaphore, #tpu.memory_space<semaphore_mem>> -> memref<!tpu.dma_semaphore, #tpu.memory_space<semaphore_mem>>
        tpu.wait_indirect_dma semaphore(%dma_wait3A_215 : memref<!tpu.dma_semaphore, #tpu.memory_space<semaphore_mem>>) src(%arg15 : memref<128x64xbf16, #tpu.memory_space<vmem>>) dst(%dma_wait3A_213 : memref<10000x64xbf16, #tpu.memory_space<vmem_shared>>)
        %add3A_216 = arith.constant 8 : i32
        %add3A_217 = arith.addi %add3A_176, %add3A_216 : i32
        %lt3A_218 = arith.cmpi slt, %add3A_217, %select_n3A : i32
        %convert_element_type3A_219 = arith.extui %lt3A_218 : i1 to i32
        %cond3A_220 = arith.constant 0 : i32
        %cond3A_221 = arith.cmpi ne, %convert_element_type3A_219, %cond3A_220 : i32
        scf.if %cond3A_221 {
          %add3A_222 = arith.constant 8 : i32
          %add3A_223 = arith.addi %add3A_176, %add3A_222 : i32
          %dma_start3A_224 = arith.constant 6 : i32
          %dma_start3A_225 = arith.constant 0 : i32
          %dma_start3A_226 = tpu.memref_slice %arg7[%add3A_223, %dma_start3A_225] : memref<79x128xi32, #tpu.memory_space<vmem>> -> memref<1x128xi32, #tpu.memory_space<vmem>>
          %dma_start3A_227 = tpu.memref_squeeze %dma_start3A_226 : memref<1x128xi32, #tpu.memory_space<vmem>> -> memref<128xi32, #tpu.memory_space<vmem>>
          %dma_start3A_228 = arith.constant 0 : i32
          %dma_start3A_229 = arith.constant 0 : i32
          %dma_start3A_230 = tpu.memref_slice %arg2[%dma_start3A_228, %dma_start3A_229] : memref<10000x64xbf16, #tpu.memory_space<hbm>> -> memref<10000x64xbf16, #tpu.memory_space<hbm>>
          %dma_start3A_231 = tpu.memref_slice %arg18[%dma_start3A_224] : memref<8x!tpu.dma_semaphore, #tpu.memory_space<semaphore_mem>> -> memref<1x!tpu.dma_semaphore, #tpu.memory_space<semaphore_mem>>
          %dma_start3A_232 = tpu.memref_squeeze %dma_start3A_231 : memref<1x!tpu.dma_semaphore, #tpu.memory_space<semaphore_mem>> -> memref<!tpu.dma_semaphore, #tpu.memory_space<semaphore_mem>>
          tpu.enqueue_indirect_dma source(%dma_start3A_230 : memref<10000x64xbf16, #tpu.memory_space<hbm>>) target(%arg15 : memref<128x64xbf16, #tpu.memory_space<vmem>>) offsets(%dma_start3A_227 : memref<128xi32, #tpu.memory_space<vmem>>) semaphore(%dma_start3A_232 : memref<!tpu.dma_semaphore, #tpu.memory_space<semaphore_mem>>)
        } else {
        }
      } else {
      }
      %mul3A_181 = arith.constant 8 : i32
      %mul3A_182 = arith.muli %scan3A_123, %mul3A_181 : i32
      %add3A_183 = arith.constant 7 : i32
      %add3A_184 = arith.addi %mul3A_182, %add3A_183 : i32
      %lt3A_185 = arith.cmpi slt, %add3A_184, %select_n3A : i32
      %convert_element_type3A_186 = arith.extui %lt3A_185 : i1 to i32
      %cond3A_187 = arith.constant 0 : i32
      %cond3A_188 = arith.cmpi ne, %convert_element_type3A_186, %cond3A_187 : i32
      scf.if %cond3A_188 {
        %dma_wait3A = arith.constant 7 : i32
        %dma_wait3A_190 = arith.constant 0 : i32
        %dma_wait3A_191 = tpu.memref_slice %arg7[%add3A_184, %dma_wait3A_190] : memref<79x128xi32, #tpu.memory_space<vmem>> -> memref<1x128xi32, #tpu.memory_space<vmem>>
        %dma_wait3A_192 = tpu.memref_squeeze %dma_wait3A_191 : memref<1x128xi32, #tpu.memory_space<vmem>> -> memref<128xi32, #tpu.memory_space<vmem>>
        %dma_wait3A_193 = arith.constant 0 : i32
        %dma_wait3A_194 = arith.constant 0 : i32
        %dma_wait3A_195 = tpu.memref_slice %arg2[%dma_wait3A_193, %dma_wait3A_194] : memref<10000x64xbf16, #tpu.memory_space<hbm>> -> memref<10000x64xbf16, #tpu.memory_space<hbm>>
        %dma_wait3A_196 = tpu.memref_slice %arg18[%dma_wait3A] : memref<8x!tpu.dma_semaphore, #tpu.memory_space<semaphore_mem>> -> memref<1x!tpu.dma_semaphore, #tpu.memory_space<semaphore_mem>>
        %dma_wait3A_197 = tpu.memref_squeeze %dma_wait3A_196 : memref<1x!tpu.dma_semaphore, #tpu.memory_space<semaphore_mem>> -> memref<!tpu.dma_semaphore, #tpu.memory_space<semaphore_mem>>
        tpu.wait_indirect_dma semaphore(%dma_wait3A_197 : memref<!tpu.dma_semaphore, #tpu.memory_space<semaphore_mem>>) src(%dma_wait3A_195 : memref<10000x64xbf16, #tpu.memory_space<hbm>>) dst(%arg16 : memref<128x64xbf16, #tpu.memory_space<vmem>>)
        %dma_start3A_198 = arith.constant 7 : i32
        %dma_start3A_199 = arith.constant 0 : i32
        %dma_start3A_200 = tpu.memref_slice %arg8[%add3A_184, %dma_start3A_199] : memref<79x128xi32, #tpu.memory_space<vmem>> -> memref<1x128xi32, #tpu.memory_space<vmem>>
        %dma_start3A_201 = tpu.memref_squeeze %dma_start3A_200 : memref<1x128xi32, #tpu.memory_space<vmem>> -> memref<128xi32, #tpu.memory_space<vmem>>
        %dma_start3A_202 = arith.constant 0 : i32
        %dma_start3A_203 = arith.constant 0 : i32
        %dma_start3A_204 = tpu.memref_slice %arg17[%dma_start3A_202, %dma_start3A_203] : memref<10000x64xbf16, #tpu.memory_space<vmem_shared>> -> memref<10000x64xbf16, #tpu.memory_space<vmem_shared>>
        %dma_start3A_205 = tpu.memref_slice %arg19[%dma_start3A_198] : memref<8x!tpu.dma_semaphore, #tpu.memory_space<semaphore_mem>> -> memref<1x!tpu.dma_semaphore, #tpu.memory_space<semaphore_mem>>
        %dma_start3A_206 = tpu.memref_squeeze %dma_start3A_205 : memref<1x!tpu.dma_semaphore, #tpu.memory_space<semaphore_mem>> -> memref<!tpu.dma_semaphore, #tpu.memory_space<semaphore_mem>>
        tpu.enqueue_indirect_dma source(%arg16 : memref<128x64xbf16, #tpu.memory_space<vmem>>) target(%dma_start3A_204 : memref<10000x64xbf16, #tpu.memory_space<vmem_shared>>) offsets(%dma_start3A_201 : memref<128xi32, #tpu.memory_space<vmem>>) semaphore(%dma_start3A_206 : memref<!tpu.dma_semaphore, #tpu.memory_space<semaphore_mem>>) {add = true}
        %dma_wait3A_207 = arith.constant 7 : i32
        %dma_wait3A_208 = arith.constant 0 : i32
        %dma_wait3A_209 = tpu.memref_slice %arg8[%add3A_184, %dma_wait3A_208] : memref<79x128xi32, #tpu.memory_space<vmem>> -> memref<1x128xi32, #tpu.memory_space<vmem>>
        %dma_wait3A_210 = tpu.memref_squeeze %dma_wait3A_209 : memref<1x128xi32, #tpu.memory_space<vmem>> -> memref<128xi32, #tpu.memory_space<vmem>>
        %dma_wait3A_211 = arith.constant 0 : i32
        %dma_wait3A_212 = arith.constant 0 : i32
        %dma_wait3A_213 = tpu.memref_slice %arg17[%dma_wait3A_211, %dma_wait3A_212] : memref<10000x64xbf16, #tpu.memory_space<vmem_shared>> -> memref<10000x64xbf16, #tpu.memory_space<vmem_shared>>
        %dma_wait3A_214 = tpu.memref_slice %arg19[%dma_wait3A_207] : memref<8x!tpu.dma_semaphore, #tpu.memory_space<semaphore_mem>> -> memref<1x!tpu.dma_semaphore, #tpu.memory_space<semaphore_mem>>
        %dma_wait3A_215 = tpu.memref_squeeze %dma_wait3A_214 : memref<1x!tpu.dma_semaphore, #tpu.memory_space<semaphore_mem>> -> memref<!tpu.dma_semaphore, #tpu.memory_space<semaphore_mem>>
        tpu.wait_indirect_dma semaphore(%dma_wait3A_215 : memref<!tpu.dma_semaphore, #tpu.memory_space<semaphore_mem>>) src(%arg16 : memref<128x64xbf16, #tpu.memory_space<vmem>>) dst(%dma_wait3A_213 : memref<10000x64xbf16, #tpu.memory_space<vmem_shared>>)
        %add3A_216 = arith.constant 8 : i32
        %add3A_217 = arith.addi %add3A_184, %add3A_216 : i32
        %lt3A_218 = arith.cmpi slt, %add3A_217, %select_n3A : i32
        %convert_element_type3A_219 = arith.extui %lt3A_218 : i1 to i32
        %cond3A_220 = arith.constant 0 : i32
        %cond3A_221 = arith.cmpi ne, %convert_element_type3A_219, %cond3A_220 : i32
        scf.if %cond3A_221 {
          %add3A_222 = arith.constant 8 : i32
          %add3A_223 = arith.addi %add3A_184, %add3A_222 : i32
          %dma_start3A_224 = arith.constant 7 : i32
          %dma_start3A_225 = arith.constant 0 : i32
          %dma_start3A_226 = tpu.memref_slice %arg7[%add3A_223, %dma_start3A_225] : memref<79x128xi32, #tpu.memory_space<vmem>> -> memref<1x128xi32, #tpu.memory_space<vmem>>
          %dma_start3A_227 = tpu.memref_squeeze %dma_start3A_226 : memref<1x128xi32, #tpu.memory_space<vmem>> -> memref<128xi32, #tpu.memory_space<vmem>>
          %dma_start3A_228 = arith.constant 0 : i32
          %dma_start3A_229 = arith.constant 0 : i32
          %dma_start3A_230 = tpu.memref_slice %arg2[%dma_start3A_228, %dma_start3A_229] : memref<10000x64xbf16, #tpu.memory_space<hbm>> -> memref<10000x64xbf16, #tpu.memory_space<hbm>>
          %dma_start3A_231 = tpu.memref_slice %arg18[%dma_start3A_224] : memref<8x!tpu.dma_semaphore, #tpu.memory_space<semaphore_mem>> -> memref<1x!tpu.dma_semaphore, #tpu.memory_space<semaphore_mem>>
          %dma_start3A_232 = tpu.memref_squeeze %dma_start3A_231 : memref<1x!tpu.dma_semaphore, #tpu.memory_space<semaphore_mem>> -> memref<!tpu.dma_semaphore, #tpu.memory_space<semaphore_mem>>
          tpu.enqueue_indirect_dma source(%dma_start3A_230 : memref<10000x64xbf16, #tpu.memory_space<hbm>>) target(%arg16 : memref<128x64xbf16, #tpu.memory_space<vmem>>) offsets(%dma_start3A_227 : memref<128xi32, #tpu.memory_space<vmem>>) semaphore(%dma_start3A_232 : memref<!tpu.dma_semaphore, #tpu.memory_space<semaphore_mem>>)
        } else {
        }
      } else {
      }
      %scan3A_189 = arith.constant 0 : i32
      scf.yield %scan3A_189 : i32
    }
    %scan3A_114 = arith.constant 10 : i32
    %barrier3A_115 = arith.constant 0 : index
    tpu.barrier barrier_id(%barrier3A_115)
    %mul3A_116 = arith.constant 624 : i32
    %mul3A_117 = arith.muli %arg1, %mul3A_116 : i32
    "tpu.region"() ({
      %run_scoped3A = tpu.sem_alloc : memref<!tpu.dma_semaphore, #tpu.memory_space<semaphore_mem>>
      %dma_start3A_123 = arith.constant 0 : i32
      %dma_start3A_124 = arith.constant 0 : i32
      %dma_start3A_125 = tpu.memref_slice %arg6[%arg0, %dma_start3A_123, %dma_start3A_124] : memref<2x10000x64xbf16, #tpu.memory_space<hbm>> -> memref<1x10000x64xbf16, #tpu.memory_space<hbm>>
      %dma_start3A_126 = tpu.memref_squeeze %dma_start3A_125 : memref<1x10000x64xbf16, #tpu.memory_space<hbm>> -> memref<10000x64xbf16, #tpu.memory_space<hbm>>
      %dma_start3A_127 = arith.constant 0 : i32
      %dma_start3A_128 = tpu.memref_slice %dma_start3A_126[%mul3A_117, %dma_start3A_127] : memref<10000x64xbf16, #tpu.memory_space<hbm>> -> memref<624x64xbf16, #tpu.memory_space<hbm>>
      %dma_start3A_129 = arith.constant 0 : i32
      %dma_start3A_130 = tpu.memref_slice %arg17[%mul3A_117, %dma_start3A_129] : memref<10000x64xbf16, #tpu.memory_space<vmem_shared>> -> memref<624x64xbf16, #tpu.memory_space<vmem_shared>>
      tpu.enqueue_dma source(%dma_start3A_130 : memref<624x64xbf16, #tpu.memory_space<vmem_shared>>) target(%dma_start3A_128 : memref<624x64xbf16, #tpu.memory_space<hbm>>) target_semaphore(%run_scoped3A : memref<!tpu.dma_semaphore, #tpu.memory_space<semaphore_mem>>)
      %dma_wait3A = arith.constant 0 : i32
      %dma_wait3A_131 = arith.constant 0 : i32
      %dma_wait3A_132 = tpu.memref_slice %arg6[%arg0, %dma_wait3A, %dma_wait3A_131] : memref<2x10000x64xbf16, #tpu.memory_space<hbm>> -> memref<1x10000x64xbf16, #tpu.memory_space<hbm>>
      %dma_wait3A_133 = tpu.memref_squeeze %dma_wait3A_132 : memref<1x10000x64xbf16, #tpu.memory_space<hbm>> -> memref<10000x64xbf16, #tpu.memory_space<hbm>>
      %dma_wait3A_134 = arith.constant 0 : i32
      %dma_wait3A_135 = tpu.memref_slice %dma_wait3A_133[%mul3A_117, %dma_wait3A_134] : memref<10000x64xbf16, #tpu.memory_space<hbm>> -> memref<624x64xbf16, #tpu.memory_space<hbm>>
      %dma_wait3A_136 = arith.constant 0 : i32
      %dma_wait3A_137 = tpu.memref_slice %arg17[%mul3A_117, %dma_wait3A_136] : memref<10000x64xbf16, #tpu.memory_space<vmem_shared>> -> memref<624x64xbf16, #tpu.memory_space<vmem_shared>>
      tpu.wait_dma2 semaphore(%run_scoped3A : memref<!tpu.dma_semaphore, #tpu.memory_space<semaphore_mem>>) src(%dma_wait3A_137 : memref<624x64xbf16, #tpu.memory_space<vmem_shared>>) dst(%dma_wait3A_135 : memref<624x64xbf16, #tpu.memory_space<hbm>>)
      tpu.yield
    }) : () -> ()
    %eq3A_118 = arith.constant 15 : i32
    %eq3A_119 = arith.cmpi eq, %arg1, %eq3A_118 : i32
    %convert_element_type3A_120 = arith.extui %eq3A_119 : i1 to i32
    %cond3A_121 = arith.constant 0 : i32
    %cond3A_122 = arith.cmpi ne, %convert_element_type3A_120, %cond3A_121 : i32
    scf.if %cond3A_122 {
      "tpu.region"() ({
        %run_scoped3A = tpu.sem_alloc : memref<!tpu.dma_semaphore, #tpu.memory_space<semaphore_mem>>
        %dma_start3A_123 = arith.constant 0 : i32
        %dma_start3A_124 = arith.constant 0 : i32
        %dma_start3A_125 = tpu.memref_slice %arg6[%arg0, %dma_start3A_123, %dma_start3A_124] : memref<2x10000x64xbf16, #tpu.memory_space<hbm>> -> memref<1x10000x64xbf16, #tpu.memory_space<hbm>>
        %dma_start3A_126 = tpu.memref_squeeze %dma_start3A_125 : memref<1x10000x64xbf16, #tpu.memory_space<hbm>> -> memref<10000x64xbf16, #tpu.memory_space<hbm>>
        %dma_start3A_127 = arith.constant 9984 : i32
        %dma_start3A_128 = arith.constant 0 : i32
        %dma_start3A_129 = tpu.memref_slice %dma_start3A_126[%dma_start3A_127, %dma_start3A_128] : memref<10000x64xbf16, #tpu.memory_space<hbm>> -> memref<16x64xbf16, #tpu.memory_space<hbm>>
        %dma_start3A_130 = arith.constant 9984 : i32
        %dma_start3A_131 = arith.constant 0 : i32
        %dma_start3A_132 = tpu.memref_slice %arg17[%dma_start3A_130, %dma_start3A_131] : memref<10000x64xbf16, #tpu.memory_space<vmem_shared>> -> memref<16x64xbf16, #tpu.memory_space<vmem_shared>>
        tpu.enqueue_dma source(%dma_start3A_132 : memref<16x64xbf16, #tpu.memory_space<vmem_shared>>) target(%dma_start3A_129 : memref<16x64xbf16, #tpu.memory_space<hbm>>) target_semaphore(%run_scoped3A : memref<!tpu.dma_semaphore, #tpu.memory_space<semaphore_mem>>)
        %dma_wait3A = arith.constant 0 : i32
        %dma_wait3A_133 = arith.constant 0 : i32
        %dma_wait3A_134 = tpu.memref_slice %arg6[%arg0, %dma_wait3A, %dma_wait3A_133] : memref<2x10000x64xbf16, #tpu.memory_space<hbm>> -> memref<1x10000x64xbf16, #tpu.memory_space<hbm>>
        %dma_wait3A_135 = tpu.memref_squeeze %dma_wait3A_134 : memref<1x10000x64xbf16, #tpu.memory_space<hbm>> -> memref<10000x64xbf16, #tpu.memory_space<hbm>>
        %dma_wait3A_136 = arith.constant 9984 : i32
        %dma_wait3A_137 = arith.constant 0 : i32
        %dma_wait3A_138 = tpu.memref_slice %dma_wait3A_135[%dma_wait3A_136, %dma_wait3A_137] : memref<10000x64xbf16, #tpu.memory_space<hbm>> -> memref<16x64xbf16, #tpu.memory_space<hbm>>
        %dma_wait3A_139 = arith.constant 9984 : i32
        %dma_wait3A_140 = arith.constant 0 : i32
        %dma_wait3A_141 = tpu.memref_slice %arg17[%dma_wait3A_139, %dma_wait3A_140] : memref<10000x64xbf16, #tpu.memory_space<vmem_shared>> -> memref<16x64xbf16, #tpu.memory_space<vmem_shared>>
        tpu.wait_dma2 semaphore(%run_scoped3A : memref<!tpu.dma_semaphore, #tpu.memory_space<semaphore_mem>>) src(%dma_wait3A_141 : memref<16x64xbf16, #tpu.memory_space<vmem_shared>>) dst(%dma_wait3A_138 : memref<16x64xbf16, #tpu.memory_space<hbm>>)
        tpu.yield
      }) : () -> ()
    } else {
    }
    return
  }
}

#map = affine_map<(d0, d1) -> (0, 0)>
#map1 = affine_map<(d0, d1) -> (0)>
module attributes {stable_mosaic.version = 14 : i64} {
  func.func @_sc_agg1(%arg0: i32, %arg1: i32, %arg2: memref<10000x64xbf16, #tpu.memory_space<hbm>>, %arg3: memref<10000x64xbf16, #tpu.memory_space<hbm>>, %arg4: memref<2500x128xi32, #tpu.memory_space<hbm>>, %arg5: memref<2500x128xi32, #tpu.memory_space<hbm>>, %arg6: memref<128x64xbf16, #tpu.memory_space<hbm>>, %arg7: memref<128xf32, #tpu.memory_space<hbm>>, %arg8: memref<10000xf32, #tpu.memory_space<hbm>>, %arg9: memref<10000x64xbf16, #tpu.memory_space<hbm>>, %arg10: memref<10000x64xbf16, #tpu.memory_space<hbm>>, %arg11: memref<10000xf32, #tpu.memory_space<hbm>>, %arg12: memref<157x128xi32, #tpu.memory_space<vmem>>, %arg13: memref<157x128xi32, #tpu.memory_space<vmem>>, %arg14: memref<128x64xbf16, #tpu.memory_space<vmem>>, %arg15: memref<128x64xbf16, #tpu.memory_space<vmem>>, %arg16: memref<128x64xbf16, #tpu.memory_space<vmem>>, %arg17: memref<128x64xbf16, #tpu.memory_space<vmem>>, %arg18: memref<128x64xbf16, #tpu.memory_space<vmem>>, %arg19: memref<128x64xbf16, #tpu.memory_space<vmem>>, %arg20: memref<128x64xbf16, #tpu.memory_space<vmem>>, %arg21: memref<128x64xbf16, #tpu.memory_space<vmem>>, %arg22: memref<10000x64xbf16, #tpu.memory_space<vmem_shared>>, %arg23: memref<8x!tpu.dma_semaphore, #tpu.memory_space<semaphore_mem>>, %arg24: memref<8x!tpu.dma_semaphore, #tpu.memory_space<semaphore_mem>>, %arg25: memref<8x!tpu.dma_semaphore, #tpu.memory_space<semaphore_mem>>, %arg26: memref<128xf32, #tpu.memory_space<vmem>>, %arg27: memref<10000xf32, #tpu.memory_space<vmem_shared>>) attributes {dimension_semantics = [#tpu.dimension_semantics<core_parallel>, #tpu.dimension_semantics<subcore_parallel>], iteration_bounds = array<i64: 2, 16>, scalar_prefetch = 0 : i64, scratch_operands = 16 : i64, tpu.core_type = #tpu.core_type<sc_vector_subcore>, window_params = [{transform_indices = #map}, {transform_indices = #map}, {transform_indices = #map}, {transform_indices = #map}, {transform_indices = #map}, {transform_indices = #map1}, {transform_indices = #map1}, {transform_indices = #map}, {transform_indices = #map}, {transform_indices = #map1}]} {
    %lt3A = arith.constant 4 : i32
    %lt3A_0 = arith.cmpi slt, %arg1, %lt3A : i32
    %jit3A = arith.constant 157 : i32
    %jit3A_1 = arith.constant 156 : i32
    %select_n3A = arith.select %lt3A_0, %jit3A, %jit3A_1 : i32
    %mul3A = arith.constant 156 : i32
    %mul3A_2 = arith.muli %arg1, %mul3A : i32
    %min3A = arith.constant 4 : i32
    %min3A_3 = arith.minsi %arg1, %min3A : i32
    %add3A = arith.addi %mul3A_2, %min3A_3 : i32
    %lt3A_4 = arith.constant 4 : i32
    %lt3A_5 = arith.cmpi slt, %arg1, %lt3A_4 : i32
    %convert_element_type3A = arith.extui %lt3A_5 : i1 to i32
    %cond3A = arith.constant 0 : i32
    %cond3A_6 = arith.cmpi ne, %convert_element_type3A, %cond3A : i32
    scf.if %cond3A_6 {
      "tpu.region"() ({
        %run_scoped3A = tpu.sem_alloc : memref<!tpu.dma_semaphore, #tpu.memory_space<semaphore_mem>>
        %dma_start3A = arith.constant 0 : i32
        %dma_start3A_131 = tpu.memref_slice %arg4[%add3A, %dma_start3A] : memref<2500x128xi32, #tpu.memory_space<hbm>> -> memref<157x128xi32, #tpu.memory_space<hbm>>
        %dma_start3A_132 = arith.constant 0 : i32
        %dma_start3A_133 = tpu.memref_slice %arg4[%add3A, %dma_start3A_132] : memref<2500x128xi32, #tpu.memory_space<hbm>> -> memref<157x128xi32, #tpu.memory_space<hbm>>
        tpu.enqueue_dma source(%dma_start3A_133 : memref<157x128xi32, #tpu.memory_space<hbm>>) target(%arg12 : memref<157x128xi32, #tpu.memory_space<vmem>>) target_semaphore(%run_scoped3A : memref<!tpu.dma_semaphore, #tpu.memory_space<semaphore_mem>>)
        %dma_wait3A = arith.constant 0 : i32
        %dma_wait3A_134 = tpu.memref_slice %arg4[%add3A, %dma_wait3A] : memref<2500x128xi32, #tpu.memory_space<hbm>> -> memref<157x128xi32, #tpu.memory_space<hbm>>
        %dma_wait3A_135 = arith.constant 0 : i32
        %dma_wait3A_136 = tpu.memref_slice %arg4[%add3A, %dma_wait3A_135] : memref<2500x128xi32, #tpu.memory_space<hbm>> -> memref<157x128xi32, #tpu.memory_space<hbm>>
        tpu.wait_dma2 semaphore(%run_scoped3A : memref<!tpu.dma_semaphore, #tpu.memory_space<semaphore_mem>>) src(%dma_wait3A_136 : memref<157x128xi32, #tpu.memory_space<hbm>>) dst(%arg12 : memref<157x128xi32, #tpu.memory_space<vmem>>)
        tpu.yield
      }) : () -> ()
      "tpu.region"() ({
        %run_scoped3A = tpu.sem_alloc : memref<!tpu.dma_semaphore, #tpu.memory_space<semaphore_mem>>
        %dma_start3A = arith.constant 0 : i32
        %dma_start3A_131 = tpu.memref_slice %arg5[%add3A, %dma_start3A] : memref<2500x128xi32, #tpu.memory_space<hbm>> -> memref<157x128xi32, #tpu.memory_space<hbm>>
        %dma_start3A_132 = arith.constant 0 : i32
        %dma_start3A_133 = tpu.memref_slice %arg5[%add3A, %dma_start3A_132] : memref<2500x128xi32, #tpu.memory_space<hbm>> -> memref<157x128xi32, #tpu.memory_space<hbm>>
        tpu.enqueue_dma source(%dma_start3A_133 : memref<157x128xi32, #tpu.memory_space<hbm>>) target(%arg13 : memref<157x128xi32, #tpu.memory_space<vmem>>) target_semaphore(%run_scoped3A : memref<!tpu.dma_semaphore, #tpu.memory_space<semaphore_mem>>)
        %dma_wait3A = arith.constant 0 : i32
        %dma_wait3A_134 = tpu.memref_slice %arg5[%add3A, %dma_wait3A] : memref<2500x128xi32, #tpu.memory_space<hbm>> -> memref<157x128xi32, #tpu.memory_space<hbm>>
        %dma_wait3A_135 = arith.constant 0 : i32
        %dma_wait3A_136 = tpu.memref_slice %arg5[%add3A, %dma_wait3A_135] : memref<2500x128xi32, #tpu.memory_space<hbm>> -> memref<157x128xi32, #tpu.memory_space<hbm>>
        tpu.wait_dma2 semaphore(%run_scoped3A : memref<!tpu.dma_semaphore, #tpu.memory_space<semaphore_mem>>) src(%dma_wait3A_136 : memref<157x128xi32, #tpu.memory_space<hbm>>) dst(%arg13 : memref<157x128xi32, #tpu.memory_space<vmem>>)
        tpu.yield
      }) : () -> ()
    } else {
    }
    %not3A = arith.constant true
    %not3A_7 = arith.xori %lt3A_5, %not3A : i1
    %convert_element_type3A_8 = arith.extui %not3A_7 : i1 to i32
    %cond3A_9 = arith.constant 0 : i32
    %cond3A_10 = arith.cmpi ne, %convert_element_type3A_8, %cond3A_9 : i32
    scf.if %cond3A_10 {
      "tpu.region"() ({
        %run_scoped3A = tpu.sem_alloc : memref<!tpu.dma_semaphore, #tpu.memory_space<semaphore_mem>>
        %dma_start3A = arith.constant 0 : i32
        %dma_start3A_131 = arith.constant 0 : i32
        %dma_start3A_132 = tpu.memref_slice %arg12[%dma_start3A, %dma_start3A_131] : memref<157x128xi32, #tpu.memory_space<vmem>> -> memref<156x128xi32, #tpu.memory_space<vmem>>
        %dma_start3A_133 = arith.constant 0 : i32
        %dma_start3A_134 = tpu.memref_slice %arg4[%add3A, %dma_start3A_133] : memref<2500x128xi32, #tpu.memory_space<hbm>> -> memref<156x128xi32, #tpu.memory_space<hbm>>
        %dma_start3A_135 = arith.constant 0 : i32
        %dma_start3A_136 = arith.constant 0 : i32
        %dma_start3A_137 = tpu.memref_slice %arg12[%dma_start3A_135, %dma_start3A_136] : memref<157x128xi32, #tpu.memory_space<vmem>> -> memref<156x128xi32, #tpu.memory_space<vmem>>
        %dma_start3A_138 = arith.constant 0 : i32
        %dma_start3A_139 = tpu.memref_slice %arg4[%add3A, %dma_start3A_138] : memref<2500x128xi32, #tpu.memory_space<hbm>> -> memref<156x128xi32, #tpu.memory_space<hbm>>
        tpu.enqueue_dma source(%dma_start3A_139 : memref<156x128xi32, #tpu.memory_space<hbm>>) target(%dma_start3A_137 : memref<156x128xi32, #tpu.memory_space<vmem>>) target_semaphore(%run_scoped3A : memref<!tpu.dma_semaphore, #tpu.memory_space<semaphore_mem>>)
        %dma_wait3A = arith.constant 0 : i32
        %dma_wait3A_140 = arith.constant 0 : i32
        %dma_wait3A_141 = tpu.memref_slice %arg12[%dma_wait3A, %dma_wait3A_140] : memref<157x128xi32, #tpu.memory_space<vmem>> -> memref<156x128xi32, #tpu.memory_space<vmem>>
        %dma_wait3A_142 = arith.constant 0 : i32
        %dma_wait3A_143 = tpu.memref_slice %arg4[%add3A, %dma_wait3A_142] : memref<2500x128xi32, #tpu.memory_space<hbm>> -> memref<156x128xi32, #tpu.memory_space<hbm>>
        %dma_wait3A_144 = arith.constant 0 : i32
        %dma_wait3A_145 = arith.constant 0 : i32
        %dma_wait3A_146 = tpu.memref_slice %arg12[%dma_wait3A_144, %dma_wait3A_145] : memref<157x128xi32, #tpu.memory_space<vmem>> -> memref<156x128xi32, #tpu.memory_space<vmem>>
        %dma_wait3A_147 = arith.constant 0 : i32
        %dma_wait3A_148 = tpu.memref_slice %arg4[%add3A, %dma_wait3A_147] : memref<2500x128xi32, #tpu.memory_space<hbm>> -> memref<156x128xi32, #tpu.memory_space<hbm>>
        tpu.wait_dma2 semaphore(%run_scoped3A : memref<!tpu.dma_semaphore, #tpu.memory_space<semaphore_mem>>) src(%dma_wait3A_148 : memref<156x128xi32, #tpu.memory_space<hbm>>) dst(%dma_wait3A_146 : memref<156x128xi32, #tpu.memory_space<vmem>>)
        tpu.yield
      }) : () -> ()
      "tpu.region"() ({
        %run_scoped3A = tpu.sem_alloc : memref<!tpu.dma_semaphore, #tpu.memory_space<semaphore_mem>>
        %dma_start3A = arith.constant 0 : i32
        %dma_start3A_131 = arith.constant 0 : i32
        %dma_start3A_132 = tpu.memref_slice %arg13[%dma_start3A, %dma_start3A_131] : memref<157x128xi32, #tpu.memory_space<vmem>> -> memref<156x128xi32, #tpu.memory_space<vmem>>
        %dma_start3A_133 = arith.constant 0 : i32
        %dma_start3A_134 = tpu.memref_slice %arg5[%add3A, %dma_start3A_133] : memref<2500x128xi32, #tpu.memory_space<hbm>> -> memref<156x128xi32, #tpu.memory_space<hbm>>
        %dma_start3A_135 = arith.constant 0 : i32
        %dma_start3A_136 = arith.constant 0 : i32
        %dma_start3A_137 = tpu.memref_slice %arg13[%dma_start3A_135, %dma_start3A_136] : memref<157x128xi32, #tpu.memory_space<vmem>> -> memref<156x128xi32, #tpu.memory_space<vmem>>
        %dma_start3A_138 = arith.constant 0 : i32
        %dma_start3A_139 = tpu.memref_slice %arg5[%add3A, %dma_start3A_138] : memref<2500x128xi32, #tpu.memory_space<hbm>> -> memref<156x128xi32, #tpu.memory_space<hbm>>
        tpu.enqueue_dma source(%dma_start3A_139 : memref<156x128xi32, #tpu.memory_space<hbm>>) target(%dma_start3A_137 : memref<156x128xi32, #tpu.memory_space<vmem>>) target_semaphore(%run_scoped3A : memref<!tpu.dma_semaphore, #tpu.memory_space<semaphore_mem>>)
        %dma_wait3A = arith.constant 0 : i32
        %dma_wait3A_140 = arith.constant 0 : i32
        %dma_wait3A_141 = tpu.memref_slice %arg13[%dma_wait3A, %dma_wait3A_140] : memref<157x128xi32, #tpu.memory_space<vmem>> -> memref<156x128xi32, #tpu.memory_space<vmem>>
        %dma_wait3A_142 = arith.constant 0 : i32
        %dma_wait3A_143 = tpu.memref_slice %arg5[%add3A, %dma_wait3A_142] : memref<2500x128xi32, #tpu.memory_space<hbm>> -> memref<156x128xi32, #tpu.memory_space<hbm>>
        %dma_wait3A_144 = arith.constant 0 : i32
        %dma_wait3A_145 = arith.constant 0 : i32
        %dma_wait3A_146 = tpu.memref_slice %arg13[%dma_wait3A_144, %dma_wait3A_145] : memref<157x128xi32, #tpu.memory_space<vmem>> -> memref<156x128xi32, #tpu.memory_space<vmem>>
        %dma_wait3A_147 = arith.constant 0 : i32
        %dma_wait3A_148 = tpu.memref_slice %arg5[%add3A, %dma_wait3A_147] : memref<2500x128xi32, #tpu.memory_space<hbm>> -> memref<156x128xi32, #tpu.memory_space<hbm>>
        tpu.wait_dma2 semaphore(%run_scoped3A : memref<!tpu.dma_semaphore, #tpu.memory_space<semaphore_mem>>) src(%dma_wait3A_148 : memref<156x128xi32, #tpu.memory_space<hbm>>) dst(%dma_wait3A_146 : memref<156x128xi32, #tpu.memory_space<vmem>>)
        tpu.yield
      }) : () -> ()
    } else {
    }
    "tpu.region"() ({
      %run_scoped3A = tpu.sem_alloc : memref<!tpu.dma_semaphore, #tpu.memory_space<semaphore_mem>>
      tpu.enqueue_dma source(%arg6 : memref<128x64xbf16, #tpu.memory_space<hbm>>) target(%arg14 : memref<128x64xbf16, #tpu.memory_space<vmem>>) target_semaphore(%run_scoped3A : memref<!tpu.dma_semaphore, #tpu.memory_space<semaphore_mem>>)
      tpu.wait_dma2 semaphore(%run_scoped3A : memref<!tpu.dma_semaphore, #tpu.memory_space<semaphore_mem>>) src(%arg6 : memref<128x64xbf16, #tpu.memory_space<hbm>>) dst(%arg14 : memref<128x64xbf16, #tpu.memory_space<vmem>>)
      tpu.yield
    }) : () -> ()
    %mul3A_11 = arith.constant 624 : i32
    %mul3A_12 = arith.muli %arg1, %mul3A_11 : i32
    %add3A_13 = arith.constant 0 : i32
    %add3A_14 = arith.addi %mul3A_12, %add3A_13 : i32
    "tpu.region"() ({
      %run_scoped3A = tpu.sem_alloc : memref<!tpu.dma_semaphore, #tpu.memory_space<semaphore_mem>>
      %dma_start3A = arith.constant 0 : i32
      %dma_start3A_131 = tpu.memref_slice %arg22[%add3A_14, %dma_start3A] : memref<10000x64xbf16, #tpu.memory_space<vmem_shared>> -> memref<128x64xbf16, #tpu.memory_space<vmem_shared>>
      %dma_start3A_132 = arith.constant 0 : i32
      %dma_start3A_133 = tpu.memref_slice %arg22[%add3A_14, %dma_start3A_132] : memref<10000x64xbf16, #tpu.memory_space<vmem_shared>> -> memref<128x64xbf16, #tpu.memory_space<vmem_shared>>
      tpu.enqueue_dma source(%arg14 : memref<128x64xbf16, #tpu.memory_space<vmem>>) target(%dma_start3A_133 : memref<128x64xbf16, #tpu.memory_space<vmem_shared>>) target_semaphore(%run_scoped3A : memref<!tpu.dma_semaphore, #tpu.memory_space<semaphore_mem>>)
      %dma_wait3A = arith.constant 0 : i32
      %dma_wait3A_134 = tpu.memref_slice %arg22[%add3A_14, %dma_wait3A] : memref<10000x64xbf16, #tpu.memory_space<vmem_shared>> -> memref<128x64xbf16, #tpu.memory_space<vmem_shared>>
      %dma_wait3A_135 = arith.constant 0 : i32
      %dma_wait3A_136 = tpu.memref_slice %arg22[%add3A_14, %dma_wait3A_135] : memref<10000x64xbf16, #tpu.memory_space<vmem_shared>> -> memref<128x64xbf16, #tpu.memory_space<vmem_shared>>
      tpu.wait_dma2 semaphore(%run_scoped3A : memref<!tpu.dma_semaphore, #tpu.memory_space<semaphore_mem>>) src(%arg14 : memref<128x64xbf16, #tpu.memory_space<vmem>>) dst(%dma_wait3A_136 : memref<128x64xbf16, #tpu.memory_space<vmem_shared>>)
      tpu.yield
    }) : () -> ()
    %add3A_15 = arith.constant 128 : i32
    %add3A_16 = arith.addi %mul3A_12, %add3A_15 : i32
    "tpu.region"() ({
      %run_scoped3A = tpu.sem_alloc : memref<!tpu.dma_semaphore, #tpu.memory_space<semaphore_mem>>
      %dma_start3A = arith.constant 0 : i32
      %dma_start3A_131 = tpu.memref_slice %arg22[%add3A_16, %dma_start3A] : memref<10000x64xbf16, #tpu.memory_space<vmem_shared>> -> memref<128x64xbf16, #tpu.memory_space<vmem_shared>>
      %dma_start3A_132 = arith.constant 0 : i32
      %dma_start3A_133 = tpu.memref_slice %arg22[%add3A_16, %dma_start3A_132] : memref<10000x64xbf16, #tpu.memory_space<vmem_shared>> -> memref<128x64xbf16, #tpu.memory_space<vmem_shared>>
      tpu.enqueue_dma source(%arg14 : memref<128x64xbf16, #tpu.memory_space<vmem>>) target(%dma_start3A_133 : memref<128x64xbf16, #tpu.memory_space<vmem_shared>>) target_semaphore(%run_scoped3A : memref<!tpu.dma_semaphore, #tpu.memory_space<semaphore_mem>>)
      %dma_wait3A = arith.constant 0 : i32
      %dma_wait3A_134 = tpu.memref_slice %arg22[%add3A_16, %dma_wait3A] : memref<10000x64xbf16, #tpu.memory_space<vmem_shared>> -> memref<128x64xbf16, #tpu.memory_space<vmem_shared>>
      %dma_wait3A_135 = arith.constant 0 : i32
      %dma_wait3A_136 = tpu.memref_slice %arg22[%add3A_16, %dma_wait3A_135] : memref<10000x64xbf16, #tpu.memory_space<vmem_shared>> -> memref<128x64xbf16, #tpu.memory_space<vmem_shared>>
      tpu.wait_dma2 semaphore(%run_scoped3A : memref<!tpu.dma_semaphore, #tpu.memory_space<semaphore_mem>>) src(%arg14 : memref<128x64xbf16, #tpu.memory_space<vmem>>) dst(%dma_wait3A_136 : memref<128x64xbf16, #tpu.memory_space<vmem_shared>>)
      tpu.yield
    }) : () -> ()
    %add3A_17 = arith.constant 256 : i32
    %add3A_18 = arith.addi %mul3A_12, %add3A_17 : i32
    "tpu.region"() ({
      %run_scoped3A = tpu.sem_alloc : memref<!tpu.dma_semaphore, #tpu.memory_space<semaphore_mem>>
      %dma_start3A = arith.constant 0 : i32
      %dma_start3A_131 = tpu.memref_slice %arg22[%add3A_18, %dma_start3A] : memref<10000x64xbf16, #tpu.memory_space<vmem_shared>> -> memref<128x64xbf16, #tpu.memory_space<vmem_shared>>
      %dma_start3A_132 = arith.constant 0 : i32
      %dma_start3A_133 = tpu.memref_slice %arg22[%add3A_18, %dma_start3A_132] : memref<10000x64xbf16, #tpu.memory_space<vmem_shared>> -> memref<128x64xbf16, #tpu.memory_space<vmem_shared>>
      tpu.enqueue_dma source(%arg14 : memref<128x64xbf16, #tpu.memory_space<vmem>>) target(%dma_start3A_133 : memref<128x64xbf16, #tpu.memory_space<vmem_shared>>) target_semaphore(%run_scoped3A : memref<!tpu.dma_semaphore, #tpu.memory_space<semaphore_mem>>)
      %dma_wait3A = arith.constant 0 : i32
      %dma_wait3A_134 = tpu.memref_slice %arg22[%add3A_18, %dma_wait3A] : memref<10000x64xbf16, #tpu.memory_space<vmem_shared>> -> memref<128x64xbf16, #tpu.memory_space<vmem_shared>>
      %dma_wait3A_135 = arith.constant 0 : i32
      %dma_wait3A_136 = tpu.memref_slice %arg22[%add3A_18, %dma_wait3A_135] : memref<10000x64xbf16, #tpu.memory_space<vmem_shared>> -> memref<128x64xbf16, #tpu.memory_space<vmem_shared>>
      tpu.wait_dma2 semaphore(%run_scoped3A : memref<!tpu.dma_semaphore, #tpu.memory_space<semaphore_mem>>) src(%arg14 : memref<128x64xbf16, #tpu.memory_space<vmem>>) dst(%dma_wait3A_136 : memref<128x64xbf16, #tpu.memory_space<vmem_shared>>)
      tpu.yield
    }) : () -> ()
    %add3A_19 = arith.constant 384 : i32
    %add3A_20 = arith.addi %mul3A_12, %add3A_19 : i32
    "tpu.region"() ({
      %run_scoped3A = tpu.sem_alloc : memref<!tpu.dma_semaphore, #tpu.memory_space<semaphore_mem>>
      %dma_start3A = arith.constant 0 : i32
      %dma_start3A_131 = tpu.memref_slice %arg22[%add3A_20, %dma_start3A] : memref<10000x64xbf16, #tpu.memory_space<vmem_shared>> -> memref<128x64xbf16, #tpu.memory_space<vmem_shared>>
      %dma_start3A_132 = arith.constant 0 : i32
      %dma_start3A_133 = tpu.memref_slice %arg22[%add3A_20, %dma_start3A_132] : memref<10000x64xbf16, #tpu.memory_space<vmem_shared>> -> memref<128x64xbf16, #tpu.memory_space<vmem_shared>>
      tpu.enqueue_dma source(%arg14 : memref<128x64xbf16, #tpu.memory_space<vmem>>) target(%dma_start3A_133 : memref<128x64xbf16, #tpu.memory_space<vmem_shared>>) target_semaphore(%run_scoped3A : memref<!tpu.dma_semaphore, #tpu.memory_space<semaphore_mem>>)
      %dma_wait3A = arith.constant 0 : i32
      %dma_wait3A_134 = tpu.memref_slice %arg22[%add3A_20, %dma_wait3A] : memref<10000x64xbf16, #tpu.memory_space<vmem_shared>> -> memref<128x64xbf16, #tpu.memory_space<vmem_shared>>
      %dma_wait3A_135 = arith.constant 0 : i32
      %dma_wait3A_136 = tpu.memref_slice %arg22[%add3A_20, %dma_wait3A_135] : memref<10000x64xbf16, #tpu.memory_space<vmem_shared>> -> memref<128x64xbf16, #tpu.memory_space<vmem_shared>>
      tpu.wait_dma2 semaphore(%run_scoped3A : memref<!tpu.dma_semaphore, #tpu.memory_space<semaphore_mem>>) src(%arg14 : memref<128x64xbf16, #tpu.memory_space<vmem>>) dst(%dma_wait3A_136 : memref<128x64xbf16, #tpu.memory_space<vmem_shared>>)
      tpu.yield
    }) : () -> ()
    %add3A_21 = arith.constant 512 : i32
    %add3A_22 = arith.addi %mul3A_12, %add3A_21 : i32
    "tpu.region"() ({
      %run_scoped3A = tpu.sem_alloc : memref<!tpu.dma_semaphore, #tpu.memory_space<semaphore_mem>>
      %dma_start3A = arith.constant 0 : i32
      %dma_start3A_131 = arith.constant 0 : i32
      %dma_start3A_132 = tpu.memref_slice %arg14[%dma_start3A, %dma_start3A_131] : memref<128x64xbf16, #tpu.memory_space<vmem>> -> memref<112x64xbf16, #tpu.memory_space<vmem>>
      %dma_start3A_133 = arith.constant 0 : i32
      %dma_start3A_134 = tpu.memref_slice %arg22[%add3A_22, %dma_start3A_133] : memref<10000x64xbf16, #tpu.memory_space<vmem_shared>> -> memref<112x64xbf16, #tpu.memory_space<vmem_shared>>
      %dma_start3A_135 = arith.constant 0 : i32
      %dma_start3A_136 = tpu.memref_slice %arg22[%add3A_22, %dma_start3A_135] : memref<10000x64xbf16, #tpu.memory_space<vmem_shared>> -> memref<112x64xbf16, #tpu.memory_space<vmem_shared>>
      %dma_start3A_137 = arith.constant 0 : i32
      %dma_start3A_138 = arith.constant 0 : i32
      %dma_start3A_139 = tpu.memref_slice %arg14[%dma_start3A_137, %dma_start3A_138] : memref<128x64xbf16, #tpu.memory_space<vmem>> -> memref<112x64xbf16, #tpu.memory_space<vmem>>
      tpu.enqueue_dma source(%dma_start3A_139 : memref<112x64xbf16, #tpu.memory_space<vmem>>) target(%dma_start3A_136 : memref<112x64xbf16, #tpu.memory_space<vmem_shared>>) target_semaphore(%run_scoped3A : memref<!tpu.dma_semaphore, #tpu.memory_space<semaphore_mem>>)
      %dma_wait3A = arith.constant 0 : i32
      %dma_wait3A_140 = arith.constant 0 : i32
      %dma_wait3A_141 = tpu.memref_slice %arg14[%dma_wait3A, %dma_wait3A_140] : memref<128x64xbf16, #tpu.memory_space<vmem>> -> memref<112x64xbf16, #tpu.memory_space<vmem>>
      %dma_wait3A_142 = arith.constant 0 : i32
      %dma_wait3A_143 = tpu.memref_slice %arg22[%add3A_22, %dma_wait3A_142] : memref<10000x64xbf16, #tpu.memory_space<vmem_shared>> -> memref<112x64xbf16, #tpu.memory_space<vmem_shared>>
      %dma_wait3A_144 = arith.constant 0 : i32
      %dma_wait3A_145 = tpu.memref_slice %arg22[%add3A_22, %dma_wait3A_144] : memref<10000x64xbf16, #tpu.memory_space<vmem_shared>> -> memref<112x64xbf16, #tpu.memory_space<vmem_shared>>
      %dma_wait3A_146 = arith.constant 0 : i32
      %dma_wait3A_147 = arith.constant 0 : i32
      %dma_wait3A_148 = tpu.memref_slice %arg14[%dma_wait3A_146, %dma_wait3A_147] : memref<128x64xbf16, #tpu.memory_space<vmem>> -> memref<112x64xbf16, #tpu.memory_space<vmem>>
      tpu.wait_dma2 semaphore(%run_scoped3A : memref<!tpu.dma_semaphore, #tpu.memory_space<semaphore_mem>>) src(%dma_wait3A_148 : memref<112x64xbf16, #tpu.memory_space<vmem>>) dst(%dma_wait3A_145 : memref<112x64xbf16, #tpu.memory_space<vmem_shared>>)
      tpu.yield
    }) : () -> ()
    %eq3A = arith.constant 15 : i32
    %eq3A_23 = arith.cmpi eq, %arg1, %eq3A : i32
    %convert_element_type3A_24 = arith.extui %eq3A_23 : i1 to i32
    %cond3A_25 = arith.constant 0 : i32
    %cond3A_26 = arith.cmpi ne, %convert_element_type3A_24, %cond3A_25 : i32
    scf.if %cond3A_26 {
      "tpu.region"() ({
        %run_scoped3A = tpu.sem_alloc : memref<!tpu.dma_semaphore, #tpu.memory_space<semaphore_mem>>
        %dma_start3A = arith.constant 0 : i32
        %dma_start3A_131 = arith.constant 0 : i32
        %dma_start3A_132 = tpu.memref_slice %arg14[%dma_start3A, %dma_start3A_131] : memref<128x64xbf16, #tpu.memory_space<vmem>> -> memref<16x64xbf16, #tpu.memory_space<vmem>>
        %dma_start3A_133 = arith.constant 9984 : i32
        %dma_start3A_134 = arith.constant 0 : i32
        %dma_start3A_135 = tpu.memref_slice %arg22[%dma_start3A_133, %dma_start3A_134] : memref<10000x64xbf16, #tpu.memory_space<vmem_shared>> -> memref<16x64xbf16, #tpu.memory_space<vmem_shared>>
        %dma_start3A_136 = arith.constant 9984 : i32
        %dma_start3A_137 = arith.constant 0 : i32
        %dma_start3A_138 = tpu.memref_slice %arg22[%dma_start3A_136, %dma_start3A_137] : memref<10000x64xbf16, #tpu.memory_space<vmem_shared>> -> memref<16x64xbf16, #tpu.memory_space<vmem_shared>>
        %dma_start3A_139 = arith.constant 0 : i32
        %dma_start3A_140 = arith.constant 0 : i32
        %dma_start3A_141 = tpu.memref_slice %arg14[%dma_start3A_139, %dma_start3A_140] : memref<128x64xbf16, #tpu.memory_space<vmem>> -> memref<16x64xbf16, #tpu.memory_space<vmem>>
        tpu.enqueue_dma source(%dma_start3A_141 : memref<16x64xbf16, #tpu.memory_space<vmem>>) target(%dma_start3A_138 : memref<16x64xbf16, #tpu.memory_space<vmem_shared>>) target_semaphore(%run_scoped3A : memref<!tpu.dma_semaphore, #tpu.memory_space<semaphore_mem>>)
        %dma_wait3A = arith.constant 0 : i32
        %dma_wait3A_142 = arith.constant 0 : i32
        %dma_wait3A_143 = tpu.memref_slice %arg14[%dma_wait3A, %dma_wait3A_142] : memref<128x64xbf16, #tpu.memory_space<vmem>> -> memref<16x64xbf16, #tpu.memory_space<vmem>>
        %dma_wait3A_144 = arith.constant 9984 : i32
        %dma_wait3A_145 = arith.constant 0 : i32
        %dma_wait3A_146 = tpu.memref_slice %arg22[%dma_wait3A_144, %dma_wait3A_145] : memref<10000x64xbf16, #tpu.memory_space<vmem_shared>> -> memref<16x64xbf16, #tpu.memory_space<vmem_shared>>
        %dma_wait3A_147 = arith.constant 9984 : i32
        %dma_wait3A_148 = arith.constant 0 : i32
        %dma_wait3A_149 = tpu.memref_slice %arg22[%dma_wait3A_147, %dma_wait3A_148] : memref<10000x64xbf16, #tpu.memory_space<vmem_shared>> -> memref<16x64xbf16, #tpu.memory_space<vmem_shared>>
        %dma_wait3A_150 = arith.constant 0 : i32
        %dma_wait3A_151 = arith.constant 0 : i32
        %dma_wait3A_152 = tpu.memref_slice %arg14[%dma_wait3A_150, %dma_wait3A_151] : memref<128x64xbf16, #tpu.memory_space<vmem>> -> memref<16x64xbf16, #tpu.memory_space<vmem>>
        tpu.wait_dma2 semaphore(%run_scoped3A : memref<!tpu.dma_semaphore, #tpu.memory_space<semaphore_mem>>) src(%dma_wait3A_152 : memref<16x64xbf16, #tpu.memory_space<vmem>>) dst(%dma_wait3A_149 : memref<16x64xbf16, #tpu.memory_space<vmem_shared>>)
        tpu.yield
      }) : () -> ()
    } else {
    }
    "tpu.region"() ({
      %run_scoped3A = tpu.sem_alloc : memref<!tpu.dma_semaphore, #tpu.memory_space<semaphore_mem>>
      tpu.enqueue_dma source(%arg7 : memref<128xf32, #tpu.memory_space<hbm>>) target(%arg26 : memref<128xf32, #tpu.memory_space<vmem>>) target_semaphore(%run_scoped3A : memref<!tpu.dma_semaphore, #tpu.memory_space<semaphore_mem>>)
      tpu.wait_dma2 semaphore(%run_scoped3A : memref<!tpu.dma_semaphore, #tpu.memory_space<semaphore_mem>>) src(%arg7 : memref<128xf32, #tpu.memory_space<hbm>>) dst(%arg26 : memref<128xf32, #tpu.memory_space<vmem>>)
      tpu.yield
    }) : () -> ()
    %eq3A_27 = arith.constant 0 : i32
    %eq3A_28 = arith.cmpi eq, %arg0, %eq3A_27 : i32
    %eq3A_29 = arith.constant 0 : i32
    %eq3A_30 = arith.cmpi eq, %arg1, %eq3A_29 : i32
    %and3A = arith.andi %eq3A_28, %eq3A_30 : i1
    %convert_element_type3A_31 = arith.extui %and3A : i1 to i32
    %cond3A_32 = arith.constant 0 : i32
    %cond3A_33 = arith.cmpi ne, %convert_element_type3A_31, %cond3A_32 : i32
    scf.if %cond3A_33 {
      "tpu.region"() ({
        %run_scoped3A = tpu.sem_alloc : memref<!tpu.dma_semaphore, #tpu.memory_space<semaphore_mem>>
        tpu.enqueue_dma source(%arg8 : memref<10000xf32, #tpu.memory_space<hbm>>) target(%arg27 : memref<10000xf32, #tpu.memory_space<vmem_shared>>) target_semaphore(%run_scoped3A : memref<!tpu.dma_semaphore, #tpu.memory_space<semaphore_mem>>)
        tpu.wait_dma2 semaphore(%run_scoped3A : memref<!tpu.dma_semaphore, #tpu.memory_space<semaphore_mem>>) src(%arg8 : memref<10000xf32, #tpu.memory_space<hbm>>) dst(%arg27 : memref<10000xf32, #tpu.memory_space<vmem_shared>>)
        tpu.yield
      }) : () -> ()
    } else {
    }
    %barrier3A = arith.constant 0 : index
    tpu.barrier barrier_id(%barrier3A)
    %eq3A_34 = arith.constant 0 : i32
    %eq3A_35 = arith.cmpi eq, %arg0, %eq3A_34 : i32
    %convert_element_type3A_36 = arith.extui %eq3A_35 : i1 to i32
    %cond3A_37 = arith.constant 0 : i32
    %cond3A_38 = arith.cmpi ne, %convert_element_type3A_36, %cond3A_37 : i32
    scf.if %cond3A_38 {
      %dma_start3A = arith.constant 0 : i32
      %dma_start3A_131 = arith.constant 0 : i32
      %dma_start3A_132 = arith.constant 0 : i32
      %dma_start3A_133 = tpu.memref_slice %arg12[%dma_start3A, %dma_start3A_132] : memref<157x128xi32, #tpu.memory_space<vmem>> -> memref<1x128xi32, #tpu.memory_space<vmem>>
      %dma_start3A_134 = tpu.memref_squeeze %dma_start3A_133 : memref<1x128xi32, #tpu.memory_space<vmem>> -> memref<128xi32, #tpu.memory_space<vmem>>
      %dma_start3A_135 = arith.constant 0 : i32
      %dma_start3A_136 = arith.constant 0 : i32
      %dma_start3A_137 = tpu.memref_slice %arg2[%dma_start3A_135, %dma_start3A_136] : memref<10000x64xbf16, #tpu.memory_space<hbm>> -> memref<10000x64xbf16, #tpu.memory_space<hbm>>
      %dma_start3A_138 = tpu.memref_slice %arg23[%dma_start3A_131] : memref<8x!tpu.dma_semaphore, #tpu.memory_space<semaphore_mem>> -> memref<1x!tpu.dma_semaphore, #tpu.memory_space<semaphore_mem>>
      %dma_start3A_139 = tpu.memref_squeeze %dma_start3A_138 : memref<1x!tpu.dma_semaphore, #tpu.memory_space<semaphore_mem>> -> memref<!tpu.dma_semaphore, #tpu.memory_space<semaphore_mem>>
      tpu.enqueue_indirect_dma source(%dma_start3A_137 : memref<10000x64xbf16, #tpu.memory_space<hbm>>) target(%arg14 : memref<128x64xbf16, #tpu.memory_space<vmem>>) offsets(%dma_start3A_134 : memref<128xi32, #tpu.memory_space<vmem>>) semaphore(%dma_start3A_139 : memref<!tpu.dma_semaphore, #tpu.memory_space<semaphore_mem>>)
    } else {
    }
    %eq3A_39 = arith.constant 1 : i32
    %eq3A_40 = arith.cmpi eq, %arg0, %eq3A_39 : i32
    %convert_element_type3A_41 = arith.extui %eq3A_40 : i1 to i32
    %cond3A_42 = arith.constant 0 : i32
    %cond3A_43 = arith.cmpi ne, %convert_element_type3A_41, %cond3A_42 : i32
    scf.if %cond3A_43 {
      %dma_start3A = arith.constant 0 : i32
      %dma_start3A_131 = arith.constant 0 : i32
      %dma_start3A_132 = arith.constant 0 : i32
      %dma_start3A_133 = tpu.memref_slice %arg12[%dma_start3A, %dma_start3A_132] : memref<157x128xi32, #tpu.memory_space<vmem>> -> memref<1x128xi32, #tpu.memory_space<vmem>>
      %dma_start3A_134 = tpu.memref_squeeze %dma_start3A_133 : memref<1x128xi32, #tpu.memory_space<vmem>> -> memref<128xi32, #tpu.memory_space<vmem>>
      %dma_start3A_135 = arith.constant 0 : i32
      %dma_start3A_136 = arith.constant 0 : i32
      %dma_start3A_137 = tpu.memref_slice %arg3[%dma_start3A_135, %dma_start3A_136] : memref<10000x64xbf16, #tpu.memory_space<hbm>> -> memref<10000x64xbf16, #tpu.memory_space<hbm>>
      %dma_start3A_138 = tpu.memref_slice %arg23[%dma_start3A_131] : memref<8x!tpu.dma_semaphore, #tpu.memory_space<semaphore_mem>> -> memref<1x!tpu.dma_semaphore, #tpu.memory_space<semaphore_mem>>
      %dma_start3A_139 = tpu.memref_squeeze %dma_start3A_138 : memref<1x!tpu.dma_semaphore, #tpu.memory_space<semaphore_mem>> -> memref<!tpu.dma_semaphore, #tpu.memory_space<semaphore_mem>>
      tpu.enqueue_indirect_dma source(%dma_start3A_137 : memref<10000x64xbf16, #tpu.memory_space<hbm>>) target(%arg14 : memref<128x64xbf16, #tpu.memory_space<vmem>>) offsets(%dma_start3A_134 : memref<128xi32, #tpu.memory_space<vmem>>) semaphore(%dma_start3A_139 : memref<!tpu.dma_semaphore, #tpu.memory_space<semaphore_mem>>)
    } else {
    }
    %eq3A_44 = arith.constant 0 : i32
    %eq3A_45 = arith.cmpi eq, %arg0, %eq3A_44 : i32
    %convert_element_type3A_46 = arith.extui %eq3A_45 : i1 to i32
    %cond3A_47 = arith.constant 0 : i32
    %cond3A_48 = arith.cmpi ne, %convert_element_type3A_46, %cond3A_47 : i32
    scf.if %cond3A_48 {
      %dma_start3A = arith.constant 1 : i32
      %dma_start3A_131 = arith.constant 1 : i32
      %dma_start3A_132 = arith.constant 0 : i32
      %dma_start3A_133 = tpu.memref_slice %arg12[%dma_start3A, %dma_start3A_132] : memref<157x128xi32, #tpu.memory_space<vmem>> -> memref<1x128xi32, #tpu.memory_space<vmem>>
      %dma_start3A_134 = tpu.memref_squeeze %dma_start3A_133 : memref<1x128xi32, #tpu.memory_space<vmem>> -> memref<128xi32, #tpu.memory_space<vmem>>
      %dma_start3A_135 = arith.constant 0 : i32
      %dma_start3A_136 = arith.constant 0 : i32
      %dma_start3A_137 = tpu.memref_slice %arg2[%dma_start3A_135, %dma_start3A_136] : memref<10000x64xbf16, #tpu.memory_space<hbm>> -> memref<10000x64xbf16, #tpu.memory_space<hbm>>
      %dma_start3A_138 = tpu.memref_slice %arg23[%dma_start3A_131] : memref<8x!tpu.dma_semaphore, #tpu.memory_space<semaphore_mem>> -> memref<1x!tpu.dma_semaphore, #tpu.memory_space<semaphore_mem>>
      %dma_start3A_139 = tpu.memref_squeeze %dma_start3A_138 : memref<1x!tpu.dma_semaphore, #tpu.memory_space<semaphore_mem>> -> memref<!tpu.dma_semaphore, #tpu.memory_space<semaphore_mem>>
      tpu.enqueue_indirect_dma source(%dma_start3A_137 : memref<10000x64xbf16, #tpu.memory_space<hbm>>) target(%arg15 : memref<128x64xbf16, #tpu.memory_space<vmem>>) offsets(%dma_start3A_134 : memref<128xi32, #tpu.memory_space<vmem>>) semaphore(%dma_start3A_139 : memref<!tpu.dma_semaphore, #tpu.memory_space<semaphore_mem>>)
    } else {
    }
    %eq3A_49 = arith.constant 1 : i32
    %eq3A_50 = arith.cmpi eq, %arg0, %eq3A_49 : i32
    %convert_element_type3A_51 = arith.extui %eq3A_50 : i1 to i32
    %cond3A_52 = arith.constant 0 : i32
    %cond3A_53 = arith.cmpi ne, %convert_element_type3A_51, %cond3A_52 : i32
    scf.if %cond3A_53 {
      %dma_start3A = arith.constant 1 : i32
      %dma_start3A_131 = arith.constant 1 : i32
      %dma_start3A_132 = arith.constant 0 : i32
      %dma_start3A_133 = tpu.memref_slice %arg12[%dma_start3A, %dma_start3A_132] : memref<157x128xi32, #tpu.memory_space<vmem>> -> memref<1x128xi32, #tpu.memory_space<vmem>>
      %dma_start3A_134 = tpu.memref_squeeze %dma_start3A_133 : memref<1x128xi32, #tpu.memory_space<vmem>> -> memref<128xi32, #tpu.memory_space<vmem>>
      %dma_start3A_135 = arith.constant 0 : i32
      %dma_start3A_136 = arith.constant 0 : i32
      %dma_start3A_137 = tpu.memref_slice %arg3[%dma_start3A_135, %dma_start3A_136] : memref<10000x64xbf16, #tpu.memory_space<hbm>> -> memref<10000x64xbf16, #tpu.memory_space<hbm>>
      %dma_start3A_138 = tpu.memref_slice %arg23[%dma_start3A_131] : memref<8x!tpu.dma_semaphore, #tpu.memory_space<semaphore_mem>> -> memref<1x!tpu.dma_semaphore, #tpu.memory_space<semaphore_mem>>
      %dma_start3A_139 = tpu.memref_squeeze %dma_start3A_138 : memref<1x!tpu.dma_semaphore, #tpu.memory_space<semaphore_mem>> -> memref<!tpu.dma_semaphore, #tpu.memory_space<semaphore_mem>>
      tpu.enqueue_indirect_dma source(%dma_start3A_137 : memref<10000x64xbf16, #tpu.memory_space<hbm>>) target(%arg15 : memref<128x64xbf16, #tpu.memory_space<vmem>>) offsets(%dma_start3A_134 : memref<128xi32, #tpu.memory_space<vmem>>) semaphore(%dma_start3A_139 : memref<!tpu.dma_semaphore, #tpu.memory_space<semaphore_mem>>)
    } else {
    }
    %eq3A_54 = arith.constant 0 : i32
    %eq3A_55 = arith.cmpi eq, %arg0, %eq3A_54 : i32
    %convert_element_type3A_56 = arith.extui %eq3A_55 : i1 to i32
    %cond3A_57 = arith.constant 0 : i32
    %cond3A_58 = arith.cmpi ne, %convert_element_type3A_56, %cond3A_57 : i32
    scf.if %cond3A_58 {
      %dma_start3A = arith.constant 2 : i32
      %dma_start3A_131 = arith.constant 2 : i32
      %dma_start3A_132 = arith.constant 0 : i32
      %dma_start3A_133 = tpu.memref_slice %arg12[%dma_start3A, %dma_start3A_132] : memref<157x128xi32, #tpu.memory_space<vmem>> -> memref<1x128xi32, #tpu.memory_space<vmem>>
      %dma_start3A_134 = tpu.memref_squeeze %dma_start3A_133 : memref<1x128xi32, #tpu.memory_space<vmem>> -> memref<128xi32, #tpu.memory_space<vmem>>
      %dma_start3A_135 = arith.constant 0 : i32
      %dma_start3A_136 = arith.constant 0 : i32
      %dma_start3A_137 = tpu.memref_slice %arg2[%dma_start3A_135, %dma_start3A_136] : memref<10000x64xbf16, #tpu.memory_space<hbm>> -> memref<10000x64xbf16, #tpu.memory_space<hbm>>
      %dma_start3A_138 = tpu.memref_slice %arg23[%dma_start3A_131] : memref<8x!tpu.dma_semaphore, #tpu.memory_space<semaphore_mem>> -> memref<1x!tpu.dma_semaphore, #tpu.memory_space<semaphore_mem>>
      %dma_start3A_139 = tpu.memref_squeeze %dma_start3A_138 : memref<1x!tpu.dma_semaphore, #tpu.memory_space<semaphore_mem>> -> memref<!tpu.dma_semaphore, #tpu.memory_space<semaphore_mem>>
      tpu.enqueue_indirect_dma source(%dma_start3A_137 : memref<10000x64xbf16, #tpu.memory_space<hbm>>) target(%arg16 : memref<128x64xbf16, #tpu.memory_space<vmem>>) offsets(%dma_start3A_134 : memref<128xi32, #tpu.memory_space<vmem>>) semaphore(%dma_start3A_139 : memref<!tpu.dma_semaphore, #tpu.memory_space<semaphore_mem>>)
    } else {
    }
    %eq3A_59 = arith.constant 1 : i32
    %eq3A_60 = arith.cmpi eq, %arg0, %eq3A_59 : i32
    %convert_element_type3A_61 = arith.extui %eq3A_60 : i1 to i32
    %cond3A_62 = arith.constant 0 : i32
    %cond3A_63 = arith.cmpi ne, %convert_element_type3A_61, %cond3A_62 : i32
    scf.if %cond3A_63 {
      %dma_start3A = arith.constant 2 : i32
      %dma_start3A_131 = arith.constant 2 : i32
      %dma_start3A_132 = arith.constant 0 : i32
      %dma_start3A_133 = tpu.memref_slice %arg12[%dma_start3A, %dma_start3A_132] : memref<157x128xi32, #tpu.memory_space<vmem>> -> memref<1x128xi32, #tpu.memory_space<vmem>>
      %dma_start3A_134 = tpu.memref_squeeze %dma_start3A_133 : memref<1x128xi32, #tpu.memory_space<vmem>> -> memref<128xi32, #tpu.memory_space<vmem>>
      %dma_start3A_135 = arith.constant 0 : i32
      %dma_start3A_136 = arith.constant 0 : i32
      %dma_start3A_137 = tpu.memref_slice %arg3[%dma_start3A_135, %dma_start3A_136] : memref<10000x64xbf16, #tpu.memory_space<hbm>> -> memref<10000x64xbf16, #tpu.memory_space<hbm>>
      %dma_start3A_138 = tpu.memref_slice %arg23[%dma_start3A_131] : memref<8x!tpu.dma_semaphore, #tpu.memory_space<semaphore_mem>> -> memref<1x!tpu.dma_semaphore, #tpu.memory_space<semaphore_mem>>
      %dma_start3A_139 = tpu.memref_squeeze %dma_start3A_138 : memref<1x!tpu.dma_semaphore, #tpu.memory_space<semaphore_mem>> -> memref<!tpu.dma_semaphore, #tpu.memory_space<semaphore_mem>>
      tpu.enqueue_indirect_dma source(%dma_start3A_137 : memref<10000x64xbf16, #tpu.memory_space<hbm>>) target(%arg16 : memref<128x64xbf16, #tpu.memory_space<vmem>>) offsets(%dma_start3A_134 : memref<128xi32, #tpu.memory_space<vmem>>) semaphore(%dma_start3A_139 : memref<!tpu.dma_semaphore, #tpu.memory_space<semaphore_mem>>)
    } else {
    }
    %eq3A_64 = arith.constant 0 : i32
    %eq3A_65 = arith.cmpi eq, %arg0, %eq3A_64 : i32
    %convert_element_type3A_66 = arith.extui %eq3A_65 : i1 to i32
    %cond3A_67 = arith.constant 0 : i32
    %cond3A_68 = arith.cmpi ne, %convert_element_type3A_66, %cond3A_67 : i32
    scf.if %cond3A_68 {
      %dma_start3A = arith.constant 3 : i32
      %dma_start3A_131 = arith.constant 3 : i32
      %dma_start3A_132 = arith.constant 0 : i32
      %dma_start3A_133 = tpu.memref_slice %arg12[%dma_start3A, %dma_start3A_132] : memref<157x128xi32, #tpu.memory_space<vmem>> -> memref<1x128xi32, #tpu.memory_space<vmem>>
      %dma_start3A_134 = tpu.memref_squeeze %dma_start3A_133 : memref<1x128xi32, #tpu.memory_space<vmem>> -> memref<128xi32, #tpu.memory_space<vmem>>
      %dma_start3A_135 = arith.constant 0 : i32
      %dma_start3A_136 = arith.constant 0 : i32
      %dma_start3A_137 = tpu.memref_slice %arg2[%dma_start3A_135, %dma_start3A_136] : memref<10000x64xbf16, #tpu.memory_space<hbm>> -> memref<10000x64xbf16, #tpu.memory_space<hbm>>
      %dma_start3A_138 = tpu.memref_slice %arg23[%dma_start3A_131] : memref<8x!tpu.dma_semaphore, #tpu.memory_space<semaphore_mem>> -> memref<1x!tpu.dma_semaphore, #tpu.memory_space<semaphore_mem>>
      %dma_start3A_139 = tpu.memref_squeeze %dma_start3A_138 : memref<1x!tpu.dma_semaphore, #tpu.memory_space<semaphore_mem>> -> memref<!tpu.dma_semaphore, #tpu.memory_space<semaphore_mem>>
      tpu.enqueue_indirect_dma source(%dma_start3A_137 : memref<10000x64xbf16, #tpu.memory_space<hbm>>) target(%arg17 : memref<128x64xbf16, #tpu.memory_space<vmem>>) offsets(%dma_start3A_134 : memref<128xi32, #tpu.memory_space<vmem>>) semaphore(%dma_start3A_139 : memref<!tpu.dma_semaphore, #tpu.memory_space<semaphore_mem>>)
    } else {
    }
    %eq3A_69 = arith.constant 1 : i32
    %eq3A_70 = arith.cmpi eq, %arg0, %eq3A_69 : i32
    %convert_element_type3A_71 = arith.extui %eq3A_70 : i1 to i32
    %cond3A_72 = arith.constant 0 : i32
    %cond3A_73 = arith.cmpi ne, %convert_element_type3A_71, %cond3A_72 : i32
    scf.if %cond3A_73 {
      %dma_start3A = arith.constant 3 : i32
      %dma_start3A_131 = arith.constant 3 : i32
      %dma_start3A_132 = arith.constant 0 : i32
      %dma_start3A_133 = tpu.memref_slice %arg12[%dma_start3A, %dma_start3A_132] : memref<157x128xi32, #tpu.memory_space<vmem>> -> memref<1x128xi32, #tpu.memory_space<vmem>>
      %dma_start3A_134 = tpu.memref_squeeze %dma_start3A_133 : memref<1x128xi32, #tpu.memory_space<vmem>> -> memref<128xi32, #tpu.memory_space<vmem>>
      %dma_start3A_135 = arith.constant 0 : i32
      %dma_start3A_136 = arith.constant 0 : i32
      %dma_start3A_137 = tpu.memref_slice %arg3[%dma_start3A_135, %dma_start3A_136] : memref<10000x64xbf16, #tpu.memory_space<hbm>> -> memref<10000x64xbf16, #tpu.memory_space<hbm>>
      %dma_start3A_138 = tpu.memref_slice %arg23[%dma_start3A_131] : memref<8x!tpu.dma_semaphore, #tpu.memory_space<semaphore_mem>> -> memref<1x!tpu.dma_semaphore, #tpu.memory_space<semaphore_mem>>
      %dma_start3A_139 = tpu.memref_squeeze %dma_start3A_138 : memref<1x!tpu.dma_semaphore, #tpu.memory_space<semaphore_mem>> -> memref<!tpu.dma_semaphore, #tpu.memory_space<semaphore_mem>>
      tpu.enqueue_indirect_dma source(%dma_start3A_137 : memref<10000x64xbf16, #tpu.memory_space<hbm>>) target(%arg17 : memref<128x64xbf16, #tpu.memory_space<vmem>>) offsets(%dma_start3A_134 : memref<128xi32, #tpu.memory_space<vmem>>) semaphore(%dma_start3A_139 : memref<!tpu.dma_semaphore, #tpu.memory_space<semaphore_mem>>)
    } else {
    }
    %eq3A_74 = arith.constant 0 : i32
    %eq3A_75 = arith.cmpi eq, %arg0, %eq3A_74 : i32
    %convert_element_type3A_76 = arith.extui %eq3A_75 : i1 to i32
    %cond3A_77 = arith.constant 0 : i32
    %cond3A_78 = arith.cmpi ne, %convert_element_type3A_76, %cond3A_77 : i32
    scf.if %cond3A_78 {
      %dma_start3A = arith.constant 4 : i32
      %dma_start3A_131 = arith.constant 4 : i32
      %dma_start3A_132 = arith.constant 0 : i32
      %dma_start3A_133 = tpu.memref_slice %arg12[%dma_start3A, %dma_start3A_132] : memref<157x128xi32, #tpu.memory_space<vmem>> -> memref<1x128xi32, #tpu.memory_space<vmem>>
      %dma_start3A_134 = tpu.memref_squeeze %dma_start3A_133 : memref<1x128xi32, #tpu.memory_space<vmem>> -> memref<128xi32, #tpu.memory_space<vmem>>
      %dma_start3A_135 = arith.constant 0 : i32
      %dma_start3A_136 = arith.constant 0 : i32
      %dma_start3A_137 = tpu.memref_slice %arg2[%dma_start3A_135, %dma_start3A_136] : memref<10000x64xbf16, #tpu.memory_space<hbm>> -> memref<10000x64xbf16, #tpu.memory_space<hbm>>
      %dma_start3A_138 = tpu.memref_slice %arg23[%dma_start3A_131] : memref<8x!tpu.dma_semaphore, #tpu.memory_space<semaphore_mem>> -> memref<1x!tpu.dma_semaphore, #tpu.memory_space<semaphore_mem>>
      %dma_start3A_139 = tpu.memref_squeeze %dma_start3A_138 : memref<1x!tpu.dma_semaphore, #tpu.memory_space<semaphore_mem>> -> memref<!tpu.dma_semaphore, #tpu.memory_space<semaphore_mem>>
      tpu.enqueue_indirect_dma source(%dma_start3A_137 : memref<10000x64xbf16, #tpu.memory_space<hbm>>) target(%arg18 : memref<128x64xbf16, #tpu.memory_space<vmem>>) offsets(%dma_start3A_134 : memref<128xi32, #tpu.memory_space<vmem>>) semaphore(%dma_start3A_139 : memref<!tpu.dma_semaphore, #tpu.memory_space<semaphore_mem>>)
    } else {
    }
    %eq3A_79 = arith.constant 1 : i32
    %eq3A_80 = arith.cmpi eq, %arg0, %eq3A_79 : i32
    %convert_element_type3A_81 = arith.extui %eq3A_80 : i1 to i32
    %cond3A_82 = arith.constant 0 : i32
    %cond3A_83 = arith.cmpi ne, %convert_element_type3A_81, %cond3A_82 : i32
    scf.if %cond3A_83 {
      %dma_start3A = arith.constant 4 : i32
      %dma_start3A_131 = arith.constant 4 : i32
      %dma_start3A_132 = arith.constant 0 : i32
      %dma_start3A_133 = tpu.memref_slice %arg12[%dma_start3A, %dma_start3A_132] : memref<157x128xi32, #tpu.memory_space<vmem>> -> memref<1x128xi32, #tpu.memory_space<vmem>>
      %dma_start3A_134 = tpu.memref_squeeze %dma_start3A_133 : memref<1x128xi32, #tpu.memory_space<vmem>> -> memref<128xi32, #tpu.memory_space<vmem>>
      %dma_start3A_135 = arith.constant 0 : i32
      %dma_start3A_136 = arith.constant 0 : i32
      %dma_start3A_137 = tpu.memref_slice %arg3[%dma_start3A_135, %dma_start3A_136] : memref<10000x64xbf16, #tpu.memory_space<hbm>> -> memref<10000x64xbf16, #tpu.memory_space<hbm>>
      %dma_start3A_138 = tpu.memref_slice %arg23[%dma_start3A_131] : memref<8x!tpu.dma_semaphore, #tpu.memory_space<semaphore_mem>> -> memref<1x!tpu.dma_semaphore, #tpu.memory_space<semaphore_mem>>
      %dma_start3A_139 = tpu.memref_squeeze %dma_start3A_138 : memref<1x!tpu.dma_semaphore, #tpu.memory_space<semaphore_mem>> -> memref<!tpu.dma_semaphore, #tpu.memory_space<semaphore_mem>>
      tpu.enqueue_indirect_dma source(%dma_start3A_137 : memref<10000x64xbf16, #tpu.memory_space<hbm>>) target(%arg18 : memref<128x64xbf16, #tpu.memory_space<vmem>>) offsets(%dma_start3A_134 : memref<128xi32, #tpu.memory_space<vmem>>) semaphore(%dma_start3A_139 : memref<!tpu.dma_semaphore, #tpu.memory_space<semaphore_mem>>)
    } else {
    }
    %eq3A_84 = arith.constant 0 : i32
    %eq3A_85 = arith.cmpi eq, %arg0, %eq3A_84 : i32
    %convert_element_type3A_86 = arith.extui %eq3A_85 : i1 to i32
    %cond3A_87 = arith.constant 0 : i32
    %cond3A_88 = arith.cmpi ne, %convert_element_type3A_86, %cond3A_87 : i32
    scf.if %cond3A_88 {
      %dma_start3A = arith.constant 5 : i32
      %dma_start3A_131 = arith.constant 5 : i32
      %dma_start3A_132 = arith.constant 0 : i32
      %dma_start3A_133 = tpu.memref_slice %arg12[%dma_start3A, %dma_start3A_132] : memref<157x128xi32, #tpu.memory_space<vmem>> -> memref<1x128xi32, #tpu.memory_space<vmem>>
      %dma_start3A_134 = tpu.memref_squeeze %dma_start3A_133 : memref<1x128xi32, #tpu.memory_space<vmem>> -> memref<128xi32, #tpu.memory_space<vmem>>
      %dma_start3A_135 = arith.constant 0 : i32
      %dma_start3A_136 = arith.constant 0 : i32
      %dma_start3A_137 = tpu.memref_slice %arg2[%dma_start3A_135, %dma_start3A_136] : memref<10000x64xbf16, #tpu.memory_space<hbm>> -> memref<10000x64xbf16, #tpu.memory_space<hbm>>
      %dma_start3A_138 = tpu.memref_slice %arg23[%dma_start3A_131] : memref<8x!tpu.dma_semaphore, #tpu.memory_space<semaphore_mem>> -> memref<1x!tpu.dma_semaphore, #tpu.memory_space<semaphore_mem>>
      %dma_start3A_139 = tpu.memref_squeeze %dma_start3A_138 : memref<1x!tpu.dma_semaphore, #tpu.memory_space<semaphore_mem>> -> memref<!tpu.dma_semaphore, #tpu.memory_space<semaphore_mem>>
      tpu.enqueue_indirect_dma source(%dma_start3A_137 : memref<10000x64xbf16, #tpu.memory_space<hbm>>) target(%arg19 : memref<128x64xbf16, #tpu.memory_space<vmem>>) offsets(%dma_start3A_134 : memref<128xi32, #tpu.memory_space<vmem>>) semaphore(%dma_start3A_139 : memref<!tpu.dma_semaphore, #tpu.memory_space<semaphore_mem>>)
    } else {
    }
    %eq3A_89 = arith.constant 1 : i32
    %eq3A_90 = arith.cmpi eq, %arg0, %eq3A_89 : i32
    %convert_element_type3A_91 = arith.extui %eq3A_90 : i1 to i32
    %cond3A_92 = arith.constant 0 : i32
    %cond3A_93 = arith.cmpi ne, %convert_element_type3A_91, %cond3A_92 : i32
    scf.if %cond3A_93 {
      %dma_start3A = arith.constant 5 : i32
      %dma_start3A_131 = arith.constant 5 : i32
      %dma_start3A_132 = arith.constant 0 : i32
      %dma_start3A_133 = tpu.memref_slice %arg12[%dma_start3A, %dma_start3A_132] : memref<157x128xi32, #tpu.memory_space<vmem>> -> memref<1x128xi32, #tpu.memory_space<vmem>>
      %dma_start3A_134 = tpu.memref_squeeze %dma_start3A_133 : memref<1x128xi32, #tpu.memory_space<vmem>> -> memref<128xi32, #tpu.memory_space<vmem>>
      %dma_start3A_135 = arith.constant 0 : i32
      %dma_start3A_136 = arith.constant 0 : i32
      %dma_start3A_137 = tpu.memref_slice %arg3[%dma_start3A_135, %dma_start3A_136] : memref<10000x64xbf16, #tpu.memory_space<hbm>> -> memref<10000x64xbf16, #tpu.memory_space<hbm>>
      %dma_start3A_138 = tpu.memref_slice %arg23[%dma_start3A_131] : memref<8x!tpu.dma_semaphore, #tpu.memory_space<semaphore_mem>> -> memref<1x!tpu.dma_semaphore, #tpu.memory_space<semaphore_mem>>
      %dma_start3A_139 = tpu.memref_squeeze %dma_start3A_138 : memref<1x!tpu.dma_semaphore, #tpu.memory_space<semaphore_mem>> -> memref<!tpu.dma_semaphore, #tpu.memory_space<semaphore_mem>>
      tpu.enqueue_indirect_dma source(%dma_start3A_137 : memref<10000x64xbf16, #tpu.memory_space<hbm>>) target(%arg19 : memref<128x64xbf16, #tpu.memory_space<vmem>>) offsets(%dma_start3A_134 : memref<128xi32, #tpu.memory_space<vmem>>) semaphore(%dma_start3A_139 : memref<!tpu.dma_semaphore, #tpu.memory_space<semaphore_mem>>)
    } else {
    }
    %eq3A_94 = arith.constant 0 : i32
    %eq3A_95 = arith.cmpi eq, %arg0, %eq3A_94 : i32
    %convert_element_type3A_96 = arith.extui %eq3A_95 : i1 to i32
    %cond3A_97 = arith.constant 0 : i32
    %cond3A_98 = arith.cmpi ne, %convert_element_type3A_96, %cond3A_97 : i32
    scf.if %cond3A_98 {
      %dma_start3A = arith.constant 6 : i32
      %dma_start3A_131 = arith.constant 6 : i32
      %dma_start3A_132 = arith.constant 0 : i32
      %dma_start3A_133 = tpu.memref_slice %arg12[%dma_start3A, %dma_start3A_132] : memref<157x128xi32, #tpu.memory_space<vmem>> -> memref<1x128xi32, #tpu.memory_space<vmem>>
      %dma_start3A_134 = tpu.memref_squeeze %dma_start3A_133 : memref<1x128xi32, #tpu.memory_space<vmem>> -> memref<128xi32, #tpu.memory_space<vmem>>
      %dma_start3A_135 = arith.constant 0 : i32
      %dma_start3A_136 = arith.constant 0 : i32
      %dma_start3A_137 = tpu.memref_slice %arg2[%dma_start3A_135, %dma_start3A_136] : memref<10000x64xbf16, #tpu.memory_space<hbm>> -> memref<10000x64xbf16, #tpu.memory_space<hbm>>
      %dma_start3A_138 = tpu.memref_slice %arg23[%dma_start3A_131] : memref<8x!tpu.dma_semaphore, #tpu.memory_space<semaphore_mem>> -> memref<1x!tpu.dma_semaphore, #tpu.memory_space<semaphore_mem>>
      %dma_start3A_139 = tpu.memref_squeeze %dma_start3A_138 : memref<1x!tpu.dma_semaphore, #tpu.memory_space<semaphore_mem>> -> memref<!tpu.dma_semaphore, #tpu.memory_space<semaphore_mem>>
      tpu.enqueue_indirect_dma source(%dma_start3A_137 : memref<10000x64xbf16, #tpu.memory_space<hbm>>) target(%arg20 : memref<128x64xbf16, #tpu.memory_space<vmem>>) offsets(%dma_start3A_134 : memref<128xi32, #tpu.memory_space<vmem>>) semaphore(%dma_start3A_139 : memref<!tpu.dma_semaphore, #tpu.memory_space<semaphore_mem>>)
    } else {
    }
    %eq3A_99 = arith.constant 1 : i32
    %eq3A_100 = arith.cmpi eq, %arg0, %eq3A_99 : i32
    %convert_element_type3A_101 = arith.extui %eq3A_100 : i1 to i32
    %cond3A_102 = arith.constant 0 : i32
    %cond3A_103 = arith.cmpi ne, %convert_element_type3A_101, %cond3A_102 : i32
    scf.if %cond3A_103 {
      %dma_start3A = arith.constant 6 : i32
      %dma_start3A_131 = arith.constant 6 : i32
      %dma_start3A_132 = arith.constant 0 : i32
      %dma_start3A_133 = tpu.memref_slice %arg12[%dma_start3A, %dma_start3A_132] : memref<157x128xi32, #tpu.memory_space<vmem>> -> memref<1x128xi32, #tpu.memory_space<vmem>>
      %dma_start3A_134 = tpu.memref_squeeze %dma_start3A_133 : memref<1x128xi32, #tpu.memory_space<vmem>> -> memref<128xi32, #tpu.memory_space<vmem>>
      %dma_start3A_135 = arith.constant 0 : i32
      %dma_start3A_136 = arith.constant 0 : i32
      %dma_start3A_137 = tpu.memref_slice %arg3[%dma_start3A_135, %dma_start3A_136] : memref<10000x64xbf16, #tpu.memory_space<hbm>> -> memref<10000x64xbf16, #tpu.memory_space<hbm>>
      %dma_start3A_138 = tpu.memref_slice %arg23[%dma_start3A_131] : memref<8x!tpu.dma_semaphore, #tpu.memory_space<semaphore_mem>> -> memref<1x!tpu.dma_semaphore, #tpu.memory_space<semaphore_mem>>
      %dma_start3A_139 = tpu.memref_squeeze %dma_start3A_138 : memref<1x!tpu.dma_semaphore, #tpu.memory_space<semaphore_mem>> -> memref<!tpu.dma_semaphore, #tpu.memory_space<semaphore_mem>>
      tpu.enqueue_indirect_dma source(%dma_start3A_137 : memref<10000x64xbf16, #tpu.memory_space<hbm>>) target(%arg20 : memref<128x64xbf16, #tpu.memory_space<vmem>>) offsets(%dma_start3A_134 : memref<128xi32, #tpu.memory_space<vmem>>) semaphore(%dma_start3A_139 : memref<!tpu.dma_semaphore, #tpu.memory_space<semaphore_mem>>)
    } else {
    }
    %eq3A_104 = arith.constant 0 : i32
    %eq3A_105 = arith.cmpi eq, %arg0, %eq3A_104 : i32
    %convert_element_type3A_106 = arith.extui %eq3A_105 : i1 to i32
    %cond3A_107 = arith.constant 0 : i32
    %cond3A_108 = arith.cmpi ne, %convert_element_type3A_106, %cond3A_107 : i32
    scf.if %cond3A_108 {
      %dma_start3A = arith.constant 7 : i32
      %dma_start3A_131 = arith.constant 7 : i32
      %dma_start3A_132 = arith.constant 0 : i32
      %dma_start3A_133 = tpu.memref_slice %arg12[%dma_start3A, %dma_start3A_132] : memref<157x128xi32, #tpu.memory_space<vmem>> -> memref<1x128xi32, #tpu.memory_space<vmem>>
      %dma_start3A_134 = tpu.memref_squeeze %dma_start3A_133 : memref<1x128xi32, #tpu.memory_space<vmem>> -> memref<128xi32, #tpu.memory_space<vmem>>
      %dma_start3A_135 = arith.constant 0 : i32
      %dma_start3A_136 = arith.constant 0 : i32
      %dma_start3A_137 = tpu.memref_slice %arg2[%dma_start3A_135, %dma_start3A_136] : memref<10000x64xbf16, #tpu.memory_space<hbm>> -> memref<10000x64xbf16, #tpu.memory_space<hbm>>
      %dma_start3A_138 = tpu.memref_slice %arg23[%dma_start3A_131] : memref<8x!tpu.dma_semaphore, #tpu.memory_space<semaphore_mem>> -> memref<1x!tpu.dma_semaphore, #tpu.memory_space<semaphore_mem>>
      %dma_start3A_139 = tpu.memref_squeeze %dma_start3A_138 : memref<1x!tpu.dma_semaphore, #tpu.memory_space<semaphore_mem>> -> memref<!tpu.dma_semaphore, #tpu.memory_space<semaphore_mem>>
      tpu.enqueue_indirect_dma source(%dma_start3A_137 : memref<10000x64xbf16, #tpu.memory_space<hbm>>) target(%arg21 : memref<128x64xbf16, #tpu.memory_space<vmem>>) offsets(%dma_start3A_134 : memref<128xi32, #tpu.memory_space<vmem>>) semaphore(%dma_start3A_139 : memref<!tpu.dma_semaphore, #tpu.memory_space<semaphore_mem>>)
    } else {
    }
    %eq3A_109 = arith.constant 1 : i32
    %eq3A_110 = arith.cmpi eq, %arg0, %eq3A_109 : i32
    %convert_element_type3A_111 = arith.extui %eq3A_110 : i1 to i32
    %cond3A_112 = arith.constant 0 : i32
    %cond3A_113 = arith.cmpi ne, %convert_element_type3A_111, %cond3A_112 : i32
    scf.if %cond3A_113 {
      %dma_start3A = arith.constant 7 : i32
      %dma_start3A_131 = arith.constant 7 : i32
      %dma_start3A_132 = arith.constant 0 : i32
      %dma_start3A_133 = tpu.memref_slice %arg12[%dma_start3A, %dma_start3A_132] : memref<157x128xi32, #tpu.memory_space<vmem>> -> memref<1x128xi32, #tpu.memory_space<vmem>>
      %dma_start3A_134 = tpu.memref_squeeze %dma_start3A_133 : memref<1x128xi32, #tpu.memory_space<vmem>> -> memref<128xi32, #tpu.memory_space<vmem>>
      %dma_start3A_135 = arith.constant 0 : i32
      %dma_start3A_136 = arith.constant 0 : i32
      %dma_start3A_137 = tpu.memref_slice %arg3[%dma_start3A_135, %dma_start3A_136] : memref<10000x64xbf16, #tpu.memory_space<hbm>> -> memref<10000x64xbf16, #tpu.memory_space<hbm>>
      %dma_start3A_138 = tpu.memref_slice %arg23[%dma_start3A_131] : memref<8x!tpu.dma_semaphore, #tpu.memory_space<semaphore_mem>> -> memref<1x!tpu.dma_semaphore, #tpu.memory_space<semaphore_mem>>
      %dma_start3A_139 = tpu.memref_squeeze %dma_start3A_138 : memref<1x!tpu.dma_semaphore, #tpu.memory_space<semaphore_mem>> -> memref<!tpu.dma_semaphore, #tpu.memory_space<semaphore_mem>>
      tpu.enqueue_indirect_dma source(%dma_start3A_137 : memref<10000x64xbf16, #tpu.memory_space<hbm>>) target(%arg21 : memref<128x64xbf16, #tpu.memory_space<vmem>>) offsets(%dma_start3A_134 : memref<128xi32, #tpu.memory_space<vmem>>) semaphore(%dma_start3A_139 : memref<!tpu.dma_semaphore, #tpu.memory_space<semaphore_mem>>)
    } else {
    }
    %scan3A = arith.constant 0 : i32
    %scan3A_114 = arith.constant 0 : i32
    %scan3A_115 = arith.constant 20 : i32
    %scan3A_116 = arith.addi %scan3A_114, %scan3A_115 : i32
    %scan3A_117 = arith.constant 1 : i32
    %scan3A_118 = scf.for %scan3A_131 = %scan3A_114 to %scan3A_116 step %scan3A_117 iter_args(%scan3A_132 = %scan3A) -> (i32)  : i32 {
      %mul3A_133 = arith.constant 8 : i32
      %mul3A_134 = arith.muli %scan3A_131, %mul3A_133 : i32
      %add3A_135 = arith.constant 0 : i32
      %add3A_136 = arith.addi %mul3A_134, %add3A_135 : i32
      %lt3A_137 = arith.cmpi slt, %add3A_136, %select_n3A : i32
      %convert_element_type3A_138 = arith.extui %lt3A_137 : i1 to i32
      %cond3A_139 = arith.constant 0 : i32
      %cond3A_140 = arith.cmpi ne, %convert_element_type3A_138, %cond3A_139 : i32
      scf.if %cond3A_140 {
        %dma_wait3A = arith.constant 0 : i32
        %dma_wait3A_198 = arith.constant 0 : i32
        %dma_wait3A_199 = tpu.memref_slice %arg12[%add3A_136, %dma_wait3A_198] : memref<157x128xi32, #tpu.memory_space<vmem>> -> memref<1x128xi32, #tpu.memory_space<vmem>>
        %dma_wait3A_200 = tpu.memref_squeeze %dma_wait3A_199 : memref<1x128xi32, #tpu.memory_space<vmem>> -> memref<128xi32, #tpu.memory_space<vmem>>
        %dma_wait3A_201 = arith.constant 0 : i32
        %dma_wait3A_202 = arith.constant 0 : i32
        %dma_wait3A_203 = tpu.memref_slice %arg2[%dma_wait3A_201, %dma_wait3A_202] : memref<10000x64xbf16, #tpu.memory_space<hbm>> -> memref<10000x64xbf16, #tpu.memory_space<hbm>>
        %dma_wait3A_204 = tpu.memref_slice %arg23[%dma_wait3A] : memref<8x!tpu.dma_semaphore, #tpu.memory_space<semaphore_mem>> -> memref<1x!tpu.dma_semaphore, #tpu.memory_space<semaphore_mem>>
        %dma_wait3A_205 = tpu.memref_squeeze %dma_wait3A_204 : memref<1x!tpu.dma_semaphore, #tpu.memory_space<semaphore_mem>> -> memref<!tpu.dma_semaphore, #tpu.memory_space<semaphore_mem>>
        tpu.wait_indirect_dma semaphore(%dma_wait3A_205 : memref<!tpu.dma_semaphore, #tpu.memory_space<semaphore_mem>>) src(%dma_wait3A_203 : memref<10000x64xbf16, #tpu.memory_space<hbm>>) dst(%arg14 : memref<128x64xbf16, #tpu.memory_space<vmem>>)
        %dma_start3A = arith.constant 0 : i32
        %dma_start3A_206 = arith.constant 0 : i32
        %dma_start3A_207 = tpu.memref_slice %arg13[%add3A_136, %dma_start3A_206] : memref<157x128xi32, #tpu.memory_space<vmem>> -> memref<1x128xi32, #tpu.memory_space<vmem>>
        %dma_start3A_208 = tpu.memref_squeeze %dma_start3A_207 : memref<1x128xi32, #tpu.memory_space<vmem>> -> memref<128xi32, #tpu.memory_space<vmem>>
        %dma_start3A_209 = arith.constant 0 : i32
        %dma_start3A_210 = arith.constant 0 : i32
        %dma_start3A_211 = tpu.memref_slice %arg22[%dma_start3A_209, %dma_start3A_210] : memref<10000x64xbf16, #tpu.memory_space<vmem_shared>> -> memref<10000x64xbf16, #tpu.memory_space<vmem_shared>>
        %dma_start3A_212 = tpu.memref_slice %arg24[%dma_start3A] : memref<8x!tpu.dma_semaphore, #tpu.memory_space<semaphore_mem>> -> memref<1x!tpu.dma_semaphore, #tpu.memory_space<semaphore_mem>>
        %dma_start3A_213 = tpu.memref_squeeze %dma_start3A_212 : memref<1x!tpu.dma_semaphore, #tpu.memory_space<semaphore_mem>> -> memref<!tpu.dma_semaphore, #tpu.memory_space<semaphore_mem>>
        tpu.enqueue_indirect_dma source(%arg14 : memref<128x64xbf16, #tpu.memory_space<vmem>>) target(%dma_start3A_211 : memref<10000x64xbf16, #tpu.memory_space<vmem_shared>>) offsets(%dma_start3A_208 : memref<128xi32, #tpu.memory_space<vmem>>) semaphore(%dma_start3A_213 : memref<!tpu.dma_semaphore, #tpu.memory_space<semaphore_mem>>) {add = true}
        %eq3A_214 = arith.constant 0 : i32
        %eq3A_215 = arith.cmpi eq, %arg0, %eq3A_214 : i32
        %convert_element_type3A_216 = arith.extui %eq3A_215 : i1 to i32
        %cond3A_217 = arith.constant 0 : i32
        %cond3A_218 = arith.cmpi ne, %convert_element_type3A_216, %cond3A_217 : i32
        scf.if %cond3A_218 {
          %dma_start3A_234 = arith.constant 0 : i32
          %dma_start3A_235 = arith.constant 0 : i32
          %dma_start3A_236 = tpu.memref_slice %arg13[%add3A_136, %dma_start3A_235] : memref<157x128xi32, #tpu.memory_space<vmem>> -> memref<1x128xi32, #tpu.memory_space<vmem>>
          %dma_start3A_237 = tpu.memref_squeeze %dma_start3A_236 : memref<1x128xi32, #tpu.memory_space<vmem>> -> memref<128xi32, #tpu.memory_space<vmem>>
          %dma_start3A_238 = arith.constant 0 : i32
          %dma_start3A_239 = tpu.memref_slice %arg27[%dma_start3A_238] : memref<10000xf32, #tpu.memory_space<vmem_shared>> -> memref<10000xf32, #tpu.memory_space<vmem_shared>>
          %dma_start3A_240 = tpu.memref_slice %arg25[%dma_start3A_234] : memref<8x!tpu.dma_semaphore, #tpu.memory_space<semaphore_mem>> -> memref<1x!tpu.dma_semaphore, #tpu.memory_space<semaphore_mem>>
          %dma_start3A_241 = tpu.memref_squeeze %dma_start3A_240 : memref<1x!tpu.dma_semaphore, #tpu.memory_space<semaphore_mem>> -> memref<!tpu.dma_semaphore, #tpu.memory_space<semaphore_mem>>
          tpu.enqueue_indirect_dma source(%arg26 : memref<128xf32, #tpu.memory_space<vmem>>) target(%dma_start3A_239 : memref<10000xf32, #tpu.memory_space<vmem_shared>>) offsets(%dma_start3A_237 : memref<128xi32, #tpu.memory_space<vmem>>) semaphore(%dma_start3A_241 : memref<!tpu.dma_semaphore, #tpu.memory_space<semaphore_mem>>) {add = true}
          %dma_wait3A_242 = arith.constant 0 : i32
          %dma_wait3A_243 = arith.constant 0 : i32
          %dma_wait3A_244 = tpu.memref_slice %arg13[%add3A_136, %dma_wait3A_243] : memref<157x128xi32, #tpu.memory_space<vmem>> -> memref<1x128xi32, #tpu.memory_space<vmem>>
          %dma_wait3A_245 = tpu.memref_squeeze %dma_wait3A_244 : memref<1x128xi32, #tpu.memory_space<vmem>> -> memref<128xi32, #tpu.memory_space<vmem>>
          %dma_wait3A_246 = arith.constant 0 : i32
          %dma_wait3A_247 = tpu.memref_slice %arg27[%dma_wait3A_246] : memref<10000xf32, #tpu.memory_space<vmem_shared>> -> memref<10000xf32, #tpu.memory_space<vmem_shared>>
          %dma_wait3A_248 = tpu.memref_slice %arg25[%dma_wait3A_242] : memref<8x!tpu.dma_semaphore, #tpu.memory_space<semaphore_mem>> -> memref<1x!tpu.dma_semaphore, #tpu.memory_space<semaphore_mem>>
          %dma_wait3A_249 = tpu.memref_squeeze %dma_wait3A_248 : memref<1x!tpu.dma_semaphore, #tpu.memory_space<semaphore_mem>> -> memref<!tpu.dma_semaphore, #tpu.memory_space<semaphore_mem>>
          tpu.wait_indirect_dma semaphore(%dma_wait3A_249 : memref<!tpu.dma_semaphore, #tpu.memory_space<semaphore_mem>>) src(%arg26 : memref<128xf32, #tpu.memory_space<vmem>>) dst(%dma_wait3A_247 : memref<10000xf32, #tpu.memory_space<vmem_shared>>)
        } else {
        }
        %dma_wait3A_219 = arith.constant 0 : i32
        %dma_wait3A_220 = arith.constant 0 : i32
        %dma_wait3A_221 = tpu.memref_slice %arg13[%add3A_136, %dma_wait3A_220] : memref<157x128xi32, #tpu.memory_space<vmem>> -> memref<1x128xi32, #tpu.memory_space<vmem>>
        %dma_wait3A_222 = tpu.memref_squeeze %dma_wait3A_221 : memref<1x128xi32, #tpu.memory_space<vmem>> -> memref<128xi32, #tpu.memory_space<vmem>>
        %dma_wait3A_223 = arith.constant 0 : i32
        %dma_wait3A_224 = arith.constant 0 : i32
        %dma_wait3A_225 = tpu.memref_slice %arg22[%dma_wait3A_223, %dma_wait3A_224] : memref<10000x64xbf16, #tpu.memory_space<vmem_shared>> -> memref<10000x64xbf16, #tpu.memory_space<vmem_shared>>
        %dma_wait3A_226 = tpu.memref_slice %arg24[%dma_wait3A_219] : memref<8x!tpu.dma_semaphore, #tpu.memory_space<semaphore_mem>> -> memref<1x!tpu.dma_semaphore, #tpu.memory_space<semaphore_mem>>
        %dma_wait3A_227 = tpu.memref_squeeze %dma_wait3A_226 : memref<1x!tpu.dma_semaphore, #tpu.memory_space<semaphore_mem>> -> memref<!tpu.dma_semaphore, #tpu.memory_space<semaphore_mem>>
        tpu.wait_indirect_dma semaphore(%dma_wait3A_227 : memref<!tpu.dma_semaphore, #tpu.memory_space<semaphore_mem>>) src(%arg14 : memref<128x64xbf16, #tpu.memory_space<vmem>>) dst(%dma_wait3A_225 : memref<10000x64xbf16, #tpu.memory_space<vmem_shared>>)
        %add3A_228 = arith.constant 8 : i32
        %add3A_229 = arith.addi %add3A_136, %add3A_228 : i32
        %lt3A_230 = arith.cmpi slt, %add3A_229, %select_n3A : i32
        %convert_element_type3A_231 = arith.extui %lt3A_230 : i1 to i32
        %cond3A_232 = arith.constant 0 : i32
        %cond3A_233 = arith.cmpi ne, %convert_element_type3A_231, %cond3A_232 : i32
        scf.if %cond3A_233 {
          %add3A_234 = arith.constant 8 : i32
          %add3A_235 = arith.addi %add3A_136, %add3A_234 : i32
          %eq3A_236 = arith.constant 0 : i32
          %eq3A_237 = arith.cmpi eq, %arg0, %eq3A_236 : i32
          %convert_element_type3A_238 = arith.extui %eq3A_237 : i1 to i32
          %cond3A_239 = arith.constant 0 : i32
          %cond3A_240 = arith.cmpi ne, %convert_element_type3A_238, %cond3A_239 : i32
          scf.if %cond3A_240 {
            %dma_start3A_246 = arith.constant 0 : i32
            %dma_start3A_247 = arith.constant 0 : i32
            %dma_start3A_248 = tpu.memref_slice %arg12[%add3A_235, %dma_start3A_247] : memref<157x128xi32, #tpu.memory_space<vmem>> -> memref<1x128xi32, #tpu.memory_space<vmem>>
            %dma_start3A_249 = tpu.memref_squeeze %dma_start3A_248 : memref<1x128xi32, #tpu.memory_space<vmem>> -> memref<128xi32, #tpu.memory_space<vmem>>
            %dma_start3A_250 = arith.constant 0 : i32
            %dma_start3A_251 = arith.constant 0 : i32
            %dma_start3A_252 = tpu.memref_slice %arg2[%dma_start3A_250, %dma_start3A_251] : memref<10000x64xbf16, #tpu.memory_space<hbm>> -> memref<10000x64xbf16, #tpu.memory_space<hbm>>
            %dma_start3A_253 = tpu.memref_slice %arg23[%dma_start3A_246] : memref<8x!tpu.dma_semaphore, #tpu.memory_space<semaphore_mem>> -> memref<1x!tpu.dma_semaphore, #tpu.memory_space<semaphore_mem>>
            %dma_start3A_254 = tpu.memref_squeeze %dma_start3A_253 : memref<1x!tpu.dma_semaphore, #tpu.memory_space<semaphore_mem>> -> memref<!tpu.dma_semaphore, #tpu.memory_space<semaphore_mem>>
            tpu.enqueue_indirect_dma source(%dma_start3A_252 : memref<10000x64xbf16, #tpu.memory_space<hbm>>) target(%arg14 : memref<128x64xbf16, #tpu.memory_space<vmem>>) offsets(%dma_start3A_249 : memref<128xi32, #tpu.memory_space<vmem>>) semaphore(%dma_start3A_254 : memref<!tpu.dma_semaphore, #tpu.memory_space<semaphore_mem>>)
          } else {
          }
          %eq3A_241 = arith.constant 1 : i32
          %eq3A_242 = arith.cmpi eq, %arg0, %eq3A_241 : i32
          %convert_element_type3A_243 = arith.extui %eq3A_242 : i1 to i32
          %cond3A_244 = arith.constant 0 : i32
          %cond3A_245 = arith.cmpi ne, %convert_element_type3A_243, %cond3A_244 : i32
          scf.if %cond3A_245 {
            %dma_start3A_246 = arith.constant 0 : i32
            %dma_start3A_247 = arith.constant 0 : i32
            %dma_start3A_248 = tpu.memref_slice %arg12[%add3A_235, %dma_start3A_247] : memref<157x128xi32, #tpu.memory_space<vmem>> -> memref<1x128xi32, #tpu.memory_space<vmem>>
            %dma_start3A_249 = tpu.memref_squeeze %dma_start3A_248 : memref<1x128xi32, #tpu.memory_space<vmem>> -> memref<128xi32, #tpu.memory_space<vmem>>
            %dma_start3A_250 = arith.constant 0 : i32
            %dma_start3A_251 = arith.constant 0 : i32
            %dma_start3A_252 = tpu.memref_slice %arg3[%dma_start3A_250, %dma_start3A_251] : memref<10000x64xbf16, #tpu.memory_space<hbm>> -> memref<10000x64xbf16, #tpu.memory_space<hbm>>
            %dma_start3A_253 = tpu.memref_slice %arg23[%dma_start3A_246] : memref<8x!tpu.dma_semaphore, #tpu.memory_space<semaphore_mem>> -> memref<1x!tpu.dma_semaphore, #tpu.memory_space<semaphore_mem>>
            %dma_start3A_254 = tpu.memref_squeeze %dma_start3A_253 : memref<1x!tpu.dma_semaphore, #tpu.memory_space<semaphore_mem>> -> memref<!tpu.dma_semaphore, #tpu.memory_space<semaphore_mem>>
            tpu.enqueue_indirect_dma source(%dma_start3A_252 : memref<10000x64xbf16, #tpu.memory_space<hbm>>) target(%arg14 : memref<128x64xbf16, #tpu.memory_space<vmem>>) offsets(%dma_start3A_249 : memref<128xi32, #tpu.memory_space<vmem>>) semaphore(%dma_start3A_254 : memref<!tpu.dma_semaphore, #tpu.memory_space<semaphore_mem>>)
          } else {
          }
        } else {
        }
      } else {
      }
      %mul3A_141 = arith.constant 8 : i32
      %mul3A_142 = arith.muli %scan3A_131, %mul3A_141 : i32
      %add3A_143 = arith.constant 1 : i32
      %add3A_144 = arith.addi %mul3A_142, %add3A_143 : i32
      %lt3A_145 = arith.cmpi slt, %add3A_144, %select_n3A : i32
      %convert_element_type3A_146 = arith.extui %lt3A_145 : i1 to i32
      %cond3A_147 = arith.constant 0 : i32
      %cond3A_148 = arith.cmpi ne, %convert_element_type3A_146, %cond3A_147 : i32
      scf.if %cond3A_148 {
        %dma_wait3A = arith.constant 1 : i32
        %dma_wait3A_198 = arith.constant 0 : i32
        %dma_wait3A_199 = tpu.memref_slice %arg12[%add3A_144, %dma_wait3A_198] : memref<157x128xi32, #tpu.memory_space<vmem>> -> memref<1x128xi32, #tpu.memory_space<vmem>>
        %dma_wait3A_200 = tpu.memref_squeeze %dma_wait3A_199 : memref<1x128xi32, #tpu.memory_space<vmem>> -> memref<128xi32, #tpu.memory_space<vmem>>
        %dma_wait3A_201 = arith.constant 0 : i32
        %dma_wait3A_202 = arith.constant 0 : i32
        %dma_wait3A_203 = tpu.memref_slice %arg2[%dma_wait3A_201, %dma_wait3A_202] : memref<10000x64xbf16, #tpu.memory_space<hbm>> -> memref<10000x64xbf16, #tpu.memory_space<hbm>>
        %dma_wait3A_204 = tpu.memref_slice %arg23[%dma_wait3A] : memref<8x!tpu.dma_semaphore, #tpu.memory_space<semaphore_mem>> -> memref<1x!tpu.dma_semaphore, #tpu.memory_space<semaphore_mem>>
        %dma_wait3A_205 = tpu.memref_squeeze %dma_wait3A_204 : memref<1x!tpu.dma_semaphore, #tpu.memory_space<semaphore_mem>> -> memref<!tpu.dma_semaphore, #tpu.memory_space<semaphore_mem>>
        tpu.wait_indirect_dma semaphore(%dma_wait3A_205 : memref<!tpu.dma_semaphore, #tpu.memory_space<semaphore_mem>>) src(%dma_wait3A_203 : memref<10000x64xbf16, #tpu.memory_space<hbm>>) dst(%arg15 : memref<128x64xbf16, #tpu.memory_space<vmem>>)
        %dma_start3A = arith.constant 1 : i32
        %dma_start3A_206 = arith.constant 0 : i32
        %dma_start3A_207 = tpu.memref_slice %arg13[%add3A_144, %dma_start3A_206] : memref<157x128xi32, #tpu.memory_space<vmem>> -> memref<1x128xi32, #tpu.memory_space<vmem>>
        %dma_start3A_208 = tpu.memref_squeeze %dma_start3A_207 : memref<1x128xi32, #tpu.memory_space<vmem>> -> memref<128xi32, #tpu.memory_space<vmem>>
        %dma_start3A_209 = arith.constant 0 : i32
        %dma_start3A_210 = arith.constant 0 : i32
        %dma_start3A_211 = tpu.memref_slice %arg22[%dma_start3A_209, %dma_start3A_210] : memref<10000x64xbf16, #tpu.memory_space<vmem_shared>> -> memref<10000x64xbf16, #tpu.memory_space<vmem_shared>>
        %dma_start3A_212 = tpu.memref_slice %arg24[%dma_start3A] : memref<8x!tpu.dma_semaphore, #tpu.memory_space<semaphore_mem>> -> memref<1x!tpu.dma_semaphore, #tpu.memory_space<semaphore_mem>>
        %dma_start3A_213 = tpu.memref_squeeze %dma_start3A_212 : memref<1x!tpu.dma_semaphore, #tpu.memory_space<semaphore_mem>> -> memref<!tpu.dma_semaphore, #tpu.memory_space<semaphore_mem>>
        tpu.enqueue_indirect_dma source(%arg15 : memref<128x64xbf16, #tpu.memory_space<vmem>>) target(%dma_start3A_211 : memref<10000x64xbf16, #tpu.memory_space<vmem_shared>>) offsets(%dma_start3A_208 : memref<128xi32, #tpu.memory_space<vmem>>) semaphore(%dma_start3A_213 : memref<!tpu.dma_semaphore, #tpu.memory_space<semaphore_mem>>) {add = true}
        %eq3A_214 = arith.constant 0 : i32
        %eq3A_215 = arith.cmpi eq, %arg0, %eq3A_214 : i32
        %convert_element_type3A_216 = arith.extui %eq3A_215 : i1 to i32
        %cond3A_217 = arith.constant 0 : i32
        %cond3A_218 = arith.cmpi ne, %convert_element_type3A_216, %cond3A_217 : i32
        scf.if %cond3A_218 {
          %dma_start3A_234 = arith.constant 1 : i32
          %dma_start3A_235 = arith.constant 0 : i32
          %dma_start3A_236 = tpu.memref_slice %arg13[%add3A_144, %dma_start3A_235] : memref<157x128xi32, #tpu.memory_space<vmem>> -> memref<1x128xi32, #tpu.memory_space<vmem>>
          %dma_start3A_237 = tpu.memref_squeeze %dma_start3A_236 : memref<1x128xi32, #tpu.memory_space<vmem>> -> memref<128xi32, #tpu.memory_space<vmem>>
          %dma_start3A_238 = arith.constant 0 : i32
          %dma_start3A_239 = tpu.memref_slice %arg27[%dma_start3A_238] : memref<10000xf32, #tpu.memory_space<vmem_shared>> -> memref<10000xf32, #tpu.memory_space<vmem_shared>>
          %dma_start3A_240 = tpu.memref_slice %arg25[%dma_start3A_234] : memref<8x!tpu.dma_semaphore, #tpu.memory_space<semaphore_mem>> -> memref<1x!tpu.dma_semaphore, #tpu.memory_space<semaphore_mem>>
          %dma_start3A_241 = tpu.memref_squeeze %dma_start3A_240 : memref<1x!tpu.dma_semaphore, #tpu.memory_space<semaphore_mem>> -> memref<!tpu.dma_semaphore, #tpu.memory_space<semaphore_mem>>
          tpu.enqueue_indirect_dma source(%arg26 : memref<128xf32, #tpu.memory_space<vmem>>) target(%dma_start3A_239 : memref<10000xf32, #tpu.memory_space<vmem_shared>>) offsets(%dma_start3A_237 : memref<128xi32, #tpu.memory_space<vmem>>) semaphore(%dma_start3A_241 : memref<!tpu.dma_semaphore, #tpu.memory_space<semaphore_mem>>) {add = true}
          %dma_wait3A_242 = arith.constant 1 : i32
          %dma_wait3A_243 = arith.constant 0 : i32
          %dma_wait3A_244 = tpu.memref_slice %arg13[%add3A_144, %dma_wait3A_243] : memref<157x128xi32, #tpu.memory_space<vmem>> -> memref<1x128xi32, #tpu.memory_space<vmem>>
          %dma_wait3A_245 = tpu.memref_squeeze %dma_wait3A_244 : memref<1x128xi32, #tpu.memory_space<vmem>> -> memref<128xi32, #tpu.memory_space<vmem>>
          %dma_wait3A_246 = arith.constant 0 : i32
          %dma_wait3A_247 = tpu.memref_slice %arg27[%dma_wait3A_246] : memref<10000xf32, #tpu.memory_space<vmem_shared>> -> memref<10000xf32, #tpu.memory_space<vmem_shared>>
          %dma_wait3A_248 = tpu.memref_slice %arg25[%dma_wait3A_242] : memref<8x!tpu.dma_semaphore, #tpu.memory_space<semaphore_mem>> -> memref<1x!tpu.dma_semaphore, #tpu.memory_space<semaphore_mem>>
          %dma_wait3A_249 = tpu.memref_squeeze %dma_wait3A_248 : memref<1x!tpu.dma_semaphore, #tpu.memory_space<semaphore_mem>> -> memref<!tpu.dma_semaphore, #tpu.memory_space<semaphore_mem>>
          tpu.wait_indirect_dma semaphore(%dma_wait3A_249 : memref<!tpu.dma_semaphore, #tpu.memory_space<semaphore_mem>>) src(%arg26 : memref<128xf32, #tpu.memory_space<vmem>>) dst(%dma_wait3A_247 : memref<10000xf32, #tpu.memory_space<vmem_shared>>)
        } else {
        }
        %dma_wait3A_219 = arith.constant 1 : i32
        %dma_wait3A_220 = arith.constant 0 : i32
        %dma_wait3A_221 = tpu.memref_slice %arg13[%add3A_144, %dma_wait3A_220] : memref<157x128xi32, #tpu.memory_space<vmem>> -> memref<1x128xi32, #tpu.memory_space<vmem>>
        %dma_wait3A_222 = tpu.memref_squeeze %dma_wait3A_221 : memref<1x128xi32, #tpu.memory_space<vmem>> -> memref<128xi32, #tpu.memory_space<vmem>>
        %dma_wait3A_223 = arith.constant 0 : i32
        %dma_wait3A_224 = arith.constant 0 : i32
        %dma_wait3A_225 = tpu.memref_slice %arg22[%dma_wait3A_223, %dma_wait3A_224] : memref<10000x64xbf16, #tpu.memory_space<vmem_shared>> -> memref<10000x64xbf16, #tpu.memory_space<vmem_shared>>
        %dma_wait3A_226 = tpu.memref_slice %arg24[%dma_wait3A_219] : memref<8x!tpu.dma_semaphore, #tpu.memory_space<semaphore_mem>> -> memref<1x!tpu.dma_semaphore, #tpu.memory_space<semaphore_mem>>
        %dma_wait3A_227 = tpu.memref_squeeze %dma_wait3A_226 : memref<1x!tpu.dma_semaphore, #tpu.memory_space<semaphore_mem>> -> memref<!tpu.dma_semaphore, #tpu.memory_space<semaphore_mem>>
        tpu.wait_indirect_dma semaphore(%dma_wait3A_227 : memref<!tpu.dma_semaphore, #tpu.memory_space<semaphore_mem>>) src(%arg15 : memref<128x64xbf16, #tpu.memory_space<vmem>>) dst(%dma_wait3A_225 : memref<10000x64xbf16, #tpu.memory_space<vmem_shared>>)
        %add3A_228 = arith.constant 8 : i32
        %add3A_229 = arith.addi %add3A_144, %add3A_228 : i32
        %lt3A_230 = arith.cmpi slt, %add3A_229, %select_n3A : i32
        %convert_element_type3A_231 = arith.extui %lt3A_230 : i1 to i32
        %cond3A_232 = arith.constant 0 : i32
        %cond3A_233 = arith.cmpi ne, %convert_element_type3A_231, %cond3A_232 : i32
        scf.if %cond3A_233 {
          %add3A_234 = arith.constant 8 : i32
          %add3A_235 = arith.addi %add3A_144, %add3A_234 : i32
          %eq3A_236 = arith.constant 0 : i32
          %eq3A_237 = arith.cmpi eq, %arg0, %eq3A_236 : i32
          %convert_element_type3A_238 = arith.extui %eq3A_237 : i1 to i32
          %cond3A_239 = arith.constant 0 : i32
          %cond3A_240 = arith.cmpi ne, %convert_element_type3A_238, %cond3A_239 : i32
          scf.if %cond3A_240 {
            %dma_start3A_246 = arith.constant 1 : i32
            %dma_start3A_247 = arith.constant 0 : i32
            %dma_start3A_248 = tpu.memref_slice %arg12[%add3A_235, %dma_start3A_247] : memref<157x128xi32, #tpu.memory_space<vmem>> -> memref<1x128xi32, #tpu.memory_space<vmem>>
            %dma_start3A_249 = tpu.memref_squeeze %dma_start3A_248 : memref<1x128xi32, #tpu.memory_space<vmem>> -> memref<128xi32, #tpu.memory_space<vmem>>
            %dma_start3A_250 = arith.constant 0 : i32
            %dma_start3A_251 = arith.constant 0 : i32
            %dma_start3A_252 = tpu.memref_slice %arg2[%dma_start3A_250, %dma_start3A_251] : memref<10000x64xbf16, #tpu.memory_space<hbm>> -> memref<10000x64xbf16, #tpu.memory_space<hbm>>
            %dma_start3A_253 = tpu.memref_slice %arg23[%dma_start3A_246] : memref<8x!tpu.dma_semaphore, #tpu.memory_space<semaphore_mem>> -> memref<1x!tpu.dma_semaphore, #tpu.memory_space<semaphore_mem>>
            %dma_start3A_254 = tpu.memref_squeeze %dma_start3A_253 : memref<1x!tpu.dma_semaphore, #tpu.memory_space<semaphore_mem>> -> memref<!tpu.dma_semaphore, #tpu.memory_space<semaphore_mem>>
            tpu.enqueue_indirect_dma source(%dma_start3A_252 : memref<10000x64xbf16, #tpu.memory_space<hbm>>) target(%arg15 : memref<128x64xbf16, #tpu.memory_space<vmem>>) offsets(%dma_start3A_249 : memref<128xi32, #tpu.memory_space<vmem>>) semaphore(%dma_start3A_254 : memref<!tpu.dma_semaphore, #tpu.memory_space<semaphore_mem>>)
          } else {
          }
          %eq3A_241 = arith.constant 1 : i32
          %eq3A_242 = arith.cmpi eq, %arg0, %eq3A_241 : i32
          %convert_element_type3A_243 = arith.extui %eq3A_242 : i1 to i32
          %cond3A_244 = arith.constant 0 : i32
          %cond3A_245 = arith.cmpi ne, %convert_element_type3A_243, %cond3A_244 : i32
          scf.if %cond3A_245 {
            %dma_start3A_246 = arith.constant 1 : i32
            %dma_start3A_247 = arith.constant 0 : i32
            %dma_start3A_248 = tpu.memref_slice %arg12[%add3A_235, %dma_start3A_247] : memref<157x128xi32, #tpu.memory_space<vmem>> -> memref<1x128xi32, #tpu.memory_space<vmem>>
            %dma_start3A_249 = tpu.memref_squeeze %dma_start3A_248 : memref<1x128xi32, #tpu.memory_space<vmem>> -> memref<128xi32, #tpu.memory_space<vmem>>
            %dma_start3A_250 = arith.constant 0 : i32
            %dma_start3A_251 = arith.constant 0 : i32
            %dma_start3A_252 = tpu.memref_slice %arg3[%dma_start3A_250, %dma_start3A_251] : memref<10000x64xbf16, #tpu.memory_space<hbm>> -> memref<10000x64xbf16, #tpu.memory_space<hbm>>
            %dma_start3A_253 = tpu.memref_slice %arg23[%dma_start3A_246] : memref<8x!tpu.dma_semaphore, #tpu.memory_space<semaphore_mem>> -> memref<1x!tpu.dma_semaphore, #tpu.memory_space<semaphore_mem>>
            %dma_start3A_254 = tpu.memref_squeeze %dma_start3A_253 : memref<1x!tpu.dma_semaphore, #tpu.memory_space<semaphore_mem>> -> memref<!tpu.dma_semaphore, #tpu.memory_space<semaphore_mem>>
            tpu.enqueue_indirect_dma source(%dma_start3A_252 : memref<10000x64xbf16, #tpu.memory_space<hbm>>) target(%arg15 : memref<128x64xbf16, #tpu.memory_space<vmem>>) offsets(%dma_start3A_249 : memref<128xi32, #tpu.memory_space<vmem>>) semaphore(%dma_start3A_254 : memref<!tpu.dma_semaphore, #tpu.memory_space<semaphore_mem>>)
          } else {
          }
        } else {
        }
      } else {
      }
      %mul3A_149 = arith.constant 8 : i32
      %mul3A_150 = arith.muli %scan3A_131, %mul3A_149 : i32
      %add3A_151 = arith.constant 2 : i32
      %add3A_152 = arith.addi %mul3A_150, %add3A_151 : i32
      %lt3A_153 = arith.cmpi slt, %add3A_152, %select_n3A : i32
      %convert_element_type3A_154 = arith.extui %lt3A_153 : i1 to i32
      %cond3A_155 = arith.constant 0 : i32
      %cond3A_156 = arith.cmpi ne, %convert_element_type3A_154, %cond3A_155 : i32
      scf.if %cond3A_156 {
        %dma_wait3A = arith.constant 2 : i32
        %dma_wait3A_198 = arith.constant 0 : i32
        %dma_wait3A_199 = tpu.memref_slice %arg12[%add3A_152, %dma_wait3A_198] : memref<157x128xi32, #tpu.memory_space<vmem>> -> memref<1x128xi32, #tpu.memory_space<vmem>>
        %dma_wait3A_200 = tpu.memref_squeeze %dma_wait3A_199 : memref<1x128xi32, #tpu.memory_space<vmem>> -> memref<128xi32, #tpu.memory_space<vmem>>
        %dma_wait3A_201 = arith.constant 0 : i32
        %dma_wait3A_202 = arith.constant 0 : i32
        %dma_wait3A_203 = tpu.memref_slice %arg2[%dma_wait3A_201, %dma_wait3A_202] : memref<10000x64xbf16, #tpu.memory_space<hbm>> -> memref<10000x64xbf16, #tpu.memory_space<hbm>>
        %dma_wait3A_204 = tpu.memref_slice %arg23[%dma_wait3A] : memref<8x!tpu.dma_semaphore, #tpu.memory_space<semaphore_mem>> -> memref<1x!tpu.dma_semaphore, #tpu.memory_space<semaphore_mem>>
        %dma_wait3A_205 = tpu.memref_squeeze %dma_wait3A_204 : memref<1x!tpu.dma_semaphore, #tpu.memory_space<semaphore_mem>> -> memref<!tpu.dma_semaphore, #tpu.memory_space<semaphore_mem>>
        tpu.wait_indirect_dma semaphore(%dma_wait3A_205 : memref<!tpu.dma_semaphore, #tpu.memory_space<semaphore_mem>>) src(%dma_wait3A_203 : memref<10000x64xbf16, #tpu.memory_space<hbm>>) dst(%arg16 : memref<128x64xbf16, #tpu.memory_space<vmem>>)
        %dma_start3A = arith.constant 2 : i32
        %dma_start3A_206 = arith.constant 0 : i32
        %dma_start3A_207 = tpu.memref_slice %arg13[%add3A_152, %dma_start3A_206] : memref<157x128xi32, #tpu.memory_space<vmem>> -> memref<1x128xi32, #tpu.memory_space<vmem>>
        %dma_start3A_208 = tpu.memref_squeeze %dma_start3A_207 : memref<1x128xi32, #tpu.memory_space<vmem>> -> memref<128xi32, #tpu.memory_space<vmem>>
        %dma_start3A_209 = arith.constant 0 : i32
        %dma_start3A_210 = arith.constant 0 : i32
        %dma_start3A_211 = tpu.memref_slice %arg22[%dma_start3A_209, %dma_start3A_210] : memref<10000x64xbf16, #tpu.memory_space<vmem_shared>> -> memref<10000x64xbf16, #tpu.memory_space<vmem_shared>>
        %dma_start3A_212 = tpu.memref_slice %arg24[%dma_start3A] : memref<8x!tpu.dma_semaphore, #tpu.memory_space<semaphore_mem>> -> memref<1x!tpu.dma_semaphore, #tpu.memory_space<semaphore_mem>>
        %dma_start3A_213 = tpu.memref_squeeze %dma_start3A_212 : memref<1x!tpu.dma_semaphore, #tpu.memory_space<semaphore_mem>> -> memref<!tpu.dma_semaphore, #tpu.memory_space<semaphore_mem>>
        tpu.enqueue_indirect_dma source(%arg16 : memref<128x64xbf16, #tpu.memory_space<vmem>>) target(%dma_start3A_211 : memref<10000x64xbf16, #tpu.memory_space<vmem_shared>>) offsets(%dma_start3A_208 : memref<128xi32, #tpu.memory_space<vmem>>) semaphore(%dma_start3A_213 : memref<!tpu.dma_semaphore, #tpu.memory_space<semaphore_mem>>) {add = true}
        %eq3A_214 = arith.constant 0 : i32
        %eq3A_215 = arith.cmpi eq, %arg0, %eq3A_214 : i32
        %convert_element_type3A_216 = arith.extui %eq3A_215 : i1 to i32
        %cond3A_217 = arith.constant 0 : i32
        %cond3A_218 = arith.cmpi ne, %convert_element_type3A_216, %cond3A_217 : i32
        scf.if %cond3A_218 {
          %dma_start3A_234 = arith.constant 2 : i32
          %dma_start3A_235 = arith.constant 0 : i32
          %dma_start3A_236 = tpu.memref_slice %arg13[%add3A_152, %dma_start3A_235] : memref<157x128xi32, #tpu.memory_space<vmem>> -> memref<1x128xi32, #tpu.memory_space<vmem>>
          %dma_start3A_237 = tpu.memref_squeeze %dma_start3A_236 : memref<1x128xi32, #tpu.memory_space<vmem>> -> memref<128xi32, #tpu.memory_space<vmem>>
          %dma_start3A_238 = arith.constant 0 : i32
          %dma_start3A_239 = tpu.memref_slice %arg27[%dma_start3A_238] : memref<10000xf32, #tpu.memory_space<vmem_shared>> -> memref<10000xf32, #tpu.memory_space<vmem_shared>>
          %dma_start3A_240 = tpu.memref_slice %arg25[%dma_start3A_234] : memref<8x!tpu.dma_semaphore, #tpu.memory_space<semaphore_mem>> -> memref<1x!tpu.dma_semaphore, #tpu.memory_space<semaphore_mem>>
          %dma_start3A_241 = tpu.memref_squeeze %dma_start3A_240 : memref<1x!tpu.dma_semaphore, #tpu.memory_space<semaphore_mem>> -> memref<!tpu.dma_semaphore, #tpu.memory_space<semaphore_mem>>
          tpu.enqueue_indirect_dma source(%arg26 : memref<128xf32, #tpu.memory_space<vmem>>) target(%dma_start3A_239 : memref<10000xf32, #tpu.memory_space<vmem_shared>>) offsets(%dma_start3A_237 : memref<128xi32, #tpu.memory_space<vmem>>) semaphore(%dma_start3A_241 : memref<!tpu.dma_semaphore, #tpu.memory_space<semaphore_mem>>) {add = true}
          %dma_wait3A_242 = arith.constant 2 : i32
          %dma_wait3A_243 = arith.constant 0 : i32
          %dma_wait3A_244 = tpu.memref_slice %arg13[%add3A_152, %dma_wait3A_243] : memref<157x128xi32, #tpu.memory_space<vmem>> -> memref<1x128xi32, #tpu.memory_space<vmem>>
          %dma_wait3A_245 = tpu.memref_squeeze %dma_wait3A_244 : memref<1x128xi32, #tpu.memory_space<vmem>> -> memref<128xi32, #tpu.memory_space<vmem>>
          %dma_wait3A_246 = arith.constant 0 : i32
          %dma_wait3A_247 = tpu.memref_slice %arg27[%dma_wait3A_246] : memref<10000xf32, #tpu.memory_space<vmem_shared>> -> memref<10000xf32, #tpu.memory_space<vmem_shared>>
          %dma_wait3A_248 = tpu.memref_slice %arg25[%dma_wait3A_242] : memref<8x!tpu.dma_semaphore, #tpu.memory_space<semaphore_mem>> -> memref<1x!tpu.dma_semaphore, #tpu.memory_space<semaphore_mem>>
          %dma_wait3A_249 = tpu.memref_squeeze %dma_wait3A_248 : memref<1x!tpu.dma_semaphore, #tpu.memory_space<semaphore_mem>> -> memref<!tpu.dma_semaphore, #tpu.memory_space<semaphore_mem>>
          tpu.wait_indirect_dma semaphore(%dma_wait3A_249 : memref<!tpu.dma_semaphore, #tpu.memory_space<semaphore_mem>>) src(%arg26 : memref<128xf32, #tpu.memory_space<vmem>>) dst(%dma_wait3A_247 : memref<10000xf32, #tpu.memory_space<vmem_shared>>)
        } else {
        }
        %dma_wait3A_219 = arith.constant 2 : i32
        %dma_wait3A_220 = arith.constant 0 : i32
        %dma_wait3A_221 = tpu.memref_slice %arg13[%add3A_152, %dma_wait3A_220] : memref<157x128xi32, #tpu.memory_space<vmem>> -> memref<1x128xi32, #tpu.memory_space<vmem>>
        %dma_wait3A_222 = tpu.memref_squeeze %dma_wait3A_221 : memref<1x128xi32, #tpu.memory_space<vmem>> -> memref<128xi32, #tpu.memory_space<vmem>>
        %dma_wait3A_223 = arith.constant 0 : i32
        %dma_wait3A_224 = arith.constant 0 : i32
        %dma_wait3A_225 = tpu.memref_slice %arg22[%dma_wait3A_223, %dma_wait3A_224] : memref<10000x64xbf16, #tpu.memory_space<vmem_shared>> -> memref<10000x64xbf16, #tpu.memory_space<vmem_shared>>
        %dma_wait3A_226 = tpu.memref_slice %arg24[%dma_wait3A_219] : memref<8x!tpu.dma_semaphore, #tpu.memory_space<semaphore_mem>> -> memref<1x!tpu.dma_semaphore, #tpu.memory_space<semaphore_mem>>
        %dma_wait3A_227 = tpu.memref_squeeze %dma_wait3A_226 : memref<1x!tpu.dma_semaphore, #tpu.memory_space<semaphore_mem>> -> memref<!tpu.dma_semaphore, #tpu.memory_space<semaphore_mem>>
        tpu.wait_indirect_dma semaphore(%dma_wait3A_227 : memref<!tpu.dma_semaphore, #tpu.memory_space<semaphore_mem>>) src(%arg16 : memref<128x64xbf16, #tpu.memory_space<vmem>>) dst(%dma_wait3A_225 : memref<10000x64xbf16, #tpu.memory_space<vmem_shared>>)
        %add3A_228 = arith.constant 8 : i32
        %add3A_229 = arith.addi %add3A_152, %add3A_228 : i32
        %lt3A_230 = arith.cmpi slt, %add3A_229, %select_n3A : i32
        %convert_element_type3A_231 = arith.extui %lt3A_230 : i1 to i32
        %cond3A_232 = arith.constant 0 : i32
        %cond3A_233 = arith.cmpi ne, %convert_element_type3A_231, %cond3A_232 : i32
        scf.if %cond3A_233 {
          %add3A_234 = arith.constant 8 : i32
          %add3A_235 = arith.addi %add3A_152, %add3A_234 : i32
          %eq3A_236 = arith.constant 0 : i32
          %eq3A_237 = arith.cmpi eq, %arg0, %eq3A_236 : i32
          %convert_element_type3A_238 = arith.extui %eq3A_237 : i1 to i32
          %cond3A_239 = arith.constant 0 : i32
          %cond3A_240 = arith.cmpi ne, %convert_element_type3A_238, %cond3A_239 : i32
          scf.if %cond3A_240 {
            %dma_start3A_246 = arith.constant 2 : i32
            %dma_start3A_247 = arith.constant 0 : i32
            %dma_start3A_248 = tpu.memref_slice %arg12[%add3A_235, %dma_start3A_247] : memref<157x128xi32, #tpu.memory_space<vmem>> -> memref<1x128xi32, #tpu.memory_space<vmem>>
            %dma_start3A_249 = tpu.memref_squeeze %dma_start3A_248 : memref<1x128xi32, #tpu.memory_space<vmem>> -> memref<128xi32, #tpu.memory_space<vmem>>
            %dma_start3A_250 = arith.constant 0 : i32
            %dma_start3A_251 = arith.constant 0 : i32
            %dma_start3A_252 = tpu.memref_slice %arg2[%dma_start3A_250, %dma_start3A_251] : memref<10000x64xbf16, #tpu.memory_space<hbm>> -> memref<10000x64xbf16, #tpu.memory_space<hbm>>
            %dma_start3A_253 = tpu.memref_slice %arg23[%dma_start3A_246] : memref<8x!tpu.dma_semaphore, #tpu.memory_space<semaphore_mem>> -> memref<1x!tpu.dma_semaphore, #tpu.memory_space<semaphore_mem>>
            %dma_start3A_254 = tpu.memref_squeeze %dma_start3A_253 : memref<1x!tpu.dma_semaphore, #tpu.memory_space<semaphore_mem>> -> memref<!tpu.dma_semaphore, #tpu.memory_space<semaphore_mem>>
            tpu.enqueue_indirect_dma source(%dma_start3A_252 : memref<10000x64xbf16, #tpu.memory_space<hbm>>) target(%arg16 : memref<128x64xbf16, #tpu.memory_space<vmem>>) offsets(%dma_start3A_249 : memref<128xi32, #tpu.memory_space<vmem>>) semaphore(%dma_start3A_254 : memref<!tpu.dma_semaphore, #tpu.memory_space<semaphore_mem>>)
          } else {
          }
          %eq3A_241 = arith.constant 1 : i32
          %eq3A_242 = arith.cmpi eq, %arg0, %eq3A_241 : i32
          %convert_element_type3A_243 = arith.extui %eq3A_242 : i1 to i32
          %cond3A_244 = arith.constant 0 : i32
          %cond3A_245 = arith.cmpi ne, %convert_element_type3A_243, %cond3A_244 : i32
          scf.if %cond3A_245 {
            %dma_start3A_246 = arith.constant 2 : i32
            %dma_start3A_247 = arith.constant 0 : i32
            %dma_start3A_248 = tpu.memref_slice %arg12[%add3A_235, %dma_start3A_247] : memref<157x128xi32, #tpu.memory_space<vmem>> -> memref<1x128xi32, #tpu.memory_space<vmem>>
            %dma_start3A_249 = tpu.memref_squeeze %dma_start3A_248 : memref<1x128xi32, #tpu.memory_space<vmem>> -> memref<128xi32, #tpu.memory_space<vmem>>
            %dma_start3A_250 = arith.constant 0 : i32
            %dma_start3A_251 = arith.constant 0 : i32
            %dma_start3A_252 = tpu.memref_slice %arg3[%dma_start3A_250, %dma_start3A_251] : memref<10000x64xbf16, #tpu.memory_space<hbm>> -> memref<10000x64xbf16, #tpu.memory_space<hbm>>
            %dma_start3A_253 = tpu.memref_slice %arg23[%dma_start3A_246] : memref<8x!tpu.dma_semaphore, #tpu.memory_space<semaphore_mem>> -> memref<1x!tpu.dma_semaphore, #tpu.memory_space<semaphore_mem>>
            %dma_start3A_254 = tpu.memref_squeeze %dma_start3A_253 : memref<1x!tpu.dma_semaphore, #tpu.memory_space<semaphore_mem>> -> memref<!tpu.dma_semaphore, #tpu.memory_space<semaphore_mem>>
            tpu.enqueue_indirect_dma source(%dma_start3A_252 : memref<10000x64xbf16, #tpu.memory_space<hbm>>) target(%arg16 : memref<128x64xbf16, #tpu.memory_space<vmem>>) offsets(%dma_start3A_249 : memref<128xi32, #tpu.memory_space<vmem>>) semaphore(%dma_start3A_254 : memref<!tpu.dma_semaphore, #tpu.memory_space<semaphore_mem>>)
          } else {
          }
        } else {
        }
      } else {
      }
      %mul3A_157 = arith.constant 8 : i32
      %mul3A_158 = arith.muli %scan3A_131, %mul3A_157 : i32
      %add3A_159 = arith.constant 3 : i32
      %add3A_160 = arith.addi %mul3A_158, %add3A_159 : i32
      %lt3A_161 = arith.cmpi slt, %add3A_160, %select_n3A : i32
      %convert_element_type3A_162 = arith.extui %lt3A_161 : i1 to i32
      %cond3A_163 = arith.constant 0 : i32
      %cond3A_164 = arith.cmpi ne, %convert_element_type3A_162, %cond3A_163 : i32
      scf.if %cond3A_164 {
        %dma_wait3A = arith.constant 3 : i32
        %dma_wait3A_198 = arith.constant 0 : i32
        %dma_wait3A_199 = tpu.memref_slice %arg12[%add3A_160, %dma_wait3A_198] : memref<157x128xi32, #tpu.memory_space<vmem>> -> memref<1x128xi32, #tpu.memory_space<vmem>>
        %dma_wait3A_200 = tpu.memref_squeeze %dma_wait3A_199 : memref<1x128xi32, #tpu.memory_space<vmem>> -> memref<128xi32, #tpu.memory_space<vmem>>
        %dma_wait3A_201 = arith.constant 0 : i32
        %dma_wait3A_202 = arith.constant 0 : i32
        %dma_wait3A_203 = tpu.memref_slice %arg2[%dma_wait3A_201, %dma_wait3A_202] : memref<10000x64xbf16, #tpu.memory_space<hbm>> -> memref<10000x64xbf16, #tpu.memory_space<hbm>>
        %dma_wait3A_204 = tpu.memref_slice %arg23[%dma_wait3A] : memref<8x!tpu.dma_semaphore, #tpu.memory_space<semaphore_mem>> -> memref<1x!tpu.dma_semaphore, #tpu.memory_space<semaphore_mem>>
        %dma_wait3A_205 = tpu.memref_squeeze %dma_wait3A_204 : memref<1x!tpu.dma_semaphore, #tpu.memory_space<semaphore_mem>> -> memref<!tpu.dma_semaphore, #tpu.memory_space<semaphore_mem>>
        tpu.wait_indirect_dma semaphore(%dma_wait3A_205 : memref<!tpu.dma_semaphore, #tpu.memory_space<semaphore_mem>>) src(%dma_wait3A_203 : memref<10000x64xbf16, #tpu.memory_space<hbm>>) dst(%arg17 : memref<128x64xbf16, #tpu.memory_space<vmem>>)
        %dma_start3A = arith.constant 3 : i32
        %dma_start3A_206 = arith.constant 0 : i32
        %dma_start3A_207 = tpu.memref_slice %arg13[%add3A_160, %dma_start3A_206] : memref<157x128xi32, #tpu.memory_space<vmem>> -> memref<1x128xi32, #tpu.memory_space<vmem>>
        %dma_start3A_208 = tpu.memref_squeeze %dma_start3A_207 : memref<1x128xi32, #tpu.memory_space<vmem>> -> memref<128xi32, #tpu.memory_space<vmem>>
        %dma_start3A_209 = arith.constant 0 : i32
        %dma_start3A_210 = arith.constant 0 : i32
        %dma_start3A_211 = tpu.memref_slice %arg22[%dma_start3A_209, %dma_start3A_210] : memref<10000x64xbf16, #tpu.memory_space<vmem_shared>> -> memref<10000x64xbf16, #tpu.memory_space<vmem_shared>>
        %dma_start3A_212 = tpu.memref_slice %arg24[%dma_start3A] : memref<8x!tpu.dma_semaphore, #tpu.memory_space<semaphore_mem>> -> memref<1x!tpu.dma_semaphore, #tpu.memory_space<semaphore_mem>>
        %dma_start3A_213 = tpu.memref_squeeze %dma_start3A_212 : memref<1x!tpu.dma_semaphore, #tpu.memory_space<semaphore_mem>> -> memref<!tpu.dma_semaphore, #tpu.memory_space<semaphore_mem>>
        tpu.enqueue_indirect_dma source(%arg17 : memref<128x64xbf16, #tpu.memory_space<vmem>>) target(%dma_start3A_211 : memref<10000x64xbf16, #tpu.memory_space<vmem_shared>>) offsets(%dma_start3A_208 : memref<128xi32, #tpu.memory_space<vmem>>) semaphore(%dma_start3A_213 : memref<!tpu.dma_semaphore, #tpu.memory_space<semaphore_mem>>) {add = true}
        %eq3A_214 = arith.constant 0 : i32
        %eq3A_215 = arith.cmpi eq, %arg0, %eq3A_214 : i32
        %convert_element_type3A_216 = arith.extui %eq3A_215 : i1 to i32
        %cond3A_217 = arith.constant 0 : i32
        %cond3A_218 = arith.cmpi ne, %convert_element_type3A_216, %cond3A_217 : i32
        scf.if %cond3A_218 {
          %dma_start3A_234 = arith.constant 3 : i32
          %dma_start3A_235 = arith.constant 0 : i32
          %dma_start3A_236 = tpu.memref_slice %arg13[%add3A_160, %dma_start3A_235] : memref<157x128xi32, #tpu.memory_space<vmem>> -> memref<1x128xi32, #tpu.memory_space<vmem>>
          %dma_start3A_237 = tpu.memref_squeeze %dma_start3A_236 : memref<1x128xi32, #tpu.memory_space<vmem>> -> memref<128xi32, #tpu.memory_space<vmem>>
          %dma_start3A_238 = arith.constant 0 : i32
          %dma_start3A_239 = tpu.memref_slice %arg27[%dma_start3A_238] : memref<10000xf32, #tpu.memory_space<vmem_shared>> -> memref<10000xf32, #tpu.memory_space<vmem_shared>>
          %dma_start3A_240 = tpu.memref_slice %arg25[%dma_start3A_234] : memref<8x!tpu.dma_semaphore, #tpu.memory_space<semaphore_mem>> -> memref<1x!tpu.dma_semaphore, #tpu.memory_space<semaphore_mem>>
          %dma_start3A_241 = tpu.memref_squeeze %dma_start3A_240 : memref<1x!tpu.dma_semaphore, #tpu.memory_space<semaphore_mem>> -> memref<!tpu.dma_semaphore, #tpu.memory_space<semaphore_mem>>
          tpu.enqueue_indirect_dma source(%arg26 : memref<128xf32, #tpu.memory_space<vmem>>) target(%dma_start3A_239 : memref<10000xf32, #tpu.memory_space<vmem_shared>>) offsets(%dma_start3A_237 : memref<128xi32, #tpu.memory_space<vmem>>) semaphore(%dma_start3A_241 : memref<!tpu.dma_semaphore, #tpu.memory_space<semaphore_mem>>) {add = true}
          %dma_wait3A_242 = arith.constant 3 : i32
          %dma_wait3A_243 = arith.constant 0 : i32
          %dma_wait3A_244 = tpu.memref_slice %arg13[%add3A_160, %dma_wait3A_243] : memref<157x128xi32, #tpu.memory_space<vmem>> -> memref<1x128xi32, #tpu.memory_space<vmem>>
          %dma_wait3A_245 = tpu.memref_squeeze %dma_wait3A_244 : memref<1x128xi32, #tpu.memory_space<vmem>> -> memref<128xi32, #tpu.memory_space<vmem>>
          %dma_wait3A_246 = arith.constant 0 : i32
          %dma_wait3A_247 = tpu.memref_slice %arg27[%dma_wait3A_246] : memref<10000xf32, #tpu.memory_space<vmem_shared>> -> memref<10000xf32, #tpu.memory_space<vmem_shared>>
          %dma_wait3A_248 = tpu.memref_slice %arg25[%dma_wait3A_242] : memref<8x!tpu.dma_semaphore, #tpu.memory_space<semaphore_mem>> -> memref<1x!tpu.dma_semaphore, #tpu.memory_space<semaphore_mem>>
          %dma_wait3A_249 = tpu.memref_squeeze %dma_wait3A_248 : memref<1x!tpu.dma_semaphore, #tpu.memory_space<semaphore_mem>> -> memref<!tpu.dma_semaphore, #tpu.memory_space<semaphore_mem>>
          tpu.wait_indirect_dma semaphore(%dma_wait3A_249 : memref<!tpu.dma_semaphore, #tpu.memory_space<semaphore_mem>>) src(%arg26 : memref<128xf32, #tpu.memory_space<vmem>>) dst(%dma_wait3A_247 : memref<10000xf32, #tpu.memory_space<vmem_shared>>)
        } else {
        }
        %dma_wait3A_219 = arith.constant 3 : i32
        %dma_wait3A_220 = arith.constant 0 : i32
        %dma_wait3A_221 = tpu.memref_slice %arg13[%add3A_160, %dma_wait3A_220] : memref<157x128xi32, #tpu.memory_space<vmem>> -> memref<1x128xi32, #tpu.memory_space<vmem>>
        %dma_wait3A_222 = tpu.memref_squeeze %dma_wait3A_221 : memref<1x128xi32, #tpu.memory_space<vmem>> -> memref<128xi32, #tpu.memory_space<vmem>>
        %dma_wait3A_223 = arith.constant 0 : i32
        %dma_wait3A_224 = arith.constant 0 : i32
        %dma_wait3A_225 = tpu.memref_slice %arg22[%dma_wait3A_223, %dma_wait3A_224] : memref<10000x64xbf16, #tpu.memory_space<vmem_shared>> -> memref<10000x64xbf16, #tpu.memory_space<vmem_shared>>
        %dma_wait3A_226 = tpu.memref_slice %arg24[%dma_wait3A_219] : memref<8x!tpu.dma_semaphore, #tpu.memory_space<semaphore_mem>> -> memref<1x!tpu.dma_semaphore, #tpu.memory_space<semaphore_mem>>
        %dma_wait3A_227 = tpu.memref_squeeze %dma_wait3A_226 : memref<1x!tpu.dma_semaphore, #tpu.memory_space<semaphore_mem>> -> memref<!tpu.dma_semaphore, #tpu.memory_space<semaphore_mem>>
        tpu.wait_indirect_dma semaphore(%dma_wait3A_227 : memref<!tpu.dma_semaphore, #tpu.memory_space<semaphore_mem>>) src(%arg17 : memref<128x64xbf16, #tpu.memory_space<vmem>>) dst(%dma_wait3A_225 : memref<10000x64xbf16, #tpu.memory_space<vmem_shared>>)
        %add3A_228 = arith.constant 8 : i32
        %add3A_229 = arith.addi %add3A_160, %add3A_228 : i32
        %lt3A_230 = arith.cmpi slt, %add3A_229, %select_n3A : i32
        %convert_element_type3A_231 = arith.extui %lt3A_230 : i1 to i32
        %cond3A_232 = arith.constant 0 : i32
        %cond3A_233 = arith.cmpi ne, %convert_element_type3A_231, %cond3A_232 : i32
        scf.if %cond3A_233 {
          %add3A_234 = arith.constant 8 : i32
          %add3A_235 = arith.addi %add3A_160, %add3A_234 : i32
          %eq3A_236 = arith.constant 0 : i32
          %eq3A_237 = arith.cmpi eq, %arg0, %eq3A_236 : i32
          %convert_element_type3A_238 = arith.extui %eq3A_237 : i1 to i32
          %cond3A_239 = arith.constant 0 : i32
          %cond3A_240 = arith.cmpi ne, %convert_element_type3A_238, %cond3A_239 : i32
          scf.if %cond3A_240 {
            %dma_start3A_246 = arith.constant 3 : i32
            %dma_start3A_247 = arith.constant 0 : i32
            %dma_start3A_248 = tpu.memref_slice %arg12[%add3A_235, %dma_start3A_247] : memref<157x128xi32, #tpu.memory_space<vmem>> -> memref<1x128xi32, #tpu.memory_space<vmem>>
            %dma_start3A_249 = tpu.memref_squeeze %dma_start3A_248 : memref<1x128xi32, #tpu.memory_space<vmem>> -> memref<128xi32, #tpu.memory_space<vmem>>
            %dma_start3A_250 = arith.constant 0 : i32
            %dma_start3A_251 = arith.constant 0 : i32
            %dma_start3A_252 = tpu.memref_slice %arg2[%dma_start3A_250, %dma_start3A_251] : memref<10000x64xbf16, #tpu.memory_space<hbm>> -> memref<10000x64xbf16, #tpu.memory_space<hbm>>
            %dma_start3A_253 = tpu.memref_slice %arg23[%dma_start3A_246] : memref<8x!tpu.dma_semaphore, #tpu.memory_space<semaphore_mem>> -> memref<1x!tpu.dma_semaphore, #tpu.memory_space<semaphore_mem>>
            %dma_start3A_254 = tpu.memref_squeeze %dma_start3A_253 : memref<1x!tpu.dma_semaphore, #tpu.memory_space<semaphore_mem>> -> memref<!tpu.dma_semaphore, #tpu.memory_space<semaphore_mem>>
            tpu.enqueue_indirect_dma source(%dma_start3A_252 : memref<10000x64xbf16, #tpu.memory_space<hbm>>) target(%arg17 : memref<128x64xbf16, #tpu.memory_space<vmem>>) offsets(%dma_start3A_249 : memref<128xi32, #tpu.memory_space<vmem>>) semaphore(%dma_start3A_254 : memref<!tpu.dma_semaphore, #tpu.memory_space<semaphore_mem>>)
          } else {
          }
          %eq3A_241 = arith.constant 1 : i32
          %eq3A_242 = arith.cmpi eq, %arg0, %eq3A_241 : i32
          %convert_element_type3A_243 = arith.extui %eq3A_242 : i1 to i32
          %cond3A_244 = arith.constant 0 : i32
          %cond3A_245 = arith.cmpi ne, %convert_element_type3A_243, %cond3A_244 : i32
          scf.if %cond3A_245 {
            %dma_start3A_246 = arith.constant 3 : i32
            %dma_start3A_247 = arith.constant 0 : i32
            %dma_start3A_248 = tpu.memref_slice %arg12[%add3A_235, %dma_start3A_247] : memref<157x128xi32, #tpu.memory_space<vmem>> -> memref<1x128xi32, #tpu.memory_space<vmem>>
            %dma_start3A_249 = tpu.memref_squeeze %dma_start3A_248 : memref<1x128xi32, #tpu.memory_space<vmem>> -> memref<128xi32, #tpu.memory_space<vmem>>
            %dma_start3A_250 = arith.constant 0 : i32
            %dma_start3A_251 = arith.constant 0 : i32
            %dma_start3A_252 = tpu.memref_slice %arg3[%dma_start3A_250, %dma_start3A_251] : memref<10000x64xbf16, #tpu.memory_space<hbm>> -> memref<10000x64xbf16, #tpu.memory_space<hbm>>
            %dma_start3A_253 = tpu.memref_slice %arg23[%dma_start3A_246] : memref<8x!tpu.dma_semaphore, #tpu.memory_space<semaphore_mem>> -> memref<1x!tpu.dma_semaphore, #tpu.memory_space<semaphore_mem>>
            %dma_start3A_254 = tpu.memref_squeeze %dma_start3A_253 : memref<1x!tpu.dma_semaphore, #tpu.memory_space<semaphore_mem>> -> memref<!tpu.dma_semaphore, #tpu.memory_space<semaphore_mem>>
            tpu.enqueue_indirect_dma source(%dma_start3A_252 : memref<10000x64xbf16, #tpu.memory_space<hbm>>) target(%arg17 : memref<128x64xbf16, #tpu.memory_space<vmem>>) offsets(%dma_start3A_249 : memref<128xi32, #tpu.memory_space<vmem>>) semaphore(%dma_start3A_254 : memref<!tpu.dma_semaphore, #tpu.memory_space<semaphore_mem>>)
          } else {
          }
        } else {
        }
      } else {
      }
      %mul3A_165 = arith.constant 8 : i32
      %mul3A_166 = arith.muli %scan3A_131, %mul3A_165 : i32
      %add3A_167 = arith.constant 4 : i32
      %add3A_168 = arith.addi %mul3A_166, %add3A_167 : i32
      %lt3A_169 = arith.cmpi slt, %add3A_168, %select_n3A : i32
      %convert_element_type3A_170 = arith.extui %lt3A_169 : i1 to i32
      %cond3A_171 = arith.constant 0 : i32
      %cond3A_172 = arith.cmpi ne, %convert_element_type3A_170, %cond3A_171 : i32
      scf.if %cond3A_172 {
        %dma_wait3A = arith.constant 4 : i32
        %dma_wait3A_198 = arith.constant 0 : i32
        %dma_wait3A_199 = tpu.memref_slice %arg12[%add3A_168, %dma_wait3A_198] : memref<157x128xi32, #tpu.memory_space<vmem>> -> memref<1x128xi32, #tpu.memory_space<vmem>>
        %dma_wait3A_200 = tpu.memref_squeeze %dma_wait3A_199 : memref<1x128xi32, #tpu.memory_space<vmem>> -> memref<128xi32, #tpu.memory_space<vmem>>
        %dma_wait3A_201 = arith.constant 0 : i32
        %dma_wait3A_202 = arith.constant 0 : i32
        %dma_wait3A_203 = tpu.memref_slice %arg2[%dma_wait3A_201, %dma_wait3A_202] : memref<10000x64xbf16, #tpu.memory_space<hbm>> -> memref<10000x64xbf16, #tpu.memory_space<hbm>>
        %dma_wait3A_204 = tpu.memref_slice %arg23[%dma_wait3A] : memref<8x!tpu.dma_semaphore, #tpu.memory_space<semaphore_mem>> -> memref<1x!tpu.dma_semaphore, #tpu.memory_space<semaphore_mem>>
        %dma_wait3A_205 = tpu.memref_squeeze %dma_wait3A_204 : memref<1x!tpu.dma_semaphore, #tpu.memory_space<semaphore_mem>> -> memref<!tpu.dma_semaphore, #tpu.memory_space<semaphore_mem>>
        tpu.wait_indirect_dma semaphore(%dma_wait3A_205 : memref<!tpu.dma_semaphore, #tpu.memory_space<semaphore_mem>>) src(%dma_wait3A_203 : memref<10000x64xbf16, #tpu.memory_space<hbm>>) dst(%arg18 : memref<128x64xbf16, #tpu.memory_space<vmem>>)
        %dma_start3A = arith.constant 4 : i32
        %dma_start3A_206 = arith.constant 0 : i32
        %dma_start3A_207 = tpu.memref_slice %arg13[%add3A_168, %dma_start3A_206] : memref<157x128xi32, #tpu.memory_space<vmem>> -> memref<1x128xi32, #tpu.memory_space<vmem>>
        %dma_start3A_208 = tpu.memref_squeeze %dma_start3A_207 : memref<1x128xi32, #tpu.memory_space<vmem>> -> memref<128xi32, #tpu.memory_space<vmem>>
        %dma_start3A_209 = arith.constant 0 : i32
        %dma_start3A_210 = arith.constant 0 : i32
        %dma_start3A_211 = tpu.memref_slice %arg22[%dma_start3A_209, %dma_start3A_210] : memref<10000x64xbf16, #tpu.memory_space<vmem_shared>> -> memref<10000x64xbf16, #tpu.memory_space<vmem_shared>>
        %dma_start3A_212 = tpu.memref_slice %arg24[%dma_start3A] : memref<8x!tpu.dma_semaphore, #tpu.memory_space<semaphore_mem>> -> memref<1x!tpu.dma_semaphore, #tpu.memory_space<semaphore_mem>>
        %dma_start3A_213 = tpu.memref_squeeze %dma_start3A_212 : memref<1x!tpu.dma_semaphore, #tpu.memory_space<semaphore_mem>> -> memref<!tpu.dma_semaphore, #tpu.memory_space<semaphore_mem>>
        tpu.enqueue_indirect_dma source(%arg18 : memref<128x64xbf16, #tpu.memory_space<vmem>>) target(%dma_start3A_211 : memref<10000x64xbf16, #tpu.memory_space<vmem_shared>>) offsets(%dma_start3A_208 : memref<128xi32, #tpu.memory_space<vmem>>) semaphore(%dma_start3A_213 : memref<!tpu.dma_semaphore, #tpu.memory_space<semaphore_mem>>) {add = true}
        %eq3A_214 = arith.constant 0 : i32
        %eq3A_215 = arith.cmpi eq, %arg0, %eq3A_214 : i32
        %convert_element_type3A_216 = arith.extui %eq3A_215 : i1 to i32
        %cond3A_217 = arith.constant 0 : i32
        %cond3A_218 = arith.cmpi ne, %convert_element_type3A_216, %cond3A_217 : i32
        scf.if %cond3A_218 {
          %dma_start3A_234 = arith.constant 4 : i32
          %dma_start3A_235 = arith.constant 0 : i32
          %dma_start3A_236 = tpu.memref_slice %arg13[%add3A_168, %dma_start3A_235] : memref<157x128xi32, #tpu.memory_space<vmem>> -> memref<1x128xi32, #tpu.memory_space<vmem>>
          %dma_start3A_237 = tpu.memref_squeeze %dma_start3A_236 : memref<1x128xi32, #tpu.memory_space<vmem>> -> memref<128xi32, #tpu.memory_space<vmem>>
          %dma_start3A_238 = arith.constant 0 : i32
          %dma_start3A_239 = tpu.memref_slice %arg27[%dma_start3A_238] : memref<10000xf32, #tpu.memory_space<vmem_shared>> -> memref<10000xf32, #tpu.memory_space<vmem_shared>>
          %dma_start3A_240 = tpu.memref_slice %arg25[%dma_start3A_234] : memref<8x!tpu.dma_semaphore, #tpu.memory_space<semaphore_mem>> -> memref<1x!tpu.dma_semaphore, #tpu.memory_space<semaphore_mem>>
          %dma_start3A_241 = tpu.memref_squeeze %dma_start3A_240 : memref<1x!tpu.dma_semaphore, #tpu.memory_space<semaphore_mem>> -> memref<!tpu.dma_semaphore, #tpu.memory_space<semaphore_mem>>
          tpu.enqueue_indirect_dma source(%arg26 : memref<128xf32, #tpu.memory_space<vmem>>) target(%dma_start3A_239 : memref<10000xf32, #tpu.memory_space<vmem_shared>>) offsets(%dma_start3A_237 : memref<128xi32, #tpu.memory_space<vmem>>) semaphore(%dma_start3A_241 : memref<!tpu.dma_semaphore, #tpu.memory_space<semaphore_mem>>) {add = true}
          %dma_wait3A_242 = arith.constant 4 : i32
          %dma_wait3A_243 = arith.constant 0 : i32
          %dma_wait3A_244 = tpu.memref_slice %arg13[%add3A_168, %dma_wait3A_243] : memref<157x128xi32, #tpu.memory_space<vmem>> -> memref<1x128xi32, #tpu.memory_space<vmem>>
          %dma_wait3A_245 = tpu.memref_squeeze %dma_wait3A_244 : memref<1x128xi32, #tpu.memory_space<vmem>> -> memref<128xi32, #tpu.memory_space<vmem>>
          %dma_wait3A_246 = arith.constant 0 : i32
          %dma_wait3A_247 = tpu.memref_slice %arg27[%dma_wait3A_246] : memref<10000xf32, #tpu.memory_space<vmem_shared>> -> memref<10000xf32, #tpu.memory_space<vmem_shared>>
          %dma_wait3A_248 = tpu.memref_slice %arg25[%dma_wait3A_242] : memref<8x!tpu.dma_semaphore, #tpu.memory_space<semaphore_mem>> -> memref<1x!tpu.dma_semaphore, #tpu.memory_space<semaphore_mem>>
          %dma_wait3A_249 = tpu.memref_squeeze %dma_wait3A_248 : memref<1x!tpu.dma_semaphore, #tpu.memory_space<semaphore_mem>> -> memref<!tpu.dma_semaphore, #tpu.memory_space<semaphore_mem>>
          tpu.wait_indirect_dma semaphore(%dma_wait3A_249 : memref<!tpu.dma_semaphore, #tpu.memory_space<semaphore_mem>>) src(%arg26 : memref<128xf32, #tpu.memory_space<vmem>>) dst(%dma_wait3A_247 : memref<10000xf32, #tpu.memory_space<vmem_shared>>)
        } else {
        }
        %dma_wait3A_219 = arith.constant 4 : i32
        %dma_wait3A_220 = arith.constant 0 : i32
        %dma_wait3A_221 = tpu.memref_slice %arg13[%add3A_168, %dma_wait3A_220] : memref<157x128xi32, #tpu.memory_space<vmem>> -> memref<1x128xi32, #tpu.memory_space<vmem>>
        %dma_wait3A_222 = tpu.memref_squeeze %dma_wait3A_221 : memref<1x128xi32, #tpu.memory_space<vmem>> -> memref<128xi32, #tpu.memory_space<vmem>>
        %dma_wait3A_223 = arith.constant 0 : i32
        %dma_wait3A_224 = arith.constant 0 : i32
        %dma_wait3A_225 = tpu.memref_slice %arg22[%dma_wait3A_223, %dma_wait3A_224] : memref<10000x64xbf16, #tpu.memory_space<vmem_shared>> -> memref<10000x64xbf16, #tpu.memory_space<vmem_shared>>
        %dma_wait3A_226 = tpu.memref_slice %arg24[%dma_wait3A_219] : memref<8x!tpu.dma_semaphore, #tpu.memory_space<semaphore_mem>> -> memref<1x!tpu.dma_semaphore, #tpu.memory_space<semaphore_mem>>
        %dma_wait3A_227 = tpu.memref_squeeze %dma_wait3A_226 : memref<1x!tpu.dma_semaphore, #tpu.memory_space<semaphore_mem>> -> memref<!tpu.dma_semaphore, #tpu.memory_space<semaphore_mem>>
        tpu.wait_indirect_dma semaphore(%dma_wait3A_227 : memref<!tpu.dma_semaphore, #tpu.memory_space<semaphore_mem>>) src(%arg18 : memref<128x64xbf16, #tpu.memory_space<vmem>>) dst(%dma_wait3A_225 : memref<10000x64xbf16, #tpu.memory_space<vmem_shared>>)
        %add3A_228 = arith.constant 8 : i32
        %add3A_229 = arith.addi %add3A_168, %add3A_228 : i32
        %lt3A_230 = arith.cmpi slt, %add3A_229, %select_n3A : i32
        %convert_element_type3A_231 = arith.extui %lt3A_230 : i1 to i32
        %cond3A_232 = arith.constant 0 : i32
        %cond3A_233 = arith.cmpi ne, %convert_element_type3A_231, %cond3A_232 : i32
        scf.if %cond3A_233 {
          %add3A_234 = arith.constant 8 : i32
          %add3A_235 = arith.addi %add3A_168, %add3A_234 : i32
          %eq3A_236 = arith.constant 0 : i32
          %eq3A_237 = arith.cmpi eq, %arg0, %eq3A_236 : i32
          %convert_element_type3A_238 = arith.extui %eq3A_237 : i1 to i32
          %cond3A_239 = arith.constant 0 : i32
          %cond3A_240 = arith.cmpi ne, %convert_element_type3A_238, %cond3A_239 : i32
          scf.if %cond3A_240 {
            %dma_start3A_246 = arith.constant 4 : i32
            %dma_start3A_247 = arith.constant 0 : i32
            %dma_start3A_248 = tpu.memref_slice %arg12[%add3A_235, %dma_start3A_247] : memref<157x128xi32, #tpu.memory_space<vmem>> -> memref<1x128xi32, #tpu.memory_space<vmem>>
            %dma_start3A_249 = tpu.memref_squeeze %dma_start3A_248 : memref<1x128xi32, #tpu.memory_space<vmem>> -> memref<128xi32, #tpu.memory_space<vmem>>
            %dma_start3A_250 = arith.constant 0 : i32
            %dma_start3A_251 = arith.constant 0 : i32
            %dma_start3A_252 = tpu.memref_slice %arg2[%dma_start3A_250, %dma_start3A_251] : memref<10000x64xbf16, #tpu.memory_space<hbm>> -> memref<10000x64xbf16, #tpu.memory_space<hbm>>
            %dma_start3A_253 = tpu.memref_slice %arg23[%dma_start3A_246] : memref<8x!tpu.dma_semaphore, #tpu.memory_space<semaphore_mem>> -> memref<1x!tpu.dma_semaphore, #tpu.memory_space<semaphore_mem>>
            %dma_start3A_254 = tpu.memref_squeeze %dma_start3A_253 : memref<1x!tpu.dma_semaphore, #tpu.memory_space<semaphore_mem>> -> memref<!tpu.dma_semaphore, #tpu.memory_space<semaphore_mem>>
            tpu.enqueue_indirect_dma source(%dma_start3A_252 : memref<10000x64xbf16, #tpu.memory_space<hbm>>) target(%arg18 : memref<128x64xbf16, #tpu.memory_space<vmem>>) offsets(%dma_start3A_249 : memref<128xi32, #tpu.memory_space<vmem>>) semaphore(%dma_start3A_254 : memref<!tpu.dma_semaphore, #tpu.memory_space<semaphore_mem>>)
          } else {
          }
          %eq3A_241 = arith.constant 1 : i32
          %eq3A_242 = arith.cmpi eq, %arg0, %eq3A_241 : i32
          %convert_element_type3A_243 = arith.extui %eq3A_242 : i1 to i32
          %cond3A_244 = arith.constant 0 : i32
          %cond3A_245 = arith.cmpi ne, %convert_element_type3A_243, %cond3A_244 : i32
          scf.if %cond3A_245 {
            %dma_start3A_246 = arith.constant 4 : i32
            %dma_start3A_247 = arith.constant 0 : i32
            %dma_start3A_248 = tpu.memref_slice %arg12[%add3A_235, %dma_start3A_247] : memref<157x128xi32, #tpu.memory_space<vmem>> -> memref<1x128xi32, #tpu.memory_space<vmem>>
            %dma_start3A_249 = tpu.memref_squeeze %dma_start3A_248 : memref<1x128xi32, #tpu.memory_space<vmem>> -> memref<128xi32, #tpu.memory_space<vmem>>
            %dma_start3A_250 = arith.constant 0 : i32
            %dma_start3A_251 = arith.constant 0 : i32
            %dma_start3A_252 = tpu.memref_slice %arg3[%dma_start3A_250, %dma_start3A_251] : memref<10000x64xbf16, #tpu.memory_space<hbm>> -> memref<10000x64xbf16, #tpu.memory_space<hbm>>
            %dma_start3A_253 = tpu.memref_slice %arg23[%dma_start3A_246] : memref<8x!tpu.dma_semaphore, #tpu.memory_space<semaphore_mem>> -> memref<1x!tpu.dma_semaphore, #tpu.memory_space<semaphore_mem>>
            %dma_start3A_254 = tpu.memref_squeeze %dma_start3A_253 : memref<1x!tpu.dma_semaphore, #tpu.memory_space<semaphore_mem>> -> memref<!tpu.dma_semaphore, #tpu.memory_space<semaphore_mem>>
            tpu.enqueue_indirect_dma source(%dma_start3A_252 : memref<10000x64xbf16, #tpu.memory_space<hbm>>) target(%arg18 : memref<128x64xbf16, #tpu.memory_space<vmem>>) offsets(%dma_start3A_249 : memref<128xi32, #tpu.memory_space<vmem>>) semaphore(%dma_start3A_254 : memref<!tpu.dma_semaphore, #tpu.memory_space<semaphore_mem>>)
          } else {
          }
        } else {
        }
      } else {
      }
      %mul3A_173 = arith.constant 8 : i32
      %mul3A_174 = arith.muli %scan3A_131, %mul3A_173 : i32
      %add3A_175 = arith.constant 5 : i32
      %add3A_176 = arith.addi %mul3A_174, %add3A_175 : i32
      %lt3A_177 = arith.cmpi slt, %add3A_176, %select_n3A : i32
      %convert_element_type3A_178 = arith.extui %lt3A_177 : i1 to i32
      %cond3A_179 = arith.constant 0 : i32
      %cond3A_180 = arith.cmpi ne, %convert_element_type3A_178, %cond3A_179 : i32
      scf.if %cond3A_180 {
        %dma_wait3A = arith.constant 5 : i32
        %dma_wait3A_198 = arith.constant 0 : i32
        %dma_wait3A_199 = tpu.memref_slice %arg12[%add3A_176, %dma_wait3A_198] : memref<157x128xi32, #tpu.memory_space<vmem>> -> memref<1x128xi32, #tpu.memory_space<vmem>>
        %dma_wait3A_200 = tpu.memref_squeeze %dma_wait3A_199 : memref<1x128xi32, #tpu.memory_space<vmem>> -> memref<128xi32, #tpu.memory_space<vmem>>
        %dma_wait3A_201 = arith.constant 0 : i32
        %dma_wait3A_202 = arith.constant 0 : i32
        %dma_wait3A_203 = tpu.memref_slice %arg2[%dma_wait3A_201, %dma_wait3A_202] : memref<10000x64xbf16, #tpu.memory_space<hbm>> -> memref<10000x64xbf16, #tpu.memory_space<hbm>>
        %dma_wait3A_204 = tpu.memref_slice %arg23[%dma_wait3A] : memref<8x!tpu.dma_semaphore, #tpu.memory_space<semaphore_mem>> -> memref<1x!tpu.dma_semaphore, #tpu.memory_space<semaphore_mem>>
        %dma_wait3A_205 = tpu.memref_squeeze %dma_wait3A_204 : memref<1x!tpu.dma_semaphore, #tpu.memory_space<semaphore_mem>> -> memref<!tpu.dma_semaphore, #tpu.memory_space<semaphore_mem>>
        tpu.wait_indirect_dma semaphore(%dma_wait3A_205 : memref<!tpu.dma_semaphore, #tpu.memory_space<semaphore_mem>>) src(%dma_wait3A_203 : memref<10000x64xbf16, #tpu.memory_space<hbm>>) dst(%arg19 : memref<128x64xbf16, #tpu.memory_space<vmem>>)
        %dma_start3A = arith.constant 5 : i32
        %dma_start3A_206 = arith.constant 0 : i32
        %dma_start3A_207 = tpu.memref_slice %arg13[%add3A_176, %dma_start3A_206] : memref<157x128xi32, #tpu.memory_space<vmem>> -> memref<1x128xi32, #tpu.memory_space<vmem>>
        %dma_start3A_208 = tpu.memref_squeeze %dma_start3A_207 : memref<1x128xi32, #tpu.memory_space<vmem>> -> memref<128xi32, #tpu.memory_space<vmem>>
        %dma_start3A_209 = arith.constant 0 : i32
        %dma_start3A_210 = arith.constant 0 : i32
        %dma_start3A_211 = tpu.memref_slice %arg22[%dma_start3A_209, %dma_start3A_210] : memref<10000x64xbf16, #tpu.memory_space<vmem_shared>> -> memref<10000x64xbf16, #tpu.memory_space<vmem_shared>>
        %dma_start3A_212 = tpu.memref_slice %arg24[%dma_start3A] : memref<8x!tpu.dma_semaphore, #tpu.memory_space<semaphore_mem>> -> memref<1x!tpu.dma_semaphore, #tpu.memory_space<semaphore_mem>>
        %dma_start3A_213 = tpu.memref_squeeze %dma_start3A_212 : memref<1x!tpu.dma_semaphore, #tpu.memory_space<semaphore_mem>> -> memref<!tpu.dma_semaphore, #tpu.memory_space<semaphore_mem>>
        tpu.enqueue_indirect_dma source(%arg19 : memref<128x64xbf16, #tpu.memory_space<vmem>>) target(%dma_start3A_211 : memref<10000x64xbf16, #tpu.memory_space<vmem_shared>>) offsets(%dma_start3A_208 : memref<128xi32, #tpu.memory_space<vmem>>) semaphore(%dma_start3A_213 : memref<!tpu.dma_semaphore, #tpu.memory_space<semaphore_mem>>) {add = true}
        %eq3A_214 = arith.constant 0 : i32
        %eq3A_215 = arith.cmpi eq, %arg0, %eq3A_214 : i32
        %convert_element_type3A_216 = arith.extui %eq3A_215 : i1 to i32
        %cond3A_217 = arith.constant 0 : i32
        %cond3A_218 = arith.cmpi ne, %convert_element_type3A_216, %cond3A_217 : i32
        scf.if %cond3A_218 {
          %dma_start3A_234 = arith.constant 5 : i32
          %dma_start3A_235 = arith.constant 0 : i32
          %dma_start3A_236 = tpu.memref_slice %arg13[%add3A_176, %dma_start3A_235] : memref<157x128xi32, #tpu.memory_space<vmem>> -> memref<1x128xi32, #tpu.memory_space<vmem>>
          %dma_start3A_237 = tpu.memref_squeeze %dma_start3A_236 : memref<1x128xi32, #tpu.memory_space<vmem>> -> memref<128xi32, #tpu.memory_space<vmem>>
          %dma_start3A_238 = arith.constant 0 : i32
          %dma_start3A_239 = tpu.memref_slice %arg27[%dma_start3A_238] : memref<10000xf32, #tpu.memory_space<vmem_shared>> -> memref<10000xf32, #tpu.memory_space<vmem_shared>>
          %dma_start3A_240 = tpu.memref_slice %arg25[%dma_start3A_234] : memref<8x!tpu.dma_semaphore, #tpu.memory_space<semaphore_mem>> -> memref<1x!tpu.dma_semaphore, #tpu.memory_space<semaphore_mem>>
          %dma_start3A_241 = tpu.memref_squeeze %dma_start3A_240 : memref<1x!tpu.dma_semaphore, #tpu.memory_space<semaphore_mem>> -> memref<!tpu.dma_semaphore, #tpu.memory_space<semaphore_mem>>
          tpu.enqueue_indirect_dma source(%arg26 : memref<128xf32, #tpu.memory_space<vmem>>) target(%dma_start3A_239 : memref<10000xf32, #tpu.memory_space<vmem_shared>>) offsets(%dma_start3A_237 : memref<128xi32, #tpu.memory_space<vmem>>) semaphore(%dma_start3A_241 : memref<!tpu.dma_semaphore, #tpu.memory_space<semaphore_mem>>) {add = true}
          %dma_wait3A_242 = arith.constant 5 : i32
          %dma_wait3A_243 = arith.constant 0 : i32
          %dma_wait3A_244 = tpu.memref_slice %arg13[%add3A_176, %dma_wait3A_243] : memref<157x128xi32, #tpu.memory_space<vmem>> -> memref<1x128xi32, #tpu.memory_space<vmem>>
          %dma_wait3A_245 = tpu.memref_squeeze %dma_wait3A_244 : memref<1x128xi32, #tpu.memory_space<vmem>> -> memref<128xi32, #tpu.memory_space<vmem>>
          %dma_wait3A_246 = arith.constant 0 : i32
          %dma_wait3A_247 = tpu.memref_slice %arg27[%dma_wait3A_246] : memref<10000xf32, #tpu.memory_space<vmem_shared>> -> memref<10000xf32, #tpu.memory_space<vmem_shared>>
          %dma_wait3A_248 = tpu.memref_slice %arg25[%dma_wait3A_242] : memref<8x!tpu.dma_semaphore, #tpu.memory_space<semaphore_mem>> -> memref<1x!tpu.dma_semaphore, #tpu.memory_space<semaphore_mem>>
          %dma_wait3A_249 = tpu.memref_squeeze %dma_wait3A_248 : memref<1x!tpu.dma_semaphore, #tpu.memory_space<semaphore_mem>> -> memref<!tpu.dma_semaphore, #tpu.memory_space<semaphore_mem>>
          tpu.wait_indirect_dma semaphore(%dma_wait3A_249 : memref<!tpu.dma_semaphore, #tpu.memory_space<semaphore_mem>>) src(%arg26 : memref<128xf32, #tpu.memory_space<vmem>>) dst(%dma_wait3A_247 : memref<10000xf32, #tpu.memory_space<vmem_shared>>)
        } else {
        }
        %dma_wait3A_219 = arith.constant 5 : i32
        %dma_wait3A_220 = arith.constant 0 : i32
        %dma_wait3A_221 = tpu.memref_slice %arg13[%add3A_176, %dma_wait3A_220] : memref<157x128xi32, #tpu.memory_space<vmem>> -> memref<1x128xi32, #tpu.memory_space<vmem>>
        %dma_wait3A_222 = tpu.memref_squeeze %dma_wait3A_221 : memref<1x128xi32, #tpu.memory_space<vmem>> -> memref<128xi32, #tpu.memory_space<vmem>>
        %dma_wait3A_223 = arith.constant 0 : i32
        %dma_wait3A_224 = arith.constant 0 : i32
        %dma_wait3A_225 = tpu.memref_slice %arg22[%dma_wait3A_223, %dma_wait3A_224] : memref<10000x64xbf16, #tpu.memory_space<vmem_shared>> -> memref<10000x64xbf16, #tpu.memory_space<vmem_shared>>
        %dma_wait3A_226 = tpu.memref_slice %arg24[%dma_wait3A_219] : memref<8x!tpu.dma_semaphore, #tpu.memory_space<semaphore_mem>> -> memref<1x!tpu.dma_semaphore, #tpu.memory_space<semaphore_mem>>
        %dma_wait3A_227 = tpu.memref_squeeze %dma_wait3A_226 : memref<1x!tpu.dma_semaphore, #tpu.memory_space<semaphore_mem>> -> memref<!tpu.dma_semaphore, #tpu.memory_space<semaphore_mem>>
        tpu.wait_indirect_dma semaphore(%dma_wait3A_227 : memref<!tpu.dma_semaphore, #tpu.memory_space<semaphore_mem>>) src(%arg19 : memref<128x64xbf16, #tpu.memory_space<vmem>>) dst(%dma_wait3A_225 : memref<10000x64xbf16, #tpu.memory_space<vmem_shared>>)
        %add3A_228 = arith.constant 8 : i32
        %add3A_229 = arith.addi %add3A_176, %add3A_228 : i32
        %lt3A_230 = arith.cmpi slt, %add3A_229, %select_n3A : i32
        %convert_element_type3A_231 = arith.extui %lt3A_230 : i1 to i32
        %cond3A_232 = arith.constant 0 : i32
        %cond3A_233 = arith.cmpi ne, %convert_element_type3A_231, %cond3A_232 : i32
        scf.if %cond3A_233 {
          %add3A_234 = arith.constant 8 : i32
          %add3A_235 = arith.addi %add3A_176, %add3A_234 : i32
          %eq3A_236 = arith.constant 0 : i32
          %eq3A_237 = arith.cmpi eq, %arg0, %eq3A_236 : i32
          %convert_element_type3A_238 = arith.extui %eq3A_237 : i1 to i32
          %cond3A_239 = arith.constant 0 : i32
          %cond3A_240 = arith.cmpi ne, %convert_element_type3A_238, %cond3A_239 : i32
          scf.if %cond3A_240 {
            %dma_start3A_246 = arith.constant 5 : i32
            %dma_start3A_247 = arith.constant 0 : i32
            %dma_start3A_248 = tpu.memref_slice %arg12[%add3A_235, %dma_start3A_247] : memref<157x128xi32, #tpu.memory_space<vmem>> -> memref<1x128xi32, #tpu.memory_space<vmem>>
            %dma_start3A_249 = tpu.memref_squeeze %dma_start3A_248 : memref<1x128xi32, #tpu.memory_space<vmem>> -> memref<128xi32, #tpu.memory_space<vmem>>
            %dma_start3A_250 = arith.constant 0 : i32
            %dma_start3A_251 = arith.constant 0 : i32
            %dma_start3A_252 = tpu.memref_slice %arg2[%dma_start3A_250, %dma_start3A_251] : memref<10000x64xbf16, #tpu.memory_space<hbm>> -> memref<10000x64xbf16, #tpu.memory_space<hbm>>
            %dma_start3A_253 = tpu.memref_slice %arg23[%dma_start3A_246] : memref<8x!tpu.dma_semaphore, #tpu.memory_space<semaphore_mem>> -> memref<1x!tpu.dma_semaphore, #tpu.memory_space<semaphore_mem>>
            %dma_start3A_254 = tpu.memref_squeeze %dma_start3A_253 : memref<1x!tpu.dma_semaphore, #tpu.memory_space<semaphore_mem>> -> memref<!tpu.dma_semaphore, #tpu.memory_space<semaphore_mem>>
            tpu.enqueue_indirect_dma source(%dma_start3A_252 : memref<10000x64xbf16, #tpu.memory_space<hbm>>) target(%arg19 : memref<128x64xbf16, #tpu.memory_space<vmem>>) offsets(%dma_start3A_249 : memref<128xi32, #tpu.memory_space<vmem>>) semaphore(%dma_start3A_254 : memref<!tpu.dma_semaphore, #tpu.memory_space<semaphore_mem>>)
          } else {
          }
          %eq3A_241 = arith.constant 1 : i32
          %eq3A_242 = arith.cmpi eq, %arg0, %eq3A_241 : i32
          %convert_element_type3A_243 = arith.extui %eq3A_242 : i1 to i32
          %cond3A_244 = arith.constant 0 : i32
          %cond3A_245 = arith.cmpi ne, %convert_element_type3A_243, %cond3A_244 : i32
          scf.if %cond3A_245 {
            %dma_start3A_246 = arith.constant 5 : i32
            %dma_start3A_247 = arith.constant 0 : i32
            %dma_start3A_248 = tpu.memref_slice %arg12[%add3A_235, %dma_start3A_247] : memref<157x128xi32, #tpu.memory_space<vmem>> -> memref<1x128xi32, #tpu.memory_space<vmem>>
            %dma_start3A_249 = tpu.memref_squeeze %dma_start3A_248 : memref<1x128xi32, #tpu.memory_space<vmem>> -> memref<128xi32, #tpu.memory_space<vmem>>
            %dma_start3A_250 = arith.constant 0 : i32
            %dma_start3A_251 = arith.constant 0 : i32
            %dma_start3A_252 = tpu.memref_slice %arg3[%dma_start3A_250, %dma_start3A_251] : memref<10000x64xbf16, #tpu.memory_space<hbm>> -> memref<10000x64xbf16, #tpu.memory_space<hbm>>
            %dma_start3A_253 = tpu.memref_slice %arg23[%dma_start3A_246] : memref<8x!tpu.dma_semaphore, #tpu.memory_space<semaphore_mem>> -> memref<1x!tpu.dma_semaphore, #tpu.memory_space<semaphore_mem>>
            %dma_start3A_254 = tpu.memref_squeeze %dma_start3A_253 : memref<1x!tpu.dma_semaphore, #tpu.memory_space<semaphore_mem>> -> memref<!tpu.dma_semaphore, #tpu.memory_space<semaphore_mem>>
            tpu.enqueue_indirect_dma source(%dma_start3A_252 : memref<10000x64xbf16, #tpu.memory_space<hbm>>) target(%arg19 : memref<128x64xbf16, #tpu.memory_space<vmem>>) offsets(%dma_start3A_249 : memref<128xi32, #tpu.memory_space<vmem>>) semaphore(%dma_start3A_254 : memref<!tpu.dma_semaphore, #tpu.memory_space<semaphore_mem>>)
          } else {
          }
        } else {
        }
      } else {
      }
      %mul3A_181 = arith.constant 8 : i32
      %mul3A_182 = arith.muli %scan3A_131, %mul3A_181 : i32
      %add3A_183 = arith.constant 6 : i32
      %add3A_184 = arith.addi %mul3A_182, %add3A_183 : i32
      %lt3A_185 = arith.cmpi slt, %add3A_184, %select_n3A : i32
      %convert_element_type3A_186 = arith.extui %lt3A_185 : i1 to i32
      %cond3A_187 = arith.constant 0 : i32
      %cond3A_188 = arith.cmpi ne, %convert_element_type3A_186, %cond3A_187 : i32
      scf.if %cond3A_188 {
        %dma_wait3A = arith.constant 6 : i32
        %dma_wait3A_198 = arith.constant 0 : i32
        %dma_wait3A_199 = tpu.memref_slice %arg12[%add3A_184, %dma_wait3A_198] : memref<157x128xi32, #tpu.memory_space<vmem>> -> memref<1x128xi32, #tpu.memory_space<vmem>>
        %dma_wait3A_200 = tpu.memref_squeeze %dma_wait3A_199 : memref<1x128xi32, #tpu.memory_space<vmem>> -> memref<128xi32, #tpu.memory_space<vmem>>
        %dma_wait3A_201 = arith.constant 0 : i32
        %dma_wait3A_202 = arith.constant 0 : i32
        %dma_wait3A_203 = tpu.memref_slice %arg2[%dma_wait3A_201, %dma_wait3A_202] : memref<10000x64xbf16, #tpu.memory_space<hbm>> -> memref<10000x64xbf16, #tpu.memory_space<hbm>>
        %dma_wait3A_204 = tpu.memref_slice %arg23[%dma_wait3A] : memref<8x!tpu.dma_semaphore, #tpu.memory_space<semaphore_mem>> -> memref<1x!tpu.dma_semaphore, #tpu.memory_space<semaphore_mem>>
        %dma_wait3A_205 = tpu.memref_squeeze %dma_wait3A_204 : memref<1x!tpu.dma_semaphore, #tpu.memory_space<semaphore_mem>> -> memref<!tpu.dma_semaphore, #tpu.memory_space<semaphore_mem>>
        tpu.wait_indirect_dma semaphore(%dma_wait3A_205 : memref<!tpu.dma_semaphore, #tpu.memory_space<semaphore_mem>>) src(%dma_wait3A_203 : memref<10000x64xbf16, #tpu.memory_space<hbm>>) dst(%arg20 : memref<128x64xbf16, #tpu.memory_space<vmem>>)
        %dma_start3A = arith.constant 6 : i32
        %dma_start3A_206 = arith.constant 0 : i32
        %dma_start3A_207 = tpu.memref_slice %arg13[%add3A_184, %dma_start3A_206] : memref<157x128xi32, #tpu.memory_space<vmem>> -> memref<1x128xi32, #tpu.memory_space<vmem>>
        %dma_start3A_208 = tpu.memref_squeeze %dma_start3A_207 : memref<1x128xi32, #tpu.memory_space<vmem>> -> memref<128xi32, #tpu.memory_space<vmem>>
        %dma_start3A_209 = arith.constant 0 : i32
        %dma_start3A_210 = arith.constant 0 : i32
        %dma_start3A_211 = tpu.memref_slice %arg22[%dma_start3A_209, %dma_start3A_210] : memref<10000x64xbf16, #tpu.memory_space<vmem_shared>> -> memref<10000x64xbf16, #tpu.memory_space<vmem_shared>>
        %dma_start3A_212 = tpu.memref_slice %arg24[%dma_start3A] : memref<8x!tpu.dma_semaphore, #tpu.memory_space<semaphore_mem>> -> memref<1x!tpu.dma_semaphore, #tpu.memory_space<semaphore_mem>>
        %dma_start3A_213 = tpu.memref_squeeze %dma_start3A_212 : memref<1x!tpu.dma_semaphore, #tpu.memory_space<semaphore_mem>> -> memref<!tpu.dma_semaphore, #tpu.memory_space<semaphore_mem>>
        tpu.enqueue_indirect_dma source(%arg20 : memref<128x64xbf16, #tpu.memory_space<vmem>>) target(%dma_start3A_211 : memref<10000x64xbf16, #tpu.memory_space<vmem_shared>>) offsets(%dma_start3A_208 : memref<128xi32, #tpu.memory_space<vmem>>) semaphore(%dma_start3A_213 : memref<!tpu.dma_semaphore, #tpu.memory_space<semaphore_mem>>) {add = true}
        %eq3A_214 = arith.constant 0 : i32
        %eq3A_215 = arith.cmpi eq, %arg0, %eq3A_214 : i32
        %convert_element_type3A_216 = arith.extui %eq3A_215 : i1 to i32
        %cond3A_217 = arith.constant 0 : i32
        %cond3A_218 = arith.cmpi ne, %convert_element_type3A_216, %cond3A_217 : i32
        scf.if %cond3A_218 {
          %dma_start3A_234 = arith.constant 6 : i32
          %dma_start3A_235 = arith.constant 0 : i32
          %dma_start3A_236 = tpu.memref_slice %arg13[%add3A_184, %dma_start3A_235] : memref<157x128xi32, #tpu.memory_space<vmem>> -> memref<1x128xi32, #tpu.memory_space<vmem>>
          %dma_start3A_237 = tpu.memref_squeeze %dma_start3A_236 : memref<1x128xi32, #tpu.memory_space<vmem>> -> memref<128xi32, #tpu.memory_space<vmem>>
          %dma_start3A_238 = arith.constant 0 : i32
          %dma_start3A_239 = tpu.memref_slice %arg27[%dma_start3A_238] : memref<10000xf32, #tpu.memory_space<vmem_shared>> -> memref<10000xf32, #tpu.memory_space<vmem_shared>>
          %dma_start3A_240 = tpu.memref_slice %arg25[%dma_start3A_234] : memref<8x!tpu.dma_semaphore, #tpu.memory_space<semaphore_mem>> -> memref<1x!tpu.dma_semaphore, #tpu.memory_space<semaphore_mem>>
          %dma_start3A_241 = tpu.memref_squeeze %dma_start3A_240 : memref<1x!tpu.dma_semaphore, #tpu.memory_space<semaphore_mem>> -> memref<!tpu.dma_semaphore, #tpu.memory_space<semaphore_mem>>
          tpu.enqueue_indirect_dma source(%arg26 : memref<128xf32, #tpu.memory_space<vmem>>) target(%dma_start3A_239 : memref<10000xf32, #tpu.memory_space<vmem_shared>>) offsets(%dma_start3A_237 : memref<128xi32, #tpu.memory_space<vmem>>) semaphore(%dma_start3A_241 : memref<!tpu.dma_semaphore, #tpu.memory_space<semaphore_mem>>) {add = true}
          %dma_wait3A_242 = arith.constant 6 : i32
          %dma_wait3A_243 = arith.constant 0 : i32
          %dma_wait3A_244 = tpu.memref_slice %arg13[%add3A_184, %dma_wait3A_243] : memref<157x128xi32, #tpu.memory_space<vmem>> -> memref<1x128xi32, #tpu.memory_space<vmem>>
          %dma_wait3A_245 = tpu.memref_squeeze %dma_wait3A_244 : memref<1x128xi32, #tpu.memory_space<vmem>> -> memref<128xi32, #tpu.memory_space<vmem>>
          %dma_wait3A_246 = arith.constant 0 : i32
          %dma_wait3A_247 = tpu.memref_slice %arg27[%dma_wait3A_246] : memref<10000xf32, #tpu.memory_space<vmem_shared>> -> memref<10000xf32, #tpu.memory_space<vmem_shared>>
          %dma_wait3A_248 = tpu.memref_slice %arg25[%dma_wait3A_242] : memref<8x!tpu.dma_semaphore, #tpu.memory_space<semaphore_mem>> -> memref<1x!tpu.dma_semaphore, #tpu.memory_space<semaphore_mem>>
          %dma_wait3A_249 = tpu.memref_squeeze %dma_wait3A_248 : memref<1x!tpu.dma_semaphore, #tpu.memory_space<semaphore_mem>> -> memref<!tpu.dma_semaphore, #tpu.memory_space<semaphore_mem>>
          tpu.wait_indirect_dma semaphore(%dma_wait3A_249 : memref<!tpu.dma_semaphore, #tpu.memory_space<semaphore_mem>>) src(%arg26 : memref<128xf32, #tpu.memory_space<vmem>>) dst(%dma_wait3A_247 : memref<10000xf32, #tpu.memory_space<vmem_shared>>)
        } else {
        }
        %dma_wait3A_219 = arith.constant 6 : i32
        %dma_wait3A_220 = arith.constant 0 : i32
        %dma_wait3A_221 = tpu.memref_slice %arg13[%add3A_184, %dma_wait3A_220] : memref<157x128xi32, #tpu.memory_space<vmem>> -> memref<1x128xi32, #tpu.memory_space<vmem>>
        %dma_wait3A_222 = tpu.memref_squeeze %dma_wait3A_221 : memref<1x128xi32, #tpu.memory_space<vmem>> -> memref<128xi32, #tpu.memory_space<vmem>>
        %dma_wait3A_223 = arith.constant 0 : i32
        %dma_wait3A_224 = arith.constant 0 : i32
        %dma_wait3A_225 = tpu.memref_slice %arg22[%dma_wait3A_223, %dma_wait3A_224] : memref<10000x64xbf16, #tpu.memory_space<vmem_shared>> -> memref<10000x64xbf16, #tpu.memory_space<vmem_shared>>
        %dma_wait3A_226 = tpu.memref_slice %arg24[%dma_wait3A_219] : memref<8x!tpu.dma_semaphore, #tpu.memory_space<semaphore_mem>> -> memref<1x!tpu.dma_semaphore, #tpu.memory_space<semaphore_mem>>
        %dma_wait3A_227 = tpu.memref_squeeze %dma_wait3A_226 : memref<1x!tpu.dma_semaphore, #tpu.memory_space<semaphore_mem>> -> memref<!tpu.dma_semaphore, #tpu.memory_space<semaphore_mem>>
        tpu.wait_indirect_dma semaphore(%dma_wait3A_227 : memref<!tpu.dma_semaphore, #tpu.memory_space<semaphore_mem>>) src(%arg20 : memref<128x64xbf16, #tpu.memory_space<vmem>>) dst(%dma_wait3A_225 : memref<10000x64xbf16, #tpu.memory_space<vmem_shared>>)
        %add3A_228 = arith.constant 8 : i32
        %add3A_229 = arith.addi %add3A_184, %add3A_228 : i32
        %lt3A_230 = arith.cmpi slt, %add3A_229, %select_n3A : i32
        %convert_element_type3A_231 = arith.extui %lt3A_230 : i1 to i32
        %cond3A_232 = arith.constant 0 : i32
        %cond3A_233 = arith.cmpi ne, %convert_element_type3A_231, %cond3A_232 : i32
        scf.if %cond3A_233 {
          %add3A_234 = arith.constant 8 : i32
          %add3A_235 = arith.addi %add3A_184, %add3A_234 : i32
          %eq3A_236 = arith.constant 0 : i32
          %eq3A_237 = arith.cmpi eq, %arg0, %eq3A_236 : i32
          %convert_element_type3A_238 = arith.extui %eq3A_237 : i1 to i32
          %cond3A_239 = arith.constant 0 : i32
          %cond3A_240 = arith.cmpi ne, %convert_element_type3A_238, %cond3A_239 : i32
          scf.if %cond3A_240 {
            %dma_start3A_246 = arith.constant 6 : i32
            %dma_start3A_247 = arith.constant 0 : i32
            %dma_start3A_248 = tpu.memref_slice %arg12[%add3A_235, %dma_start3A_247] : memref<157x128xi32, #tpu.memory_space<vmem>> -> memref<1x128xi32, #tpu.memory_space<vmem>>
            %dma_start3A_249 = tpu.memref_squeeze %dma_start3A_248 : memref<1x128xi32, #tpu.memory_space<vmem>> -> memref<128xi32, #tpu.memory_space<vmem>>
            %dma_start3A_250 = arith.constant 0 : i32
            %dma_start3A_251 = arith.constant 0 : i32
            %dma_start3A_252 = tpu.memref_slice %arg2[%dma_start3A_250, %dma_start3A_251] : memref<10000x64xbf16, #tpu.memory_space<hbm>> -> memref<10000x64xbf16, #tpu.memory_space<hbm>>
            %dma_start3A_253 = tpu.memref_slice %arg23[%dma_start3A_246] : memref<8x!tpu.dma_semaphore, #tpu.memory_space<semaphore_mem>> -> memref<1x!tpu.dma_semaphore, #tpu.memory_space<semaphore_mem>>
            %dma_start3A_254 = tpu.memref_squeeze %dma_start3A_253 : memref<1x!tpu.dma_semaphore, #tpu.memory_space<semaphore_mem>> -> memref<!tpu.dma_semaphore, #tpu.memory_space<semaphore_mem>>
            tpu.enqueue_indirect_dma source(%dma_start3A_252 : memref<10000x64xbf16, #tpu.memory_space<hbm>>) target(%arg20 : memref<128x64xbf16, #tpu.memory_space<vmem>>) offsets(%dma_start3A_249 : memref<128xi32, #tpu.memory_space<vmem>>) semaphore(%dma_start3A_254 : memref<!tpu.dma_semaphore, #tpu.memory_space<semaphore_mem>>)
          } else {
          }
          %eq3A_241 = arith.constant 1 : i32
          %eq3A_242 = arith.cmpi eq, %arg0, %eq3A_241 : i32
          %convert_element_type3A_243 = arith.extui %eq3A_242 : i1 to i32
          %cond3A_244 = arith.constant 0 : i32
          %cond3A_245 = arith.cmpi ne, %convert_element_type3A_243, %cond3A_244 : i32
          scf.if %cond3A_245 {
            %dma_start3A_246 = arith.constant 6 : i32
            %dma_start3A_247 = arith.constant 0 : i32
            %dma_start3A_248 = tpu.memref_slice %arg12[%add3A_235, %dma_start3A_247] : memref<157x128xi32, #tpu.memory_space<vmem>> -> memref<1x128xi32, #tpu.memory_space<vmem>>
            %dma_start3A_249 = tpu.memref_squeeze %dma_start3A_248 : memref<1x128xi32, #tpu.memory_space<vmem>> -> memref<128xi32, #tpu.memory_space<vmem>>
            %dma_start3A_250 = arith.constant 0 : i32
            %dma_start3A_251 = arith.constant 0 : i32
            %dma_start3A_252 = tpu.memref_slice %arg3[%dma_start3A_250, %dma_start3A_251] : memref<10000x64xbf16, #tpu.memory_space<hbm>> -> memref<10000x64xbf16, #tpu.memory_space<hbm>>
            %dma_start3A_253 = tpu.memref_slice %arg23[%dma_start3A_246] : memref<8x!tpu.dma_semaphore, #tpu.memory_space<semaphore_mem>> -> memref<1x!tpu.dma_semaphore, #tpu.memory_space<semaphore_mem>>
            %dma_start3A_254 = tpu.memref_squeeze %dma_start3A_253 : memref<1x!tpu.dma_semaphore, #tpu.memory_space<semaphore_mem>> -> memref<!tpu.dma_semaphore, #tpu.memory_space<semaphore_mem>>
            tpu.enqueue_indirect_dma source(%dma_start3A_252 : memref<10000x64xbf16, #tpu.memory_space<hbm>>) target(%arg20 : memref<128x64xbf16, #tpu.memory_space<vmem>>) offsets(%dma_start3A_249 : memref<128xi32, #tpu.memory_space<vmem>>) semaphore(%dma_start3A_254 : memref<!tpu.dma_semaphore, #tpu.memory_space<semaphore_mem>>)
          } else {
          }
        } else {
        }
      } else {
      }
      %mul3A_189 = arith.constant 8 : i32
      %mul3A_190 = arith.muli %scan3A_131, %mul3A_189 : i32
      %add3A_191 = arith.constant 7 : i32
      %add3A_192 = arith.addi %mul3A_190, %add3A_191 : i32
      %lt3A_193 = arith.cmpi slt, %add3A_192, %select_n3A : i32
      %convert_element_type3A_194 = arith.extui %lt3A_193 : i1 to i32
      %cond3A_195 = arith.constant 0 : i32
      %cond3A_196 = arith.cmpi ne, %convert_element_type3A_194, %cond3A_195 : i32
      scf.if %cond3A_196 {
        %dma_wait3A = arith.constant 7 : i32
        %dma_wait3A_198 = arith.constant 0 : i32
        %dma_wait3A_199 = tpu.memref_slice %arg12[%add3A_192, %dma_wait3A_198] : memref<157x128xi32, #tpu.memory_space<vmem>> -> memref<1x128xi32, #tpu.memory_space<vmem>>
        %dma_wait3A_200 = tpu.memref_squeeze %dma_wait3A_199 : memref<1x128xi32, #tpu.memory_space<vmem>> -> memref<128xi32, #tpu.memory_space<vmem>>
        %dma_wait3A_201 = arith.constant 0 : i32
        %dma_wait3A_202 = arith.constant 0 : i32
        %dma_wait3A_203 = tpu.memref_slice %arg2[%dma_wait3A_201, %dma_wait3A_202] : memref<10000x64xbf16, #tpu.memory_space<hbm>> -> memref<10000x64xbf16, #tpu.memory_space<hbm>>
        %dma_wait3A_204 = tpu.memref_slice %arg23[%dma_wait3A] : memref<8x!tpu.dma_semaphore, #tpu.memory_space<semaphore_mem>> -> memref<1x!tpu.dma_semaphore, #tpu.memory_space<semaphore_mem>>
        %dma_wait3A_205 = tpu.memref_squeeze %dma_wait3A_204 : memref<1x!tpu.dma_semaphore, #tpu.memory_space<semaphore_mem>> -> memref<!tpu.dma_semaphore, #tpu.memory_space<semaphore_mem>>
        tpu.wait_indirect_dma semaphore(%dma_wait3A_205 : memref<!tpu.dma_semaphore, #tpu.memory_space<semaphore_mem>>) src(%dma_wait3A_203 : memref<10000x64xbf16, #tpu.memory_space<hbm>>) dst(%arg21 : memref<128x64xbf16, #tpu.memory_space<vmem>>)
        %dma_start3A = arith.constant 7 : i32
        %dma_start3A_206 = arith.constant 0 : i32
        %dma_start3A_207 = tpu.memref_slice %arg13[%add3A_192, %dma_start3A_206] : memref<157x128xi32, #tpu.memory_space<vmem>> -> memref<1x128xi32, #tpu.memory_space<vmem>>
        %dma_start3A_208 = tpu.memref_squeeze %dma_start3A_207 : memref<1x128xi32, #tpu.memory_space<vmem>> -> memref<128xi32, #tpu.memory_space<vmem>>
        %dma_start3A_209 = arith.constant 0 : i32
        %dma_start3A_210 = arith.constant 0 : i32
        %dma_start3A_211 = tpu.memref_slice %arg22[%dma_start3A_209, %dma_start3A_210] : memref<10000x64xbf16, #tpu.memory_space<vmem_shared>> -> memref<10000x64xbf16, #tpu.memory_space<vmem_shared>>
        %dma_start3A_212 = tpu.memref_slice %arg24[%dma_start3A] : memref<8x!tpu.dma_semaphore, #tpu.memory_space<semaphore_mem>> -> memref<1x!tpu.dma_semaphore, #tpu.memory_space<semaphore_mem>>
        %dma_start3A_213 = tpu.memref_squeeze %dma_start3A_212 : memref<1x!tpu.dma_semaphore, #tpu.memory_space<semaphore_mem>> -> memref<!tpu.dma_semaphore, #tpu.memory_space<semaphore_mem>>
        tpu.enqueue_indirect_dma source(%arg21 : memref<128x64xbf16, #tpu.memory_space<vmem>>) target(%dma_start3A_211 : memref<10000x64xbf16, #tpu.memory_space<vmem_shared>>) offsets(%dma_start3A_208 : memref<128xi32, #tpu.memory_space<vmem>>) semaphore(%dma_start3A_213 : memref<!tpu.dma_semaphore, #tpu.memory_space<semaphore_mem>>) {add = true}
        %eq3A_214 = arith.constant 0 : i32
        %eq3A_215 = arith.cmpi eq, %arg0, %eq3A_214 : i32
        %convert_element_type3A_216 = arith.extui %eq3A_215 : i1 to i32
        %cond3A_217 = arith.constant 0 : i32
        %cond3A_218 = arith.cmpi ne, %convert_element_type3A_216, %cond3A_217 : i32
        scf.if %cond3A_218 {
          %dma_start3A_234 = arith.constant 7 : i32
          %dma_start3A_235 = arith.constant 0 : i32
          %dma_start3A_236 = tpu.memref_slice %arg13[%add3A_192, %dma_start3A_235] : memref<157x128xi32, #tpu.memory_space<vmem>> -> memref<1x128xi32, #tpu.memory_space<vmem>>
          %dma_start3A_237 = tpu.memref_squeeze %dma_start3A_236 : memref<1x128xi32, #tpu.memory_space<vmem>> -> memref<128xi32, #tpu.memory_space<vmem>>
          %dma_start3A_238 = arith.constant 0 : i32
          %dma_start3A_239 = tpu.memref_slice %arg27[%dma_start3A_238] : memref<10000xf32, #tpu.memory_space<vmem_shared>> -> memref<10000xf32, #tpu.memory_space<vmem_shared>>
          %dma_start3A_240 = tpu.memref_slice %arg25[%dma_start3A_234] : memref<8x!tpu.dma_semaphore, #tpu.memory_space<semaphore_mem>> -> memref<1x!tpu.dma_semaphore, #tpu.memory_space<semaphore_mem>>
          %dma_start3A_241 = tpu.memref_squeeze %dma_start3A_240 : memref<1x!tpu.dma_semaphore, #tpu.memory_space<semaphore_mem>> -> memref<!tpu.dma_semaphore, #tpu.memory_space<semaphore_mem>>
          tpu.enqueue_indirect_dma source(%arg26 : memref<128xf32, #tpu.memory_space<vmem>>) target(%dma_start3A_239 : memref<10000xf32, #tpu.memory_space<vmem_shared>>) offsets(%dma_start3A_237 : memref<128xi32, #tpu.memory_space<vmem>>) semaphore(%dma_start3A_241 : memref<!tpu.dma_semaphore, #tpu.memory_space<semaphore_mem>>) {add = true}
          %dma_wait3A_242 = arith.constant 7 : i32
          %dma_wait3A_243 = arith.constant 0 : i32
          %dma_wait3A_244 = tpu.memref_slice %arg13[%add3A_192, %dma_wait3A_243] : memref<157x128xi32, #tpu.memory_space<vmem>> -> memref<1x128xi32, #tpu.memory_space<vmem>>
          %dma_wait3A_245 = tpu.memref_squeeze %dma_wait3A_244 : memref<1x128xi32, #tpu.memory_space<vmem>> -> memref<128xi32, #tpu.memory_space<vmem>>
          %dma_wait3A_246 = arith.constant 0 : i32
          %dma_wait3A_247 = tpu.memref_slice %arg27[%dma_wait3A_246] : memref<10000xf32, #tpu.memory_space<vmem_shared>> -> memref<10000xf32, #tpu.memory_space<vmem_shared>>
          %dma_wait3A_248 = tpu.memref_slice %arg25[%dma_wait3A_242] : memref<8x!tpu.dma_semaphore, #tpu.memory_space<semaphore_mem>> -> memref<1x!tpu.dma_semaphore, #tpu.memory_space<semaphore_mem>>
          %dma_wait3A_249 = tpu.memref_squeeze %dma_wait3A_248 : memref<1x!tpu.dma_semaphore, #tpu.memory_space<semaphore_mem>> -> memref<!tpu.dma_semaphore, #tpu.memory_space<semaphore_mem>>
          tpu.wait_indirect_dma semaphore(%dma_wait3A_249 : memref<!tpu.dma_semaphore, #tpu.memory_space<semaphore_mem>>) src(%arg26 : memref<128xf32, #tpu.memory_space<vmem>>) dst(%dma_wait3A_247 : memref<10000xf32, #tpu.memory_space<vmem_shared>>)
        } else {
        }
        %dma_wait3A_219 = arith.constant 7 : i32
        %dma_wait3A_220 = arith.constant 0 : i32
        %dma_wait3A_221 = tpu.memref_slice %arg13[%add3A_192, %dma_wait3A_220] : memref<157x128xi32, #tpu.memory_space<vmem>> -> memref<1x128xi32, #tpu.memory_space<vmem>>
        %dma_wait3A_222 = tpu.memref_squeeze %dma_wait3A_221 : memref<1x128xi32, #tpu.memory_space<vmem>> -> memref<128xi32, #tpu.memory_space<vmem>>
        %dma_wait3A_223 = arith.constant 0 : i32
        %dma_wait3A_224 = arith.constant 0 : i32
        %dma_wait3A_225 = tpu.memref_slice %arg22[%dma_wait3A_223, %dma_wait3A_224] : memref<10000x64xbf16, #tpu.memory_space<vmem_shared>> -> memref<10000x64xbf16, #tpu.memory_space<vmem_shared>>
        %dma_wait3A_226 = tpu.memref_slice %arg24[%dma_wait3A_219] : memref<8x!tpu.dma_semaphore, #tpu.memory_space<semaphore_mem>> -> memref<1x!tpu.dma_semaphore, #tpu.memory_space<semaphore_mem>>
        %dma_wait3A_227 = tpu.memref_squeeze %dma_wait3A_226 : memref<1x!tpu.dma_semaphore, #tpu.memory_space<semaphore_mem>> -> memref<!tpu.dma_semaphore, #tpu.memory_space<semaphore_mem>>
        tpu.wait_indirect_dma semaphore(%dma_wait3A_227 : memref<!tpu.dma_semaphore, #tpu.memory_space<semaphore_mem>>) src(%arg21 : memref<128x64xbf16, #tpu.memory_space<vmem>>) dst(%dma_wait3A_225 : memref<10000x64xbf16, #tpu.memory_space<vmem_shared>>)
        %add3A_228 = arith.constant 8 : i32
        %add3A_229 = arith.addi %add3A_192, %add3A_228 : i32
        %lt3A_230 = arith.cmpi slt, %add3A_229, %select_n3A : i32
        %convert_element_type3A_231 = arith.extui %lt3A_230 : i1 to i32
        %cond3A_232 = arith.constant 0 : i32
        %cond3A_233 = arith.cmpi ne, %convert_element_type3A_231, %cond3A_232 : i32
        scf.if %cond3A_233 {
          %add3A_234 = arith.constant 8 : i32
          %add3A_235 = arith.addi %add3A_192, %add3A_234 : i32
          %eq3A_236 = arith.constant 0 : i32
          %eq3A_237 = arith.cmpi eq, %arg0, %eq3A_236 : i32
          %convert_element_type3A_238 = arith.extui %eq3A_237 : i1 to i32
          %cond3A_239 = arith.constant 0 : i32
          %cond3A_240 = arith.cmpi ne, %convert_element_type3A_238, %cond3A_239 : i32
          scf.if %cond3A_240 {
            %dma_start3A_246 = arith.constant 7 : i32
            %dma_start3A_247 = arith.constant 0 : i32
            %dma_start3A_248 = tpu.memref_slice %arg12[%add3A_235, %dma_start3A_247] : memref<157x128xi32, #tpu.memory_space<vmem>> -> memref<1x128xi32, #tpu.memory_space<vmem>>
            %dma_start3A_249 = tpu.memref_squeeze %dma_start3A_248 : memref<1x128xi32, #tpu.memory_space<vmem>> -> memref<128xi32, #tpu.memory_space<vmem>>
            %dma_start3A_250 = arith.constant 0 : i32
            %dma_start3A_251 = arith.constant 0 : i32
            %dma_start3A_252 = tpu.memref_slice %arg2[%dma_start3A_250, %dma_start3A_251] : memref<10000x64xbf16, #tpu.memory_space<hbm>> -> memref<10000x64xbf16, #tpu.memory_space<hbm>>
            %dma_start3A_253 = tpu.memref_slice %arg23[%dma_start3A_246] : memref<8x!tpu.dma_semaphore, #tpu.memory_space<semaphore_mem>> -> memref<1x!tpu.dma_semaphore, #tpu.memory_space<semaphore_mem>>
            %dma_start3A_254 = tpu.memref_squeeze %dma_start3A_253 : memref<1x!tpu.dma_semaphore, #tpu.memory_space<semaphore_mem>> -> memref<!tpu.dma_semaphore, #tpu.memory_space<semaphore_mem>>
            tpu.enqueue_indirect_dma source(%dma_start3A_252 : memref<10000x64xbf16, #tpu.memory_space<hbm>>) target(%arg21 : memref<128x64xbf16, #tpu.memory_space<vmem>>) offsets(%dma_start3A_249 : memref<128xi32, #tpu.memory_space<vmem>>) semaphore(%dma_start3A_254 : memref<!tpu.dma_semaphore, #tpu.memory_space<semaphore_mem>>)
          } else {
          }
          %eq3A_241 = arith.constant 1 : i32
          %eq3A_242 = arith.cmpi eq, %arg0, %eq3A_241 : i32
          %convert_element_type3A_243 = arith.extui %eq3A_242 : i1 to i32
          %cond3A_244 = arith.constant 0 : i32
          %cond3A_245 = arith.cmpi ne, %convert_element_type3A_243, %cond3A_244 : i32
          scf.if %cond3A_245 {
            %dma_start3A_246 = arith.constant 7 : i32
            %dma_start3A_247 = arith.constant 0 : i32
            %dma_start3A_248 = tpu.memref_slice %arg12[%add3A_235, %dma_start3A_247] : memref<157x128xi32, #tpu.memory_space<vmem>> -> memref<1x128xi32, #tpu.memory_space<vmem>>
            %dma_start3A_249 = tpu.memref_squeeze %dma_start3A_248 : memref<1x128xi32, #tpu.memory_space<vmem>> -> memref<128xi32, #tpu.memory_space<vmem>>
            %dma_start3A_250 = arith.constant 0 : i32
            %dma_start3A_251 = arith.constant 0 : i32
            %dma_start3A_252 = tpu.memref_slice %arg3[%dma_start3A_250, %dma_start3A_251] : memref<10000x64xbf16, #tpu.memory_space<hbm>> -> memref<10000x64xbf16, #tpu.memory_space<hbm>>
            %dma_start3A_253 = tpu.memref_slice %arg23[%dma_start3A_246] : memref<8x!tpu.dma_semaphore, #tpu.memory_space<semaphore_mem>> -> memref<1x!tpu.dma_semaphore, #tpu.memory_space<semaphore_mem>>
            %dma_start3A_254 = tpu.memref_squeeze %dma_start3A_253 : memref<1x!tpu.dma_semaphore, #tpu.memory_space<semaphore_mem>> -> memref<!tpu.dma_semaphore, #tpu.memory_space<semaphore_mem>>
            tpu.enqueue_indirect_dma source(%dma_start3A_252 : memref<10000x64xbf16, #tpu.memory_space<hbm>>) target(%arg21 : memref<128x64xbf16, #tpu.memory_space<vmem>>) offsets(%dma_start3A_249 : memref<128xi32, #tpu.memory_space<vmem>>) semaphore(%dma_start3A_254 : memref<!tpu.dma_semaphore, #tpu.memory_space<semaphore_mem>>)
          } else {
          }
        } else {
        }
      } else {
      }
      %scan3A_197 = arith.constant 0 : i32
      scf.yield %scan3A_197 : i32
    }
    %scan3A_119 = arith.constant 20 : i32
    %barrier3A_120 = arith.constant 0 : index
    tpu.barrier barrier_id(%barrier3A_120)
    %eq3A_121 = arith.constant 0 : i32
    %eq3A_122 = arith.cmpi eq, %arg0, %eq3A_121 : i32
    %convert_element_type3A_123 = arith.extui %eq3A_122 : i1 to i32
    %cond3A_124 = arith.constant 0 : i32
    %cond3A_125 = arith.cmpi ne, %convert_element_type3A_123, %cond3A_124 : i32
    scf.if %cond3A_125 {
      %mul3A_131 = arith.constant 624 : i32
      %mul3A_132 = arith.muli %arg1, %mul3A_131 : i32
      "tpu.region"() ({
        %run_scoped3A = tpu.sem_alloc : memref<!tpu.dma_semaphore, #tpu.memory_space<semaphore_mem>>
        %dma_start3A = arith.constant 0 : i32
        %dma_start3A_143 = tpu.memref_slice %arg9[%mul3A_132, %dma_start3A] : memref<10000x64xbf16, #tpu.memory_space<hbm>> -> memref<624x64xbf16, #tpu.memory_space<hbm>>
        %dma_start3A_144 = arith.constant 0 : i32
        %dma_start3A_145 = tpu.memref_slice %arg22[%mul3A_132, %dma_start3A_144] : memref<10000x64xbf16, #tpu.memory_space<vmem_shared>> -> memref<624x64xbf16, #tpu.memory_space<vmem_shared>>
        tpu.enqueue_dma source(%dma_start3A_145 : memref<624x64xbf16, #tpu.memory_space<vmem_shared>>) target(%dma_start3A_143 : memref<624x64xbf16, #tpu.memory_space<hbm>>) target_semaphore(%run_scoped3A : memref<!tpu.dma_semaphore, #tpu.memory_space<semaphore_mem>>)
        %dma_wait3A = arith.constant 0 : i32
        %dma_wait3A_146 = tpu.memref_slice %arg9[%mul3A_132, %dma_wait3A] : memref<10000x64xbf16, #tpu.memory_space<hbm>> -> memref<624x64xbf16, #tpu.memory_space<hbm>>
        %dma_wait3A_147 = arith.constant 0 : i32
        %dma_wait3A_148 = tpu.memref_slice %arg22[%mul3A_132, %dma_wait3A_147] : memref<10000x64xbf16, #tpu.memory_space<vmem_shared>> -> memref<624x64xbf16, #tpu.memory_space<vmem_shared>>
        tpu.wait_dma2 semaphore(%run_scoped3A : memref<!tpu.dma_semaphore, #tpu.memory_space<semaphore_mem>>) src(%dma_wait3A_148 : memref<624x64xbf16, #tpu.memory_space<vmem_shared>>) dst(%dma_wait3A_146 : memref<624x64xbf16, #tpu.memory_space<hbm>>)
        tpu.yield
      }) : () -> ()
      %eq3A_133 = arith.constant 15 : i32
      %eq3A_134 = arith.cmpi eq, %arg1, %eq3A_133 : i32
      %convert_element_type3A_135 = arith.extui %eq3A_134 : i1 to i32
      %cond3A_136 = arith.constant 0 : i32
      %cond3A_137 = arith.cmpi ne, %convert_element_type3A_135, %cond3A_136 : i32
      scf.if %cond3A_137 {
        "tpu.region"() ({
          %run_scoped3A = tpu.sem_alloc : memref<!tpu.dma_semaphore, #tpu.memory_space<semaphore_mem>>
          %dma_start3A = arith.constant 9984 : i32
          %dma_start3A_143 = arith.constant 0 : i32
          %dma_start3A_144 = tpu.memref_slice %arg9[%dma_start3A, %dma_start3A_143] : memref<10000x64xbf16, #tpu.memory_space<hbm>> -> memref<16x64xbf16, #tpu.memory_space<hbm>>
          %dma_start3A_145 = arith.constant 9984 : i32
          %dma_start3A_146 = arith.constant 0 : i32
          %dma_start3A_147 = tpu.memref_slice %arg22[%dma_start3A_145, %dma_start3A_146] : memref<10000x64xbf16, #tpu.memory_space<vmem_shared>> -> memref<16x64xbf16, #tpu.memory_space<vmem_shared>>
          tpu.enqueue_dma source(%dma_start3A_147 : memref<16x64xbf16, #tpu.memory_space<vmem_shared>>) target(%dma_start3A_144 : memref<16x64xbf16, #tpu.memory_space<hbm>>) target_semaphore(%run_scoped3A : memref<!tpu.dma_semaphore, #tpu.memory_space<semaphore_mem>>)
          %dma_wait3A = arith.constant 9984 : i32
          %dma_wait3A_148 = arith.constant 0 : i32
          %dma_wait3A_149 = tpu.memref_slice %arg9[%dma_wait3A, %dma_wait3A_148] : memref<10000x64xbf16, #tpu.memory_space<hbm>> -> memref<16x64xbf16, #tpu.memory_space<hbm>>
          %dma_wait3A_150 = arith.constant 9984 : i32
          %dma_wait3A_151 = arith.constant 0 : i32
          %dma_wait3A_152 = tpu.memref_slice %arg22[%dma_wait3A_150, %dma_wait3A_151] : memref<10000x64xbf16, #tpu.memory_space<vmem_shared>> -> memref<16x64xbf16, #tpu.memory_space<vmem_shared>>
          tpu.wait_dma2 semaphore(%run_scoped3A : memref<!tpu.dma_semaphore, #tpu.memory_space<semaphore_mem>>) src(%dma_wait3A_152 : memref<16x64xbf16, #tpu.memory_space<vmem_shared>>) dst(%dma_wait3A_149 : memref<16x64xbf16, #tpu.memory_space<hbm>>)
          tpu.yield
        }) : () -> ()
      } else {
      }
      %eq3A_138 = arith.constant 0 : i32
      %eq3A_139 = arith.cmpi eq, %arg1, %eq3A_138 : i32
      %convert_element_type3A_140 = arith.extui %eq3A_139 : i1 to i32
      %cond3A_141 = arith.constant 0 : i32
      %cond3A_142 = arith.cmpi ne, %convert_element_type3A_140, %cond3A_141 : i32
      scf.if %cond3A_142 {
        "tpu.region"() ({
          %run_scoped3A = tpu.sem_alloc : memref<!tpu.dma_semaphore, #tpu.memory_space<semaphore_mem>>
          tpu.enqueue_dma source(%arg27 : memref<10000xf32, #tpu.memory_space<vmem_shared>>) target(%arg11 : memref<10000xf32, #tpu.memory_space<hbm>>) target_semaphore(%run_scoped3A : memref<!tpu.dma_semaphore, #tpu.memory_space<semaphore_mem>>)
          tpu.wait_dma2 semaphore(%run_scoped3A : memref<!tpu.dma_semaphore, #tpu.memory_space<semaphore_mem>>) src(%arg27 : memref<10000xf32, #tpu.memory_space<vmem_shared>>) dst(%arg11 : memref<10000xf32, #tpu.memory_space<hbm>>)
          tpu.yield
        }) : () -> ()
      } else {
      }
    } else {
    }
    %eq3A_126 = arith.constant 1 : i32
    %eq3A_127 = arith.cmpi eq, %arg0, %eq3A_126 : i32
    %convert_element_type3A_128 = arith.extui %eq3A_127 : i1 to i32
    %cond3A_129 = arith.constant 0 : i32
    %cond3A_130 = arith.cmpi ne, %convert_element_type3A_128, %cond3A_129 : i32
    scf.if %cond3A_130 {
      %mul3A_131 = arith.constant 624 : i32
      %mul3A_132 = arith.muli %arg1, %mul3A_131 : i32
      "tpu.region"() ({
        %run_scoped3A = tpu.sem_alloc : memref<!tpu.dma_semaphore, #tpu.memory_space<semaphore_mem>>
        %dma_start3A = arith.constant 0 : i32
        %dma_start3A_138 = tpu.memref_slice %arg10[%mul3A_132, %dma_start3A] : memref<10000x64xbf16, #tpu.memory_space<hbm>> -> memref<624x64xbf16, #tpu.memory_space<hbm>>
        %dma_start3A_139 = arith.constant 0 : i32
        %dma_start3A_140 = tpu.memref_slice %arg22[%mul3A_132, %dma_start3A_139] : memref<10000x64xbf16, #tpu.memory_space<vmem_shared>> -> memref<624x64xbf16, #tpu.memory_space<vmem_shared>>
        tpu.enqueue_dma source(%dma_start3A_140 : memref<624x64xbf16, #tpu.memory_space<vmem_shared>>) target(%dma_start3A_138 : memref<624x64xbf16, #tpu.memory_space<hbm>>) target_semaphore(%run_scoped3A : memref<!tpu.dma_semaphore, #tpu.memory_space<semaphore_mem>>)
        %dma_wait3A = arith.constant 0 : i32
        %dma_wait3A_141 = tpu.memref_slice %arg10[%mul3A_132, %dma_wait3A] : memref<10000x64xbf16, #tpu.memory_space<hbm>> -> memref<624x64xbf16, #tpu.memory_space<hbm>>
        %dma_wait3A_142 = arith.constant 0 : i32
        %dma_wait3A_143 = tpu.memref_slice %arg22[%mul3A_132, %dma_wait3A_142] : memref<10000x64xbf16, #tpu.memory_space<vmem_shared>> -> memref<624x64xbf16, #tpu.memory_space<vmem_shared>>
        tpu.wait_dma2 semaphore(%run_scoped3A : memref<!tpu.dma_semaphore, #tpu.memory_space<semaphore_mem>>) src(%dma_wait3A_143 : memref<624x64xbf16, #tpu.memory_space<vmem_shared>>) dst(%dma_wait3A_141 : memref<624x64xbf16, #tpu.memory_space<hbm>>)
        tpu.yield
      }) : () -> ()
      %eq3A_133 = arith.constant 15 : i32
      %eq3A_134 = arith.cmpi eq, %arg1, %eq3A_133 : i32
      %convert_element_type3A_135 = arith.extui %eq3A_134 : i1 to i32
      %cond3A_136 = arith.constant 0 : i32
      %cond3A_137 = arith.cmpi ne, %convert_element_type3A_135, %cond3A_136 : i32
      scf.if %cond3A_137 {
        "tpu.region"() ({
          %run_scoped3A = tpu.sem_alloc : memref<!tpu.dma_semaphore, #tpu.memory_space<semaphore_mem>>
          %dma_start3A = arith.constant 9984 : i32
          %dma_start3A_138 = arith.constant 0 : i32
          %dma_start3A_139 = tpu.memref_slice %arg10[%dma_start3A, %dma_start3A_138] : memref<10000x64xbf16, #tpu.memory_space<hbm>> -> memref<16x64xbf16, #tpu.memory_space<hbm>>
          %dma_start3A_140 = arith.constant 9984 : i32
          %dma_start3A_141 = arith.constant 0 : i32
          %dma_start3A_142 = tpu.memref_slice %arg22[%dma_start3A_140, %dma_start3A_141] : memref<10000x64xbf16, #tpu.memory_space<vmem_shared>> -> memref<16x64xbf16, #tpu.memory_space<vmem_shared>>
          tpu.enqueue_dma source(%dma_start3A_142 : memref<16x64xbf16, #tpu.memory_space<vmem_shared>>) target(%dma_start3A_139 : memref<16x64xbf16, #tpu.memory_space<hbm>>) target_semaphore(%run_scoped3A : memref<!tpu.dma_semaphore, #tpu.memory_space<semaphore_mem>>)
          %dma_wait3A = arith.constant 9984 : i32
          %dma_wait3A_143 = arith.constant 0 : i32
          %dma_wait3A_144 = tpu.memref_slice %arg10[%dma_wait3A, %dma_wait3A_143] : memref<10000x64xbf16, #tpu.memory_space<hbm>> -> memref<16x64xbf16, #tpu.memory_space<hbm>>
          %dma_wait3A_145 = arith.constant 9984 : i32
          %dma_wait3A_146 = arith.constant 0 : i32
          %dma_wait3A_147 = tpu.memref_slice %arg22[%dma_wait3A_145, %dma_wait3A_146] : memref<10000x64xbf16, #tpu.memory_space<vmem_shared>> -> memref<16x64xbf16, #tpu.memory_space<vmem_shared>>
          tpu.wait_dma2 semaphore(%run_scoped3A : memref<!tpu.dma_semaphore, #tpu.memory_space<semaphore_mem>>) src(%dma_wait3A_147 : memref<16x64xbf16, #tpu.memory_space<vmem_shared>>) dst(%dma_wait3A_144 : memref<16x64xbf16, #tpu.memory_space<hbm>>)
          tpu.yield
        }) : () -> ()
      } else {
      }
    } else {
    }
    return
  }
}

module attributes {stable_mosaic.version = 14 : i64} {
  func.func @_tc_pre_body(%arg0: i32, %arg1: memref<2000x128xf32, #tpu.memory_space<vmem>>, %arg2: memref<64x128xf32, #tpu.memory_space<vmem>>, %arg3: memref<64x128xf32, #tpu.memory_space<vmem>>, %arg4: memref<1x128xf32, #tpu.memory_space<vmem>>, %arg5: memref<128x128xf32, #tpu.memory_space<vmem>>, %arg6: memref<2000x64xbf16, #tpu.memory_space<vmem>>, %arg7: memref<2000x64xbf16, #tpu.memory_space<vmem>>, %arg8: memref<2000x128xf32, #tpu.memory_space<vmem>>) attributes {dimension_semantics = [#tpu.dimension_semantics<arbitrary>], iteration_bounds = array<i64: 5>, scalar_prefetch = 0 : i64, scratch_operands = 0 : i64, tpu.core_type = #tpu.core_type<tc>, window_params = [{transform_indices = @transform_0, window_bounds = array<i64: 2000, 128>}, {pipeline_mode = #tpu.pipeline_mode<synchronous>, transform_indices = @transform_1, window_bounds = array<i64: 64, 128>}, {pipeline_mode = #tpu.pipeline_mode<synchronous>, transform_indices = @transform_2, window_bounds = array<i64: 64, 128>}, {pipeline_mode = #tpu.pipeline_mode<synchronous>, transform_indices = @transform_3, window_bounds = array<i64: 1, 128>}, {pipeline_mode = #tpu.pipeline_mode<synchronous>, transform_indices = @transform_4, window_bounds = array<i64: 128, 128>}, {transform_indices = @transform_5, window_bounds = array<i64: 2000, 64>}, {transform_indices = @transform_6, window_bounds = array<i64: 2000, 64>}, {transform_indices = @transform_7, window_bounds = array<i64: 2000, 128>}]} {
    %get3A = arith.constant 0 : index
    %get3A_0 = arith.constant 0 : index
    %get3A_1 = vector.load %arg1[%get3A, %get3A_0] : memref<2000x128xf32, #tpu.memory_space<vmem>>, vector<2000x128xf32>
    %get3A_2 = arith.constant 0 : index
    %get3A_3 = arith.constant 0 : index
    %get3A_4 = vector.load %arg2[%get3A_2, %get3A_3] : memref<64x128xf32, #tpu.memory_space<vmem>>, vector<64x128xf32>
    %dot_general3A = arith.constant dense<0.000000e+00> : vector<2000x64xf32>
    %dot_general3A_5 = tpu.matmul %get3A_1, %get3A_4, %dot_general3A {dimension_numbers = #tpu.dot_dimension_numbers<[1], [1], [0], [0], [0, 0, 1, 0], [], []>, transpose_lhs_hint = false} : vector<2000x128xf32>, vector<64x128xf32>, vector<2000x64xf32> -> vector<2000x64xf32>
    %convert_element_type3A = arith.truncf %dot_general3A_5 : vector<2000x64xf32> to vector<2000x64xbf16>
    %swap3A = arith.constant 0 : index
    %swap3A_6 = arith.constant 0 : index
    %swap3A_7 = vector.load %arg6[%swap3A, %swap3A_6] : memref<2000x64xbf16, #tpu.memory_space<vmem>>, vector<2000x64xbf16>
    tpu.vector_store %arg6[%swap3A, %swap3A_6], %convert_element_type3A {strides = array<i32>} : memref<2000x64xbf16, #tpu.memory_space<vmem>>, vector<2000x64xbf16>,
    %get3A_8 = arith.constant 0 : index
    %get3A_9 = arith.constant 0 : index
    %get3A_10 = vector.load %arg3[%get3A_8, %get3A_9] : memref<64x128xf32, #tpu.memory_space<vmem>>, vector<64x128xf32>
    %dot_general3A_11 = arith.constant dense<0.000000e+00> : vector<2000x64xf32>
    %dot_general3A_12 = tpu.matmul %get3A_1, %get3A_10, %dot_general3A_11 {dimension_numbers = #tpu.dot_dimension_numbers<[1], [1], [0], [0], [0, 0, 1, 0], [], []>, transpose_lhs_hint = false} : vector<2000x128xf32>, vector<64x128xf32>, vector<2000x64xf32> -> vector<2000x64xf32>
    %convert_element_type3A_13 = arith.truncf %dot_general3A_12 : vector<2000x64xf32> to vector<2000x64xbf16>
    %swap3A_14 = arith.constant 0 : index
    %swap3A_15 = arith.constant 0 : index
    %swap3A_16 = vector.load %arg7[%swap3A_14, %swap3A_15] : memref<2000x64xbf16, #tpu.memory_space<vmem>>, vector<2000x64xbf16>
    tpu.vector_store %arg7[%swap3A_14, %swap3A_15], %convert_element_type3A_13 {strides = array<i32>} : memref<2000x64xbf16, #tpu.memory_space<vmem>>, vector<2000x64xbf16>,
    %get3A_17 = arith.constant 0 : index
    %get3A_18 = arith.constant 0 : index
    %get3A_19 = vector.load %arg5[%get3A_17, %get3A_18] : memref<128x128xf32, #tpu.memory_space<vmem>>, vector<128x128xf32>
    %dot_general3A_20 = arith.constant dense<0.000000e+00> : vector<2000x128xf32>
    %dot_general3A_21 = tpu.matmul %get3A_1, %get3A_19, %dot_general3A_20 {dimension_numbers = #tpu.dot_dimension_numbers<[1], [1], [0], [0], [0, 0, 1, 0], [], []>, transpose_lhs_hint = false} : vector<2000x128xf32>, vector<128x128xf32>, vector<2000x128xf32> -> vector<2000x128xf32>
    %get3A_22 = arith.constant 0 : index
    %get3A_23 = arith.constant 0 : index
    %get3A_24 = vector.load %arg4[%get3A_22, %get3A_23] : memref<1x128xf32, #tpu.memory_space<vmem>>, vector<1x128xf32>
    %add3A = vector.broadcast %get3A_24 : vector<1x128xf32> to vector<2000x128xf32>
    %add3A_25 = arith.addf %dot_general3A_21, %add3A : vector<2000x128xf32>
    %swap3A_26 = arith.constant 0 : index
    %swap3A_27 = arith.constant 0 : index
    %swap3A_28 = vector.load %arg8[%swap3A_26, %swap3A_27] : memref<2000x128xf32, #tpu.memory_space<vmem>>, vector<2000x128xf32>
    tpu.vector_store %arg8[%swap3A_26, %swap3A_27], %add3A_25 {strides = array<i32>} : memref<2000x128xf32, #tpu.memory_space<vmem>>, vector<2000x128xf32>,
    return
  }
  func.func @transform_0(%arg0: i32) -> (i32, i32) {
    %c0_i32 = arith.constant 0 : i32
    %c0_i32_0 = arith.constant 0 : i32
    return %arg0, %c0_i32 : i32, i32
  }
  func.func @transform_1(%arg0: i32) -> (i32, i32) {
    %c0_i32 = arith.constant 0 : i32
    %c0_i32_0 = arith.constant 0 : i32
    %c0_i32_1 = arith.constant 0 : i32
    return %c0_i32, %c0_i32_0 : i32, i32
  }
  func.func @transform_2(%arg0: i32) -> (i32, i32) {
    %c0_i32 = arith.constant 0 : i32
    %c0_i32_0 = arith.constant 0 : i32
    %c0_i32_1 = arith.constant 0 : i32
    return %c0_i32, %c0_i32_0 : i32, i32
  }
  func.func @transform_3(%arg0: i32) -> (i32, i32) {
    %c0_i32 = arith.constant 0 : i32
    %c0_i32_0 = arith.constant 0 : i32
    %c0_i32_1 = arith.constant 0 : i32
    return %c0_i32, %c0_i32_0 : i32, i32
  }
  func.func @transform_4(%arg0: i32) -> (i32, i32) {
    %c0_i32 = arith.constant 0 : i32
    %c0_i32_0 = arith.constant 0 : i32
    %c0_i32_1 = arith.constant 0 : i32
    return %c0_i32, %c0_i32_0 : i32, i32
  }
  func.func @transform_5(%arg0: i32) -> (i32, i32) {
    %c0_i32 = arith.constant 0 : i32
    %c0_i32_0 = arith.constant 0 : i32
    return %arg0, %c0_i32 : i32, i32
  }
  func.func @transform_6(%arg0: i32) -> (i32, i32) {
    %c0_i32 = arith.constant 0 : i32
    %c0_i32_0 = arith.constant 0 : i32
    return %arg0, %c0_i32 : i32, i32
  }
  func.func @transform_7(%arg0: i32) -> (i32, i32) {
    %c0_i32 = arith.constant 0 : i32
    %c0_i32_0 = arith.constant 0 : i32
    return %arg0, %c0_i32 : i32, i32
  }
}

module attributes {stable_mosaic.version = 14 : i64} {
  func.func @_tc_mid_body(%arg0: i32, %arg1: memref<2000x64xbf16, #tpu.memory_space<vmem>>, %arg2: memref<2000x64xbf16, #tpu.memory_space<vmem>>, %arg3: memref<2000x1xf32, #tpu.memory_space<vmem>>, %arg4: memref<2000x128xf32, #tpu.memory_space<vmem>>, %arg5: memref<64x64xf32, #tpu.memory_space<vmem>>, %arg6: memref<64x64xf32, #tpu.memory_space<vmem>>, %arg7: memref<1x64xf32, #tpu.memory_space<vmem>>, %arg8: memref<64x64xf32, #tpu.memory_space<vmem>>, %arg9: memref<64x64xf32, #tpu.memory_space<vmem>>, %arg10: memref<2000x64xbf16, #tpu.memory_space<vmem>>, %arg11: memref<2000x64xf32, #tpu.memory_space<vmem>>) attributes {dimension_semantics = [#tpu.dimension_semantics<arbitrary>], iteration_bounds = array<i64: 5>, scalar_prefetch = 0 : i64, scratch_operands = 0 : i64, tpu.core_type = #tpu.core_type<tc>, window_params = [{transform_indices = @transform_0, window_bounds = array<i64: 2000, 64>}, {transform_indices = @transform_1, window_bounds = array<i64: 2000, 64>}, {transform_indices = @transform_2, window_bounds = array<i64: 2000, 1>}, {transform_indices = @transform_3, window_bounds = array<i64: 2000, 128>}, {pipeline_mode = #tpu.pipeline_mode<synchronous>, transform_indices = @transform_4, window_bounds = array<i64: 64, 64>}, {pipeline_mode = #tpu.pipeline_mode<synchronous>, transform_indices = @transform_5, window_bounds = array<i64: 64, 64>}, {pipeline_mode = #tpu.pipeline_mode<synchronous>, transform_indices = @transform_6, window_bounds = array<i64: 1, 64>}, {pipeline_mode = #tpu.pipeline_mode<synchronous>, transform_indices = @transform_7, window_bounds = array<i64: 64, 64>}, {pipeline_mode = #tpu.pipeline_mode<synchronous>, transform_indices = @transform_8, window_bounds = array<i64: 64, 64>}, {transform_indices = @transform_9, window_bounds = array<i64: 2000, 64>}, {transform_indices = @transform_10, window_bounds = array<i64: 2000, 64>}]} {
    %get3A = arith.constant 0 : index
    %get3A_0 = arith.constant 0 : index
    %get3A_1 = vector.load %arg3[%get3A, %get3A_0] : memref<2000x1xf32, #tpu.memory_space<vmem>>, vector<2000x1xf32>
    %max3A = arith.constant 1.000000e+00 : f32
    %max3A_2 = vector.broadcast %max3A : f32 to vector<2000x1xf32>
    %max3A_3 = arith.maximumf %get3A_1, %max3A_2 : vector<2000x1xf32>
    %div3A = arith.constant 1.000000e+00 : f32
    %div3A_4 = vector.broadcast %div3A : f32 to vector<2000x1xf32>
    %div3A_5 = arith.divf %div3A_4, %max3A_3 : vector<2000x1xf32>
    %get3A_6 = arith.constant 0 : index
    %get3A_7 = arith.constant 0 : index
    %get3A_8 = vector.load %arg1[%get3A_6, %get3A_7] : memref<2000x64xbf16, #tpu.memory_space<vmem>>, vector<2000x64xbf16>
    %convert_element_type3A = arith.extf %get3A_8 : vector<2000x64xbf16> to vector<2000x64xf32>
    %mul3A = vector.broadcast %div3A_5 : vector<2000x1xf32> to vector<2000x64xf32>
    %mul3A_9 = arith.mulf %convert_element_type3A, %mul3A : vector<2000x64xf32>
    %get3A_10 = arith.constant 0 : index
    %get3A_11 = arith.constant 0 : index
    %get3A_12 = vector.load %arg4[%get3A_10, %get3A_11] : memref<2000x128xf32, #tpu.memory_space<vmem>>, vector<2000x64xf32>
    %add3A = arith.addf %mul3A_9, %get3A_12 : vector<2000x64xf32>
    %max3A_13 = arith.constant 0.000000e+00 : f32
    %max3A_14 = vector.broadcast %max3A_13 : f32 to vector<2000x64xf32>
    %max3A_15 = arith.maximumf %add3A, %max3A_14 : vector<2000x64xf32>
    %get3A_16 = arith.constant 0 : index
    %get3A_17 = arith.constant 0 : index
    %get3A_18 = vector.load %arg2[%get3A_16, %get3A_17] : memref<2000x64xbf16, #tpu.memory_space<vmem>>, vector<2000x64xbf16>
    %convert_element_type3A_19 = arith.extf %get3A_18 : vector<2000x64xbf16> to vector<2000x64xf32>
    %mul3A_20 = vector.broadcast %div3A_5 : vector<2000x1xf32> to vector<2000x64xf32>
    %mul3A_21 = arith.mulf %convert_element_type3A_19, %mul3A_20 : vector<2000x64xf32>
    %get3A_22 = arith.constant 0 : index
    %get3A_23 = arith.constant 64 : index
    %get3A_24 = vector.load %arg4[%get3A_22, %get3A_23] : memref<2000x128xf32, #tpu.memory_space<vmem>>, vector<2000x64xf32>
    %add3A_25 = arith.addf %mul3A_21, %get3A_24 : vector<2000x64xf32>
    %max3A_26 = arith.constant 0.000000e+00 : f32
    %max3A_27 = vector.broadcast %max3A_26 : f32 to vector<2000x64xf32>
    %max3A_28 = arith.maximumf %add3A_25, %max3A_27 : vector<2000x64xf32>
    %get3A_29 = arith.constant 0 : index
    %get3A_30 = arith.constant 0 : index
    %get3A_31 = vector.load %arg5[%get3A_29, %get3A_30] : memref<64x64xf32, #tpu.memory_space<vmem>>, vector<64x64xf32>
    %dot_general3A = arith.constant dense<0.000000e+00> : vector<2000x64xf32>
    %dot_general3A_32 = tpu.matmul %max3A_15, %get3A_31, %dot_general3A {dimension_numbers = #tpu.dot_dimension_numbers<[1], [1], [0], [0], [0, 0, 1, 0], [], []>, transpose_lhs_hint = false} : vector<2000x64xf32>, vector<64x64xf32>, vector<2000x64xf32> -> vector<2000x64xf32>
    %get3A_33 = arith.constant 0 : index
    %get3A_34 = arith.constant 0 : index
    %get3A_35 = vector.load %arg6[%get3A_33, %get3A_34] : memref<64x64xf32, #tpu.memory_space<vmem>>, vector<64x64xf32>
    %dot_general3A_36 = arith.constant dense<0.000000e+00> : vector<2000x64xf32>
    %dot_general3A_37 = tpu.matmul %max3A_28, %get3A_35, %dot_general3A_36 {dimension_numbers = #tpu.dot_dimension_numbers<[1], [1], [0], [0], [0, 0, 1, 0], [], []>, transpose_lhs_hint = false} : vector<2000x64xf32>, vector<64x64xf32>, vector<2000x64xf32> -> vector<2000x64xf32>
    %add3A_38 = arith.addf %dot_general3A_32, %dot_general3A_37 : vector<2000x64xf32>
    %convert_element_type3A_39 = arith.truncf %add3A_38 : vector<2000x64xf32> to vector<2000x64xbf16>
    %swap3A = arith.constant 0 : index
    %swap3A_40 = arith.constant 0 : index
    %swap3A_41 = vector.load %arg10[%swap3A, %swap3A_40] : memref<2000x64xbf16, #tpu.memory_space<vmem>>, vector<2000x64xbf16>
    tpu.vector_store %arg10[%swap3A, %swap3A_40], %convert_element_type3A_39 {strides = array<i32>} : memref<2000x64xbf16, #tpu.memory_space<vmem>>, vector<2000x64xbf16>,
    %get3A_42 = arith.constant 0 : index
    %get3A_43 = arith.constant 0 : index
    %get3A_44 = vector.load %arg8[%get3A_42, %get3A_43] : memref<64x64xf32, #tpu.memory_space<vmem>>, vector<64x64xf32>
    %dot_general3A_45 = arith.constant dense<0.000000e+00> : vector<2000x64xf32>
    %dot_general3A_46 = tpu.matmul %max3A_15, %get3A_44, %dot_general3A_45 {dimension_numbers = #tpu.dot_dimension_numbers<[1], [1], [0], [0], [0, 0, 1, 0], [], []>, transpose_lhs_hint = false} : vector<2000x64xf32>, vector<64x64xf32>, vector<2000x64xf32> -> vector<2000x64xf32>
    %get3A_47 = arith.constant 0 : index
    %get3A_48 = arith.constant 0 : index
    %get3A_49 = vector.load %arg9[%get3A_47, %get3A_48] : memref<64x64xf32, #tpu.memory_space<vmem>>, vector<64x64xf32>
    %dot_general3A_50 = arith.constant dense<0.000000e+00> : vector<2000x64xf32>
    %dot_general3A_51 = tpu.matmul %max3A_28, %get3A_49, %dot_general3A_50 {dimension_numbers = #tpu.dot_dimension_numbers<[1], [1], [0], [0], [0, 0, 1, 0], [], []>, transpose_lhs_hint = false} : vector<2000x64xf32>, vector<64x64xf32>, vector<2000x64xf32> -> vector<2000x64xf32>
    %add3A_52 = arith.addf %dot_general3A_46, %dot_general3A_51 : vector<2000x64xf32>
    %get3A_53 = arith.constant 0 : index
    %get3A_54 = arith.constant 0 : index
    %get3A_55 = vector.load %arg7[%get3A_53, %get3A_54] : memref<1x64xf32, #tpu.memory_space<vmem>>, vector<1x64xf32>
    %add3A_56 = vector.broadcast %get3A_55 : vector<1x64xf32> to vector<2000x64xf32>
    %add3A_57 = arith.addf %add3A_52, %add3A_56 : vector<2000x64xf32>
    %swap3A_58 = arith.constant 0 : index
    %swap3A_59 = arith.constant 0 : index
    %swap3A_60 = vector.load %arg11[%swap3A_58, %swap3A_59] : memref<2000x64xf32, #tpu.memory_space<vmem>>, vector<2000x64xf32>
    tpu.vector_store %arg11[%swap3A_58, %swap3A_59], %add3A_57 {strides = array<i32>} : memref<2000x64xf32, #tpu.memory_space<vmem>>, vector<2000x64xf32>,
    return
  }
  func.func @transform_0(%arg0: i32) -> (i32, i32) {
    %c0_i32 = arith.constant 0 : i32
    %c0_i32_0 = arith.constant 0 : i32
    return %arg0, %c0_i32 : i32, i32
  }
  func.func @transform_1(%arg0: i32) -> (i32, i32) {
    %c0_i32 = arith.constant 0 : i32
    %c0_i32_0 = arith.constant 0 : i32
    return %arg0, %c0_i32 : i32, i32
  }
  func.func @transform_2(%arg0: i32) -> (i32, i32) {
    %c0_i32 = arith.constant 0 : i32
    %c0_i32_0 = arith.constant 0 : i32
    return %arg0, %c0_i32 : i32, i32
  }
  func.func @transform_3(%arg0: i32) -> (i32, i32) {
    %c0_i32 = arith.constant 0 : i32
    %c0_i32_0 = arith.constant 0 : i32
    return %arg0, %c0_i32 : i32, i32
  }
  func.func @transform_4(%arg0: i32) -> (i32, i32) {
    %c0_i32 = arith.constant 0 : i32
    %c0_i32_0 = arith.constant 0 : i32
    %c0_i32_1 = arith.constant 0 : i32
    return %c0_i32, %c0_i32_0 : i32, i32
  }
  func.func @transform_5(%arg0: i32) -> (i32, i32) {
    %c0_i32 = arith.constant 0 : i32
    %c0_i32_0 = arith.constant 0 : i32
    %c0_i32_1 = arith.constant 0 : i32
    return %c0_i32, %c0_i32_0 : i32, i32
  }
  func.func @transform_6(%arg0: i32) -> (i32, i32) {
    %c0_i32 = arith.constant 0 : i32
    %c0_i32_0 = arith.constant 0 : i32
    %c0_i32_1 = arith.constant 0 : i32
    return %c0_i32, %c0_i32_0 : i32, i32
  }
  func.func @transform_7(%arg0: i32) -> (i32, i32) {
    %c0_i32 = arith.constant 0 : i32
    %c0_i32_0 = arith.constant 0 : i32
    %c0_i32_1 = arith.constant 0 : i32
    return %c0_i32, %c0_i32_0 : i32, i32
  }
  func.func @transform_8(%arg0: i32) -> (i32, i32) {
    %c0_i32 = arith.constant 0 : i32
    %c0_i32_0 = arith.constant 0 : i32
    %c0_i32_1 = arith.constant 0 : i32
    return %c0_i32, %c0_i32_0 : i32, i32
  }
  func.func @transform_9(%arg0: i32) -> (i32, i32) {
    %c0_i32 = arith.constant 0 : i32
    %c0_i32_0 = arith.constant 0 : i32
    return %arg0, %c0_i32 : i32, i32
  }
  func.func @transform_10(%arg0: i32) -> (i32, i32) {
    %c0_i32 = arith.constant 0 : i32
    %c0_i32_0 = arith.constant 0 : i32
    return %arg0, %c0_i32 : i32, i32
  }
}

module attributes {stable_mosaic.version = 14 : i64} {
  func.func @_tc_post_body(%arg0: i32, %arg1: memref<2x2000x64xbf16, #tpu.memory_space<vmem>>, %arg2: memref<2000x1xf32, #tpu.memory_space<vmem>>, %arg3: memref<2000x64xf32, #tpu.memory_space<vmem>>, %arg4: memref<1x64xf32, #tpu.memory_space<vmem>>, %arg5: memref<1x1xf32, #tpu.memory_space<vmem>>, %arg6: memref<2000x1xf32, #tpu.memory_space<vmem>>) attributes {dimension_semantics = [#tpu.dimension_semantics<arbitrary>], iteration_bounds = array<i64: 5>, scalar_prefetch = 0 : i64, scratch_operands = 0 : i64, tpu.core_type = #tpu.core_type<tc>, window_params = [{transform_indices = @transform_0, window_bounds = array<i64: 2, 2000, 64>}, {transform_indices = @transform_1, window_bounds = array<i64: 2000, 1>}, {transform_indices = @transform_2, window_bounds = array<i64: 2000, 64>}, {pipeline_mode = #tpu.pipeline_mode<synchronous>, transform_indices = @transform_3, window_bounds = array<i64: 1, 64>}, {pipeline_mode = #tpu.pipeline_mode<synchronous>, transform_indices = @transform_4, window_bounds = array<i64: 1, 1>}, {transform_indices = @transform_5, window_bounds = array<i64: 2000, 1>}]} {
    %get3A = arith.constant 0 : index
    %get3A_0 = arith.constant 0 : index
    %get3A_1 = vector.load %arg2[%get3A, %get3A_0] : memref<2000x1xf32, #tpu.memory_space<vmem>>, vector<2000x1xf32>
    %max3A = arith.constant 1.000000e+00 : f32
    %max3A_2 = vector.broadcast %max3A : f32 to vector<2000x1xf32>
    %max3A_3 = arith.maximumf %get3A_1, %max3A_2 : vector<2000x1xf32>
    %div3A = arith.constant 1.000000e+00 : f32
    %div3A_4 = vector.broadcast %div3A : f32 to vector<2000x1xf32>
    %div3A_5 = arith.divf %div3A_4, %max3A_3 : vector<2000x1xf32>
    %get3A_6 = arith.constant 0 : index
    %get3A_7 = arith.constant 0 : index
    %get3A_8 = arith.constant 0 : index
    %get3A_9 = vector.load %arg1[%get3A_6, %get3A_7, %get3A_8] : memref<2x2000x64xbf16, #tpu.memory_space<vmem>>, vector<1x2000x64xbf16>
    %get3A_10 = vector.shape_cast %get3A_9 : vector<1x2000x64xbf16> to vector<2000x64xbf16>
    %get3A_11 = arith.constant 1 : index
    %get3A_12 = arith.constant 0 : index
    %get3A_13 = arith.constant 0 : index
    %get3A_14 = vector.load %arg1[%get3A_11, %get3A_12, %get3A_13] : memref<2x2000x64xbf16, #tpu.memory_space<vmem>>, vector<1x2000x64xbf16>
    %get3A_15 = vector.shape_cast %get3A_14 : vector<1x2000x64xbf16> to vector<2000x64xbf16>
    %add3A = arith.addf %get3A_10, %get3A_15 : vector<2000x64xbf16>
    %convert_element_type3A = arith.extf %add3A : vector<2000x64xbf16> to vector<2000x64xf32>
    %mul3A = vector.broadcast %div3A_5 : vector<2000x1xf32> to vector<2000x64xf32>
    %mul3A_16 = arith.mulf %convert_element_type3A, %mul3A : vector<2000x64xf32>
    %get3A_17 = arith.constant 0 : index
    %get3A_18 = arith.constant 0 : index
    %get3A_19 = vector.load %arg3[%get3A_17, %get3A_18] : memref<2000x64xf32, #tpu.memory_space<vmem>>, vector<2000x64xf32>
    %add3A_20 = arith.addf %mul3A_16, %get3A_19 : vector<2000x64xf32>
    %max3A_21 = arith.constant 0.000000e+00 : f32
    %max3A_22 = vector.broadcast %max3A_21 : f32 to vector<2000x64xf32>
    %max3A_23 = arith.maximumf %add3A_20, %max3A_22 : vector<2000x64xf32>
    %get3A_24 = arith.constant 0 : index
    %get3A_25 = arith.constant 0 : index
    %get3A_26 = vector.load %arg4[%get3A_24, %get3A_25] : memref<1x64xf32, #tpu.memory_space<vmem>>, vector<1x64xf32>
    %mul3A_27 = vector.broadcast %get3A_26 : vector<1x64xf32> to vector<2000x64xf32>
    %mul3A_28 = arith.mulf %max3A_23, %mul3A_27 : vector<2000x64xf32>
    %reduce_sum3A = arith.constant dense<0.000000e+00> : vector<2000xf32>
    %reduce_sum3A_29 = vector.multi_reduction <add>, %mul3A_28, %reduce_sum3A [1] : vector<2000x64xf32> to vector<2000xf32>
    %broadcast_in_dim3A = vector.shape_cast %reduce_sum3A_29 : vector<2000xf32> to vector<2000x1xf32>
    %get3A_30 = arith.constant 0 : index
    %get3A_31 = arith.constant 0 : index
    %get3A_32 = vector.load %arg5[%get3A_30, %get3A_31] : memref<1x1xf32, #tpu.memory_space<vmem>>, vector<1x1xf32>
    %get3A_33 = vector.extract %get3A_32[0, 0] : f32 from vector<1x1xf32>
    %add3A_34 = vector.broadcast %get3A_33 : f32 to vector<2000x1xf32>
    %add3A_35 = arith.addf %broadcast_in_dim3A, %add3A_34 : vector<2000x1xf32>
    %logistic3A = arith.negf %add3A_35 : vector<2000x1xf32>
    %logistic3A_36 = math.exp %logistic3A : vector<2000x1xf32>
    %logistic3A_37 = arith.constant 1.000000e+00 : f32
    %logistic3A_38 = vector.broadcast %logistic3A_37 : f32 to vector<2000x1xf32>
    %logistic3A_39 = arith.addf %logistic3A_38, %logistic3A_36 : vector<2000x1xf32>
    %logistic3A_40 = arith.divf %logistic3A_38, %logistic3A_39 : vector<2000x1xf32>
    %swap3A = arith.constant 0 : index
    %swap3A_41 = arith.constant 0 : index
    %swap3A_42 = vector.load %arg6[%swap3A, %swap3A_41] : memref<2000x1xf32, #tpu.memory_space<vmem>>, vector<2000x1xf32>
    tpu.vector_store %arg6[%swap3A, %swap3A_41], %logistic3A_40 {strides = array<i32>} : memref<2000x1xf32, #tpu.memory_space<vmem>>, vector<2000x1xf32>,
    return
  }
  func.func @transform_0(%arg0: i32) -> (i32, i32, i32) {
    %c0_i32 = arith.constant 0 : i32
    %c0_i32_0 = arith.constant 0 : i32
    %c0_i32_1 = arith.constant 0 : i32
    return %c0_i32, %arg0, %c0_i32_0 : i32, i32, i32
  }
  func.func @transform_1(%arg0: i32) -> (i32, i32) {
    %c0_i32 = arith.constant 0 : i32
    %c0_i32_0 = arith.constant 0 : i32
    return %arg0, %c0_i32 : i32, i32
  }
  func.func @transform_2(%arg0: i32) -> (i32, i32) {
    %c0_i32 = arith.constant 0 : i32
    %c0_i32_0 = arith.constant 0 : i32
    return %arg0, %c0_i32 : i32, i32
  }
  func.func @transform_3(%arg0: i32) -> (i32, i32) {
    %c0_i32 = arith.constant 0 : i32
    %c0_i32_0 = arith.constant 0 : i32
    %c0_i32_1 = arith.constant 0 : i32
    return %c0_i32, %c0_i32_0 : i32, i32
  }
  func.func @transform_4(%arg0: i32) -> (i32, i32) {
    %c0_i32 = arith.constant 0 : i32
    %c0_i32_0 = arith.constant 0 : i32
    %c0_i32_1 = arith.constant 0 : i32
    return %c0_i32, %c0_i32_0 : i32, i32
  }
  func.func @transform_5(%arg0: i32) -> (i32, i32) {
    %c0_i32 = arith.constant 0 : i32
    %c0_i32_0 = arith.constant 0 : i32
    return %arg0, %c0_i32 : i32, i32
  }
}

</mosaic_0001>

<sc_bundles>
// kernel: kernel.10.cloned.1.call-start
scs
__scs_entry_jumppad:
0x0: {  	(pc) =	sbr.rel $0x88, $3  }
0x1: {  	(tag) =	ssettag $0x0;
	lr =	simm.s32 $0x1  }
0x2: {  	[smem:$0x3F97] =	sst lr;
	_ =	strace $0xD0000000  }
0x3: {  	_ = 	snop  }
0x4: {  	_ = 	snop  }
0x5: {  	_ = 	snop  }
0x6: {  	_ = 	snop  }
0x7: {  	_ = 	snop  }
__scs_overlays_trampoline_lowered:
0x8: {  	[smem:$0x3FA6] =	sst s0  }
0x9: {  	[smem:$0x3FA7] =	sst s1  }
0xa: {  	[smem:$0x3FA8] =	sst s2  }
0xb: {  	[smem:$0x3FA9] =	sst s3  }
0xc: {  	[smem:$0x3FAA] =	sst s4  }
0xd: {  	[smem:$0x3FAB] =	sst s5  }
0xe: {  	[smem:$0x3FAC] =	sst s6  }
0xf: {  	[smem:$0x3FAD] =	sst s7  }
0x10: {  	[smem:$0x3FAE] =	sst s8  }
0x11: {  	[smem:$0x3FAF] =	sst s9;
	s0 =	simm.s32 @!p0 $0x0  }
0x12: {  	s1 =	sld [smem:$0x3F95];
	s0 =	simm.s32 @p0 $0x1  }
0x13: {  	[smem:$0x3FB0] =	sst s0;
	s0 =	simm.s32 @!p1 $0x0  }
0x14: {  	s2 =	sld [smem:$0x3F94];
	s0 =	simm.s32 @p1 $0x1  }
0x15: {  	[smem:$0x3FB1] =	sst s0;
	s0 =	simm.s32 @!p2 $0x0  }
0x16: {  	s3 =	sld [smem:$0x3FDB];
	s0 =	simm.s32 @p2 $0x1  }
0x17: {  	s4 =	simm.s32 $0x1BF5;
	[smem:$0x3FB3] =	sst s0  }
0x18: {  	s0 =	sld [smem:$0x3F96];
	_ =	swait.ge [sflag:s4], $0x0  }
0x19: {  	s7 =	sld [smem:$0x3F97]  }
0x1a: {  	s8 =	sadd.s32 $0xFFFFE003, lr  }
0x1b: {  	s9 =	sadd.s32 $0xFFFFFEF7, lr;
	s5 =	simm.s32 $0xFFFFFFFF;
	p2 =	slt.u32 s8, $0xFFFFF086  }
0x1c: {  	p1 =	slt.u32 s9, $0xF7A;
	s5 =	simm.s32 @!p2 $0x0  }
0x1d: {  	s5 =	simm.s32 @p1 $0x1;
	p0 =	seq.s32 s7, s2  }
0x1e: {  	s7 =	smul.u32 @!p0 $0xF7A, s2;
	p2 =	seq.s32 @!p0 s5, $0x0  }
0x1f: {  	s9 =	smul.u32 $0xF7A, s1;
	s8 =	simm.s32 @!p0 $0x1BF5;
	p2 =	por !p2, p0  }
0x20: {  	[sflag:s8] =	ssyncset.s32 @!p0 $0xFFFFF086;
	s6 =	sadd.s32 @!p0 s3, s7;
	s7 =	simm.s32 @!p0 $0x108  }
0x21: {  	s3 =	sadd.s32 s3, s9;
	s6 =	sadd.s32 @!p0 $0x88, s6;
	s7 =	simm.s32 @p2 $0x1082  }
0x22: {  	[simem:s7], [sflag:s8] =	dma.local @!p0 [hbm:s6], $0xF7A  }
0x23: {  	s9 =	sor.u32 $0xD0000000, s2;
	s6 =	simm.s32 $0x108;
	_ =	swait.ge @!p0 [sflag:s8], $0x0  }
0x24: {  	s3 =	sadd.s32 $0x88, s3;
	s6 =	simm.s32 @!p1 $0x1082;
	[sflag:s4] =	ssyncset.s32 $0xFFFFF086  }
0x25: {  	[simem:s6], [sflag:s4] =	dma.local [hbm:s3], $0xF7A  }
0x26: {  	[smem:$0x3F97] =	sst s1;
	(tag) =	ssettag s2;
	_ =	strace s9  }
0x27: {  	s1 =	sld [smem:$0x3FA7]  }
0x28: {  	s2 =	sld [smem:$0x3FA8]  }
0x29: {  	s4 =	sld [smem:$0x3FAA]  }
0x2a: {  	p0 =	seq.s32 s5, $0x0;
	s5 =	sld [smem:$0x3FAB]  }
0x2b: {  	s6 =	sld [smem:$0x3FAC]  }
0x2c: {  	s7 =	sld [smem:$0x3FAD]  }
0x2d: {  	s3 =	simm.s32 $0x108;
	s8 =	sld [smem:$0x3FAE]  }
0x2e: {  	s3 =	simm.s32 @!p0 $0x1082;
	s9 =	sld [smem:$0x3FAF]  }
0x2f: {  	lr =	sadd.s32 s0, s3;
	s0 =	sld [smem:$0x3FA6]  }
0x30: {  	s3 =	sld [smem:$0x3FA9]  }
0x31: {  	[smem:$0x3FB2] =	sst s10  }
0x32: {  	s10 =	sld [smem:$0x3FB0];
	_ =	sdelay $0x3  }
0x33: {  	p0 =	seq.s32 s10, $0x1;
	s10 =	sld [smem:$0x3FB2];
	_ =	sdelay $0x3  }
0x34: {  	[smem:$0x3FB2] =	sst s10  }
0x35: {  	s10 =	sld [smem:$0x3FB1];
	_ =	sdelay $0x3  }
0x36: {  	p1 =	seq.s32 s10, $0x1;
	s10 =	sld [smem:$0x3FB2];
	_ =	sdelay $0x3  }
0x37: {  	[smem:$0x3FB2] =	sst s10  }
0x38: {  	s10 =	sld [smem:$0x3FB3]  }
0x39: {  	_ = 	snop;
	(pc) =	sbr.ind lr, $3  }
0x3a: {  	_ = 	snop  }
0x3b: {  	_ = 	snop  }
0x3c: {  	p2 =	seq.s32 s10, $0x1;
	s10 =	sld [smem:$0x3FB2]  }
0x3d: {  	_ =	shalt  }
0x3e: {  	_ =	shalt  }
0x3f: {  	_ =	shalt  }
0x40: {  	_ =	shalt  }
0x41: {  	_ =	shalt  }
0x42: {  	_ =	shalt  }
0x43: {  	_ =	shalt  }
0x44: {  	_ =	shalt  }
0x45: {  	_ =	shalt  }
0x46: {  	_ =	shalt  }
0x47: {  	_ =	shalt  }
0x48: {  	_ =	shalt  }
0x49: {  	_ =	shalt  }
0x4a: {  	_ =	shalt  }
0x4b: {  	_ =	shalt  }
0x4c: {  	_ =	shalt  }
0x4d: {  	_ =	shalt  }
0x4e: {  	_ =	shalt  }
0x4f: {  	_ =	shalt  }
0x50: {  	_ =	shalt  }
0x51: {  	_ =	shalt  }
0x52: {  	_ =	shalt  }
0x53: {  	_ =	shalt  }
0x54: {  	_ =	shalt  }
0x55: {  	_ =	shalt  }
0x56: {  	_ =	shalt  }
0x57: {  	_ =	shalt  }
0x58: {  	_ =	shalt  }
0x59: {  	_ =	shalt  }
0x5a: {  	_ =	shalt  }
0x5b: {  	_ =	shalt  }
0x5c: {  	_ =	shalt  }
0x5d: {  	_ =	shalt  }
0x5e: {  	_ =	shalt  }
0x5f: {  	_ =	shalt  }
0x60: {  	_ =	shalt  }
0x61: {  	_ =	shalt  }
0x62: {  	_ =	shalt  }
0x63: {  	_ =	shalt  }
0x64: {  	_ =	shalt  }
0x65: {  	_ =	shalt  }
0x66: {  	_ =	shalt  }
0x67: {  	_ =	shalt  }
0x68: {  	_ =	shalt  }
0x69: {  	_ =	shalt  }
0x6a: {  	_ =	shalt  }
0x6b: {  	_ =	shalt  }
0x6c: {  	_ =	shalt  }
0x6d: {  	_ =	shalt  }
0x6e: {  	_ =	shalt  }
0x6f: {  	_ =	shalt  }
0x70: {  	_ =	shalt  }
0x71: {  	_ =	shalt  }
0x72: {  	_ =	shalt  }
0x73: {  	_ =	shalt  }
0x74: {  	_ =	shalt  }
0x75: {  	_ =	shalt  }
0x76: {  	_ =	shalt  }
0x77: {  	_ =	shalt  }
0x78: {  	_ =	shalt  }
0x79: {  	_ =	shalt  }
0x7a: {  	_ =	shalt  }
0x7b: {  	_ =	shalt  }
0x7c: {  	_ =	shalt  }
0x7d: {  	_ =	shalt  }
0x7e: {  	_ =	shalt  }
0x7f: {  	_ =	shalt  }
0x80: {  	_ =	shalt  }
0x81: {  	_ =	shalt  }
0x82: {  	_ =	shalt  }
0x83: {  	_ =	shalt  }
0x84: {  	_ =	shalt  }
0x85: {  	_ =	shalt  }
0x86: {  	_ =	shalt  }
0x87: {  	_ =	shalt  }
.Lfunc_end0:
.L_simem_size_0:
called_computation.1_lowered:
.L_overlay_start_0:
0x88: {  	s2 =	sld [smem:$0x3FD9]  }
0x89: {  	s3 =	sld [smem:$0x3FFE];
	_ =	sdelay $0x1  }
0x8a: {  	s1 =	srdreg.scid  }
0x8b: {  	s0 =	sand.u32 $0x1, s1  }
0x8c: {  	s17 =	sshll.u32 s0, $0xA;
	s2 =	sadd.s32 s3, s2  }
0x8d: {  	s2 =	sadd.s32 s2, s17  }
0x8e: {  	[smem:$0x3FBE] =	sst s2  }
0x8f: {  	_ = 	snop  }
0x90: {  	s2 =	sld [smem:$0x3FD0];
	(tm) =	ssettm $0x1  }
0x91: {  	s18 =	sld [smem:$0x3FFB];
	_ =	sdelay $0x3  }
0x92: {  	_ =	strace s18  }
0x93: {  	s3 =	sld [smem:$0x3FFC];
	_ =	sdelay $0x3  }
0x94: {  	_ =	strace s3  }
0x95: {  	s3 =	sld [smem:$0x3FFD];
	_ =	sdelay $0x3  }
0x96: {  	_ =	strace s3  }
0x97: {  	_ =	strace $0x8FFFFFFF  }
0x98: {  	s19 =	sld [smem:$0x3FDB];
	_ =	sdelay $0x1  }
0x99: {  	s4 =	simm.s32 $_scs_section_size  }
0x9a: {  	s5 =	simm.s32 $_size__tile_overlayer_lowered;
	s6 =	simm.s32 $_tile_overlayer_lowered  }
0x9b: {  	s22 =	simm.s32 $0x1BFF;
	s21 =	sshll.u32 s6, $0x1;
	s3 =	sadd.s32 s4, s19  }
0x9c: {  	s7 =	simm.s32 $0x0;
	s20 =	sshll.u32 s5, $0x1;
	s5 =	sadd.s32 s21, s3  }
0x9d: {  	[timem:s7], [sflag:s22] =	dma.local [hbm:s5], s20  }
0x9e: {  	_ =	swait.ge [sflag:s22], s20  }
0x9f: {  	s4 =	ssub.s32 $0x0, s20;
	[sflag:s22] =	ssyncset.done $0x0  }
0xa0: {  	[sflag:s22] =	ssyncadd.s32 s4;
	_ =	sdelay $0x1  }
0xa1: {  	s23 =	simm.s32 $0x1B8B  }
0xa2: {  	_ =	swait.ge [sflag:s23], $0x1  }
0xa3: {  	[sflag:s23] =	ssyncset.done $0x0  }
0xa4: {  	s25 =	simm.s32 $0x1B8E;
	s24 =	sld [smem:$0x3FFE];
	[sflag:s23] =	ssyncadd.s32 $0xFFFFFFFF  }
0xa5: {  	s26 =	simm.s32 $execute0_lowered;
	[smem:$0x3FD2] =	sst s25  }
0xa6: {  	s5 =	sshll.u32 s26, $0x1;
	_ =	strace $0x80000049;
	[dreg:$0x1] =	wrdreg $0xFFFFFFFF  }
0xa7: {  	s28 =	simm.s32 $_size_execute0_lowered;
	s3 =	sadd.s32 s3, s5;
	[dreg:$0x0] =	wrdreg $0x0  }
0xa8: {  	s5 =	sshll.u32 s28, $0x1;
	[dreg:$0x2] =	wrdreg s3  }
0xa9: {  	[dreg:$0x3] =	wrdreg s5  }
0xaa: {  	[dreg:$0x4] =	wrdreg $0xC0  }
0xab: {  	_ =	task [dreg:s7], $0x5FFFF  }
0xac: {  	[dreg:$0x1] =	wrdreg $0xFFFFFFFF  }
0xad: {  	[dreg:$0x0] =	wrdreg $0x60  }
0xae: {  	[dreg:$0x2] =	wrdreg s24  }
0xaf: {  	[dreg:$0x3] =	wrdreg s2  }
0xb0: {  	[dreg:$0x4] =	wrdreg $0xCF000  }
0xb1: {  	[dreg:$0x5] =	wrdreg $0x9  }
0xb2: {  	_ =	task.clear_ibuf [dreg:s7], $0x6FFFF;
	_ =	strace $0x90000049  }
0xb3: {  	s29 =	simm.s32 $0x9;
	_ =	strace $0x8000004B  }
0xb4: {  	_ =	swait.ge [sflag:s29], $0x1  }
0xb5: {  	[sflag:s29] =	ssyncadd.s32 $0xFFFFFFFF  }
0xb6: {  	_ =	strace $0x9000004B  }
0xb7: {  	_ =	sfence  }
0xb8: {  	s30 =	sld [smem:$0x0];
	_ =	sdelay $0x2  }
0xb9: {  	s31 =	sshll.u32 s1, $0xD;
	s1 =	sshrl.u32 s1, $0x2  }
0xba: {  	s3 =	sand.u32 $0x4000, s31;
	s1 =	sadd.s32 s1, s30  }
0xbb: {  	s0 =	sor.u32 s3, s0;
	s1 =	sshll.u32 s1, $0x11  }
0xbc: {  	s0 =	sor.u32 s1, s0  }
0xbd: {  	s0 =	sadd.s32 $0x8F2B, s0  }
0xbe: {  	[sflag:s0] =	ssyncadd.remote.s32 $0x1  }
0xbf: {  	_ =	sfence.sel $0xFFFF  }
0xc0: {  	[dreg:$0x0] =	wrdreg $0xFFFFFFFF;
	(pc) =	sbr.abs _section_cstart, $3  }
0xc1: {  	[dreg:$0x1] =	wrdreg $0xFFFFFFFF  }
0xc2: {  	_ =	task.clear_ibuf [dreg:s7], $0x2FFFF;
	_ =	strace $0x9FFFFFFF  }
0xc3: {  	(tm) =	ssettm $0x7FFFFFFF  }
tec
execute0_lowered:
.L_overlay_start_1:
0x0: {  	(tag) =	ssettag $0x1  }
0x1: {  	s0 =	srdreg.scid  }
0x2: {  	s1 =	rddreg [dreg:$0x0];
	s11 =	stileid.u32  }
0x3: {  	s3 =	rddreg [dreg:$0x2];
	s6 =	simm.s32 $0x0;
	s24 =	simm.s32 $0x7F00  }
0x4: {  	s28 =	simm.s32 $0x8F00;
	s30 =	simm.s32 $0x9F00;
	s29 =	simm.s32 $0x2  }
0x5: {  	s31 =	simm.s32 $0xA;
	s12 =	simm.s32 $0xE;
	s0 =	sand.u32 $0x1, s0  }
0x6: {  	[smem:$0x7FF] =	sst s6;
	s8 =	smul.u32 $0x13800, s11;
	s6 =	simm.s32 $0x4F  }
0x7: {  	s10 =	smul.u32 $0x9C00, s11;
	s14 =	sadd.s32 $0x4E000, s3;
	p1 =	sne.s32 s11, $0xF  }
0x8: {  	s2 =	sshll.u32 s0, $0x4;
	_ =	strace $0x8000004A;
	s16 =	smul.u32 $0x9C40, s0  }
0x9: {  	s0 =	ssub.s32 $0x2, s0;
	[dreg:$0xb] =	wrdreg s14;
	s2 =	sor.u32 s11, s2  }
0xa: {  	s7 =	sshrl.u32 s0, $0x1;
	s17 =	sshrl.u32 s8, $0x2;
	s9 =	sshrl.u32 s10, $0x1  }
0xb: {  	s25 =	sshrl.u32 s10, $0x4;
	s10 =	simm.s32 $0xD;
	s11 =	simm.s32 $0x6  }
0xc: {  	s4 =	smul.u32 $0x4E, s2;
	s5 =	smin.u32 s2, $0x4;
	p0 =	slt.u32 s2, $0x4  }
0xd: {  	s0 =	ssub.s32 s0, s7;
	s7 =	sadd.s32 s17, s3;
	s13 =	sadd.s32 s9, s3  }
0xe: {  	s17 =	simm.s32 $0x4F00;
	s19 =	sadd.s32 $0x1000, s7;
	[dreg:$0x6] =	wrdreg s13  }
0xf: {  	s9 =	simm.s32 $0x0;
	s20 =	sadd.s32 $0x2000, s7;
	[dreg:$0x7] =	wrdreg s19  }
0x10: {  	s6 =	simm.s32 @!p0 $0x4E;
	s21 =	sadd.s32 $0x3000, s7;
	[dreg:$0x8] =	wrdreg s20  }
0x11: {  	s22 =	sadd.s32 $0x4000, s7;
	s0 =	smax.u32 s0, $0x1;
	[dreg:$0x9] =	wrdreg s21  }
0x12: {  	p0 =	sgt.u32 s2, $0x3;
	s2 =	simm.s32 $0xB;
	[dreg:$0xa] =	wrdreg s22  }
0x13: {  	s4 =	sadd.s32 s5, s4;
	s5 =	sadd.s32 $0x2200, s1;
	[dreg:$0xd] =	wrdreg s0  }
0x14: {  	s19 =	simm.s32 $0x80;
	s20 =	simm.s32 $0x5F00;
	s4 =	sshll.u32 s4, $0x4  }
0x15: {  	s22 =	simm.s32 $0x6F00;
	s21 =	simm.s32 $0x4;
	s4 =	sadd.s32 s4, s1  }
0x16: {  	s0 =	simm.s32 $0xC;
	s1 =	sadd.s32 s16, s1;
	s18 =	sadd.s32 $0x46E00, s4  }
0x17: {  	s4 =	sadd.s32 $0x3D000, s4;
	s23 =	sadd.s32 $0xC000, s1;
	[dreg:$0x4] =	wrdreg s18  }
0x18: {  	s1 =	simm.s32 $0x3;
	[dreg:$0x5] =	wrdreg s4;
	s18 =	simm.s32 $0x11  }
0x19: {  	[dreg:$0xc] =	wrdreg s23;
	s26 =	sadd.s32 s25, s23;
	s23 =	simm.s32 $0x1  }
0x1a: {  	s4 =	simm.s32 $0x5;
	[dreg:$0xe] =	wrdreg s26;
	s26 =	simm.s32 $0x9  }
.LBB2_1:
0x1b: {  	[dreg:$0xf] =	wrdreg s9  }
0x1c: {  	s7 =	simm.s32 @p0 $0x0;
	s8 =	rddreg [dreg:$0x4];
	s15 =	simm.s32 @p0 $0x11  }
0x1d: {  	[tilespmem:s7], [sflag:$0x11] =	stream.linear.gather @p0 [hbm4b:s8+s7], $0x2700, $0x38;
	[tilespmem:$0x11D20] =	vst v63  }
0x1e: {  	_ =	swait.ge @p0 [sflag:s15], $0x2700  }
0x1f: {  	[sflag:s15] =	ssyncset.done @p0 $0x0  }
0x20: {  	s16 =	simm.s32 @p0 $0x2780;
	s9 =	rddreg [dreg:$0x5];
	[sflag:s15] =	ssyncadd.s32 @p0 $0xFFFFD900  }
0x21: {  	[tilespmem:s16], [sflag:$0x11] =	stream.linear.gather @p0 [hbm4b:s9+s7], $0x2700, $0x38;
	[tilespmem:$0x11D20] =	vst v63  }
0x22: {  	_ =	swait.ge @p0 [sflag:s15], $0x2700  }
0x23: {  	[sflag:s15] =	ssyncset.done @p0 $0x0  }
0x24: {  	s7 =	simm.s32 @!p0 $0x0;
	[sflag:s15] =	ssyncadd.s32 @p0 $0xFFFFD900;
	s15 =	simm.s32 @!p0 $0x11  }
0x25: {  	[tilespmem:s7], [sflag:$0x11] =	stream.linear.gather @!p0 [hbm4b:s8+s7], $0x2780, $0x38;
	[tilespmem:$0x11D20] =	vst v63  }
0x26: {  	_ =	swait.ge @!p0 [sflag:s15], $0x2780  }
0x27: {  	[sflag:s15] =	ssyncset.done @!p0 $0x0  }
0x28: {  	s16 =	simm.s32 @!p0 $0x2780;
	[sflag:s15] =	ssyncadd.s32 @!p0 $0xFFFFD880  }
0x29: {  	[tilespmem:s16], [sflag:$0x11] =	stream.linear.gather @!p0 [hbm4b:s9+s7], $0x2780, $0x38;
	[tilespmem:$0x11D20] =	vst v63  }
0x2a: {  	_ =	swait.ge @!p0 [sflag:s15], $0x2780  }
0x2b: {  	[sflag:s15] =	ssyncset.done @!p0 $0x0  }
0x2c: {  	[sflag:s15] =	ssyncadd.s32 @!p0 $0xFFFFD880  }
0x2d: {  	s8 =	simm.s32 $0x0;
	s9 =	rddreg [dreg:$0x1]  }
0x2e: {  	[tilespmem:s17], [sflag:$0x11] =	stream.linear.gather [hbm4b:s9+s8], $0x1000, $0x38;
	[tilespmem:$0x11D20] =	vst v63  }
0x2f: {  	_ =	swait.ge [sflag:s18], $0x1000  }
0x30: {  	[sflag:s18] =	ssyncset.done $0x0  }
0x31: {  	[sflag:s18] =	ssyncadd.s32 $0xFFFFF000  }
0x32: {  	[spmem:s13] =	stream.linear.scatter [tilespmem:s17], [sflag:$0x11], $0x1000, $0x38;
	[tilespmem:$0x11D20] =	vst v63  }
0x33: {  	_ =	swait.ge [sflag:s18], $0x1000  }
0x34: {  	[sflag:s18] =	ssyncset.done $0x0  }
0x35: {  	s15 =	rddreg [dreg:$0x7];
	[sflag:s18] =	ssyncadd.s32 $0xFFFFF000  }
0x36: {  	[spmem:s15] =	stream.linear.scatter [tilespmem:s17], [sflag:$0x11], $0x1000, $0x38;
	[tilespmem:$0x11D20] =	vst v63  }
0x37: {  	_ =	swait.ge [sflag:s18], $0x1000  }
0x38: {  	[sflag:s18] =	ssyncset.done $0x0  }
0x39: {  	s16 =	rddreg [dreg:$0x8];
	[sflag:s18] =	ssyncadd.s32 $0xFFFFF000  }
0x3a: {  	[spmem:s16] =	stream.linear.scatter [tilespmem:s17], [sflag:$0x11], $0x1000, $0x38;
	[tilespmem:$0x11D20] =	vst v63  }
0x3b: {  	_ =	swait.ge [sflag:s18], $0x1000  }
0x3c: {  	[sflag:s18] =	ssyncset.done $0x0  }
0x3d: {  	s25 =	rddreg [dreg:$0x9];
	[sflag:s18] =	ssyncadd.s32 $0xFFFFF000  }
0x3e: {  	[spmem:s25] =	stream.linear.scatter [tilespmem:s17], [sflag:$0x11], $0x1000, $0x38;
	[tilespmem:$0x11D20] =	vst v63  }
0x3f: {  	_ =	swait.ge [sflag:s18], $0x1000  }
0x40: {  	[sflag:s18] =	ssyncset.done $0x0  }
0x41: {  	s9 =	rddreg [dreg:$0xa];
	[sflag:s18] =	ssyncadd.s32 $0xFFFFF000  }
0x42: {  	[spmem:s9] =	stream.linear.scatter [tilespmem:s17], [sflag:$0x11], $0xE00, $0x38;
	[tilespmem:$0x11D20] =	vst v63  }
0x43: {  	_ =	swait.ge [sflag:s18], $0xE00  }
0x44: {  	[sflag:s18] =	ssyncset.done $0x0  }
0x45: {  	s7 =	simm.s32 @!p1 $0x4F00;
	[sflag:s18] =	ssyncadd.s32 $0xFFFFF200  }
0x46: {  	[spmem:s14] =	stream.linear.scatter @!p1 [tilespmem:s7], [sflag:$0x11], $0x200, $0x38;
	[tilespmem:$0x11D20] =	vst v63  }
0x47: {  	s7 =	simm.s32 @!p1 $0x11  }
0x48: {  	_ =	swait.ge @!p1 [sflag:s7], $0x200  }
0x49: {  	[sflag:s7] =	ssyncset.done @!p1 $0x0  }
0x4a: {  	[sflag:s7] =	ssyncadd.s32 @!p1 $0xFFFFFE00  }
0x4b: {  	[bflag:$0x0] =	sbarrier.arrive $0xFFFF  }
0x4c: {  	[tilespmem:s17], [sflag:$0x1] =	stream.indirect.gather [hbm4b:s5+s19], $0x20, s8, s19, $0xb8;
	[tilespmem:$0x11D20] =	vst v63  }
0x4d: {  	_ = 	snop  }
0x4e: {  	[tilespmem:s20], [sflag:$0x2] =	stream.indirect.gather [hbm4b:s5+s19], $0x20, s19, s19, $0xb8;
	[tilespmem:$0x11D20] =	vst v63  }
0x4f: {  	s13 =	simm.s32 $0x100  }
0x50: {  	[tilespmem:s22], [sflag:$0x3] =	stream.indirect.gather [hbm4b:s5+s19], $0x20, s13, s19, $0xb8;
	[tilespmem:$0x11D20] =	vst v63  }
0x51: {  	s14 =	simm.s32 $0x180  }
0x52: {  	[tilespmem:s24], [sflag:$0x4] =	stream.indirect.gather [hbm4b:s5+s19], $0x20, s14, s19, $0xb8;
	[tilespmem:$0x11D20] =	vst v63  }
0x53: {  	s15 =	simm.s32 $0x200  }
0x54: {  	[tilespmem:s28], [sflag:$0x5] =	stream.indirect.gather [hbm4b:s5+s19], $0x20, s15, s19, $0xb8;
	[tilespmem:$0x11D20] =	vst v63  }
0x55: {  	s16 =	simm.s32 $0x280  }
0x56: {  	[tilespmem:s30], [sflag:$0x6] =	stream.indirect.gather [hbm4b:s5+s19], $0x20, s16, s19, $0xb8;
	[tilespmem:$0x11D20] =	vst v63  }
0x57: {  	s25 =	simm.s32 $0xAF00;
	s18 =	simm.s32 $0x300  }
0x58: {  	[tilespmem:s25], [sflag:$0x7] =	stream.indirect.gather [hbm4b:s5+s19], $0x20, s18, s19, $0xb8;
	[tilespmem:$0x11D20] =	vst v63  }
0x59: {  	s9 =	simm.s32 $0xBF00;
	s8 =	simm.s32 $0x380  }
0x5a: {  	[tilespmem:s9], [sflag:$0x8] =	stream.indirect.gather [hbm4b:s5+s19], $0x20, s8, s19, $0xb8;
	[tilespmem:$0x11D20] =	vst v63  }
0x5b: {  	_ =	swait.ge [sflag:s23], $0x1000  }
0x5c: {  	[sflag:s23] =	ssyncset.done $0x0  }
0x5d: {  	s13 =	simm.s32 $0x2780;
	[sflag:s23] =	ssyncadd.s32 $0xFFFFF000  }
0x5e: {  	[spmem:s3] =	stream.indirect.scatter.add.bf16 [tilespmem:s17], [sflag:$0x9], $0x20, s13, s19, $0xb8;
	[tilespmem:$0x11D20] =	vst v63  }
0x5f: {  	p2 =	sle.u32 s6, $0x8;
	_ =	swait.ge [sflag:s26], $0x1000  }
0x60: {  	s7 =	simm.s32 @!p2 $0x4F00;
	[sflag:s26] =	ssyncset.done $0x0  }
0x61: {  	s15 =	simm.s32 @!p2 $0x400;
	s16 =	simm.s32 @!p2 $0x80;
	[sflag:s26] =	ssyncadd.s32 $0xFFFFF000  }
0x62: {  	[tilespmem:s7], [sflag:$0x1] =	stream.indirect.gather @!p2 [hbm4b:s5+s16], $0x20, s15, s16, $0xb8;
	[tilespmem:$0x11D20] =	vst v63  }
0x63: {  	_ =	swait.ge [sflag:s29], $0x1000  }
0x64: {  	[sflag:s29] =	ssyncset.done $0x0  }
0x65: {  	s14 =	simm.s32 $0x2800;
	[sflag:s29] =	ssyncadd.s32 $0xFFFFF000  }
0x66: {  	[spmem:s3] =	stream.indirect.scatter.add.bf16 [tilespmem:s20], [sflag:$0xA], $0x20, s14, s19, $0xb8;
	[tilespmem:$0x11D20] =	vst v63  }
0x67: {  	p2 =	sle.u32 s6, $0x9;
	_ =	swait.ge [sflag:s31], $0x1000  }
0x68: {  	s7 =	simm.s32 @!p2 $0x5F00;
	[sflag:s31] =	ssyncset.done $0x0  }
0x69: {  	s15 =	simm.s32 @!p2 $0x480;
	s16 =	simm.s32 @!p2 $0x80;
	[sflag:s31] =	ssyncadd.s32 $0xFFFFF000  }
0x6a: {  	[tilespmem:s7], [sflag:$0x2] =	stream.indirect.gather @!p2 [hbm4b:s5+s16], $0x20, s15, s16, $0xb8;
	[tilespmem:$0x11D20] =	vst v63  }
0x6b: {  	_ =	swait.ge [sflag:s1], $0x1000  }
0x6c: {  	[sflag:s1] =	ssyncset.done $0x0  }
0x6d: {  	s15 =	simm.s32 $0x2880;
	[sflag:s1] =	ssyncadd.s32 $0xFFFFF000  }
0x6e: {  	[spmem:s3] =	stream.indirect.scatter.add.bf16 [tilespmem:s22], [sflag:$0xB], $0x20, s15, s19, $0xb8;
	[tilespmem:$0x11D20] =	vst v63  }
0x6f: {  	p2 =	sle.u32 s6, $0xA;
	_ =	swait.ge [sflag:s2], $0x1000  }
0x70: {  	s7 =	simm.s32 @!p2 $0x6F00;
	[sflag:s2] =	ssyncset.done $0x0  }
0x71: {  	s16 =	simm.s32 @!p2 $0x80;
	s15 =	simm.s32 @!p2 $0x500;
	[sflag:s2] =	ssyncadd.s32 $0xFFFFF000  }
0x72: {  	[tilespmem:s7], [sflag:$0x3] =	stream.indirect.gather @!p2 [hbm4b:s5+s16], $0x20, s15, s16, $0xb8;
	[tilespmem:$0x11D20] =	vst v63  }
0x73: {  	_ =	swait.ge [sflag:s21], $0x1000  }
0x74: {  	[sflag:s21] =	ssyncset.done $0x0  }
0x75: {  	s16 =	simm.s32 $0x2900;
	[sflag:s21] =	ssyncadd.s32 $0xFFFFF000  }
0x76: {  	[spmem:s3] =	stream.indirect.scatter.add.bf16 [tilespmem:s24], [sflag:$0xC], $0x20, s16, s19, $0xb8;
	[tilespmem:$0x11D20] =	vst v63  }
0x77: {  	p2 =	sle.u32 s6, $0xB;
	_ =	swait.ge [sflag:s0], $0x1000  }
0x78: {  	s7 =	simm.s32 @!p2 $0x7F00;
	[sflag:s0] =	ssyncset.done $0x0  }
0x79: {  	s15 =	simm.s32 @!p2 $0x580;
	s16 =	simm.s32 @!p2 $0x80;
	[sflag:s0] =	ssyncadd.s32 $0xFFFFF000  }
0x7a: {  	[tilespmem:s7], [sflag:$0x4] =	stream.indirect.gather @!p2 [hbm4b:s5+s16], $0x20, s15, s16, $0xb8;
	[tilespmem:$0x11D20] =	vst v63  }
0x7b: {  	_ =	swait.ge [sflag:s4], $0x1000  }
0x7c: {  	[sflag:s4] =	ssyncset.done $0x0  }
0x7d: {  	s18 =	simm.s32 $0x2980;
	[sflag:s4] =	ssyncadd.s32 $0xFFFFF000  }
0x7e: {  	[spmem:s3] =	stream.indirect.scatter.add.bf16 [tilespmem:s28], [sflag:$0xD], $0x20, s18, s19, $0xb8;
	[tilespmem:$0x11D20] =	vst v63  }
0x7f: {  	p2 =	sle.u32 s6, $0xC;
	_ =	swait.ge [sflag:s10], $0x1000  }
0x80: {  	s7 =	simm.s32 @!p2 $0x8F00;
	[sflag:s10] =	ssyncset.done $0x0  }
0x81: {  	s15 =	simm.s32 @!p2 $0x600;
	s16 =	simm.s32 @!p2 $0x80;
	[sflag:s10] =	ssyncadd.s32 $0xFFFFF000  }
0x82: {  	[tilespmem:s7], [sflag:$0x5] =	stream.indirect.gather @!p2 [hbm4b:s5+s16], $0x20, s15, s16, $0xb8;
	[tilespmem:$0x11D20] =	vst v63  }
0x83: {  	_ =	swait.ge [sflag:s11], $0x1000  }
0x84: {  	[sflag:s11] =	ssyncset.done $0x0  }
0x85: {  	s25 =	simm.s32 $0x2A00;
	[sflag:s11] =	ssyncadd.s32 $0xFFFFF000  }
0x86: {  	[spmem:s3] =	stream.indirect.scatter.add.bf16 [tilespmem:s30], [sflag:$0xE], $0x20, s25, s19, $0xb8;
	[tilespmem:$0x11D20] =	vst v63  }
0x87: {  	p3 =	sle.u32 s6, $0xD;
	_ =	swait.ge [sflag:s12], $0x1000  }
0x88: {  	s7 =	simm.s32 @!p3 $0x9F00;
	s15 =	simm.s32 @!p3 $0x680;
	[sflag:s12] =	ssyncset.done $0x0  }
0x89: {  	p2 =	sle.u32 s6, $0x6;
	s16 =	simm.s32 @!p3 $0x80;
	[sflag:s12] =	ssyncadd.s32 $0xFFFFF000  }
0x8a: {  	[tilespmem:s7], [sflag:$0x6] =	stream.indirect.gather @!p3 [hbm4b:s5+s16], $0x20, s15, s16, $0xb8;
	[tilespmem:$0x11D20] =	vst v63  }
0x8b: {  	s25 =	simm.s32 @!p2 $0x7;
	s7 =	simm.s32 @!p2 $0x2A80  }
0x8c: {  	s15 =	simm.s32 @!p2 $0x80;
	p3 =	sle.u32 @!p2 s6, $0xE;
	_ =	swait.ge @!p2 [sflag:s25], $0x1000  }
0x8d: {  	s16 =	simm.s32 @!p2 $0xAF00;
	p4 =	por p3, p2;
	[sflag:s25] =	ssyncset.done @!p2 $0x0  }
0x8e: {  	p3 =	sle.u32 s6, $0x7;
	[sflag:s25] =	ssyncadd.s32 @!p2 $0xFFFFF000;
	s25 =	simm.s32 @!p2 $0xF  }
0x8f: {  	[spmem:s3] =	stream.indirect.scatter.add.bf16 @!p2 [tilespmem:s16], [sflag:$0xF], $0x20, s7, s15, $0xb8;
	[tilespmem:$0x11D20] =	vst v63  }
0x90: {  	s8 =	simm.s32 @!p3 $0x80;
	_ =	swait.ge @!p2 [sflag:s25], $0x1000  }
0x91: {  	s7 =	simm.s32 @!p4 $0xAF00;
	s15 =	simm.s32 @!p4 $0x700;
	[sflag:s25] =	ssyncset.done @!p2 $0x0  }
0x92: {  	s16 =	simm.s32 @!p4 $0x80;
	[sflag:s25] =	ssyncadd.s32 @!p2 $0xFFFFF000;
	s25 =	simm.s32 @!p3 $0x8  }
0x93: {  	[tilespmem:s7], [sflag:$0x7] =	stream.indirect.gather @!p4 [hbm4b:s5+s16], $0x20, s15, s16, $0xb8;
	[tilespmem:$0x11D20] =	vst v63  }
0x94: {  	p2 =	sle.u32 @!p3 s6, $0xF;
	s15 =	simm.s32 @!p3 $0xBF00;
	_ =	swait.ge @!p3 [sflag:s25], $0x1000  }
0x95: {  	s16 =	simm.s32 @!p3 $0x2B00;
	s7 =	simm.s32 @!p3 $0x10;
	[sflag:s25] =	ssyncset.done @!p3 $0x0  }
0x96: {  	p4 =	por p2, p3;
	[sflag:s25] =	ssyncadd.s32 @!p3 $0xFFFFF000;
	s25 =	simm.s32 $0x17  }
0x97: {  	[spmem:s3] =	stream.indirect.scatter.add.bf16 @!p3 [tilespmem:s15], [sflag:$0x10], $0x20, s16, s8, $0xb8;
	[tilespmem:$0x11D20] =	vst v63  }
0x98: {  	s16 =	simm.s32 $0x1000;
	s15 =	simm.s32 $0x0;
	_ =	swait.ge @!p3 [sflag:s7], $0x1000  }
.LBB2_2:
0x99: {  	[sflag:s7] =	ssyncset.done @!p3 $0x0  }
0x9a: {  	s8 =	sshra.s32 @!p4 s15, $0x2;
	s9 =	simm.s32 @!p4 $0xBF00;
	s15 =	smov.u32 s16  }
0x9b: {  	[sflag:s7] =	ssyncadd.s32 @!p3 $0xFFFFF000;
	s7 =	sadd.s32 @!p4 $0x780, s8;
	s8 =	simm.s32 @!p4 $0x80  }
0x9c: {  	[tilespmem:s9], [sflag:$0x8] =	stream.indirect.gather @!p4 [hbm4b:s5+s8], $0x20, s7, s8, $0xb8;
	[tilespmem:$0x11D20] =	vst v63  }
0x9d: {  	s16 =	sadd.s32 $0x1000, s16;
	s7 =	sshra.s32 s15, $0x2;
	_ =	swait.ge [sflag:s23], $0x1000  }
0x9e: {  	s9 =	sadd.s32 $0xFFFFFFF9, s25;
	s8 =	sadd.s32 $0x2780, s7;
	[sflag:s23] =	ssyncset.done $0x0  }
0x9f: {  	p2 =	sne.s32 s16, $0xA000;
	p3 =	sge.u32 s9, s6;
	[sflag:s23] =	ssyncadd.s32 $0xFFFFF000  }
0xa0: {  	[spmem:s3] =	stream.indirect.scatter.add.bf16 [tilespmem:s17], [sflag:$0x9], $0x20, s8, s19, $0xb8;
	[tilespmem:$0x11D20] =	vst v63  }
0xa1: {  	s9 =	simm.s32 @!p3 $0x4F00;
	s8 =	sshra.s32 @!p3 s15, $0x2;
	_ =	swait.ge [sflag:s26], $0x1000  }
0xa2: {  	s14 =	simm.s32 @!p3 $0x80;
	s8 =	sadd.s32 @!p3 $0x400, s8;
	[sflag:s26] =	ssyncset.done $0x0  }
0xa3: {  	[sflag:s26] =	ssyncadd.s32 $0xFFFFF000  }
0xa4: {  	[tilespmem:s9], [sflag:$0x1] =	stream.indirect.gather @!p3 [hbm4b:s5+s14], $0x20, s8, s14, $0xb8;
	[tilespmem:$0x11D20] =	vst v63  }
0xa5: {  	_ =	swait.ge [sflag:s29], $0x1000  }
0xa6: {  	s8 =	sadd.s32 $0x2800, s7;
	s9 =	sadd.s32 $0xFFFFFFFA, s25;
	[sflag:s29] =	ssyncset.done $0x0  }
0xa7: {  	p3 =	sge.u32 s9, s6;
	[sflag:s29] =	ssyncadd.s32 $0xFFFFF000  }
0xa8: {  	[spmem:s3] =	stream.indirect.scatter.add.bf16 [tilespmem:s20], [sflag:$0xA], $0x20, s8, s19, $0xb8;
	[tilespmem:$0x11D20] =	vst v63  }
0xa9: {  	s9 =	simm.s32 @!p3 $0x5F00;
	s8 =	sshra.s32 @!p3 s15, $0x2;
	_ =	swait.ge [sflag:s31], $0x1000  }
0xaa: {  	s14 =	simm.s32 @!p3 $0x80;
	s8 =	sadd.s32 @!p3 $0x480, s8;
	[sflag:s31] =	ssyncset.done $0x0  }
0xab: {  	[sflag:s31] =	ssyncadd.s32 $0xFFFFF000  }
0xac: {  	[tilespmem:s9], [sflag:$0x2] =	stream.indirect.gather @!p3 [hbm4b:s5+s14], $0x20, s8, s14, $0xb8;
	[tilespmem:$0x11D20] =	vst v63  }
0xad: {  	_ =	swait.ge [sflag:s1], $0x1000  }
0xae: {  	s8 =	sadd.s32 $0x2880, s7;
	s9 =	sadd.s32 $0xFFFFFFFB, s25;
	[sflag:s1] =	ssyncset.done $0x0  }
0xaf: {  	p3 =	sge.u32 s9, s6;
	[sflag:s1] =	ssyncadd.s32 $0xFFFFF000  }
0xb0: {  	[spmem:s3] =	stream.indirect.scatter.add.bf16 [tilespmem:s22], [sflag:$0xB], $0x20, s8, s19, $0xb8;
	[tilespmem:$0x11D20] =	vst v63  }
0xb1: {  	s9 =	simm.s32 @!p3 $0x6F00;
	s8 =	sshra.s32 @!p3 s15, $0x2;
	_ =	swait.ge [sflag:s2], $0x1000  }
0xb2: {  	s14 =	simm.s32 @!p3 $0x80;
	s8 =	sadd.s32 @!p3 $0x500, s8;
	[sflag:s2] =	ssyncset.done $0x0  }
0xb3: {  	[sflag:s2] =	ssyncadd.s32 $0xFFFFF000  }
0xb4: {  	[tilespmem:s9], [sflag:$0x3] =	stream.indirect.gather @!p3 [hbm4b:s5+s14], $0x20, s8, s14, $0xb8;
	[tilespmem:$0x11D20] =	vst v63  }
0xb5: {  	_ =	swait.ge [sflag:s21], $0x1000  }
0xb6: {  	s8 =	sadd.s32 $0x2900, s7;
	s9 =	sadd.s32 $0xFFFFFFFC, s25;
	[sflag:s21] =	ssyncset.done $0x0  }
0xb7: {  	p3 =	sge.u32 s9, s6;
	[sflag:s21] =	ssyncadd.s32 $0xFFFFF000  }
0xb8: {  	[spmem:s3] =	stream.indirect.scatter.add.bf16 [tilespmem:s24], [sflag:$0xC], $0x20, s8, s19, $0xb8;
	[tilespmem:$0x11D20] =	vst v63  }
0xb9: {  	s9 =	simm.s32 @!p3 $0x7F00;
	s8 =	sshra.s32 @!p3 s15, $0x2;
	_ =	swait.ge [sflag:s0], $0x1000  }
0xba: {  	s14 =	simm.s32 @!p3 $0x80;
	s8 =	sadd.s32 @!p3 $0x580, s8;
	[sflag:s0] =	ssyncset.done $0x0  }
0xbb: {  	[sflag:s0] =	ssyncadd.s32 $0xFFFFF000  }
0xbc: {  	[tilespmem:s9], [sflag:$0x4] =	stream.indirect.gather @!p3 [hbm4b:s5+s14], $0x20, s8, s14, $0xb8;
	[tilespmem:$0x11D20] =	vst v63  }
0xbd: {  	_ =	swait.ge [sflag:s4], $0x1000  }
0xbe: {  	s8 =	sadd.s32 $0x2980, s7;
	s9 =	sadd.s32 $0xFFFFFFFD, s25;
	[sflag:s4] =	ssyncset.done $0x0  }
0xbf: {  	p3 =	sge.u32 s9, s6;
	[sflag:s4] =	ssyncadd.s32 $0xFFFFF000  }
0xc0: {  	[spmem:s3] =	stream.indirect.scatter.add.bf16 [tilespmem:s28], [sflag:$0xD], $0x20, s8, s19, $0xb8;
	[tilespmem:$0x11D20] =	vst v63  }
0xc1: {  	s9 =	simm.s32 @!p3 $0x8F00;
	s8 =	sshra.s32 @!p3 s15, $0x2;
	_ =	swait.ge [sflag:s10], $0x1000  }
0xc2: {  	s14 =	simm.s32 @!p3 $0x80;
	s8 =	sadd.s32 @!p3 $0x600, s8;
	[sflag:s10] =	ssyncset.done $0x0  }
0xc3: {  	[sflag:s10] =	ssyncadd.s32 $0xFFFFF000  }
0xc4: {  	[tilespmem:s9], [sflag:$0x5] =	stream.indirect.gather @!p3 [hbm4b:s5+s14], $0x20, s8, s14, $0xb8;
	[tilespmem:$0x11D20] =	vst v63  }
0xc5: {  	_ =	swait.ge [sflag:s11], $0x1000  }
0xc6: {  	s7 =	sadd.s32 $0x2A00, s7;
	s8 =	sadd.s32 $0xFFFFFFFE, s25;
	[sflag:s11] =	ssyncset.done $0x0  }
0xc7: {  	p3 =	sge.u32 s8, s6;
	s8 =	sadd.s32 $0xFFFFFFF7, s25;
	[sflag:s11] =	ssyncadd.s32 $0xFFFFF000  }
0xc8: {  	[spmem:s3] =	stream.indirect.scatter.add.bf16 [tilespmem:s30], [sflag:$0xE], $0x20, s7, s19, $0xb8;
	[tilespmem:$0x11D20] =	vst v63  }
0xc9: {  	s9 =	simm.s32 @!p3 $0x9F00;
	s7 =	sshra.s32 @!p3 s15, $0x2;
	_ =	swait.ge [sflag:s12], $0x1000  }
0xca: {  	p4 =	sge.u32 s8, s6;
	s7 =	sadd.s32 @!p3 $0x680, s7;
	[sflag:s12] =	ssyncset.done $0x0  }
0xcb: {  	s8 =	simm.s32 @!p3 $0x80;
	s14 =	simm.s32 @!p4 $0x7;
	s13 =	sshra.s32 @!p4 s15, $0x2  }
0xcc: {  	s18 =	sadd.s32 @!p4 $0xFFFFFFFF, s25;
	s13 =	sadd.s32 @!p4 $0x2A80, s13;
	[sflag:s12] =	ssyncadd.s32 $0xFFFFF000  }
0xcd: {  	[tilespmem:s9], [sflag:$0x6] =	stream.indirect.gather @!p3 [hbm4b:s5+s8], $0x20, s7, s8, $0xb8;
	[tilespmem:$0x11D20] =	vst v63  }
0xce: {  	s7 =	simm.s32 @!p4 $0x80;
	s8 =	simm.s32 @!p4 $0xAF00;
	_ =	swait.ge @!p4 [sflag:s14], $0x1000  }
0xcf: {  	s9 =	simm.s32 @!p4 $0xF;
	p3 =	sge.u32 @!p4 s18, s6;
	[sflag:s14] =	ssyncset.done @!p4 $0x0  }
0xd0: {  	p5 =	por p3, p4;
	[sflag:s14] =	ssyncadd.s32 @!p4 $0xFFFFF000;
	s14 =	sadd.s32 $0xFFFFFFF8, s25  }
0xd1: {  	[spmem:s3] =	stream.indirect.scatter.add.bf16 @!p4 [tilespmem:s8], [sflag:$0xF], $0x20, s13, s7, $0xb8;
	[tilespmem:$0x11D20] =	vst v63  }
0xd2: {  	s7 =	sshra.s32 @!p5 s15, $0x2;
	s8 =	simm.s32 @!p5 $0xAF00;
	_ =	swait.ge @!p4 [sflag:s9], $0x1000  }
0xd3: {  	p3 =	sge.u32 s14, s6;
	s7 =	sadd.s32 @!p5 $0x700, s7;
	[sflag:s9] =	ssyncset.done @!p4 $0x0  }
0xd4: {  	s13 =	simm.s32 @!p3 $0x8;
	[sflag:s9] =	ssyncadd.s32 @!p4 $0xFFFFF000;
	s9 =	simm.s32 @!p5 $0x80  }
0xd5: {  	[tilespmem:s8], [sflag:$0x7] =	stream.indirect.gather @!p5 [hbm4b:s5+s9], $0x20, s7, s9, $0xb8;
	[tilespmem:$0x11D20] =	vst v63  }
0xd6: {  	s7 =	sshra.s32 @!p3 s15, $0x2  }
.Ltmp0:
0xd7: {  	s8 =	simm.s32 @!p3 $0xBF00;
	_ =	swait.ge @!p3 [sflag:s13], $0x1000;
	(pc) =	sbr.rel @p2 .LBB2_2-.Ltmp0, $4  }
0xd8: {  	s14 =	simm.s32 @!p3 $0x80;
	s9 =	sadd.s32 @!p3 $0x2B00, s7;
	[sflag:s13] =	ssyncset.done @!p3 $0x0  }
0xd9: {  	p4 =	sge.u32 @!p3 s25, s6;
	s7 =	simm.s32 @!p3 $0x10;
	[sflag:s13] =	ssyncadd.s32 @!p3 $0xFFFFF000  }
0xda: {  	[spmem:s3] =	stream.indirect.scatter.add.bf16 @!p3 [tilespmem:s8], [sflag:$0x10], $0x20, s9, s14, $0xb8;
	[tilespmem:$0x11D20] =	vst v63  }
0xdb: {  	s25 =	sadd.s32 $0x8, s25;
	p4 =	por p4, p3;
	_ =	swait.ge @!p3 [sflag:s7], $0x1000  }
0xdc: {  	[sflag:s7] =	ssyncset.done @!p3 $0x0;
	s8 =	sshra.s32 @!p4 s15, $0x2;
	s9 =	simm.s32 @!p4 $0xBF00  }
0xdd: {  	[sflag:s7] =	ssyncadd.s32 @!p3 $0xFFFFF000;
	s7 =	sadd.s32 @!p4 $0x780, s8;
	s8 =	simm.s32 @!p4 $0x80  }
0xde: {  	[tilespmem:s9], [sflag:$0x8] =	stream.indirect.gather @!p4 [hbm4b:s5+s8], $0x20, s7, s8, $0xb8;
	[tilespmem:$0x11D20] =	vst v63  }
0xdf: {  	s13 =	stileid.u32;
	[bflag:$0x0] =	sbarrier.arrive $0xFFFF  }
0xe0: {  	s18 =	simm.s32 $0x11;
	s7 =	sshll.u32 s13, $0x6;
	s13 =	rddreg [dreg:$0x6]  }
0xe1: {  	s7 =	sor.u32 $0x1C11, s7;
	s15 =	rddreg [dreg:$0xe];
	s14 =	sshrl.u32 s13, $0x3  }
0xe2: {  	[hbm:s15], [sflag:s7] =	dma.local [spmem:s14], $0x9C0  }
0xe3: {  	_ =	swait.ge [sflag:s18], $0x9C0  }
0xe4: {  	s8 =	rddreg [dreg:$0xc]  }
0xe5: {  	[sflag:s18] =	ssyncset.done $0x0;
	s14 =	rddreg [dreg:$0xb]  }
0xe6: {  	[sflag:s18] =	ssyncadd.s32 $0xFFFFF640;
	s8 =	sadd.s32 @!p1 $0x9C00, s8;
	s9 =	sshrl.u32 @!p1 s14, $0x3  }
0xe7: {  	[hbm:s8], [sflag:s7] =	dma.local @!p1 [spmem:s9], $0x40  }
0xe8: {  	s7 =	simm.s32 @!p1 $0x11  }
0xe9: {  	_ =	swait.ge @!p1 [sflag:s7], $0x40  }
0xea: {  	s16 =	rddreg [dreg:$0xf]  }
0xeb: {  	s25 =	rddreg [dreg:$0xd];
	s9 =	sadd.s32 $0x1, s16  }
0xec: {  	p2 =	sne.s32 s9, s25  }
.Ltmp1:
0xed: {  	_ = 	snop;
	(pc) =	sbr.rel @p2 .LBB2_1-.Ltmp1, $3  }
0xee: {  	_ =	sdelay $0x1  }
0xef: {  	[sflag:s7] =	ssyncset.done @!p1 $0x0  }
0xf0: {  	[sflag:s7] =	ssyncadd.s32 @!p1 $0xFFFFFFC0  }
0xf1: {  	_ =	sfence.sel $0x180000  }
0xf2: {  	[bflag:$0x0] =	sbarrier.arrive $0xFFFF  }
0xf3: {  	_ =	strace $0x9000004A  }
0xf4: {  	s0 =	stileid.u32;
	[bflag:$0x2] =	sbarrier.arrive $0xFFFF  }
0xf5: {  	p0 =	sne.s32 s0, $0x0;
	s0 =	rddreg [dreg:$0x3]  }
0xf6: {  	s0 =	sadd.s32 @!p0 $0x100000, s0  }
0xf7: {  	[sflag:s0] =	ssyncadd.tile.s32 @!p0 $0x1;
	_ =	shalt  }
.Lfunc_end2:
_tile_overlayer_lowered:
.L_overlay_start_2:
0xf8: {  	(tag) =	ssettag $0x2  }
0xf9: {  	s0 =	rddreg [dreg:$0x0];
	s2 =	stileid.u32  }
0xfa: {  	s1 =	rddreg [dreg:$0x1];
	p0 =	sne.s32 s2, $0x0  }
0xfb: {  	s3 =	rddreg [dreg:$0x2];
	[bflag:$0x3] =	sbarrier.arrive $0xFFFF;
	s2 =	simm.s32 @!p0 $0x1C11  }
0xfc: {  	[timem:s3], [sflag:s2] =	dma.local @!p0 [hbm:s0], s1  }
0xfd: {  	s0 =	simm.s32 @!p0 $0x11  }
0xfe: {  	_ =	swait.ge @!p0 [sflag:s0], s1  }
0xff: {  	s1 =	ssub.s32 @!p0 $0x0, s1;
	[sflag:s0] =	ssyncset.done @!p0 $0x0  }
0x100: {  	[sflag:s0] =	ssyncadd.s32 @!p0 s1  }
0x101: {  	[bflag:$0x3] =	sbarrier.arrive $0xFFFF  }
0x102: {  	_ =	shalt  }

// kernel: kernel.7.cloned.1.call-start
scs
__scs_entry_jumppad:
0x0: {  	(pc) =	sbr.rel $0x88, $3  }
0x1: {  	(tag) =	ssettag $0x0;
	lr =	simm.s32 $0x1  }
0x2: {  	[smem:$0x3F97] =	sst lr;
	_ =	strace $0xD0000000  }
0x3: {  	_ = 	snop  }
0x4: {  	_ = 	snop  }
0x5: {  	_ = 	snop  }
0x6: {  	_ = 	snop  }
0x7: {  	_ = 	snop  }
__scs_overlays_trampoline_lowered:
0x8: {  	[smem:$0x3FA6] =	sst s0  }
0x9: {  	[smem:$0x3FA7] =	sst s1  }
0xa: {  	[smem:$0x3FA8] =	sst s2  }
0xb: {  	[smem:$0x3FA9] =	sst s3  }
0xc: {  	[smem:$0x3FAA] =	sst s4  }
0xd: {  	[smem:$0x3FAB] =	sst s5  }
0xe: {  	[smem:$0x3FAC] =	sst s6  }
0xf: {  	[smem:$0x3FAD] =	sst s7  }
0x10: {  	[smem:$0x3FAE] =	sst s8  }
0x11: {  	[smem:$0x3FAF] =	sst s9;
	s0 =	simm.s32 @!p0 $0x0  }
0x12: {  	s1 =	sld [smem:$0x3F95];
	s0 =	simm.s32 @p0 $0x1  }
0x13: {  	[smem:$0x3FB0] =	sst s0;
	s0 =	simm.s32 @!p1 $0x0  }
0x14: {  	s2 =	sld [smem:$0x3F94];
	s0 =	simm.s32 @p1 $0x1  }
0x15: {  	[smem:$0x3FB1] =	sst s0;
	s0 =	simm.s32 @!p2 $0x0  }
0x16: {  	s3 =	sld [smem:$0x3FDB];
	s0 =	simm.s32 @p2 $0x1  }
0x17: {  	s4 =	simm.s32 $0x1BF5;
	[smem:$0x3FB3] =	sst s0  }
0x18: {  	s0 =	sld [smem:$0x3F96];
	_ =	swait.ge [sflag:s4], $0x0  }
0x19: {  	s7 =	sld [smem:$0x3F97]  }
0x1a: {  	s8 =	sadd.s32 $0xFFFFE003, lr  }
0x1b: {  	s9 =	sadd.s32 $0xFFFFFEF7, lr;
	s5 =	simm.s32 $0xFFFFFFFF;
	p2 =	slt.u32 s8, $0xFFFFF086  }
0x1c: {  	p1 =	slt.u32 s9, $0xF7A;
	s5 =	simm.s32 @!p2 $0x0  }
0x1d: {  	s5 =	simm.s32 @p1 $0x1;
	p0 =	seq.s32 s7, s2  }
0x1e: {  	s7 =	smul.u32 @!p0 $0xF7A, s2;
	p2 =	seq.s32 @!p0 s5, $0x0  }
0x1f: {  	s9 =	smul.u32 $0xF7A, s1;
	s8 =	simm.s32 @!p0 $0x1BF5;
	p2 =	por !p2, p0  }
0x20: {  	[sflag:s8] =	ssyncset.s32 @!p0 $0xFFFFF086;
	s6 =	sadd.s32 @!p0 s3, s7;
	s7 =	simm.s32 @!p0 $0x108  }
0x21: {  	s3 =	sadd.s32 s3, s9;
	s6 =	sadd.s32 @!p0 $0x88, s6;
	s7 =	simm.s32 @p2 $0x1082  }
0x22: {  	[simem:s7], [sflag:s8] =	dma.local @!p0 [hbm:s6], $0xF7A  }
0x23: {  	s9 =	sor.u32 $0xD0000000, s2;
	s6 =	simm.s32 $0x108;
	_ =	swait.ge @!p0 [sflag:s8], $0x0  }
0x24: {  	s3 =	sadd.s32 $0x88, s3;
	s6 =	simm.s32 @!p1 $0x1082;
	[sflag:s4] =	ssyncset.s32 $0xFFFFF086  }
0x25: {  	[simem:s6], [sflag:s4] =	dma.local [hbm:s3], $0xF7A  }
0x26: {  	[smem:$0x3F97] =	sst s1;
	(tag) =	ssettag s2;
	_ =	strace s9  }
0x27: {  	s1 =	sld [smem:$0x3FA7]  }
0x28: {  	s2 =	sld [smem:$0x3FA8]  }
0x29: {  	s4 =	sld [smem:$0x3FAA]  }
0x2a: {  	p0 =	seq.s32 s5, $0x0;
	s5 =	sld [smem:$0x3FAB]  }
0x2b: {  	s6 =	sld [smem:$0x3FAC]  }
0x2c: {  	s7 =	sld [smem:$0x3FAD]  }
0x2d: {  	s3 =	simm.s32 $0x108;
	s8 =	sld [smem:$0x3FAE]  }
0x2e: {  	s3 =	simm.s32 @!p0 $0x1082;
	s9 =	sld [smem:$0x3FAF]  }
0x2f: {  	lr =	sadd.s32 s0, s3;
	s0 =	sld [smem:$0x3FA6]  }
0x30: {  	s3 =	sld [smem:$0x3FA9]  }
0x31: {  	[smem:$0x3FB2] =	sst s10  }
0x32: {  	s10 =	sld [smem:$0x3FB0];
	_ =	sdelay $0x3  }
0x33: {  	p0 =	seq.s32 s10, $0x1;
	s10 =	sld [smem:$0x3FB2];
	_ =	sdelay $0x3  }
0x34: {  	[smem:$0x3FB2] =	sst s10  }
0x35: {  	s10 =	sld [smem:$0x3FB1];
	_ =	sdelay $0x3  }
0x36: {  	p1 =	seq.s32 s10, $0x1;
	s10 =	sld [smem:$0x3FB2];
	_ =	sdelay $0x3  }
0x37: {  	[smem:$0x3FB2] =	sst s10  }
0x38: {  	s10 =	sld [smem:$0x3FB3]  }
0x39: {  	_ = 	snop;
	(pc) =	sbr.ind lr, $3  }
0x3a: {  	_ = 	snop  }
0x3b: {  	_ = 	snop  }
0x3c: {  	p2 =	seq.s32 s10, $0x1;
	s10 =	sld [smem:$0x3FB2]  }
0x3d: {  	_ =	shalt  }
0x3e: {  	_ =	shalt  }
0x3f: {  	_ =	shalt  }
0x40: {  	_ =	shalt  }
0x41: {  	_ =	shalt  }
0x42: {  	_ =	shalt  }
0x43: {  	_ =	shalt  }
0x44: {  	_ =	shalt  }
0x45: {  	_ =	shalt  }
0x46: {  	_ =	shalt  }
0x47: {  	_ =	shalt  }
0x48: {  	_ =	shalt  }
0x49: {  	_ =	shalt  }
0x4a: {  	_ =	shalt  }
0x4b: {  	_ =	shalt  }
0x4c: {  	_ =	shalt  }
0x4d: {  	_ =	shalt  }
0x4e: {  	_ =	shalt  }
0x4f: {  	_ =	shalt  }
0x50: {  	_ =	shalt  }
0x51: {  	_ =	shalt  }
0x52: {  	_ =	shalt  }
0x53: {  	_ =	shalt  }
0x54: {  	_ =	shalt  }
0x55: {  	_ =	shalt  }
0x56: {  	_ =	shalt  }
0x57: {  	_ =	shalt  }
0x58: {  	_ =	shalt  }
0x59: {  	_ =	shalt  }
0x5a: {  	_ =	shalt  }
0x5b: {  	_ =	shalt  }
0x5c: {  	_ =	shalt  }
0x5d: {  	_ =	shalt  }
0x5e: {  	_ =	shalt  }
0x5f: {  	_ =	shalt  }
0x60: {  	_ =	shalt  }
0x61: {  	_ =	shalt  }
0x62: {  	_ =	shalt  }
0x63: {  	_ =	shalt  }
0x64: {  	_ =	shalt  }
0x65: {  	_ =	shalt  }
0x66: {  	_ =	shalt  }
0x67: {  	_ =	shalt  }
0x68: {  	_ =	shalt  }
0x69: {  	_ =	shalt  }
0x6a: {  	_ =	shalt  }
0x6b: {  	_ =	shalt  }
0x6c: {  	_ =	shalt  }
0x6d: {  	_ =	shalt  }
0x6e: {  	_ =	shalt  }
0x6f: {  	_ =	shalt  }
0x70: {  	_ =	shalt  }
0x71: {  	_ =	shalt  }
0x72: {  	_ =	shalt  }
0x73: {  	_ =	shalt  }
0x74: {  	_ =	shalt  }
0x75: {  	_ =	shalt  }
0x76: {  	_ =	shalt  }
0x77: {  	_ =	shalt  }
0x78: {  	_ =	shalt  }
0x79: {  	_ =	shalt  }
0x7a: {  	_ =	shalt  }
0x7b: {  	_ =	shalt  }
0x7c: {  	_ =	shalt  }
0x7d: {  	_ =	shalt  }
0x7e: {  	_ =	shalt  }
0x7f: {  	_ =	shalt  }
0x80: {  	_ =	shalt  }
0x81: {  	_ =	shalt  }
0x82: {  	_ =	shalt  }
0x83: {  	_ =	shalt  }
0x84: {  	_ =	shalt  }
0x85: {  	_ =	shalt  }
0x86: {  	_ =	shalt  }
0x87: {  	_ =	shalt  }
.Lfunc_end0:
.L_simem_size_0:
called_computation_lowered:
.L_overlay_start_0:
0x88: {  	s2 =	sld [smem:$0x3FD9]  }
0x89: {  	s3 =	sld [smem:$0x3FFE];
	_ =	sdelay $0x1  }
0x8a: {  	s1 =	srdreg.scid  }
0x8b: {  	s0 =	sand.u32 $0x1, s1  }
0x8c: {  	s17 =	sshll.u32 s0, $0xA;
	s2 =	sadd.s32 s3, s2  }
0x8d: {  	s2 =	sadd.s32 s2, s17  }
0x8e: {  	[smem:$0x3FBE] =	sst s2  }
0x8f: {  	_ = 	snop  }
0x90: {  	s2 =	sld [smem:$0x3FD0];
	(tm) =	ssettm $0x1  }
0x91: {  	s18 =	sld [smem:$0x3FFB];
	_ =	sdelay $0x3  }
0x92: {  	_ =	strace s18  }
0x93: {  	s3 =	sld [smem:$0x3FFC];
	_ =	sdelay $0x3  }
0x94: {  	_ =	strace s3  }
0x95: {  	s3 =	sld [smem:$0x3FFD];
	_ =	sdelay $0x3  }
0x96: {  	_ =	strace s3  }
0x97: {  	_ =	strace $0x8FFFFFFF  }
0x98: {  	s19 =	sld [smem:$0x3FDB];
	_ =	sdelay $0x1  }
0x99: {  	s4 =	simm.s32 $_scs_section_size  }
0x9a: {  	s5 =	simm.s32 $_size__tile_overlayer_lowered;
	s6 =	simm.s32 $_tile_overlayer_lowered  }
0x9b: {  	s22 =	simm.s32 $0x1BFF;
	s21 =	sshll.u32 s6, $0x1;
	s3 =	sadd.s32 s4, s19  }
0x9c: {  	s7 =	simm.s32 $0x0;
	s20 =	sshll.u32 s5, $0x1;
	s5 =	sadd.s32 s21, s3  }
0x9d: {  	[timem:s7], [sflag:s22] =	dma.local [hbm:s5], s20  }
0x9e: {  	_ =	swait.ge [sflag:s22], s20  }
0x9f: {  	s4 =	ssub.s32 $0x0, s20;
	[sflag:s22] =	ssyncset.done $0x0  }
0xa0: {  	[sflag:s22] =	ssyncadd.s32 s4;
	_ =	sdelay $0x1  }
0xa1: {  	s23 =	simm.s32 $0x1B8B  }
0xa2: {  	_ =	swait.ge [sflag:s23], $0x1  }
0xa3: {  	[sflag:s23] =	ssyncset.done $0x0  }
0xa4: {  	s25 =	simm.s32 $0x1B8E;
	s24 =	sld [smem:$0x3FFE];
	[sflag:s23] =	ssyncadd.s32 $0xFFFFFFFF  }
0xa5: {  	s26 =	simm.s32 $execute0_lowered;
	[smem:$0x3FD2] =	sst s25  }
0xa6: {  	s5 =	sshll.u32 s26, $0x1;
	_ =	strace $0x80000046;
	[dreg:$0x1] =	wrdreg $0xFFFFFFFF  }
0xa7: {  	s28 =	simm.s32 $_size_execute0_lowered;
	s3 =	sadd.s32 s3, s5;
	[dreg:$0x0] =	wrdreg $0x0  }
0xa8: {  	s5 =	sshll.u32 s28, $0x1;
	[dreg:$0x2] =	wrdreg s3  }
0xa9: {  	[dreg:$0x3] =	wrdreg s5  }
0xaa: {  	[dreg:$0x4] =	wrdreg $0xC0  }
0xab: {  	_ =	task [dreg:s7], $0x5FFFF  }
0xac: {  	[dreg:$0x1] =	wrdreg $0xFFFFFFFF  }
0xad: {  	[dreg:$0x0] =	wrdreg $0x60  }
0xae: {  	[dreg:$0x2] =	wrdreg s24  }
0xaf: {  	[dreg:$0x3] =	wrdreg s2  }
0xb0: {  	[dreg:$0x4] =	wrdreg $0x11D000  }
0xb1: {  	[dreg:$0x5] =	wrdreg $0x16BA00  }
0xb2: {  	[dreg:$0x6] =	wrdreg $0x9  }
0xb3: {  	_ =	task.clear_ibuf [dreg:s7], $0x7FFFF;
	_ =	strace $0x90000046  }
0xb4: {  	s29 =	simm.s32 $0x9;
	_ =	strace $0x80000048  }
0xb5: {  	_ =	swait.ge [sflag:s29], $0x1  }
0xb6: {  	[sflag:s29] =	ssyncadd.s32 $0xFFFFFFFF  }
0xb7: {  	_ =	strace $0x90000048  }
0xb8: {  	_ =	sfence  }
0xb9: {  	s30 =	sld [smem:$0x0];
	_ =	sdelay $0x2  }
0xba: {  	s31 =	sshll.u32 s1, $0xD;
	s1 =	sshrl.u32 s1, $0x2  }
0xbb: {  	s3 =	sand.u32 $0x4000, s31;
	s1 =	sadd.s32 s1, s30  }
0xbc: {  	s0 =	sor.u32 s3, s0;
	s1 =	sshll.u32 s1, $0x11  }
0xbd: {  	s0 =	sor.u32 s1, s0  }
0xbe: {  	s0 =	sadd.s32 $0x8F2B, s0  }
0xbf: {  	[sflag:s0] =	ssyncadd.remote.s32 $0x1  }
0xc0: {  	_ =	sfence.sel $0xFFFF  }
0xc1: {  	[dreg:$0x0] =	wrdreg $0xFFFFFFFF;
	(pc) =	sbr.abs _section_cstart, $3  }
0xc2: {  	[dreg:$0x1] =	wrdreg $0xFFFFFFFF  }
0xc3: {  	_ =	task.clear_ibuf [dreg:s7], $0x2FFFF;
	_ =	strace $0x9FFFFFFF  }
0xc4: {  	(tm) =	ssettm $0x7FFFFFFF  }
0xc5: {  	_ =	shalt  }
tec
execute0_lowered:
.L_overlay_start_1:
0x0: {  	(tag) =	ssettag $0x1  }
0x1: {  	s0 =	rddreg [dreg:$0x0]  }
0x2: {  	s3 =	rddreg [dreg:$0x2];
	s6 =	stileid.u32  }
0x3: {  	s4 =	rddreg [dreg:$0x3];
	s5 =	simm.s32 $0x0;
	s8 =	srdreg.scid  }
0x4: {  	s28 =	simm.s32 $0x9D00;
	s29 =	simm.s32 $0x19;
	s31 =	simm.s32 $0x80  }
0x5: {  	s30 =	simm.s32 $0x10D00;
	s1 =	smul.u32 $0x9C, s6;
	s2 =	smin.u32 s6, $0x4  }
0x6: {  	[smem:$0x7FF] =	sst s5;
	s26 =	smul.u32 $0x9C00, s6;
	s7 =	sadd.s32 $0x33200, s0  }
0x7: {  	s25 =	sadd.s32 $0x29400, s0;
	s11 =	sadd.s32 $0x51200, s0;
	s9 =	sadd.s32 $0x50C00, s0  }
0x8: {  	s10 =	sand.u32 $0x1, s8;
	s13 =	sadd.s32 $0x51400, s0;
	s15 =	smul.u32 $0x13800, s6  }
0x9: {  	p0 =	slt.u32 s6, $0x4;
	_ =	strace $0x80000047;
	[dreg:$0x6] =	wrdreg s11  }
0xa: {  	s23 =	sadd.s32 $0x5B600, s0;
	p2 =	seq.s32 s6, $0x0;
	[dreg:$0x7] =	wrdreg s9  }
0xb: {  	p3 =	sgt.u32 s6, $0x3;
	p4 =	sne.s32 s6, $0xF;
	[dreg:$0x8] =	wrdreg s13  }
0xc: {  	s14 =	ssub.s32 $0x2, s10;
	s21 =	sor.u32 s6, s10;
	[dreg:$0x11] =	wrdreg s23  }
0xd: {  	[dreg:$0x5] =	wrdreg s25;
	p6 =	sne.s32 @!p2 s6, $0xF;
	p5 =	sne.s32 s10, $0x0  }
0xe: {  	s23 =	simm.s32 $0xA;
	s1 =	sadd.s32 s2, s1;
	s12 =	sshrl.u32 s26, $0x4  }
0xf: {  	s11 =	sshrl.u32 s14, $0x1;
	s9 =	sshrl.u32 s15, $0x2;
	s2 =	sshrl.u32 s26, $0x1  }
0x10: {  	p1 =	sne.s32 s21, $0x0;
	s21 =	simm.s32 $0xCD00;
	s1 =	sshll.u32 s1, $0x4  }
0x11: {  	s5 =	sadd.s32 s12, s0;
	s12 =	simm.s32 $0x9D;
	s8 =	ssub.s32 s14, s11  }
0x12: {  	s9 =	sadd.s32 s9, s3;
	s15 =	sadd.s32 s2, s3;
	s11 =	simm.s32 $0xBD00  }
0x13: {  	s2 =	simm.s32 $0x1;
	s17 =	sadd.s32 $0x1000, s9;
	[dreg:$0xb] =	wrdreg s15  }
0x14: {  	s1 =	sadd.s32 s1, s0;
	s18 =	sadd.s32 $0x2000, s9;
	[dreg:$0xc] =	wrdreg s17  }
0x15: {  	s12 =	simm.s32 @!p0 $0x9C;
	s19 =	sadd.s32 $0x3000, s9;
	[dreg:$0xd] =	wrdreg s18  }
0x16: {  	s20 =	sadd.s32 $0x4000, s9;
	p0 =	seq.s32 s10, $0x0;
	[dreg:$0xe] =	wrdreg s19  }
0x17: {  	s22 =	sadd.s32 $0x51A00, s5;
	s24 =	sadd.s32 $0x5B800, s5;
	[dreg:$0xf] =	wrdreg s20  }
0x18: {  	s0 =	sadd.s32 $0x65400, s0;
	s26 =	smax.u32 s8, $0x1;
	[dreg:$0x10] =	wrdreg s22  }
0x19: {  	s8 =	simm.s32 $0x3;
	s9 =	simm.s32 $0xB;
	[dreg:$0x12] =	wrdreg s24  }
0x1a: {  	s5 =	simm.s32 $0x0;
	s16 =	sadd.s32 $0x46E00, s1;
	[dreg:$0x13] =	wrdreg s0  }
0x1b: {  	s1 =	sadd.s32 $0x3D000, s1;
	[dreg:$0x14] =	wrdreg s26;
	s18 =	smov.u32 s7  }
0x1c: {  	s25 =	smov.u32 @p0 s7;
	s0 =	simm.s32 @!p2 $0x0;
	s19 =	sadd.s32 $0x4E000, s3  }
.Ltmp0:
0x1d: {  	s20 =	simm.s32 $0x9;
	[dreg:$0x9] =	wrdreg s16;
	(pc) =	sbr.rel .LBB2_1-.Ltmp0, $4  }
0x1e: {  	[dreg:$0xa] =	wrdreg s1;
	s0 =	simm.s32 @p2 $0x1;
	p2 =	por p6, p2  }
0x1f: {  	s22 =	simm.s32 $0x2;
	[smem:$0x7FC] =	sst s0;
	s0 =	simm.s32 @!p2 $0x0  }
0x20: {  	s17 =	simm.s32 $0xC;
	[dreg:$0x15] =	wrdreg s19;
	s0 =	simm.s32 @p2 $0x1  }
0x21: {  	s16 =	simm.s32 $0x4;
	[smem:$0x7FD] =	sst s0;
	s0 =	simm.s32 $0xAD00  }
.LBB2_5:
0x22: {  	[bflag:$0x0] =	sbarrier.arrive $0xFFFF  }
.LBB2_12:
0x23: {  	s6 =	stileid.u32  }
0x24: {  	s15 =	rddreg [dreg:$0xb];
	s1 =	sshll.u32 s6, $0x6  }
0x25: {  	s7 =	rddreg [dreg:$0x12];
	s5 =	sshrl.u32 s15, $0x3;
	s1 =	sor.u32 $0x1C19, s1  }
0x26: {  	[hbm:s7], [sflag:s1] =	dma.local [spmem:s5], $0x9C0  }
0x27: {  	_ =	swait.ge [sflag:s29], $0x9C0  }
0x28: {  	s24 =	sld [smem:$0x7FC];
	_ =	sdelay $0x2  }
0x29: {  	[sflag:s29] =	ssyncset.done $0x0;
	p2 =	seq.s32 s24, $0x1  }
0x2a: {  	s7 =	rddreg [dreg:$0x8];
	[sflag:s29] =	ssyncadd.s32 $0xFFFFF640;
	s5 =	sshrl.u32 @p2 s4, $0x3  }
0x2b: {  	[hbm:s7], [sflag:s1] =	dma.local @p2 [spmem:s5], $0x4E2  }
0x2c: {  	s5 =	simm.s32 @p2 $0x19  }
0x2d: {  	_ =	swait.ge @p2 [sflag:s5], $0x4E2  }
0x2e: {  	s26 =	sld [smem:$0x7FD];
	_ =	sdelay $0x1  }
0x2f: {  	[sflag:s5] =	ssyncset.done @p2 $0x0  }
0x30: {  	s19 =	rddreg [dreg:$0x15];
	[sflag:s5] =	ssyncadd.s32 @p2 $0xFFFFFB1E;
	p2 =	seq.s32 s26, $0x1  }
0x31: {  	s7 =	rddreg [dreg:$0x13];
	s5 =	sshrl.u32 @!p2 s19, $0x3  }
0x32: {  	[hbm:s7], [sflag:s1] =	dma.local @!p2 [spmem:s5], $0x40  }
0x33: {  	s1 =	simm.s32 @!p2 $0x19  }
0x34: {  	_ =	swait.ge @!p2 [sflag:s1], $0x40  }
0x35: {  	[sflag:s1] =	ssyncset.done @!p2 $0x0  }
0x36: {  	s5 =	rddreg [dreg:$0x16];
	[sflag:s1] =	ssyncadd.s32 @!p2 $0xFFFFFFC0  }
.LBB2_13:
0x37: {  	s5 =	sadd.s32 $0x1, s5;
	s1 =	rddreg [dreg:$0x14]  }
0x38: {  	p2 =	sne.s32 s5, s1  }
.Ltmp1:
0x39: {  	_ = 	snop;
	(pc) =	sbr.rel @!p2 .LBB2_14-.Ltmp1, $1  }
0x3a: {  	_ =	sdelay $0x3  }
.LBB2_1:
0x3b: {  	[dreg:$0x16] =	wrdreg s5  }
0x3c: {  	s1 =	simm.s32 @p3 $0x0;
	s7 =	rddreg [dreg:$0x9];
	s5 =	simm.s32 @p3 $0x19  }
0x3d: {  	[tilespmem:s1], [sflag:$0x19] =	stream.linear.gather @p3 [hbm4b:s7+s1], $0x4E00, $0x38;
	[tilespmem:$0x16E18] =	vst v63  }
0x3e: {  	_ =	swait.ge @p3 [sflag:s5], $0x4E00  }
0x3f: {  	[sflag:s5] =	ssyncset.done @p3 $0x0  }
0x40: {  	s13 =	simm.s32 @p3 $0x4E80;
	s14 =	rddreg [dreg:$0xa];
	[sflag:s5] =	ssyncadd.s32 @p3 $0xFFFFB200  }
0x41: {  	[tilespmem:s13], [sflag:$0x19] =	stream.linear.gather @p3 [hbm4b:s14+s1], $0x4E00, $0x38;
	[tilespmem:$0x16E18] =	vst v63  }
0x42: {  	_ =	swait.ge @p3 [sflag:s5], $0x4E00  }
0x43: {  	[sflag:s5] =	ssyncset.done @p3 $0x0  }
0x44: {  	s1 =	simm.s32 @!p3 $0x0;
	[sflag:s5] =	ssyncadd.s32 @p3 $0xFFFFB200;
	s5 =	simm.s32 @!p3 $0x19  }
0x45: {  	[tilespmem:s1], [sflag:$0x19] =	stream.linear.gather @!p3 [hbm4b:s7+s1], $0x4E80, $0x38;
	[tilespmem:$0x16E18] =	vst v63  }
0x46: {  	_ =	swait.ge @!p3 [sflag:s5], $0x4E80  }
0x47: {  	[sflag:s5] =	ssyncset.done @!p3 $0x0  }
0x48: {  	s13 =	simm.s32 @!p3 $0x4E80;
	[sflag:s5] =	ssyncadd.s32 @!p3 $0xFFFFB180  }
0x49: {  	[tilespmem:s13], [sflag:$0x19] =	stream.linear.gather @!p3 [hbm4b:s14+s1], $0x4E80, $0x38;
	[tilespmem:$0x16E18] =	vst v63  }
0x4a: {  	_ =	swait.ge @!p3 [sflag:s5], $0x4E80  }
0x4b: {  	[sflag:s5] =	ssyncset.done @!p3 $0x0  }
0x4c: {  	[sflag:s5] =	ssyncadd.s32 @!p3 $0xFFFFB180  }
0x4d: {  	s7 =	simm.s32 $0x0;
	s26 =	rddreg [dreg:$0x1]  }
0x4e: {  	[tilespmem:s28], [sflag:$0x19] =	stream.linear.gather [hbm4b:s26+s7], $0x1000, $0x38;
	[tilespmem:$0x16E18] =	vst v63  }
0x4f: {  	_ =	swait.ge [sflag:s29], $0x1000  }
0x50: {  	[sflag:s29] =	ssyncset.done $0x0  }
0x51: {  	[sflag:s29] =	ssyncadd.s32 $0xFFFFF000  }
0x52: {  	[spmem:s15] =	stream.linear.scatter [tilespmem:s28], [sflag:$0x19], $0x1000, $0x38;
	[tilespmem:$0x16E18] =	vst v63  }
0x53: {  	_ =	swait.ge [sflag:s29], $0x1000  }
0x54: {  	[sflag:s29] =	ssyncset.done $0x0  }
0x55: {  	s5 =	rddreg [dreg:$0xc];
	[sflag:s29] =	ssyncadd.s32 $0xFFFFF000  }
0x56: {  	[spmem:s5] =	stream.linear.scatter [tilespmem:s28], [sflag:$0x19], $0x1000, $0x38;
	[tilespmem:$0x16E18] =	vst v63  }
0x57: {  	_ =	swait.ge [sflag:s29], $0x1000  }
0x58: {  	[sflag:s29] =	ssyncset.done $0x0  }
0x59: {  	s13 =	rddreg [dreg:$0xd];
	[sflag:s29] =	ssyncadd.s32 $0xFFFFF000  }
0x5a: {  	[spmem:s13] =	stream.linear.scatter [tilespmem:s28], [sflag:$0x19], $0x1000, $0x38;
	[tilespmem:$0x16E18] =	vst v63  }
0x5b: {  	_ =	swait.ge [sflag:s29], $0x1000  }
0x5c: {  	[sflag:s29] =	ssyncset.done $0x0  }
0x5d: {  	s14 =	rddreg [dreg:$0xe];
	[sflag:s29] =	ssyncadd.s32 $0xFFFFF000  }
0x5e: {  	[spmem:s14] =	stream.linear.scatter [tilespmem:s28], [sflag:$0x19], $0x1000, $0x38;
	[tilespmem:$0x16E18] =	vst v63  }
0x5f: {  	_ =	swait.ge [sflag:s29], $0x1000  }
0x60: {  	[sflag:s29] =	ssyncset.done $0x0  }
0x61: {  	s15 =	rddreg [dreg:$0xf];
	[sflag:s29] =	ssyncadd.s32 $0xFFFFF000  }
0x62: {  	[spmem:s15] =	stream.linear.scatter [tilespmem:s28], [sflag:$0x19], $0xE00, $0x38;
	[tilespmem:$0x16E18] =	vst v63  }
0x63: {  	_ =	swait.ge [sflag:s29], $0xE00  }
0x64: {  	[sflag:s29] =	ssyncset.done $0x0  }
0x65: {  	s1 =	simm.s32 @!p4 $0x9D00;
	[sflag:s29] =	ssyncadd.s32 $0xFFFFF200  }
0x66: {  	[spmem:s19] =	stream.linear.scatter @!p4 [tilespmem:s1], [sflag:$0x19], $0x200, $0x38;
	[tilespmem:$0x16E18] =	vst v63  }
0x67: {  	s1 =	simm.s32 @!p4 $0x19  }
0x68: {  	_ =	swait.ge @!p4 [sflag:s1], $0x200  }
0x69: {  	[sflag:s1] =	ssyncset.done @!p4 $0x0  }
0x6a: {  	s26 =	simm.s32 $0x16B20;
	s24 =	rddreg [dreg:$0x6];
	[sflag:s1] =	ssyncadd.s32 @!p4 $0xFFFFFE00  }
0x6b: {  	[tilespmem:s26], [sflag:$0x19] =	stream.linear.gather [hbm4b:s24+s7], $0x80, $0x38;
	[tilespmem:$0x16E18] =	vst v63  }
0x6c: {  	_ =	swait.ge [sflag:s29], $0x80  }
0x6d: {  	s5 =	sshrl.u32 @!p1 s4, $0x3;
	s1 =	sshll.u32 @!p1 s6, $0x6;
	[sflag:s29] =	ssyncset.done $0x0  }
0x6e: {  	s1 =	sor.u32 @!p1 $0x1C19, s1;
	s6 =	rddreg [dreg:$0x7];
	[sflag:s29] =	ssyncadd.s32 $0xFFFFFF80  }
0x6f: {  	[spmem:s5], [sflag:s1] =	dma.local @!p1 [hbm:s6], $0x4E2  }
0x70: {  	s1 =	simm.s32 @!p1 $0x19  }
0x71: {  	_ =	swait.ge @!p1 [sflag:s1], $0x4E2  }
0x72: {  	[sflag:s1] =	ssyncset.done @!p1 $0x0  }
0x73: {  	[sflag:s1] =	ssyncadd.s32 @!p1 $0xFFFFFB1E  }
0x74: {  	[bflag:$0x0] =	sbarrier.arrive $0xFFFF  }
0x75: {  	[tilespmem:s28], [sflag:$0x1] =	stream.indirect.gather [hbm4b:s25+s31], $0x20, s7, s31, $0xb8;
	[tilespmem:$0x16E18] =	vst v63  }
0x76: {  	_ = 	snop  }
0x77: {  	[tilespmem:s0], [sflag:$0x2] =	stream.indirect.gather [hbm4b:s25+s31], $0x20, s31, s31, $0xb8;
	[tilespmem:$0x16E18] =	vst v63  }
0x78: {  	s5 =	simm.s32 $0x100  }
0x79: {  	[tilespmem:s11], [sflag:$0x3] =	stream.indirect.gather [hbm4b:s25+s31], $0x20, s5, s31, $0xb8;
	[tilespmem:$0x16E18] =	vst v63  }
0x7a: {  	s6 =	simm.s32 $0x180  }
0x7b: {  	[tilespmem:s21], [sflag:$0x4] =	stream.indirect.gather [hbm4b:s25+s31], $0x20, s6, s31, $0xb8;
	[tilespmem:$0x16E18] =	vst v63  }
0x7c: {  	s13 =	simm.s32 $0xDD00;
	s7 =	simm.s32 $0x200  }
0x7d: {  	[tilespmem:s13], [sflag:$0x5] =	stream.indirect.gather [hbm4b:s25+s31], $0x20, s7, s31, $0xb8;
	[tilespmem:$0x16E18] =	vst v63  }
0x7e: {  	s14 =	simm.s32 $0x280;
	s15 =	simm.s32 $0xED00  }
0x7f: {  	[tilespmem:s15], [sflag:$0x6] =	stream.indirect.gather [hbm4b:s25+s31], $0x20, s14, s31, $0xb8;
	[tilespmem:$0x16E18] =	vst v63  }
.Ltmp2:
0x80: {  	s19 =	simm.s32 $0x300;
	(pc) =	sbr.rel .LBB2_2-.Ltmp2, $4  }
0x81: {  	s24 =	simm.s32 $0xFD00;
	s26 =	simm.s32 $0x380;
	s1 =	simm.s32 $0x0  }
0x82: {  	[tilespmem:s24], [sflag:$0x7] =	stream.indirect.gather [hbm4b:s25+s31], $0x20, s19, s31, $0xb8;
	[tilespmem:$0x16E18] =	vst v63  }
0x83: {  	s5 =	simm.s32 $0x0;
	s19 =	simm.s32 $0x13;
	s24 =	simm.s32 $0x7  }
0x84: {  	[tilespmem:s30], [sflag:$0x8] =	stream.indirect.gather [hbm4b:s25+s31], $0x20, s26, s31, $0xb8;
	[tilespmem:$0x16E18] =	vst v63  }
.LBB2_6:
0x85: {  	p2 =	seq.s32 s19, $0x0  }
.Ltmp3:
0x86: {  	_ = 	snop;
	(pc) =	sbr.rel @p2 .LBB2_11-.Ltmp3, $1  }
0x87: {  	_ =	sdelay $0x3  }
.LBB2_7:
0x88: {  	s19 =	sadd.s32 $0xFFFFFFFF, s19;
	s1 =	sadd.s32 $0x1000, s1;
	s24 =	sadd.s32 $0x8, s24  }
.LBB2_2:
0x89: {  	_ =	swait.ge [sflag:s2], $0x1000  }
0x8a: {  	s13 =	sshra.s32 s1, $0x2;
	[sflag:s2] =	ssyncset.done $0x0  }
0x8b: {  	s14 =	sadd.s32 $0x4E80, s13;
	[sflag:s2] =	ssyncadd.s32 $0xFFFFF000  }
0x8c: {  	[spmem:s3] =	stream.indirect.scatter.add.bf16 [tilespmem:s28], [sflag:$0x9], $0x20, s14, s31, $0xb8;
	[tilespmem:$0x16E18] =	vst v63  }
0x8d: {  	s15 =	simm.s32 @!p5 $0x80;
	s26 =	simm.s32 @!p5 $0x16B20  }
0x8e: {  	[spmem:s4] =	stream.indirect.scatter.add.f32 @!p5 [tilespmem:s26], [sflag:$0x11], $0x1, s14, s15, $0xb8;
	[tilespmem:$0x16E18] =	vst v63  }
0x8f: {  	s14 =	simm.s32 @!p5 $0x11  }
0x90: {  	_ =	swait.ge @!p5 [sflag:s14], $0x80  }
0x91: {  	[sflag:s14] =	ssyncset.done @!p5 $0x0  }
0x92: {  	s6 =	sadd.s32 $0x1, s24;
	[sflag:s14] =	ssyncadd.s32 @!p5 $0xFFFFFF80  }
0x93: {  	p6 =	sge.u32 s6, s12;
	_ =	swait.ge [sflag:s20], $0x1000  }
0x94: {  	s6 =	simm.s32 @!p6 $0x80;
	s14 =	sshra.s32 @!p6 s1, $0x2;
	[sflag:s20] =	ssyncset.done $0x0  }
0x95: {  	s7 =	simm.s32 @!p6 $0x9D00;
	s14 =	sadd.s32 @!p6 $0x400, s14;
	[sflag:s20] =	ssyncadd.s32 $0xFFFFF000  }
0x96: {  	[tilespmem:s7], [sflag:$0x1] =	stream.indirect.gather @!p6 [hbm4b:s25+s6], $0x20, s14, s6, $0xb8;
	[tilespmem:$0x16E18] =	vst v63  }
0x97: {  	_ =	swait.ge [sflag:s22], $0x1000  }
0x98: {  	[sflag:s22] =	ssyncset.done $0x0  }
0x99: {  	s6 =	sadd.s32 $0x4F00, s13;
	[sflag:s22] =	ssyncadd.s32 $0xFFFFF000  }
0x9a: {  	[spmem:s3] =	stream.indirect.scatter.add.bf16 [tilespmem:s0], [sflag:$0xA], $0x20, s6, s31, $0xb8;
	[tilespmem:$0x16E18] =	vst v63  }
0x9b: {  	_ = 	snop  }
0x9c: {  	[spmem:s4] =	stream.indirect.scatter.add.f32 @!p5 [tilespmem:s26], [sflag:$0x12], $0x1, s6, s15, $0xb8;
	[tilespmem:$0x16E18] =	vst v63  }
0x9d: {  	s6 =	simm.s32 @!p5 $0x12  }
0x9e: {  	_ =	swait.ge @!p5 [sflag:s6], $0x80  }
0x9f: {  	[sflag:s6] =	ssyncset.done @!p5 $0x0  }
0xa0: {  	s7 =	sadd.s32 $0x2, s24;
	[sflag:s6] =	ssyncadd.s32 @!p5 $0xFFFFFF80  }
0xa1: {  	p6 =	sge.u32 s7, s12;
	_ =	swait.ge [sflag:s23], $0x1000  }
0xa2: {  	s7 =	simm.s32 @!p6 $0x80;
	s6 =	sshra.s32 @!p6 s1, $0x2;
	[sflag:s23] =	ssyncset.done $0x0  }
0xa3: {  	s14 =	simm.s32 @!p6 $0xAD00;
	s6 =	sadd.s32 @!p6 $0x480, s6;
	[sflag:s23] =	ssyncadd.s32 $0xFFFFF000  }
0xa4: {  	[tilespmem:s14], [sflag:$0x2] =	stream.indirect.gather @!p6 [hbm4b:s25+s7], $0x20, s6, s7, $0xb8;
	[tilespmem:$0x16E18] =	vst v63  }
0xa5: {  	_ =	swait.ge [sflag:s8], $0x1000  }
0xa6: {  	[sflag:s8] =	ssyncset.done $0x0  }
0xa7: {  	s6 =	sadd.s32 $0x4F80, s13;
	[sflag:s8] =	ssyncadd.s32 $0xFFFFF000  }
0xa8: {  	[spmem:s3] =	stream.indirect.scatter.add.bf16 [tilespmem:s11], [sflag:$0xB], $0x20, s6, s31, $0xb8;
	[tilespmem:$0x16E18] =	vst v63  }
0xa9: {  	_ = 	snop  }
0xaa: {  	[spmem:s4] =	stream.indirect.scatter.add.f32 @!p5 [tilespmem:s26], [sflag:$0x13], $0x1, s6, s15, $0xb8;
	[tilespmem:$0x16E18] =	vst v63  }
0xab: {  	s6 =	simm.s32 @!p5 $0x13  }
0xac: {  	_ =	swait.ge @!p5 [sflag:s6], $0x80  }
0xad: {  	[sflag:s6] =	ssyncset.done @!p5 $0x0  }
0xae: {  	s14 =	sadd.s32 $0x3, s24;
	[sflag:s6] =	ssyncadd.s32 @!p5 $0xFFFFFF80  }
0xaf: {  	p6 =	sge.u32 s14, s12;
	_ =	swait.ge [sflag:s9], $0x1000  }
0xb0: {  	s7 =	simm.s32 @!p6 $0x80;
	s6 =	sshra.s32 @!p6 s1, $0x2;
	[sflag:s9] =	ssyncset.done $0x0  }
0xb1: {  	s14 =	simm.s32 @!p6 $0xBD00;
	s6 =	sadd.s32 @!p6 $0x500, s6;
	[sflag:s9] =	ssyncadd.s32 $0xFFFFF000  }
0xb2: {  	[tilespmem:s14], [sflag:$0x3] =	stream.indirect.gather @!p6 [hbm4b:s25+s7], $0x20, s6, s7, $0xb8;
	[tilespmem:$0x16E18] =	vst v63  }
0xb3: {  	_ =	swait.ge [sflag:s16], $0x1000  }
0xb4: {  	[sflag:s16] =	ssyncset.done $0x0  }
0xb5: {  	s6 =	sadd.s32 $0x5000, s13;
	[sflag:s16] =	ssyncadd.s32 $0xFFFFF000  }
0xb6: {  	[spmem:s3] =	stream.indirect.scatter.add.bf16 [tilespmem:s21], [sflag:$0xC], $0x20, s6, s31, $0xb8;
	[tilespmem:$0x16E18] =	vst v63  }
0xb7: {  	_ = 	snop  }
0xb8: {  	[spmem:s4] =	stream.indirect.scatter.add.f32 @!p5 [tilespmem:s26], [sflag:$0x14], $0x1, s6, s15, $0xb8;
	[tilespmem:$0x16E18] =	vst v63  }
0xb9: {  	s6 =	simm.s32 @!p5 $0x14  }
0xba: {  	_ =	swait.ge @!p5 [sflag:s6], $0x80  }
0xbb: {  	[sflag:s6] =	ssyncset.done @!p5 $0x0  }
0xbc: {  	s7 =	sadd.s32 $0x4, s24;
	[sflag:s6] =	ssyncadd.s32 @!p5 $0xFFFFFF80  }
0xbd: {  	p6 =	sge.u32 s7, s12;
	_ =	swait.ge [sflag:s17], $0x1000  }
0xbe: {  	s7 =	simm.s32 @!p6 $0x80;
	s6 =	sshra.s32 @!p6 s1, $0x2;
	[sflag:s17] =	ssyncset.done $0x0  }
0xbf: {  	s14 =	simm.s32 @!p6 $0xCD00;
	s6 =	sadd.s32 @!p6 $0x580, s6;
	[sflag:s17] =	ssyncadd.s32 $0xFFFFF000  }
0xc0: {  	[tilespmem:s14], [sflag:$0x4] =	stream.indirect.gather @!p6 [hbm4b:s25+s7], $0x20, s6, s7, $0xb8;
	[tilespmem:$0x16E18] =	vst v63  }
0xc1: {  	s14 =	sadd.s32 $0xFFFFFFFD, s24  }
0xc2: {  	p6 =	sge.u32 s14, s12  }
0xc3: {  	s6 =	simm.s32 @!p6 $0x5  }
0xc4: {  	_ =	swait.ge @!p6 [sflag:s6], $0x1000  }
0xc5: {  	p2 =	sne.s32 @!p6 s10, $0x0;
	[sflag:s6] =	ssyncset.done @!p6 $0x0  }
0xc6: {  	s7 =	simm.s32 @!p6 $0x80;
	[sflag:s6] =	ssyncadd.s32 @!p6 $0xFFFFF000;
	s6 =	sshra.s32 @!p6 s1, $0x2  }
0xc7: {  	s14 =	simm.s32 @!p6 $0xDD00;
	p2 =	por p2, p6;
	s6 =	sadd.s32 @!p6 $0x5080, s6  }
0xc8: {  	[spmem:s3] =	stream.indirect.scatter.add.bf16 @!p6 [tilespmem:s14], [sflag:$0xD], $0x20, s6, s7, $0xb8;
	[tilespmem:$0x16E18] =	vst v63  }
0xc9: {  	s7 =	simm.s32 @!p2 $0x80;
	s14 =	simm.s32 @!p2 $0x16B20  }
0xca: {  	[spmem:s4] =	stream.indirect.scatter.add.f32 @!p2 [tilespmem:s14], [sflag:$0x15], $0x1, s6, s7, $0xb8;
	[tilespmem:$0x16E18] =	vst v63  }
0xcb: {  	s6 =	simm.s32 @!p2 $0x15  }
0xcc: {  	_ =	swait.ge @!p2 [sflag:s6], $0x80  }
0xcd: {  	[sflag:s6] =	ssyncset.done @!p2 $0x0  }
0xce: {  	s7 =	sadd.s32 @!p6 $0x5, s24;
	[sflag:s6] =	ssyncadd.s32 @!p2 $0xFFFFFF80;
	s6 =	simm.s32 @!p6 $0xD  }
0xcf: {  	p2 =	sge.u32 @!p6 s7, s12;
	_ =	swait.ge @!p6 [sflag:s6], $0x1000  }
0xd0: {  	s15 =	sadd.s32 $0xFFFFFFFE, s24;
	p2 =	por p2, p6;
	[sflag:s6] =	ssyncset.done @!p6 $0x0  }
0xd1: {  	s7 =	simm.s32 @!p2 $0x80;
	[sflag:s6] =	ssyncadd.s32 @!p6 $0xFFFFF000;
	s6 =	sshra.s32 @!p2 s1, $0x2  }
0xd2: {  	s14 =	simm.s32 @!p2 $0xDD00;
	p6 =	sge.u32 s15, s12;
	s6 =	sadd.s32 @!p2 $0x600, s6  }
0xd3: {  	[tilespmem:s14], [sflag:$0x5] =	stream.indirect.gather @!p2 [hbm4b:s25+s7], $0x20, s6, s7, $0xb8;
	[tilespmem:$0x16E18] =	vst v63  }
0xd4: {  	s6 =	simm.s32 @!p6 $0x6  }
0xd5: {  	_ =	swait.ge @!p6 [sflag:s6], $0x1000  }
0xd6: {  	p2 =	sne.s32 @!p6 s10, $0x0;
	[sflag:s6] =	ssyncset.done @!p6 $0x0  }
0xd7: {  	s7 =	simm.s32 @!p6 $0x80;
	[sflag:s6] =	ssyncadd.s32 @!p6 $0xFFFFF000;
	s6 =	sshra.s32 @!p6 s1, $0x2  }
0xd8: {  	s14 =	simm.s32 @!p6 $0xED00;
	p2 =	por p2, p6;
	s6 =	sadd.s32 @!p6 $0x5100, s6  }
0xd9: {  	[spmem:s3] =	stream.indirect.scatter.add.bf16 @!p6 [tilespmem:s14], [sflag:$0xE], $0x20, s6, s7, $0xb8;
	[tilespmem:$0x16E18] =	vst v63  }
0xda: {  	s7 =	simm.s32 @!p2 $0x80;
	s14 =	simm.s32 @!p2 $0x16B20  }
0xdb: {  	[spmem:s4] =	stream.indirect.scatter.add.f32 @!p2 [tilespmem:s14], [sflag:$0x16], $0x1, s6, s7, $0xb8;
	[tilespmem:$0x16E18] =	vst v63  }
0xdc: {  	s6 =	simm.s32 @!p2 $0x16  }
0xdd: {  	_ =	swait.ge @!p2 [sflag:s6], $0x80  }
0xde: {  	[sflag:s6] =	ssyncset.done @!p2 $0x0  }
0xdf: {  	s7 =	sadd.s32 @!p6 $0x6, s24;
	[sflag:s6] =	ssyncadd.s32 @!p2 $0xFFFFFF80;
	s6 =	simm.s32 @!p6 $0xE  }
0xe0: {  	p2 =	sge.u32 @!p6 s7, s12;
	_ =	swait.ge @!p6 [sflag:s6], $0x1000  }
0xe1: {  	s26 =	sadd.s32 $0xFFFFFFFF, s24;
	p2 =	por p2, p6;
	[sflag:s6] =	ssyncset.done @!p6 $0x0  }
0xe2: {  	s7 =	simm.s32 @!p2 $0x80;
	[sflag:s6] =	ssyncadd.s32 @!p6 $0xFFFFF000;
	s6 =	sshra.s32 @!p2 s1, $0x2  }
0xe3: {  	s14 =	simm.s32 @!p2 $0xED00;
	p6 =	sge.u32 s26, s12;
	s6 =	sadd.s32 @!p2 $0x680, s6  }
0xe4: {  	[tilespmem:s14], [sflag:$0x6] =	stream.indirect.gather @!p2 [hbm4b:s25+s7], $0x20, s6, s7, $0xb8;
	[tilespmem:$0x16E18] =	vst v63  }
0xe5: {  	s6 =	simm.s32 @!p6 $0x7  }
0xe6: {  	_ =	swait.ge @!p6 [sflag:s6], $0x1000  }
0xe7: {  	p2 =	sne.s32 @!p6 s10, $0x0;
	[sflag:s6] =	ssyncset.done @!p6 $0x0  }
0xe8: {  	s7 =	simm.s32 @!p6 $0x80;
	[sflag:s6] =	ssyncadd.s32 @!p6 $0xFFFFF000;
	s6 =	sshra.s32 @!p6 s1, $0x2  }
0xe9: {  	s14 =	simm.s32 @!p6 $0xFD00;
	p2 =	por p2, p6;
	s6 =	sadd.s32 @!p6 $0x5180, s6  }
0xea: {  	[spmem:s3] =	stream.indirect.scatter.add.bf16 @!p6 [tilespmem:s14], [sflag:$0xF], $0x20, s6, s7, $0xb8;
	[tilespmem:$0x16E18] =	vst v63  }
0xeb: {  	s7 =	simm.s32 @!p2 $0x80;
	s14 =	simm.s32 @!p2 $0x16B20  }
0xec: {  	[spmem:s4] =	stream.indirect.scatter.add.f32 @!p2 [tilespmem:s14], [sflag:$0x17], $0x1, s6, s7, $0xb8;
	[tilespmem:$0x16E18] =	vst v63  }
0xed: {  	s6 =	simm.s32 @!p2 $0x17  }
0xee: {  	_ =	swait.ge @!p2 [sflag:s6], $0x80  }
0xef: {  	[sflag:s6] =	ssyncset.done @!p2 $0x0  }
0xf0: {  	s7 =	sadd.s32 @!p6 $0x7, s24;
	[sflag:s6] =	ssyncadd.s32 @!p2 $0xFFFFFF80;
	s6 =	simm.s32 @!p6 $0xF  }
0xf1: {  	p2 =	sge.u32 @!p6 s7, s12;
	_ =	swait.ge @!p6 [sflag:s6], $0x1000  }
0xf2: {  	p2 =	por p2, p6;
	[sflag:s6] =	ssyncset.done @!p6 $0x0  }
0xf3: {  	s7 =	simm.s32 @!p2 $0x80;
	[sflag:s6] =	ssyncadd.s32 @!p6 $0xFFFFF000;
	s6 =	sshra.s32 @!p2 s1, $0x2  }
0xf4: {  	s14 =	simm.s32 @!p2 $0xFD00;
	p6 =	sge.u32 s24, s12;
	s6 =	sadd.s32 @!p2 $0x700, s6  }
0xf5: {  	[tilespmem:s14], [sflag:$0x7] =	stream.indirect.gather @!p2 [hbm4b:s25+s7], $0x20, s6, s7, $0xb8;
	[tilespmem:$0x16E18] =	vst v63  }
0xf6: {  	s6 =	simm.s32 @!p6 $0x8  }
0xf7: {  	_ =	swait.ge @!p6 [sflag:s6], $0x1000  }
0xf8: {  	p2 =	sne.s32 @!p6 s10, $0x0;
	[sflag:s6] =	ssyncset.done @!p6 $0x0  }
0xf9: {  	s7 =	simm.s32 @!p6 $0x80;
	[sflag:s6] =	ssyncadd.s32 @!p6 $0xFFFFF000;
	s6 =	sshra.s32 @!p6 s1, $0x2  }
0xfa: {  	s14 =	simm.s32 @!p6 $0x10D00;
	p2 =	por p2, p6;
	s6 =	sadd.s32 @!p6 $0x5200, s6  }
0xfb: {  	[spmem:s3] =	stream.indirect.scatter.add.bf16 @!p6 [tilespmem:s14], [sflag:$0x10], $0x20, s6, s7, $0xb8;
	[tilespmem:$0x16E18] =	vst v63  }
0xfc: {  	s7 =	simm.s32 @!p2 $0x80;
	s14 =	simm.s32 @!p2 $0x16B20  }
0xfd: {  	[spmem:s4] =	stream.indirect.scatter.add.f32 @!p2 [tilespmem:s14], [sflag:$0x18], $0x1, s6, s7, $0xb8;
	[tilespmem:$0x16E18] =	vst v63  }
0xfe: {  	s6 =	simm.s32 @!p2 $0x18  }
0xff: {  	_ =	swait.ge @!p2 [sflag:s6], $0x80  }
0x100: {  	s7 =	sadd.s32 @!p6 $0x8, s24;
	[sflag:s6] =	ssyncset.done @!p2 $0x0  }
0x101: {  	[sflag:s6] =	ssyncadd.s32 @!p2 $0xFFFFFF80;
	p2 =	sge.u32 @!p6 s7, s12  }
0x102: {  	p2 =	por p6, p2  }
.Ltmp4:
0x103: {  	_ = 	snop;
	(pc) =	sbr.rel @p2 .LBB2_6-.Ltmp4, $4  }
0x104: {  	s6 =	simm.s32 @!p6 $0x10  }
0x105: {  	_ =	swait.ge @!p6 [sflag:s6], $0x1000  }
0x106: {  	[sflag:s6] =	ssyncset.done @!p6 $0x0  }
0x107: {  	s5 =	sadd.s32 $0x1, s5;
	[sflag:s6] =	ssyncadd.s32 @!p6 $0xFFFFF000  }
.Ltmp5:
0x108: {  	(pc) =	sbr.rel @!p0 .LBB2_8-.Ltmp5, $2  }
0x109: {  	_ =	sdelay $0x2  }
0x10a: {  	s13 =	sadd.s32 $0x780, s13;
	p6 =	sne.s32 s19, $0x0  }
.Ltmp6:
0x10b: {  	(pc) =	sbr.rel @p6 .LBB2_7-.Ltmp6, $4  }
.Ltmp7:
0x10c: {  	(pc) =	sbr.rel @!p6 .LBB2_5-.Ltmp7, $4  }
0x10d: {  	_ = 	snop  }
0x10e: {  	_ = 	snop  }
0x10f: {  	[tilespmem:s30], [sflag:$0x8] =	stream.indirect.gather [hbm4b:s18+s31], $0x20, s13, s31, $0xb8;
	[tilespmem:$0x16E18] =	vst v63  }
0x110: {  	_ = 	snop  }
.LBB2_8:
.Ltmp8:
0x111: {  	(pc) =	sbr.rel @p6 .LBB2_7-.Ltmp8, $3  }
0x112: {  	_ =	sdelay $0x1  }
0x113: {  	s6 =	rddreg [dreg:$0x5]  }
0x114: {  	[tilespmem:s30], [sflag:$0x8] =	stream.indirect.gather [hbm4b:s6+s31], $0x20, s13, s31, $0xb8;
	[tilespmem:$0x16E18] =	vst v63  }
.Ltmp9:
0x115: {  	(pc) =	sbr.rel .LBB2_10-.Ltmp9, $2  }
0x116: {  	_ =	sdelay $0x1  }
0x117: {  	[bflag:$0x0] =	sbarrier.arrive $0xFFFF;
	_ =	sdelay $0x1  }
.LBB2_11:
.Ltmp10:
0x118: {  	(pc) =	sbr.rel @!p5 .LBB2_12-.Ltmp10, $2  }
0x119: {  	_ =	sdelay $0x1  }
0x11a: {  	[bflag:$0x0] =	sbarrier.arrive $0xFFFF;
	_ =	sdelay $0x1  }
.LBB2_10:
0x11b: {  	s6 =	stileid.u32  }
0x11c: {  	s15 =	rddreg [dreg:$0xb];
	s1 =	sshll.u32 s6, $0x6  }
0x11d: {  	s7 =	rddreg [dreg:$0x10];
	s5 =	sshrl.u32 s15, $0x3;
	s1 =	sor.u32 $0x1C19, s1  }
0x11e: {  	[hbm:s7], [sflag:s1] =	dma.local [spmem:s5], $0x9C0  }
0x11f: {  	_ =	swait.ge [sflag:s29], $0x9C0  }
0x120: {  	[sflag:s29] =	ssyncset.done $0x0;
	s19 =	rddreg [dreg:$0x15]  }
0x121: {  	s7 =	rddreg [dreg:$0x11];
	[sflag:s29] =	ssyncadd.s32 $0xFFFFF640;
	s5 =	sshrl.u32 @!p4 s19, $0x3  }
0x122: {  	[hbm:s7], [sflag:s1] =	dma.local @!p4 [spmem:s5], $0x40  }
.Ltmp11:
0x123: {  	_ = 	snop;
	(pc) =	sbr.rel .LBB2_13-.Ltmp11, $4  }
0x124: {  	s1 =	simm.s32 @!p4 $0x19  }
0x125: {  	_ =	swait.ge @!p4 [sflag:s1], $0x40  }
0x126: {  	[sflag:s1] =	ssyncset.done @!p4 $0x0  }
0x127: {  	s5 =	rddreg [dreg:$0x16];
	[sflag:s1] =	ssyncadd.s32 @!p4 $0xFFFFFFC0  }
.LBB2_14:
0x128: {  	_ =	sfence.sel $0x180000  }
0x129: {  	[bflag:$0x0] =	sbarrier.arrive $0xFFFF  }
0x12a: {  	_ =	strace $0x90000047  }
0x12b: {  	[bflag:$0x2] =	sbarrier.arrive $0xFFFF  }
0x12c: {  	p0 =	sne.s32 s6, $0x0;
	s0 =	rddreg [dreg:$0x4]  }
0x12d: {  	s0 =	sadd.s32 @!p0 $0x100000, s0  }
0x12e: {  	[sflag:s0] =	ssyncadd.tile.s32 @!p0 $0x1;
	_ =	shalt  }
.Lfunc_end2:
_tile_overlayer_lowered:
.L_overlay_start_2:
0x12f: {  	(tag) =	ssettag $0x2  }
0x130: {  	s0 =	rddreg [dreg:$0x0];
	s2 =	stileid.u32  }
0x131: {  	s1 =	rddreg [dreg:$0x1];
	p0 =	sne.s32 s2, $0x0  }
0x132: {  	s3 =	rddreg [dreg:$0x2];
	[bflag:$0x3] =	sbarrier.arrive $0xFFFF;
	s2 =	simm.s32 @!p0 $0x1C19  }
0x133: {  	[timem:s3], [sflag:s2] =	dma.local @!p0 [hbm:s0], s1  }
0x134: {  	s0 =	simm.s32 @!p0 $0x19  }
0x135: {  	_ =	swait.ge @!p0 [sflag:s0], s1  }
0x136: {  	s1 =	ssub.s32 @!p0 $0x0, s1;
	[sflag:s0] =	ssyncset.done @!p0 $0x0  }
0x137: {  	[sflag:s0] =	ssyncadd.s32 @!p0 s1  }
0x138: {  	[bflag:$0x3] =	sbarrier.arrive $0xFFFF  }
0x139: {  	_ =	shalt  }

</sc_bundles>
